<compile_context>
chip_gen: v7x
topology: tpu7x:2x2x1
jax: 0.10.2.dev20260603
libtpu: 0.0.44.dev20260713+nightly
codegen_flags: <defaults>
</compile_context>

<pallas_src>
import functools
import math

import jax
import jax.numpy as jnp
from jax import lax
from jax.experimental import pallas as pl
from jax.experimental.pallas import tpu as pltpu
from jax.experimental.pallas import tpu_sc as plsc

N = 50000
E = 800000
D_IN = 128
H = 64
OUT = 256
BN_EPS = 1e-5

NC = 2
NS = 16
CHUNK = 256
G = 4
CPG = G
NBUF = 2
NG = 50
NCHUNK = G * NG
EPT = CHUNK * NCHUNK
EPAD = EPT * NS
ZROWS = 3128
ACC_ROWS = ZROWS * NS
OPT = 3128
NPAD = OPT * NS

BN = 2000
GRID = N // BN

_HIGH = jax.lax.Precision.HIGHEST


def _sc_agg_body(hflat_hbm, src_hbm, dst_hbm, out_hbm,
                 acc, si0, si1, di0, di1, rows0, rows1,
                 sis0, sis1, dis0, dis1, gs0, gs1, scs0, scs1):
    c = lax.axis_index("c")
    s = lax.axis_index("s")
    si = (si0, si1)
    di = (di0, di1)
    rows = (rows0, rows1)
    sisem = (sis0, sis1)
    disem = (dis0, dis1)
    gsem = (gs0, gs1)
    ssem = (scs0, scs1)

    z16 = jnp.zeros((16,), jnp.float32)

    def _zrow(r, carry):
        rows0[r, pl.ds(0, 16)] = z16
        rows0[r, pl.ds(16, 16)] = z16
        return carry

    lax.fori_loop(0, CHUNK, _zrow, 0)
    base = s * ZROWS
    for k in range(ZROWS // CHUNK):
        pltpu.sync_copy(rows0, acc.at[pl.ds(base + k * CHUNK, CHUNK)])
    tail = ZROWS % CHUNK
    pltpu.sync_copy(rows0.at[pl.ds(0, tail)],
                    acc.at[pl.ds(base + ZROWS - tail, tail)])

    def _idx_start(g, p):
        g = jnp.minimum(g, NG - 1)
        pltpu.async_copy(src_hbm.at[c, s, pl.ds(g * G, G)], si[p], sisem[p])
        pltpu.async_copy(dst_hbm.at[s, pl.ds(g * G, G)], di[p], disem[p])

    def _idx_wait(p):
        pltpu.make_async_copy(src_hbm.at[c, s, pl.ds(0, G)], si[p],
                              sisem[p]).wait()
        pltpu.make_async_copy(dst_hbm.at[s, pl.ds(0, G)], di[p],
                              disem[p]).wait()

    def _gather_start(p, j, b):
        pltpu.async_copy(hflat_hbm.at[si[p].at[j]], rows[b], gsem[b])

    def _gather_wait(b):
        pltpu.make_async_copy(hflat_hbm.at[si[0].at[0]], rows[b],
                              gsem[b]).wait()

    def _scatter_start(p, j, b):
        pltpu.async_copy(rows[b], acc.at[di[p].at[j]], ssem[b], add=True)

    def _scatter_wait(b):
        pltpu.make_async_copy(rows[b], acc.at[di[0].at[0]], ssem[b]).wait()

    def _block(g0):
        for p in range(2):
            for j in range(CPG):
                b = (p * CPG + j) % NBUF
                bn = (p * CPG + j + 2) % NBUF
                _gather_wait(b)
                _scatter_start(p, j, b)
                _scatter_wait(b)
                nj = j + 2
                if nj < CPG:
                    _gather_start(p, nj, bn)
                else:
                    if nj == CPG:
                        _idx_wait(p ^ 1)
                    _gather_start(p ^ 1, nj - CPG, bn)
            _idx_start(g0 + p + 2, p)

    _idx_start(jnp.int32(0), 0)
    _idx_start(jnp.int32(1), 1)
    plsc.subcore_barrier()
    _idx_wait(0)
    _gather_start(0, 0, 0)
    _gather_start(0, 1, 1)

    def _outer(gg, carry):
        _block(gg * 2)
        return carry

    lax.fori_loop(0, NG // 2, _outer, 0)
    _gather_wait(NCHUNK % NBUF)
    _gather_wait((NCHUNK + 1) % NBUF)
    _idx_wait(1)

    plsc.subcore_barrier()
    pltpu.sync_copy(acc.at[pl.ds(s * OPT, OPT)],
                    out_hbm.at[c, pl.ds(s * OPT, OPT)])


def _sc_agg(hflat, src2, dst3):
    mesh = plsc.VectorSubcoreMesh(core_axis_name="c", subcore_axis_name="s")
    return pl.kernel(
        _sc_agg_body,
        out_type=jax.ShapeDtypeStruct((NC, NPAD, 32), jnp.float32),
        mesh=mesh,
        scratch_types=[
            pltpu.VMEM_SHARED((ACC_ROWS, 32), jnp.float32),
            pltpu.VMEM((G, CHUNK), jnp.int32),
            pltpu.VMEM((G, CHUNK), jnp.int32),
            pltpu.VMEM((G, CHUNK), jnp.int32),
            pltpu.VMEM((G, CHUNK), jnp.int32),
            pltpu.VMEM((CHUNK, 32), jnp.float32),
            pltpu.VMEM((CHUNK, 32), jnp.float32),
        ] + [pltpu.SemaphoreType.DMA] * 8,
        compiler_params=pltpu.CompilerParams(use_tc_tiling_on_sc=False),
        name="gin_sc_agg",
    )(hflat, src2, dst3)


def _tc_input_body(x_ref, w_ref, b_ref, out_ref):
    h = jnp.dot(x_ref[...], w_ref[...], preferred_element_type=jnp.float32,
                precision=_HIGH) + b_ref[...]
    out_ref[0] = h[:, :32]
    out_ref[1] = h[:, 32:]


def _tc_input(x, w, b):
    return pl.pallas_call(
        _tc_input_body,
        grid=(GRID,),
        in_specs=[
            pl.BlockSpec((BN, D_IN), lambda i: (i, 0)),
            pl.BlockSpec((D_IN, H), lambda i: (0, 0)),
            pl.BlockSpec((1, H), lambda i: (0, 0)),
        ],
        out_specs=pl.BlockSpec((NC, BN, 32), lambda i: (0, i, 0)),
        out_shape=jax.ShapeDtypeStruct((NC, N, 32), jnp.float32),
    )(x, w, b)


def _mlp_block(h_ref, a_ref, wa_ref, ba_ref, wb_ref, bb_ref):
    h = jnp.concatenate([h_ref[0], h_ref[1]], axis=1)
    a = jnp.concatenate([a_ref[0], a_ref[1]], axis=1)
    t = 2.0 * h + a
    t = jnp.maximum(jnp.dot(t, wa_ref[...], preferred_element_type=jnp.float32,
                            precision=_HIGH) + ba_ref[...], 0.0)
    return jnp.maximum(jnp.dot(t, wb_ref[...],
                               preferred_element_type=jnp.float32,
                               precision=_HIGH) + bb_ref[...], 0.0)


def _tc_layer_body(h_ref, a_ref, wa_ref, ba_ref, wb_ref, bb_ref, out_ref):
    t = _mlp_block(h_ref, a_ref, wa_ref, ba_ref, wb_ref, bb_ref)
    out_ref[0] = t[:, :32]
    out_ref[1] = t[:, 32:]


_LAYER_IN_SPECS = [
    pl.BlockSpec((NC, BN, 32), lambda i: (0, i, 0)),
    pl.BlockSpec((NC, BN, 32), lambda i: (0, i, 0)),
    pl.BlockSpec((H, H), lambda i: (0, 0)),
    pl.BlockSpec((1, H), lambda i: (0, 0)),
    pl.BlockSpec((H, H), lambda i: (0, 0)),
    pl.BlockSpec((1, H), lambda i: (0, 0)),
]


def _tc_layer(h, agg, wa, ba, wb, bb):
    return pl.pallas_call(
        _tc_layer_body,
        grid=(GRID,),
        in_specs=_LAYER_IN_SPECS,
        out_specs=pl.BlockSpec((NC, BN, 32), lambda i: (0, i, 0)),
        out_shape=jax.ShapeDtypeStruct((NC, N, 32), jnp.float32),
    )(h, agg, wa, ba, wb, bb)


def _tc_last_body(h_ref, a_ref, wa_ref, ba_ref, wb_ref, bb_ref,
                  out_ref, sum_ref):
    i = pl.program_id(0)
    t = _mlp_block(h_ref, a_ref, wa_ref, ba_ref, wb_ref, bb_ref)
    out_ref[0] = t[:, :32]
    out_ref[1] = t[:, 32:]
    part = jnp.sum(t, axis=0, keepdims=True)

    @pl.when(i == 0)
    def _init():
        sum_ref[...] = part

    @pl.when(i != 0)
    def _acc():
        sum_ref[...] += part


def _tc_last(h, agg, wa, ba, wb, bb):
    return pl.pallas_call(
        _tc_last_body,
        grid=(GRID,),
        in_specs=_LAYER_IN_SPECS,
        out_specs=[
            pl.BlockSpec((NC, BN, 32), lambda i: (0, i, 0)),
            pl.BlockSpec((1, H), lambda i: (0, 0)),
        ],
        out_shape=[
            jax.ShapeDtypeStruct((NC, N, 32), jnp.float32),
            jax.ShapeDtypeStruct((1, H), jnp.float32),
        ],
    )(h, agg, wa, ba, wb, bb)


def _tc_head_body(s_ref, w1_ref, b1_ref, w2_ref, b2_ref, out_ref):
    g = s_ref[...] * (1.0 / N)
    z = jnp.maximum(jnp.dot(g, w1_ref[...], preferred_element_type=jnp.float32,
                            precision=_HIGH) + b1_ref[...], 0.0)
    out_ref[...] = jnp.dot(z, w2_ref[...], preferred_element_type=jnp.float32,
                           precision=_HIGH) + b2_ref[...]


def _tc_head(hsum, w1, b1, w2, b2):
    return pl.pallas_call(
        _tc_head_body,
        out_shape=jax.ShapeDtypeStruct((1, OUT), jnp.float32),
    )(hsum, w1, b1, w2, b2)


def _fold_bn(w, b, g, be):
    gs = g * (1.0 / math.sqrt(1.0 + BN_EPS))
    return w * gs[None, :], (b * gs + be)[None, :]


def kernel(x, edge_index, W_in, b_in,
           W0_1, b0_1, g0_1, be0_1, W0_2, b0_2, g0_2, be0_2,
           W1_1, b1_1, g1_1, be1_1, W1_2, b1_2, g1_2, be1_2,
           W2_1, b2_1, g2_1, be2_1, W2_2, b2_2, g2_2, be2_2,
           Wf1, bf1, gf, bef, Wf2, bf2):
    src = edge_index[0]
    dst = edge_index[1]
    pad = EPAD - E
    srcp = jnp.concatenate([src, jnp.zeros((pad,), jnp.int32)])
    src2 = jnp.stack([srcp, srcp + N]).reshape(NC, NS, NCHUNK, CHUNK)
    dst3 = jnp.concatenate(
        [dst, jnp.full((pad,), N, jnp.int32)]).reshape(NS, NCHUNK, CHUNK)

    layers = [
        _fold_bn(W0_1, b0_1, g0_1, be0_1) + _fold_bn(W0_2, b0_2, g0_2, be0_2),
        _fold_bn(W1_1, b1_1, g1_1, be1_1) + _fold_bn(W1_2, b1_2, g1_2, be1_2),
        _fold_bn(W2_1, b2_1, g2_1, be2_1) + _fold_bn(W2_2, b2_2, g2_2, be2_2),
    ]
    wf1, bf1f = _fold_bn(Wf1, bf1, gf, bef)

    h = _tc_input(x, W_in, b_in[None, :])
    hsum = None
    for li, (wa, ba, wb, bb) in enumerate(layers):
        agg = _sc_agg(h.reshape(NC * N, 32), src2, dst3)
        if li < 2:
            h = _tc_layer(h, agg, wa, ba, wb, bb)
        else:
            h, hsum = _tc_last(h, agg, wa, ba, wb, bb)
    return _tc_head(hsum, wf1, bf1f, Wf2, bf2[None, :])

# --- scband reference (transcript-rebuilt; emitter-appended) ---
"""Pipeline reference for scband-gin-46840913330354 (READ-ONLY COPY).

The authoritative reference and input builder live on the scoring server;
editing this copy changes nothing except your own understanding.
"""

import jax, jax.numpy as jnp
import numpy as np

N = 50000
E = 800000
D_IN = 128
H = 64
OUT = 256
BN_EPS = 1e-5

def _lin(k, fi, fo):
    return (jax.random.normal(k, (fi, fo), dtype=jnp.float32) / jnp.sqrt(fi)).astype(jnp.float32)

def setup_inputs(seed: int = 0):
    key = jax.random.key(seed)
    ks = jax.random.split(key, 64)
    inp = {}
    inp["x"] = jax.random.normal(ks[0], (N, D_IN), dtype=jnp.float32)
    inp["edge_index"] = jax.random.randint(ks[1], (2, E), 0, N, dtype=jnp.int32)
    inp["W_in"] = _lin(ks[2], D_IN, H)
    inp["b_in"] = jnp.zeros((H,), jnp.float32)
    i = 3
    for l in range(3):
        inp["W%d_1" % l] = _lin(ks[i], H, H); i += 1
        inp["b%d_1" % l] = jnp.zeros((H,), jnp.float32)
        inp["g%d_1" % l] = jnp.ones((H,), jnp.float32)
        inp["be%d_1" % l] = jnp.zeros((H,), jnp.float32)
        inp["W%d_2" % l] = _lin(ks[i], H, H); i += 1
        inp["b%d_2" % l] = jnp.zeros((H,), jnp.float32)
        inp["g%d_2" % l] = jnp.ones((H,), jnp.float32)
        inp["be%d_2" % l] = jnp.zeros((H,), jnp.float32)
    inp["Wf1"] = _lin(ks[i], H, OUT); i += 1
    inp["bf1"] = jnp.zeros((OUT,), jnp.float32)
    inp["gf"] = jnp.ones((OUT,), jnp.float32)
    inp["bef"] = jnp.zeros((OUT,), jnp.float32)
    inp["Wf2"] = _lin(ks[i], OUT, OUT); i += 1
    inp["bf2"] = jnp.zeros((OUT,), jnp.float32)
    return inp

def _bn(h, g, b):
    # eval-mode BatchNorm1d with running_mean=0, running_var=1
    return g * h / jnp.sqrt(1.0 + BN_EPS) + b

def reference(x, edge_index, W_in, b_in,
              W0_1, b0_1, g0_1, be0_1, W0_2, b0_2, g0_2, be0_2,
              W1_1, b1_1, g1_1, be1_1, W1_2, b1_2, g1_2, be1_2,
              W2_1, b2_1, g2_1, be2_1, W2_2, b2_2, g2_2, be2_2,
              Wf1, bf1, gf, bef, Wf2, bf2):
    loop = jnp.arange(N, dtype=edge_index.dtype)
    src = jnp.concatenate([edge_index[0], loop])  # add_self_loops
    dst = jnp.concatenate([edge_index[1], loop])
    h = x @ W_in + b_in
    layers = [(W0_1, b0_1, g0_1, be0_1, W0_2, b0_2, g0_2, be0_2),
              (W1_1, b1_1, g1_1, be1_1, W1_2, b1_2, g1_2, be1_2),
              (W2_1, b2_1, g2_1, be2_1, W2_2, b2_2, g2_2, be2_2)]
    for (Wa, ba, ga, bea, Wb, bb, gb, beb) in layers:
        # message: x_j = h[src]; aggr='add' scatter into dst
        agg = jax.ops.segment_sum(h[src], dst, num_segments=N)
        out = (1.0 + 0.0) * h + agg  # eps = 0.0
        out = jax.nn.relu(_bn(out @ Wa + ba, ga, bea))
        out = jax.nn.relu(_bn(out @ Wb + bb, gb, beb))
        h = out
    # batch=None -> all nodes in one graph; global_mean_pool
    graph = jnp.mean(h, axis=0, keepdims=True)
    z = graph @ Wf1 + bf1
    z = jax.nn.relu(_bn(z, gf, bef))
    # Dropout(0.1) is identity in eval mode
    z = z @ Wf2 + bf2
    return z

if __name__ == "__main__":
    import jax
    _d = setup_inputs()
    print(jax.jit(kernel)(*tuple(_d.values())))

</pallas_src>

<mosaic_0001>
#map = affine_map<(d0, d1) -> (0, 0)>
#map1 = affine_map<(d0, d1) -> (0, 0, 0, 0)>
#map2 = affine_map<(d0, d1) -> (0, 0, 0)>
module attributes {stable_mosaic.version = 14 : i64} {
  func.func @gin_sc_agg(%arg0: i32, %arg1: i32, %arg2: memref<100000x32xf32, #tpu.memory_space<hbm>>, %arg3: memref<2x16x200x256xi32, #tpu.memory_space<hbm>>, %arg4: memref<16x200x256xi32, #tpu.memory_space<hbm>>, %arg5: memref<2x50048x32xf32, #tpu.memory_space<hbm>>, %arg6: memref<50048x32xf32, #tpu.memory_space<vmem_shared>>, %arg7: memref<4x256xi32, #tpu.memory_space<vmem>>, %arg8: memref<4x256xi32, #tpu.memory_space<vmem>>, %arg9: memref<4x256xi32, #tpu.memory_space<vmem>>, %arg10: memref<4x256xi32, #tpu.memory_space<vmem>>, %arg11: memref<256x32xf32, #tpu.memory_space<vmem>>, %arg12: memref<256x32xf32, #tpu.memory_space<vmem>>, %arg13: memref<!tpu.dma_semaphore, #tpu.memory_space<semaphore_mem>>, %arg14: memref<!tpu.dma_semaphore, #tpu.memory_space<semaphore_mem>>, %arg15: memref<!tpu.dma_semaphore, #tpu.memory_space<semaphore_mem>>, %arg16: memref<!tpu.dma_semaphore, #tpu.memory_space<semaphore_mem>>, %arg17: memref<!tpu.dma_semaphore, #tpu.memory_space<semaphore_mem>>, %arg18: memref<!tpu.dma_semaphore, #tpu.memory_space<semaphore_mem>>, %arg19: memref<!tpu.dma_semaphore, #tpu.memory_space<semaphore_mem>>, %arg20: memref<!tpu.dma_semaphore, #tpu.memory_space<semaphore_mem>>) attributes {dimension_semantics = [#tpu.dimension_semantics<core_parallel>, #tpu.dimension_semantics<subcore_parallel>], iteration_bounds = array<i64: 2, 16>, scalar_prefetch = 0 : i64, scratch_operands = 15 : i64, tpu.core_type = #tpu.core_type<sc_vector_subcore>, window_params = [{transform_indices = #map}, {transform_indices = #map1}, {transform_indices = #map2}, {transform_indices = #map2}]} {
    %broadcast_in_dim3A = arith.constant 0.000000e+00 : f32
    %broadcast_in_dim3A_0 = vector.broadcast %broadcast_in_dim3A : f32 to vector<16xf32>
    %scan3A = arith.constant 0 : i32
    %scan3A_1 = arith.constant 0 : i32
    %scan3A_2 = arith.constant 256 : i32
    %scan3A_3 = arith.addi %scan3A_1, %scan3A_2 : i32
    %scan3A_4 = arith.constant 1 : i32
    scf.for %scan3A_139 = %scan3A_1 to %scan3A_3 step %scan3A_4  : i32 {
      %swap3A = arith.index_cast %scan3A_139 : i32 to index
      %swap3A_140 = arith.constant 0 : index
      %swap3A_141 = tpu.vector_load %arg11[%swap3A, %swap3A_140] {strides = array<i32>} : memref<256x32xf32, #tpu.memory_space<vmem>>, vector<1x16xf32>,
      %swap3A_142 = vector.shape_cast %swap3A_141 : vector<1x16xf32> to vector<16xf32>
      %swap3A_143 = vector.shape_cast %broadcast_in_dim3A_0 : vector<16xf32> to vector<1x16xf32>
      tpu.vector_store %arg11[%swap3A, %swap3A_140], %swap3A_143 {strides = array<i32>} : memref<256x32xf32, #tpu.memory_space<vmem>>, vector<1x16xf32>,
      %swap3A_144 = arith.index_cast %scan3A_139 : i32 to index
      %swap3A_145 = arith.constant 16 : index
      %swap3A_146 = tpu.vector_load %arg11[%swap3A_144, %swap3A_145] {strides = array<i32>} : memref<256x32xf32, #tpu.memory_space<vmem>>, vector<1x16xf32>,
      %swap3A_147 = vector.shape_cast %swap3A_146 : vector<1x16xf32> to vector<16xf32>
      %swap3A_148 = vector.shape_cast %broadcast_in_dim3A_0 : vector<16xf32> to vector<1x16xf32>
      tpu.vector_store %arg11[%swap3A_144, %swap3A_145], %swap3A_148 {strides = array<i32>} : memref<256x32xf32, #tpu.memory_space<vmem>>, vector<1x16xf32>,
    }
    %scan3A_5 = arith.constant 256 : i32
    %mul3A = arith.constant 3128 : i32
    %mul3A_6 = arith.muli %arg1, %mul3A : i32
    %add3A = arith.constant 0 : i32
    %add3A_7 = arith.addi %mul3A_6, %add3A : i32
    "tpu.region"() ({
      %run_scoped3A = tpu.sem_alloc : memref<!tpu.dma_semaphore, #tpu.memory_space<semaphore_mem>>
      %dma_start3A_139 = arith.constant 0 : i32
      %dma_start3A_140 = tpu.memref_slice %arg6[%add3A_7, %dma_start3A_139] : memref<50048x32xf32, #tpu.memory_space<vmem_shared>> -> memref<256x32xf32, #tpu.memory_space<vmem_shared>>
      %dma_start3A_141 = arith.constant 0 : i32
      %dma_start3A_142 = tpu.memref_slice %arg6[%add3A_7, %dma_start3A_141] : memref<50048x32xf32, #tpu.memory_space<vmem_shared>> -> memref<256x32xf32, #tpu.memory_space<vmem_shared>>
      tpu.enqueue_dma source(%arg11 : memref<256x32xf32, #tpu.memory_space<vmem>>) target(%dma_start3A_142 : memref<256x32xf32, #tpu.memory_space<vmem_shared>>) target_semaphore(%run_scoped3A : memref<!tpu.dma_semaphore, #tpu.memory_space<semaphore_mem>>)
      %dma_wait3A_143 = arith.constant 0 : i32
      %dma_wait3A_144 = tpu.memref_slice %arg6[%add3A_7, %dma_wait3A_143] : memref<50048x32xf32, #tpu.memory_space<vmem_shared>> -> memref<256x32xf32, #tpu.memory_space<vmem_shared>>
      %dma_wait3A_145 = arith.constant 0 : i32
      %dma_wait3A_146 = tpu.memref_slice %arg6[%add3A_7, %dma_wait3A_145] : memref<50048x32xf32, #tpu.memory_space<vmem_shared>> -> memref<256x32xf32, #tpu.memory_space<vmem_shared>>
      tpu.wait_dma2 semaphore(%run_scoped3A : memref<!tpu.dma_semaphore, #tpu.memory_space<semaphore_mem>>) src(%arg11 : memref<256x32xf32, #tpu.memory_space<vmem>>) dst(%dma_wait3A_146 : memref<256x32xf32, #tpu.memory_space<vmem_shared>>)
      tpu.yield
    }) : () -> ()
    %add3A_8 = arith.constant 256 : i32
    %add3A_9 = arith.addi %mul3A_6, %add3A_8 : i32
    "tpu.region"() ({
      %run_scoped3A = tpu.sem_alloc : memref<!tpu.dma_semaphore, #tpu.memory_space<semaphore_mem>>
      %dma_start3A_139 = arith.constant 0 : i32
      %dma_start3A_140 = tpu.memref_slice %arg6[%add3A_9, %dma_start3A_139] : memref<50048x32xf32, #tpu.memory_space<vmem_shared>> -> memref<256x32xf32, #tpu.memory_space<vmem_shared>>
      %dma_start3A_141 = arith.constant 0 : i32
      %dma_start3A_142 = tpu.memref_slice %arg6[%add3A_9, %dma_start3A_141] : memref<50048x32xf32, #tpu.memory_space<vmem_shared>> -> memref<256x32xf32, #tpu.memory_space<vmem_shared>>
      tpu.enqueue_dma source(%arg11 : memref<256x32xf32, #tpu.memory_space<vmem>>) target(%dma_start3A_142 : memref<256x32xf32, #tpu.memory_space<vmem_shared>>) target_semaphore(%run_scoped3A : memref<!tpu.dma_semaphore, #tpu.memory_space<semaphore_mem>>)
      %dma_wait3A_143 = arith.constant 0 : i32
      %dma_wait3A_144 = tpu.memref_slice %arg6[%add3A_9, %dma_wait3A_143] : memref<50048x32xf32, #tpu.memory_space<vmem_shared>> -> memref<256x32xf32, #tpu.memory_space<vmem_shared>>
      %dma_wait3A_145 = arith.constant 0 : i32
      %dma_wait3A_146 = tpu.memref_slice %arg6[%add3A_9, %dma_wait3A_145] : memref<50048x32xf32, #tpu.memory_space<vmem_shared>> -> memref<256x32xf32, #tpu.memory_space<vmem_shared>>
      tpu.wait_dma2 semaphore(%run_scoped3A : memref<!tpu.dma_semaphore, #tpu.memory_space<semaphore_mem>>) src(%arg11 : memref<256x32xf32, #tpu.memory_space<vmem>>) dst(%dma_wait3A_146 : memref<256x32xf32, #tpu.memory_space<vmem_shared>>)
      tpu.yield
    }) : () -> ()
    %add3A_10 = arith.constant 512 : i32
    %add3A_11 = arith.addi %mul3A_6, %add3A_10 : i32
    "tpu.region"() ({
      %run_scoped3A = tpu.sem_alloc : memref<!tpu.dma_semaphore, #tpu.memory_space<semaphore_mem>>
      %dma_start3A_139 = arith.constant 0 : i32
      %dma_start3A_140 = tpu.memref_slice %arg6[%add3A_11, %dma_start3A_139] : memref<50048x32xf32, #tpu.memory_space<vmem_shared>> -> memref<256x32xf32, #tpu.memory_space<vmem_shared>>
      %dma_start3A_141 = arith.constant 0 : i32
      %dma_start3A_142 = tpu.memref_slice %arg6[%add3A_11, %dma_start3A_141] : memref<50048x32xf32, #tpu.memory_space<vmem_shared>> -> memref<256x32xf32, #tpu.memory_space<vmem_shared>>
      tpu.enqueue_dma source(%arg11 : memref<256x32xf32, #tpu.memory_space<vmem>>) target(%dma_start3A_142 : memref<256x32xf32, #tpu.memory_space<vmem_shared>>) target_semaphore(%run_scoped3A : memref<!tpu.dma_semaphore, #tpu.memory_space<semaphore_mem>>)
      %dma_wait3A_143 = arith.constant 0 : i32
      %dma_wait3A_144 = tpu.memref_slice %arg6[%add3A_11, %dma_wait3A_143] : memref<50048x32xf32, #tpu.memory_space<vmem_shared>> -> memref<256x32xf32, #tpu.memory_space<vmem_shared>>
      %dma_wait3A_145 = arith.constant 0 : i32
      %dma_wait3A_146 = tpu.memref_slice %arg6[%add3A_11, %dma_wait3A_145] : memref<50048x32xf32, #tpu.memory_space<vmem_shared>> -> memref<256x32xf32, #tpu.memory_space<vmem_shared>>
      tpu.wait_dma2 semaphore(%run_scoped3A : memref<!tpu.dma_semaphore, #tpu.memory_space<semaphore_mem>>) src(%arg11 : memref<256x32xf32, #tpu.memory_space<vmem>>) dst(%dma_wait3A_146 : memref<256x32xf32, #tpu.memory_space<vmem_shared>>)
      tpu.yield
    }) : () -> ()
    %add3A_12 = arith.constant 768 : i32
    %add3A_13 = arith.addi %mul3A_6, %add3A_12 : i32
    "tpu.region"() ({
      %run_scoped3A = tpu.sem_alloc : memref<!tpu.dma_semaphore, #tpu.memory_space<semaphore_mem>>
      %dma_start3A_139 = arith.constant 0 : i32
      %dma_start3A_140 = tpu.memref_slice %arg6[%add3A_13, %dma_start3A_139] : memref<50048x32xf32, #tpu.memory_space<vmem_shared>> -> memref<256x32xf32, #tpu.memory_space<vmem_shared>>
      %dma_start3A_141 = arith.constant 0 : i32
      %dma_start3A_142 = tpu.memref_slice %arg6[%add3A_13, %dma_start3A_141] : memref<50048x32xf32, #tpu.memory_space<vmem_shared>> -> memref<256x32xf32, #tpu.memory_space<vmem_shared>>
      tpu.enqueue_dma source(%arg11 : memref<256x32xf32, #tpu.memory_space<vmem>>) target(%dma_start3A_142 : memref<256x32xf32, #tpu.memory_space<vmem_shared>>) target_semaphore(%run_scoped3A : memref<!tpu.dma_semaphore, #tpu.memory_space<semaphore_mem>>)
      %dma_wait3A_143 = arith.constant 0 : i32
      %dma_wait3A_144 = tpu.memref_slice %arg6[%add3A_13, %dma_wait3A_143] : memref<50048x32xf32, #tpu.memory_space<vmem_shared>> -> memref<256x32xf32, #tpu.memory_space<vmem_shared>>
      %dma_wait3A_145 = arith.constant 0 : i32
      %dma_wait3A_146 = tpu.memref_slice %arg6[%add3A_13, %dma_wait3A_145] : memref<50048x32xf32, #tpu.memory_space<vmem_shared>> -> memref<256x32xf32, #tpu.memory_space<vmem_shared>>
      tpu.wait_dma2 semaphore(%run_scoped3A : memref<!tpu.dma_semaphore, #tpu.memory_space<semaphore_mem>>) src(%arg11 : memref<256x32xf32, #tpu.memory_space<vmem>>) dst(%dma_wait3A_146 : memref<256x32xf32, #tpu.memory_space<vmem_shared>>)
      tpu.yield
    }) : () -> ()
    %add3A_14 = arith.constant 1024 : i32
    %add3A_15 = arith.addi %mul3A_6, %add3A_14 : i32
    "tpu.region"() ({
      %run_scoped3A = tpu.sem_alloc : memref<!tpu.dma_semaphore, #tpu.memory_space<semaphore_mem>>
      %dma_start3A_139 = arith.constant 0 : i32
      %dma_start3A_140 = tpu.memref_slice %arg6[%add3A_15, %dma_start3A_139] : memref<50048x32xf32, #tpu.memory_space<vmem_shared>> -> memref<256x32xf32, #tpu.memory_space<vmem_shared>>
      %dma_start3A_141 = arith.constant 0 : i32
      %dma_start3A_142 = tpu.memref_slice %arg6[%add3A_15, %dma_start3A_141] : memref<50048x32xf32, #tpu.memory_space<vmem_shared>> -> memref<256x32xf32, #tpu.memory_space<vmem_shared>>
      tpu.enqueue_dma source(%arg11 : memref<256x32xf32, #tpu.memory_space<vmem>>) target(%dma_start3A_142 : memref<256x32xf32, #tpu.memory_space<vmem_shared>>) target_semaphore(%run_scoped3A : memref<!tpu.dma_semaphore, #tpu.memory_space<semaphore_mem>>)
      %dma_wait3A_143 = arith.constant 0 : i32
      %dma_wait3A_144 = tpu.memref_slice %arg6[%add3A_15, %dma_wait3A_143] : memref<50048x32xf32, #tpu.memory_space<vmem_shared>> -> memref<256x32xf32, #tpu.memory_space<vmem_shared>>
      %dma_wait3A_145 = arith.constant 0 : i32
      %dma_wait3A_146 = tpu.memref_slice %arg6[%add3A_15, %dma_wait3A_145] : memref<50048x32xf32, #tpu.memory_space<vmem_shared>> -> memref<256x32xf32, #tpu.memory_space<vmem_shared>>
      tpu.wait_dma2 semaphore(%run_scoped3A : memref<!tpu.dma_semaphore, #tpu.memory_space<semaphore_mem>>) src(%arg11 : memref<256x32xf32, #tpu.memory_space<vmem>>) dst(%dma_wait3A_146 : memref<256x32xf32, #tpu.memory_space<vmem_shared>>)
      tpu.yield
    }) : () -> ()
    %add3A_16 = arith.constant 1280 : i32
    %add3A_17 = arith.addi %mul3A_6, %add3A_16 : i32
    "tpu.region"() ({
      %run_scoped3A = tpu.sem_alloc : memref<!tpu.dma_semaphore, #tpu.memory_space<semaphore_mem>>
      %dma_start3A_139 = arith.constant 0 : i32
      %dma_start3A_140 = tpu.memref_slice %arg6[%add3A_17, %dma_start3A_139] : memref<50048x32xf32, #tpu.memory_space<vmem_shared>> -> memref<256x32xf32, #tpu.memory_space<vmem_shared>>
      %dma_start3A_141 = arith.constant 0 : i32
      %dma_start3A_142 = tpu.memref_slice %arg6[%add3A_17, %dma_start3A_141] : memref<50048x32xf32, #tpu.memory_space<vmem_shared>> -> memref<256x32xf32, #tpu.memory_space<vmem_shared>>
      tpu.enqueue_dma source(%arg11 : memref<256x32xf32, #tpu.memory_space<vmem>>) target(%dma_start3A_142 : memref<256x32xf32, #tpu.memory_space<vmem_shared>>) target_semaphore(%run_scoped3A : memref<!tpu.dma_semaphore, #tpu.memory_space<semaphore_mem>>)
      %dma_wait3A_143 = arith.constant 0 : i32
      %dma_wait3A_144 = tpu.memref_slice %arg6[%add3A_17, %dma_wait3A_143] : memref<50048x32xf32, #tpu.memory_space<vmem_shared>> -> memref<256x32xf32, #tpu.memory_space<vmem_shared>>
      %dma_wait3A_145 = arith.constant 0 : i32
      %dma_wait3A_146 = tpu.memref_slice %arg6[%add3A_17, %dma_wait3A_145] : memref<50048x32xf32, #tpu.memory_space<vmem_shared>> -> memref<256x32xf32, #tpu.memory_space<vmem_shared>>
      tpu.wait_dma2 semaphore(%run_scoped3A : memref<!tpu.dma_semaphore, #tpu.memory_space<semaphore_mem>>) src(%arg11 : memref<256x32xf32, #tpu.memory_space<vmem>>) dst(%dma_wait3A_146 : memref<256x32xf32, #tpu.memory_space<vmem_shared>>)
      tpu.yield
    }) : () -> ()
    %add3A_18 = arith.constant 1536 : i32
    %add3A_19 = arith.addi %mul3A_6, %add3A_18 : i32
    "tpu.region"() ({
      %run_scoped3A = tpu.sem_alloc : memref<!tpu.dma_semaphore, #tpu.memory_space<semaphore_mem>>
      %dma_start3A_139 = arith.constant 0 : i32
      %dma_start3A_140 = tpu.memref_slice %arg6[%add3A_19, %dma_start3A_139] : memref<50048x32xf32, #tpu.memory_space<vmem_shared>> -> memref<256x32xf32, #tpu.memory_space<vmem_shared>>
      %dma_start3A_141 = arith.constant 0 : i32
      %dma_start3A_142 = tpu.memref_slice %arg6[%add3A_19, %dma_start3A_141] : memref<50048x32xf32, #tpu.memory_space<vmem_shared>> -> memref<256x32xf32, #tpu.memory_space<vmem_shared>>
      tpu.enqueue_dma source(%arg11 : memref<256x32xf32, #tpu.memory_space<vmem>>) target(%dma_start3A_142 : memref<256x32xf32, #tpu.memory_space<vmem_shared>>) target_semaphore(%run_scoped3A : memref<!tpu.dma_semaphore, #tpu.memory_space<semaphore_mem>>)
      %dma_wait3A_143 = arith.constant 0 : i32
      %dma_wait3A_144 = tpu.memref_slice %arg6[%add3A_19, %dma_wait3A_143] : memref<50048x32xf32, #tpu.memory_space<vmem_shared>> -> memref<256x32xf32, #tpu.memory_space<vmem_shared>>
      %dma_wait3A_145 = arith.constant 0 : i32
      %dma_wait3A_146 = tpu.memref_slice %arg6[%add3A_19, %dma_wait3A_145] : memref<50048x32xf32, #tpu.memory_space<vmem_shared>> -> memref<256x32xf32, #tpu.memory_space<vmem_shared>>
      tpu.wait_dma2 semaphore(%run_scoped3A : memref<!tpu.dma_semaphore, #tpu.memory_space<semaphore_mem>>) src(%arg11 : memref<256x32xf32, #tpu.memory_space<vmem>>) dst(%dma_wait3A_146 : memref<256x32xf32, #tpu.memory_space<vmem_shared>>)
      tpu.yield
    }) : () -> ()
    %add3A_20 = arith.constant 1792 : i32
    %add3A_21 = arith.addi %mul3A_6, %add3A_20 : i32
    "tpu.region"() ({
      %run_scoped3A = tpu.sem_alloc : memref<!tpu.dma_semaphore, #tpu.memory_space<semaphore_mem>>
      %dma_start3A_139 = arith.constant 0 : i32
      %dma_start3A_140 = tpu.memref_slice %arg6[%add3A_21, %dma_start3A_139] : memref<50048x32xf32, #tpu.memory_space<vmem_shared>> -> memref<256x32xf32, #tpu.memory_space<vmem_shared>>
      %dma_start3A_141 = arith.constant 0 : i32
      %dma_start3A_142 = tpu.memref_slice %arg6[%add3A_21, %dma_start3A_141] : memref<50048x32xf32, #tpu.memory_space<vmem_shared>> -> memref<256x32xf32, #tpu.memory_space<vmem_shared>>
      tpu.enqueue_dma source(%arg11 : memref<256x32xf32, #tpu.memory_space<vmem>>) target(%dma_start3A_142 : memref<256x32xf32, #tpu.memory_space<vmem_shared>>) target_semaphore(%run_scoped3A : memref<!tpu.dma_semaphore, #tpu.memory_space<semaphore_mem>>)
      %dma_wait3A_143 = arith.constant 0 : i32
      %dma_wait3A_144 = tpu.memref_slice %arg6[%add3A_21, %dma_wait3A_143] : memref<50048x32xf32, #tpu.memory_space<vmem_shared>> -> memref<256x32xf32, #tpu.memory_space<vmem_shared>>
      %dma_wait3A_145 = arith.constant 0 : i32
      %dma_wait3A_146 = tpu.memref_slice %arg6[%add3A_21, %dma_wait3A_145] : memref<50048x32xf32, #tpu.memory_space<vmem_shared>> -> memref<256x32xf32, #tpu.memory_space<vmem_shared>>
      tpu.wait_dma2 semaphore(%run_scoped3A : memref<!tpu.dma_semaphore, #tpu.memory_space<semaphore_mem>>) src(%arg11 : memref<256x32xf32, #tpu.memory_space<vmem>>) dst(%dma_wait3A_146 : memref<256x32xf32, #tpu.memory_space<vmem_shared>>)
      tpu.yield
    }) : () -> ()
    %add3A_22 = arith.constant 2048 : i32
    %add3A_23 = arith.addi %mul3A_6, %add3A_22 : i32
    "tpu.region"() ({
      %run_scoped3A = tpu.sem_alloc : memref<!tpu.dma_semaphore, #tpu.memory_space<semaphore_mem>>
      %dma_start3A_139 = arith.constant 0 : i32
      %dma_start3A_140 = tpu.memref_slice %arg6[%add3A_23, %dma_start3A_139] : memref<50048x32xf32, #tpu.memory_space<vmem_shared>> -> memref<256x32xf32, #tpu.memory_space<vmem_shared>>
      %dma_start3A_141 = arith.constant 0 : i32
      %dma_start3A_142 = tpu.memref_slice %arg6[%add3A_23, %dma_start3A_141] : memref<50048x32xf32, #tpu.memory_space<vmem_shared>> -> memref<256x32xf32, #tpu.memory_space<vmem_shared>>
      tpu.enqueue_dma source(%arg11 : memref<256x32xf32, #tpu.memory_space<vmem>>) target(%dma_start3A_142 : memref<256x32xf32, #tpu.memory_space<vmem_shared>>) target_semaphore(%run_scoped3A : memref<!tpu.dma_semaphore, #tpu.memory_space<semaphore_mem>>)
      %dma_wait3A_143 = arith.constant 0 : i32
      %dma_wait3A_144 = tpu.memref_slice %arg6[%add3A_23, %dma_wait3A_143] : memref<50048x32xf32, #tpu.memory_space<vmem_shared>> -> memref<256x32xf32, #tpu.memory_space<vmem_shared>>
      %dma_wait3A_145 = arith.constant 0 : i32
      %dma_wait3A_146 = tpu.memref_slice %arg6[%add3A_23, %dma_wait3A_145] : memref<50048x32xf32, #tpu.memory_space<vmem_shared>> -> memref<256x32xf32, #tpu.memory_space<vmem_shared>>
      tpu.wait_dma2 semaphore(%run_scoped3A : memref<!tpu.dma_semaphore, #tpu.memory_space<semaphore_mem>>) src(%arg11 : memref<256x32xf32, #tpu.memory_space<vmem>>) dst(%dma_wait3A_146 : memref<256x32xf32, #tpu.memory_space<vmem_shared>>)
      tpu.yield
    }) : () -> ()
    %add3A_24 = arith.constant 2304 : i32
    %add3A_25 = arith.addi %mul3A_6, %add3A_24 : i32
    "tpu.region"() ({
      %run_scoped3A = tpu.sem_alloc : memref<!tpu.dma_semaphore, #tpu.memory_space<semaphore_mem>>
      %dma_start3A_139 = arith.constant 0 : i32
      %dma_start3A_140 = tpu.memref_slice %arg6[%add3A_25, %dma_start3A_139] : memref<50048x32xf32, #tpu.memory_space<vmem_shared>> -> memref<256x32xf32, #tpu.memory_space<vmem_shared>>
      %dma_start3A_141 = arith.constant 0 : i32
      %dma_start3A_142 = tpu.memref_slice %arg6[%add3A_25, %dma_start3A_141] : memref<50048x32xf32, #tpu.memory_space<vmem_shared>> -> memref<256x32xf32, #tpu.memory_space<vmem_shared>>
      tpu.enqueue_dma source(%arg11 : memref<256x32xf32, #tpu.memory_space<vmem>>) target(%dma_start3A_142 : memref<256x32xf32, #tpu.memory_space<vmem_shared>>) target_semaphore(%run_scoped3A : memref<!tpu.dma_semaphore, #tpu.memory_space<semaphore_mem>>)
      %dma_wait3A_143 = arith.constant 0 : i32
      %dma_wait3A_144 = tpu.memref_slice %arg6[%add3A_25, %dma_wait3A_143] : memref<50048x32xf32, #tpu.memory_space<vmem_shared>> -> memref<256x32xf32, #tpu.memory_space<vmem_shared>>
      %dma_wait3A_145 = arith.constant 0 : i32
      %dma_wait3A_146 = tpu.memref_slice %arg6[%add3A_25, %dma_wait3A_145] : memref<50048x32xf32, #tpu.memory_space<vmem_shared>> -> memref<256x32xf32, #tpu.memory_space<vmem_shared>>
      tpu.wait_dma2 semaphore(%run_scoped3A : memref<!tpu.dma_semaphore, #tpu.memory_space<semaphore_mem>>) src(%arg11 : memref<256x32xf32, #tpu.memory_space<vmem>>) dst(%dma_wait3A_146 : memref<256x32xf32, #tpu.memory_space<vmem_shared>>)
      tpu.yield
    }) : () -> ()
    %add3A_26 = arith.constant 2560 : i32
    %add3A_27 = arith.addi %mul3A_6, %add3A_26 : i32
    "tpu.region"() ({
      %run_scoped3A = tpu.sem_alloc : memref<!tpu.dma_semaphore, #tpu.memory_space<semaphore_mem>>
      %dma_start3A_139 = arith.constant 0 : i32
      %dma_start3A_140 = tpu.memref_slice %arg6[%add3A_27, %dma_start3A_139] : memref<50048x32xf32, #tpu.memory_space<vmem_shared>> -> memref<256x32xf32, #tpu.memory_space<vmem_shared>>
      %dma_start3A_141 = arith.constant 0 : i32
      %dma_start3A_142 = tpu.memref_slice %arg6[%add3A_27, %dma_start3A_141] : memref<50048x32xf32, #tpu.memory_space<vmem_shared>> -> memref<256x32xf32, #tpu.memory_space<vmem_shared>>
      tpu.enqueue_dma source(%arg11 : memref<256x32xf32, #tpu.memory_space<vmem>>) target(%dma_start3A_142 : memref<256x32xf32, #tpu.memory_space<vmem_shared>>) target_semaphore(%run_scoped3A : memref<!tpu.dma_semaphore, #tpu.memory_space<semaphore_mem>>)
      %dma_wait3A_143 = arith.constant 0 : i32
      %dma_wait3A_144 = tpu.memref_slice %arg6[%add3A_27, %dma_wait3A_143] : memref<50048x32xf32, #tpu.memory_space<vmem_shared>> -> memref<256x32xf32, #tpu.memory_space<vmem_shared>>
      %dma_wait3A_145 = arith.constant 0 : i32
      %dma_wait3A_146 = tpu.memref_slice %arg6[%add3A_27, %dma_wait3A_145] : memref<50048x32xf32, #tpu.memory_space<vmem_shared>> -> memref<256x32xf32, #tpu.memory_space<vmem_shared>>
      tpu.wait_dma2 semaphore(%run_scoped3A : memref<!tpu.dma_semaphore, #tpu.memory_space<semaphore_mem>>) src(%arg11 : memref<256x32xf32, #tpu.memory_space<vmem>>) dst(%dma_wait3A_146 : memref<256x32xf32, #tpu.memory_space<vmem_shared>>)
      tpu.yield
    }) : () -> ()
    %add3A_28 = arith.constant 2816 : i32
    %add3A_29 = arith.addi %mul3A_6, %add3A_28 : i32
    "tpu.region"() ({
      %run_scoped3A = tpu.sem_alloc : memref<!tpu.dma_semaphore, #tpu.memory_space<semaphore_mem>>
      %dma_start3A_139 = arith.constant 0 : i32
      %dma_start3A_140 = tpu.memref_slice %arg6[%add3A_29, %dma_start3A_139] : memref<50048x32xf32, #tpu.memory_space<vmem_shared>> -> memref<256x32xf32, #tpu.memory_space<vmem_shared>>
      %dma_start3A_141 = arith.constant 0 : i32
      %dma_start3A_142 = tpu.memref_slice %arg6[%add3A_29, %dma_start3A_141] : memref<50048x32xf32, #tpu.memory_space<vmem_shared>> -> memref<256x32xf32, #tpu.memory_space<vmem_shared>>
      tpu.enqueue_dma source(%arg11 : memref<256x32xf32, #tpu.memory_space<vmem>>) target(%dma_start3A_142 : memref<256x32xf32, #tpu.memory_space<vmem_shared>>) target_semaphore(%run_scoped3A : memref<!tpu.dma_semaphore, #tpu.memory_space<semaphore_mem>>)
      %dma_wait3A_143 = arith.constant 0 : i32
      %dma_wait3A_144 = tpu.memref_slice %arg6[%add3A_29, %dma_wait3A_143] : memref<50048x32xf32, #tpu.memory_space<vmem_shared>> -> memref<256x32xf32, #tpu.memory_space<vmem_shared>>
      %dma_wait3A_145 = arith.constant 0 : i32
      %dma_wait3A_146 = tpu.memref_slice %arg6[%add3A_29, %dma_wait3A_145] : memref<50048x32xf32, #tpu.memory_space<vmem_shared>> -> memref<256x32xf32, #tpu.memory_space<vmem_shared>>
      tpu.wait_dma2 semaphore(%run_scoped3A : memref<!tpu.dma_semaphore, #tpu.memory_space<semaphore_mem>>) src(%arg11 : memref<256x32xf32, #tpu.memory_space<vmem>>) dst(%dma_wait3A_146 : memref<256x32xf32, #tpu.memory_space<vmem_shared>>)
      tpu.yield
    }) : () -> ()
    %add3A_30 = arith.constant 3128 : i32
    %add3A_31 = arith.addi %mul3A_6, %add3A_30 : i32
    %sub3A = arith.constant 56 : i32
    %sub3A_32 = arith.subi %add3A_31, %sub3A : i32
    "tpu.region"() ({
      %run_scoped3A = tpu.sem_alloc : memref<!tpu.dma_semaphore, #tpu.memory_space<semaphore_mem>>
      %dma_start3A_139 = arith.constant 0 : i32
      %dma_start3A_140 = arith.constant 0 : i32
      %dma_start3A_141 = tpu.memref_slice %arg11[%dma_start3A_139, %dma_start3A_140] : memref<256x32xf32, #tpu.memory_space<vmem>> -> memref<56x32xf32, #tpu.memory_space<vmem>>
      %dma_start3A_142 = arith.constant 0 : i32
      %dma_start3A_143 = tpu.memref_slice %arg6[%sub3A_32, %dma_start3A_142] : memref<50048x32xf32, #tpu.memory_space<vmem_shared>> -> memref<56x32xf32, #tpu.memory_space<vmem_shared>>
      %dma_start3A_144 = arith.constant 0 : i32
      %dma_start3A_145 = tpu.memref_slice %arg6[%sub3A_32, %dma_start3A_144] : memref<50048x32xf32, #tpu.memory_space<vmem_shared>> -> memref<56x32xf32, #tpu.memory_space<vmem_shared>>
      %dma_start3A_146 = arith.constant 0 : i32
      %dma_start3A_147 = arith.constant 0 : i32
      %dma_start3A_148 = tpu.memref_slice %arg11[%dma_start3A_146, %dma_start3A_147] : memref<256x32xf32, #tpu.memory_space<vmem>> -> memref<56x32xf32, #tpu.memory_space<vmem>>
      tpu.enqueue_dma source(%dma_start3A_148 : memref<56x32xf32, #tpu.memory_space<vmem>>) target(%dma_start3A_145 : memref<56x32xf32, #tpu.memory_space<vmem_shared>>) target_semaphore(%run_scoped3A : memref<!tpu.dma_semaphore, #tpu.memory_space<semaphore_mem>>)
      %dma_wait3A_149 = arith.constant 0 : i32
      %dma_wait3A_150 = arith.constant 0 : i32
      %dma_wait3A_151 = tpu.memref_slice %arg11[%dma_wait3A_149, %dma_wait3A_150] : memref<256x32xf32, #tpu.memory_space<vmem>> -> memref<56x32xf32, #tpu.memory_space<vmem>>
      %dma_wait3A_152 = arith.constant 0 : i32
      %dma_wait3A_153 = tpu.memref_slice %arg6[%sub3A_32, %dma_wait3A_152] : memref<50048x32xf32, #tpu.memory_space<vmem_shared>> -> memref<56x32xf32, #tpu.memory_space<vmem_shared>>
      %dma_wait3A_154 = arith.constant 0 : i32
      %dma_wait3A_155 = tpu.memref_slice %arg6[%sub3A_32, %dma_wait3A_154] : memref<50048x32xf32, #tpu.memory_space<vmem_shared>> -> memref<56x32xf32, #tpu.memory_space<vmem_shared>>
      %dma_wait3A_156 = arith.constant 0 : i32
      %dma_wait3A_157 = arith.constant 0 : i32
      %dma_wait3A_158 = tpu.memref_slice %arg11[%dma_wait3A_156, %dma_wait3A_157] : memref<256x32xf32, #tpu.memory_space<vmem>> -> memref<56x32xf32, #tpu.memory_space<vmem>>
      tpu.wait_dma2 semaphore(%run_scoped3A : memref<!tpu.dma_semaphore, #tpu.memory_space<semaphore_mem>>) src(%dma_wait3A_158 : memref<56x32xf32, #tpu.memory_space<vmem>>) dst(%dma_wait3A_155 : memref<56x32xf32, #tpu.memory_space<vmem_shared>>)
      tpu.yield
    }) : () -> ()
    %min3A = arith.constant 0 : i32
    %min3A_33 = arith.constant 49 : i32
    %min3A_34 = arith.minsi %min3A, %min3A_33 : i32
    %mul3A_35 = arith.constant 4 : i32
    %mul3A_36 = arith.muli %min3A_34, %mul3A_35 : i32
    %dma_start3A = arith.constant 0 : i32
    %dma_start3A_37 = tpu.memref_slice %arg3[%arg0, %arg1, %mul3A_36, %dma_start3A] : memref<2x16x200x256xi32, #tpu.memory_space<hbm>> -> memref<1x1x4x256xi32, #tpu.memory_space<hbm>>
    %dma_start3A_38 = tpu.memref_squeeze %dma_start3A_37 : memref<1x1x4x256xi32, #tpu.memory_space<hbm>> -> memref<4x256xi32, #tpu.memory_space<hbm>>
    %dma_start3A_39 = arith.constant 0 : i32
    %dma_start3A_40 = tpu.memref_slice %arg3[%arg0, %arg1, %mul3A_36, %dma_start3A_39] : memref<2x16x200x256xi32, #tpu.memory_space<hbm>> -> memref<1x1x4x256xi32, #tpu.memory_space<hbm>>
    %dma_start3A_41 = tpu.memref_squeeze %dma_start3A_40 : memref<1x1x4x256xi32, #tpu.memory_space<hbm>> -> memref<4x256xi32, #tpu.memory_space<hbm>>
    tpu.enqueue_dma source(%dma_start3A_41 : memref<4x256xi32, #tpu.memory_space<hbm>>) target(%arg7 : memref<4x256xi32, #tpu.memory_space<vmem>>) target_semaphore(%arg13 : memref<!tpu.dma_semaphore, #tpu.memory_space<semaphore_mem>>)
    %mul3A_42 = arith.constant 4 : i32
    %mul3A_43 = arith.muli %min3A_34, %mul3A_42 : i32
    %dma_start3A_44 = arith.constant 0 : i32
    %dma_start3A_45 = tpu.memref_slice %arg4[%arg1, %mul3A_43, %dma_start3A_44] : memref<16x200x256xi32, #tpu.memory_space<hbm>> -> memref<1x4x256xi32, #tpu.memory_space<hbm>>
    %dma_start3A_46 = tpu.memref_squeeze %dma_start3A_45 : memref<1x4x256xi32, #tpu.memory_space<hbm>> -> memref<4x256xi32, #tpu.memory_space<hbm>>
    %dma_start3A_47 = arith.constant 0 : i32
    %dma_start3A_48 = tpu.memref_slice %arg4[%arg1, %mul3A_43, %dma_start3A_47] : memref<16x200x256xi32, #tpu.memory_space<hbm>> -> memref<1x4x256xi32, #tpu.memory_space<hbm>>
    %dma_start3A_49 = tpu.memref_squeeze %dma_start3A_48 : memref<1x4x256xi32, #tpu.memory_space<hbm>> -> memref<4x256xi32, #tpu.memory_space<hbm>>
    tpu.enqueue_dma source(%dma_start3A_49 : memref<4x256xi32, #tpu.memory_space<hbm>>) target(%arg9 : memref<4x256xi32, #tpu.memory_space<vmem>>) target_semaphore(%arg15 : memref<!tpu.dma_semaphore, #tpu.memory_space<semaphore_mem>>)
    %min3A_50 = arith.constant 1 : i32
    %min3A_51 = arith.constant 49 : i32
    %min3A_52 = arith.minsi %min3A_50, %min3A_51 : i32
    %mul3A_53 = arith.constant 4 : i32
    %mul3A_54 = arith.muli %min3A_52, %mul3A_53 : i32
    %dma_start3A_55 = arith.constant 0 : i32
    %dma_start3A_56 = tpu.memref_slice %arg3[%arg0, %arg1, %mul3A_54, %dma_start3A_55] : memref<2x16x200x256xi32, #tpu.memory_space<hbm>> -> memref<1x1x4x256xi32, #tpu.memory_space<hbm>>
    %dma_start3A_57 = tpu.memref_squeeze %dma_start3A_56 : memref<1x1x4x256xi32, #tpu.memory_space<hbm>> -> memref<4x256xi32, #tpu.memory_space<hbm>>
    %dma_start3A_58 = arith.constant 0 : i32
    %dma_start3A_59 = tpu.memref_slice %arg3[%arg0, %arg1, %mul3A_54, %dma_start3A_58] : memref<2x16x200x256xi32, #tpu.memory_space<hbm>> -> memref<1x1x4x256xi32, #tpu.memory_space<hbm>>
    %dma_start3A_60 = tpu.memref_squeeze %dma_start3A_59 : memref<1x1x4x256xi32, #tpu.memory_space<hbm>> -> memref<4x256xi32, #tpu.memory_space<hbm>>
    tpu.enqueue_dma source(%dma_start3A_60 : memref<4x256xi32, #tpu.memory_space<hbm>>) target(%arg8 : memref<4x256xi32, #tpu.memory_space<vmem>>) target_semaphore(%arg14 : memref<!tpu.dma_semaphore, #tpu.memory_space<semaphore_mem>>)
    %mul3A_61 = arith.constant 4 : i32
    %mul3A_62 = arith.muli %min3A_52, %mul3A_61 : i32
    %dma_start3A_63 = arith.constant 0 : i32
    %dma_start3A_64 = tpu.memref_slice %arg4[%arg1, %mul3A_62, %dma_start3A_63] : memref<16x200x256xi32, #tpu.memory_space<hbm>> -> memref<1x4x256xi32, #tpu.memory_space<hbm>>
    %dma_start3A_65 = tpu.memref_squeeze %dma_start3A_64 : memref<1x4x256xi32, #tpu.memory_space<hbm>> -> memref<4x256xi32, #tpu.memory_space<hbm>>
    %dma_start3A_66 = arith.constant 0 : i32
    %dma_start3A_67 = tpu.memref_slice %arg4[%arg1, %mul3A_62, %dma_start3A_66] : memref<16x200x256xi32, #tpu.memory_space<hbm>> -> memref<1x4x256xi32, #tpu.memory_space<hbm>>
    %dma_start3A_68 = tpu.memref_squeeze %dma_start3A_67 : memref<1x4x256xi32, #tpu.memory_space<hbm>> -> memref<4x256xi32, #tpu.memory_space<hbm>>
    tpu.enqueue_dma source(%dma_start3A_68 : memref<4x256xi32, #tpu.memory_space<hbm>>) target(%arg10 : memref<4x256xi32, #tpu.memory_space<vmem>>) target_semaphore(%arg16 : memref<!tpu.dma_semaphore, #tpu.memory_space<semaphore_mem>>)
    %barrier3A = arith.constant 0 : index
    tpu.barrier barrier_id(%barrier3A)
    %dma_wait3A = arith.constant 0 : i32
    %dma_wait3A_69 = arith.constant 0 : i32
    %dma_wait3A_70 = tpu.memref_slice %arg3[%arg0, %arg1, %dma_wait3A, %dma_wait3A_69] : memref<2x16x200x256xi32, #tpu.memory_space<hbm>> -> memref<1x1x4x256xi32, #tpu.memory_space<hbm>>
    %dma_wait3A_71 = tpu.memref_squeeze %dma_wait3A_70 : memref<1x1x4x256xi32, #tpu.memory_space<hbm>> -> memref<4x256xi32, #tpu.memory_space<hbm>>
    %dma_wait3A_72 = arith.constant 0 : i32
    %dma_wait3A_73 = arith.constant 0 : i32
    %dma_wait3A_74 = tpu.memref_slice %arg3[%arg0, %arg1, %dma_wait3A_72, %dma_wait3A_73] : memref<2x16x200x256xi32, #tpu.memory_space<hbm>> -> memref<1x1x4x256xi32, #tpu.memory_space<hbm>>
    %dma_wait3A_75 = tpu.memref_squeeze %dma_wait3A_74 : memref<1x1x4x256xi32, #tpu.memory_space<hbm>> -> memref<4x256xi32, #tpu.memory_space<hbm>>
    tpu.wait_dma2 semaphore(%arg13 : memref<!tpu.dma_semaphore, #tpu.memory_space<semaphore_mem>>) src(%dma_wait3A_75 : memref<4x256xi32, #tpu.memory_space<hbm>>) dst(%arg7 : memref<4x256xi32, #tpu.memory_space<vmem>>)
    %dma_wait3A_76 = arith.constant 0 : i32
    %dma_wait3A_77 = arith.constant 0 : i32
    %dma_wait3A_78 = tpu.memref_slice %arg4[%arg1, %dma_wait3A_76, %dma_wait3A_77] : memref<16x200x256xi32, #tpu.memory_space<hbm>> -> memref<1x4x256xi32, #tpu.memory_space<hbm>>
    %dma_wait3A_79 = tpu.memref_squeeze %dma_wait3A_78 : memref<1x4x256xi32, #tpu.memory_space<hbm>> -> memref<4x256xi32, #tpu.memory_space<hbm>>
    %dma_wait3A_80 = arith.constant 0 : i32
    %dma_wait3A_81 = arith.constant 0 : i32
    %dma_wait3A_82 = tpu.memref_slice %arg4[%arg1, %dma_wait3A_80, %dma_wait3A_81] : memref<16x200x256xi32, #tpu.memory_space<hbm>> -> memref<1x4x256xi32, #tpu.memory_space<hbm>>
    %dma_wait3A_83 = tpu.memref_squeeze %dma_wait3A_82 : memref<1x4x256xi32, #tpu.memory_space<hbm>> -> memref<4x256xi32, #tpu.memory_space<hbm>>
    tpu.wait_dma2 semaphore(%arg15 : memref<!tpu.dma_semaphore, #tpu.memory_space<semaphore_mem>>) src(%dma_wait3A_83 : memref<4x256xi32, #tpu.memory_space<hbm>>) dst(%arg9 : memref<4x256xi32, #tpu.memory_space<vmem>>)
    %dma_start3A_84 = arith.constant 0 : i32
    %dma_start3A_85 = arith.constant 0 : i32
    %dma_start3A_86 = tpu.memref_slice %arg7[%dma_start3A_84, %dma_start3A_85] : memref<4x256xi32, #tpu.memory_space<vmem>> -> memref<1x256xi32, #tpu.memory_space<vmem>>
    %dma_start3A_87 = tpu.memref_squeeze %dma_start3A_86 : memref<1x256xi32, #tpu.memory_space<vmem>> -> memref<256xi32, #tpu.memory_space<vmem>>
    %dma_start3A_88 = arith.constant 0 : i32
    %dma_start3A_89 = arith.constant 0 : i32
    %dma_start3A_90 = tpu.memref_slice %arg2[%dma_start3A_88, %dma_start3A_89] : memref<100000x32xf32, #tpu.memory_space<hbm>> -> memref<100000x32xf32, #tpu.memory_space<hbm>>
    tpu.enqueue_indirect_dma source(%dma_start3A_90 : memref<100000x32xf32, #tpu.memory_space<hbm>>) target(%arg11 : memref<256x32xf32, #tpu.memory_space<vmem>>) offsets(%dma_start3A_87 : memref<256xi32, #tpu.memory_space<vmem>>) semaphore(%arg17 : memref<!tpu.dma_semaphore, #tpu.memory_space<semaphore_mem>>)
    %dma_start3A_91 = arith.constant 1 : i32
    %dma_start3A_92 = arith.constant 0 : i32
    %dma_start3A_93 = tpu.memref_slice %arg7[%dma_start3A_91, %dma_start3A_92] : memref<4x256xi32, #tpu.memory_space<vmem>> -> memref<1x256xi32, #tpu.memory_space<vmem>>
    %dma_start3A_94 = tpu.memref_squeeze %dma_start3A_93 : memref<1x256xi32, #tpu.memory_space<vmem>> -> memref<256xi32, #tpu.memory_space<vmem>>
    %dma_start3A_95 = arith.constant 0 : i32
    %dma_start3A_96 = arith.constant 0 : i32
    %dma_start3A_97 = tpu.memref_slice %arg2[%dma_start3A_95, %dma_start3A_96] : memref<100000x32xf32, #tpu.memory_space<hbm>> -> memref<100000x32xf32, #tpu.memory_space<hbm>>
    tpu.enqueue_indirect_dma source(%dma_start3A_97 : memref<100000x32xf32, #tpu.memory_space<hbm>>) target(%arg12 : memref<256x32xf32, #tpu.memory_space<vmem>>) offsets(%dma_start3A_94 : memref<256xi32, #tpu.memory_space<vmem>>) semaphore(%arg18 : memref<!tpu.dma_semaphore, #tpu.memory_space<semaphore_mem>>)
    %scan3A_98 = arith.constant 0 : i32
    %scan3A_99 = arith.constant 0 : i32
    %scan3A_100 = arith.constant 25 : i32
    %scan3A_101 = arith.addi %scan3A_99, %scan3A_100 : i32
    %scan3A_102 = arith.constant 1 : i32
    scf.for %scan3A_139 = %scan3A_99 to %scan3A_101 step %scan3A_102  : i32 {
      %mul3A_140 = arith.constant 2 : i32
      %mul3A_141 = arith.muli %scan3A_139, %mul3A_140 : i32
      %dma_wait3A_142 = arith.constant 0 : i32
      %dma_wait3A_143 = arith.constant 0 : i32
      %dma_wait3A_144 = tpu.memref_slice %arg7[%dma_wait3A_142, %dma_wait3A_143] : memref<4x256xi32, #tpu.memory_space<vmem>> -> memref<1x256xi32, #tpu.memory_space<vmem>>
      %dma_wait3A_145 = tpu.memref_squeeze %dma_wait3A_144 : memref<1x256xi32, #tpu.memory_space<vmem>> -> memref<256xi32, #tpu.memory_space<vmem>>
      %dma_wait3A_146 = arith.constant 0 : i32
      %dma_wait3A_147 = arith.constant 0 : i32
      %dma_wait3A_148 = tpu.memref_slice %arg2[%dma_wait3A_146, %dma_wait3A_147] : memref<100000x32xf32, #tpu.memory_space<hbm>> -> memref<100000x32xf32, #tpu.memory_space<hbm>>
      tpu.wait_indirect_dma semaphore(%arg17 : memref<!tpu.dma_semaphore, #tpu.memory_space<semaphore_mem>>) src(%dma_wait3A_148 : memref<100000x32xf32, #tpu.memory_space<hbm>>) dst(%arg11 : memref<256x32xf32, #tpu.memory_space<vmem>>)
      %dma_start3A_149 = arith.constant 0 : i32
      %dma_start3A_150 = arith.constant 0 : i32
      %dma_start3A_151 = tpu.memref_slice %arg9[%dma_start3A_149, %dma_start3A_150] : memref<4x256xi32, #tpu.memory_space<vmem>> -> memref<1x256xi32, #tpu.memory_space<vmem>>
      %dma_start3A_152 = tpu.memref_squeeze %dma_start3A_151 : memref<1x256xi32, #tpu.memory_space<vmem>> -> memref<256xi32, #tpu.memory_space<vmem>>
      %dma_start3A_153 = arith.constant 0 : i32
      %dma_start3A_154 = arith.constant 0 : i32
      %dma_start3A_155 = tpu.memref_slice %arg6[%dma_start3A_153, %dma_start3A_154] : memref<50048x32xf32, #tpu.memory_space<vmem_shared>> -> memref<50048x32xf32, #tpu.memory_space<vmem_shared>>
      tpu.enqueue_indirect_dma source(%arg11 : memref<256x32xf32, #tpu.memory_space<vmem>>) target(%dma_start3A_155 : memref<50048x32xf32, #tpu.memory_space<vmem_shared>>) offsets(%dma_start3A_152 : memref<256xi32, #tpu.memory_space<vmem>>) semaphore(%arg19 : memref<!tpu.dma_semaphore, #tpu.memory_space<semaphore_mem>>) {add = true}
      %dma_wait3A_156 = arith.constant 0 : i32
      %dma_wait3A_157 = arith.constant 0 : i32
      %dma_wait3A_158 = tpu.memref_slice %arg9[%dma_wait3A_156, %dma_wait3A_157] : memref<4x256xi32, #tpu.memory_space<vmem>> -> memref<1x256xi32, #tpu.memory_space<vmem>>
      %dma_wait3A_159 = tpu.memref_squeeze %dma_wait3A_158 : memref<1x256xi32, #tpu.memory_space<vmem>> -> memref<256xi32, #tpu.memory_space<vmem>>
      %dma_wait3A_160 = arith.constant 0 : i32
      %dma_wait3A_161 = arith.constant 0 : i32
      %dma_wait3A_162 = tpu.memref_slice %arg6[%dma_wait3A_160, %dma_wait3A_161] : memref<50048x32xf32, #tpu.memory_space<vmem_shared>> -> memref<50048x32xf32, #tpu.memory_space<vmem_shared>>
      tpu.wait_indirect_dma semaphore(%arg19 : memref<!tpu.dma_semaphore, #tpu.memory_space<semaphore_mem>>) src(%arg11 : memref<256x32xf32, #tpu.memory_space<vmem>>) dst(%dma_wait3A_162 : memref<50048x32xf32, #tpu.memory_space<vmem_shared>>)
      %dma_start3A_163 = arith.constant 2 : i32
      %dma_start3A_164 = arith.constant 0 : i32
      %dma_start3A_165 = tpu.memref_slice %arg7[%dma_start3A_163, %dma_start3A_164] : memref<4x256xi32, #tpu.memory_space<vmem>> -> memref<1x256xi32, #tpu.memory_space<vmem>>
      %dma_start3A_166 = tpu.memref_squeeze %dma_start3A_165 : memref<1x256xi32, #tpu.memory_space<vmem>> -> memref<256xi32, #tpu.memory_space<vmem>>
      %dma_start3A_167 = arith.constant 0 : i32
      %dma_start3A_168 = arith.constant 0 : i32
      %dma_start3A_169 = tpu.memref_slice %arg2[%dma_start3A_167, %dma_start3A_168] : memref<100000x32xf32, #tpu.memory_space<hbm>> -> memref<100000x32xf32, #tpu.memory_space<hbm>>
      tpu.enqueue_indirect_dma source(%dma_start3A_169 : memref<100000x32xf32, #tpu.memory_space<hbm>>) target(%arg11 : memref<256x32xf32, #tpu.memory_space<vmem>>) offsets(%dma_start3A_166 : memref<256xi32, #tpu.memory_space<vmem>>) semaphore(%arg17 : memref<!tpu.dma_semaphore, #tpu.memory_space<semaphore_mem>>)
      %dma_wait3A_170 = arith.constant 0 : i32
      %dma_wait3A_171 = arith.constant 0 : i32
      %dma_wait3A_172 = tpu.memref_slice %arg7[%dma_wait3A_170, %dma_wait3A_171] : memref<4x256xi32, #tpu.memory_space<vmem>> -> memref<1x256xi32, #tpu.memory_space<vmem>>
      %dma_wait3A_173 = tpu.memref_squeeze %dma_wait3A_172 : memref<1x256xi32, #tpu.memory_space<vmem>> -> memref<256xi32, #tpu.memory_space<vmem>>
      %dma_wait3A_174 = arith.constant 0 : i32
      %dma_wait3A_175 = arith.constant 0 : i32
      %dma_wait3A_176 = tpu.memref_slice %arg2[%dma_wait3A_174, %dma_wait3A_175] : memref<100000x32xf32, #tpu.memory_space<hbm>> -> memref<100000x32xf32, #tpu.memory_space<hbm>>
      tpu.wait_indirect_dma semaphore(%arg18 : memref<!tpu.dma_semaphore, #tpu.memory_space<semaphore_mem>>) src(%dma_wait3A_176 : memref<100000x32xf32, #tpu.memory_space<hbm>>) dst(%arg12 : memref<256x32xf32, #tpu.memory_space<vmem>>)
      %dma_start3A_177 = arith.constant 1 : i32
      %dma_start3A_178 = arith.constant 0 : i32
      %dma_start3A_179 = tpu.memref_slice %arg9[%dma_start3A_177, %dma_start3A_178] : memref<4x256xi32, #tpu.memory_space<vmem>> -> memref<1x256xi32, #tpu.memory_space<vmem>>
      %dma_start3A_180 = tpu.memref_squeeze %dma_start3A_179 : memref<1x256xi32, #tpu.memory_space<vmem>> -> memref<256xi32, #tpu.memory_space<vmem>>
      %dma_start3A_181 = arith.constant 0 : i32
      %dma_start3A_182 = arith.constant 0 : i32
      %dma_start3A_183 = tpu.memref_slice %arg6[%dma_start3A_181, %dma_start3A_182] : memref<50048x32xf32, #tpu.memory_space<vmem_shared>> -> memref<50048x32xf32, #tpu.memory_space<vmem_shared>>
      tpu.enqueue_indirect_dma source(%arg12 : memref<256x32xf32, #tpu.memory_space<vmem>>) target(%dma_start3A_183 : memref<50048x32xf32, #tpu.memory_space<vmem_shared>>) offsets(%dma_start3A_180 : memref<256xi32, #tpu.memory_space<vmem>>) semaphore(%arg20 : memref<!tpu.dma_semaphore, #tpu.memory_space<semaphore_mem>>) {add = true}
      %dma_wait3A_184 = arith.constant 0 : i32
      %dma_wait3A_185 = arith.constant 0 : i32
      %dma_wait3A_186 = tpu.memref_slice %arg9[%dma_wait3A_184, %dma_wait3A_185] : memref<4x256xi32, #tpu.memory_space<vmem>> -> memref<1x256xi32, #tpu.memory_space<vmem>>
      %dma_wait3A_187 = tpu.memref_squeeze %dma_wait3A_186 : memref<1x256xi32, #tpu.memory_space<vmem>> -> memref<256xi32, #tpu.memory_space<vmem>>
      %dma_wait3A_188 = arith.constant 0 : i32
      %dma_wait3A_189 = arith.constant 0 : i32
      %dma_wait3A_190 = tpu.memref_slice %arg6[%dma_wait3A_188, %dma_wait3A_189] : memref<50048x32xf32, #tpu.memory_space<vmem_shared>> -> memref<50048x32xf32, #tpu.memory_space<vmem_shared>>
      tpu.wait_indirect_dma semaphore(%arg20 : memref<!tpu.dma_semaphore, #tpu.memory_space<semaphore_mem>>) src(%arg12 : memref<256x32xf32, #tpu.memory_space<vmem>>) dst(%dma_wait3A_190 : memref<50048x32xf32, #tpu.memory_space<vmem_shared>>)
      %dma_start3A_191 = arith.constant 3 : i32
      %dma_start3A_192 = arith.constant 0 : i32
      %dma_start3A_193 = tpu.memref_slice %arg7[%dma_start3A_191, %dma_start3A_192] : memref<4x256xi32, #tpu.memory_space<vmem>> -> memref<1x256xi32, #tpu.memory_space<vmem>>
      %dma_start3A_194 = tpu.memref_squeeze %dma_start3A_193 : memref<1x256xi32, #tpu.memory_space<vmem>> -> memref<256xi32, #tpu.memory_space<vmem>>
      %dma_start3A_195 = arith.constant 0 : i32
      %dma_start3A_196 = arith.constant 0 : i32
      %dma_start3A_197 = tpu.memref_slice %arg2[%dma_start3A_195, %dma_start3A_196] : memref<100000x32xf32, #tpu.memory_space<hbm>> -> memref<100000x32xf32, #tpu.memory_space<hbm>>
      tpu.enqueue_indirect_dma source(%dma_start3A_197 : memref<100000x32xf32, #tpu.memory_space<hbm>>) target(%arg12 : memref<256x32xf32, #tpu.memory_space<vmem>>) offsets(%dma_start3A_194 : memref<256xi32, #tpu.memory_space<vmem>>) semaphore(%arg18 : memref<!tpu.dma_semaphore, #tpu.memory_space<semaphore_mem>>)
      %dma_wait3A_198 = arith.constant 0 : i32
      %dma_wait3A_199 = arith.constant 0 : i32
      %dma_wait3A_200 = tpu.memref_slice %arg7[%dma_wait3A_198, %dma_wait3A_199] : memref<4x256xi32, #tpu.memory_space<vmem>> -> memref<1x256xi32, #tpu.memory_space<vmem>>
      %dma_wait3A_201 = tpu.memref_squeeze %dma_wait3A_200 : memref<1x256xi32, #tpu.memory_space<vmem>> -> memref<256xi32, #tpu.memory_space<vmem>>
      %dma_wait3A_202 = arith.constant 0 : i32
      %dma_wait3A_203 = arith.constant 0 : i32
      %dma_wait3A_204 = tpu.memref_slice %arg2[%dma_wait3A_202, %dma_wait3A_203] : memref<100000x32xf32, #tpu.memory_space<hbm>> -> memref<100000x32xf32, #tpu.memory_space<hbm>>
      tpu.wait_indirect_dma semaphore(%arg17 : memref<!tpu.dma_semaphore, #tpu.memory_space<semaphore_mem>>) src(%dma_wait3A_204 : memref<100000x32xf32, #tpu.memory_space<hbm>>) dst(%arg11 : memref<256x32xf32, #tpu.memory_space<vmem>>)
      %dma_start3A_205 = arith.constant 2 : i32
      %dma_start3A_206 = arith.constant 0 : i32
      %dma_start3A_207 = tpu.memref_slice %arg9[%dma_start3A_205, %dma_start3A_206] : memref<4x256xi32, #tpu.memory_space<vmem>> -> memref<1x256xi32, #tpu.memory_space<vmem>>
      %dma_start3A_208 = tpu.memref_squeeze %dma_start3A_207 : memref<1x256xi32, #tpu.memory_space<vmem>> -> memref<256xi32, #tpu.memory_space<vmem>>
      %dma_start3A_209 = arith.constant 0 : i32
      %dma_start3A_210 = arith.constant 0 : i32
      %dma_start3A_211 = tpu.memref_slice %arg6[%dma_start3A_209, %dma_start3A_210] : memref<50048x32xf32, #tpu.memory_space<vmem_shared>> -> memref<50048x32xf32, #tpu.memory_space<vmem_shared>>
      tpu.enqueue_indirect_dma source(%arg11 : memref<256x32xf32, #tpu.memory_space<vmem>>) target(%dma_start3A_211 : memref<50048x32xf32, #tpu.memory_space<vmem_shared>>) offsets(%dma_start3A_208 : memref<256xi32, #tpu.memory_space<vmem>>) semaphore(%arg19 : memref<!tpu.dma_semaphore, #tpu.memory_space<semaphore_mem>>) {add = true}
      %dma_wait3A_212 = arith.constant 0 : i32
      %dma_wait3A_213 = arith.constant 0 : i32
      %dma_wait3A_214 = tpu.memref_slice %arg9[%dma_wait3A_212, %dma_wait3A_213] : memref<4x256xi32, #tpu.memory_space<vmem>> -> memref<1x256xi32, #tpu.memory_space<vmem>>
      %dma_wait3A_215 = tpu.memref_squeeze %dma_wait3A_214 : memref<1x256xi32, #tpu.memory_space<vmem>> -> memref<256xi32, #tpu.memory_space<vmem>>
      %dma_wait3A_216 = arith.constant 0 : i32
      %dma_wait3A_217 = arith.constant 0 : i32
      %dma_wait3A_218 = tpu.memref_slice %arg6[%dma_wait3A_216, %dma_wait3A_217] : memref<50048x32xf32, #tpu.memory_space<vmem_shared>> -> memref<50048x32xf32, #tpu.memory_space<vmem_shared>>
      tpu.wait_indirect_dma semaphore(%arg19 : memref<!tpu.dma_semaphore, #tpu.memory_space<semaphore_mem>>) src(%arg11 : memref<256x32xf32, #tpu.memory_space<vmem>>) dst(%dma_wait3A_218 : memref<50048x32xf32, #tpu.memory_space<vmem_shared>>)
      %dma_wait3A_219 = arith.constant 0 : i32
      %dma_wait3A_220 = arith.constant 0 : i32
      %dma_wait3A_221 = tpu.memref_slice %arg3[%arg0, %arg1, %dma_wait3A_219, %dma_wait3A_220] : memref<2x16x200x256xi32, #tpu.memory_space<hbm>> -> memref<1x1x4x256xi32, #tpu.memory_space<hbm>>
      %dma_wait3A_222 = tpu.memref_squeeze %dma_wait3A_221 : memref<1x1x4x256xi32, #tpu.memory_space<hbm>> -> memref<4x256xi32, #tpu.memory_space<hbm>>
      %dma_wait3A_223 = arith.constant 0 : i32
      %dma_wait3A_224 = arith.constant 0 : i32
      %dma_wait3A_225 = tpu.memref_slice %arg3[%arg0, %arg1, %dma_wait3A_223, %dma_wait3A_224] : memref<2x16x200x256xi32, #tpu.memory_space<hbm>> -> memref<1x1x4x256xi32, #tpu.memory_space<hbm>>
      %dma_wait3A_226 = tpu.memref_squeeze %dma_wait3A_225 : memref<1x1x4x256xi32, #tpu.memory_space<hbm>> -> memref<4x256xi32, #tpu.memory_space<hbm>>
      tpu.wait_dma2 semaphore(%arg14 : memref<!tpu.dma_semaphore, #tpu.memory_space<semaphore_mem>>) src(%dma_wait3A_226 : memref<4x256xi32, #tpu.memory_space<hbm>>) dst(%arg8 : memref<4x256xi32, #tpu.memory_space<vmem>>)
      %dma_wait3A_227 = arith.constant 0 : i32
      %dma_wait3A_228 = arith.constant 0 : i32
      %dma_wait3A_229 = tpu.memref_slice %arg4[%arg1, %dma_wait3A_227, %dma_wait3A_228] : memref<16x200x256xi32, #tpu.memory_space<hbm>> -> memref<1x4x256xi32, #tpu.memory_space<hbm>>
      %dma_wait3A_230 = tpu.memref_squeeze %dma_wait3A_229 : memref<1x4x256xi32, #tpu.memory_space<hbm>> -> memref<4x256xi32, #tpu.memory_space<hbm>>
      %dma_wait3A_231 = arith.constant 0 : i32
      %dma_wait3A_232 = arith.constant 0 : i32
      %dma_wait3A_233 = tpu.memref_slice %arg4[%arg1, %dma_wait3A_231, %dma_wait3A_232] : memref<16x200x256xi32, #tpu.memory_space<hbm>> -> memref<1x4x256xi32, #tpu.memory_space<hbm>>
      %dma_wait3A_234 = tpu.memref_squeeze %dma_wait3A_233 : memref<1x4x256xi32, #tpu.memory_space<hbm>> -> memref<4x256xi32, #tpu.memory_space<hbm>>
      tpu.wait_dma2 semaphore(%arg16 : memref<!tpu.dma_semaphore, #tpu.memory_space<semaphore_mem>>) src(%dma_wait3A_234 : memref<4x256xi32, #tpu.memory_space<hbm>>) dst(%arg10 : memref<4x256xi32, #tpu.memory_space<vmem>>)
      %dma_start3A_235 = arith.constant 0 : i32
      %dma_start3A_236 = arith.constant 0 : i32
      %dma_start3A_237 = tpu.memref_slice %arg8[%dma_start3A_235, %dma_start3A_236] : memref<4x256xi32, #tpu.memory_space<vmem>> -> memref<1x256xi32, #tpu.memory_space<vmem>>
      %dma_start3A_238 = tpu.memref_squeeze %dma_start3A_237 : memref<1x256xi32, #tpu.memory_space<vmem>> -> memref<256xi32, #tpu.memory_space<vmem>>
      %dma_start3A_239 = arith.constant 0 : i32
      %dma_start3A_240 = arith.constant 0 : i32
      %dma_start3A_241 = tpu.memref_slice %arg2[%dma_start3A_239, %dma_start3A_240] : memref<100000x32xf32, #tpu.memory_space<hbm>> -> memref<100000x32xf32, #tpu.memory_space<hbm>>
      tpu.enqueue_indirect_dma source(%dma_start3A_241 : memref<100000x32xf32, #tpu.memory_space<hbm>>) target(%arg11 : memref<256x32xf32, #tpu.memory_space<vmem>>) offsets(%dma_start3A_238 : memref<256xi32, #tpu.memory_space<vmem>>) semaphore(%arg17 : memref<!tpu.dma_semaphore, #tpu.memory_space<semaphore_mem>>)
      %dma_wait3A_242 = arith.constant 0 : i32
      %dma_wait3A_243 = arith.constant 0 : i32
      %dma_wait3A_244 = tpu.memref_slice %arg7[%dma_wait3A_242, %dma_wait3A_243] : memref<4x256xi32, #tpu.memory_space<vmem>> -> memref<1x256xi32, #tpu.memory_space<vmem>>
      %dma_wait3A_245 = tpu.memref_squeeze %dma_wait3A_244 : memref<1x256xi32, #tpu.memory_space<vmem>> -> memref<256xi32, #tpu.memory_space<vmem>>
      %dma_wait3A_246 = arith.constant 0 : i32
      %dma_wait3A_247 = arith.constant 0 : i32
      %dma_wait3A_248 = tpu.memref_slice %arg2[%dma_wait3A_246, %dma_wait3A_247] : memref<100000x32xf32, #tpu.memory_space<hbm>> -> memref<100000x32xf32, #tpu.memory_space<hbm>>
      tpu.wait_indirect_dma semaphore(%arg18 : memref<!tpu.dma_semaphore, #tpu.memory_space<semaphore_mem>>) src(%dma_wait3A_248 : memref<100000x32xf32, #tpu.memory_space<hbm>>) dst(%arg12 : memref<256x32xf32, #tpu.memory_space<vmem>>)
      %dma_start3A_249 = arith.constant 3 : i32
      %dma_start3A_250 = arith.constant 0 : i32
      %dma_start3A_251 = tpu.memref_slice %arg9[%dma_start3A_249, %dma_start3A_250] : memref<4x256xi32, #tpu.memory_space<vmem>> -> memref<1x256xi32, #tpu.memory_space<vmem>>
      %dma_start3A_252 = tpu.memref_squeeze %dma_start3A_251 : memref<1x256xi32, #tpu.memory_space<vmem>> -> memref<256xi32, #tpu.memory_space<vmem>>
      %dma_start3A_253 = arith.constant 0 : i32
      %dma_start3A_254 = arith.constant 0 : i32
      %dma_start3A_255 = tpu.memref_slice %arg6[%dma_start3A_253, %dma_start3A_254] : memref<50048x32xf32, #tpu.memory_space<vmem_shared>> -> memref<50048x32xf32, #tpu.memory_space<vmem_shared>>
      tpu.enqueue_indirect_dma source(%arg12 : memref<256x32xf32, #tpu.memory_space<vmem>>) target(%dma_start3A_255 : memref<50048x32xf32, #tpu.memory_space<vmem_shared>>) offsets(%dma_start3A_252 : memref<256xi32, #tpu.memory_space<vmem>>) semaphore(%arg20 : memref<!tpu.dma_semaphore, #tpu.memory_space<semaphore_mem>>) {add = true}
      %dma_wait3A_256 = arith.constant 0 : i32
      %dma_wait3A_257 = arith.constant 0 : i32
      %dma_wait3A_258 = tpu.memref_slice %arg9[%dma_wait3A_256, %dma_wait3A_257] : memref<4x256xi32, #tpu.memory_space<vmem>> -> memref<1x256xi32, #tpu.memory_space<vmem>>
      %dma_wait3A_259 = tpu.memref_squeeze %dma_wait3A_258 : memref<1x256xi32, #tpu.memory_space<vmem>> -> memref<256xi32, #tpu.memory_space<vmem>>
      %dma_wait3A_260 = arith.constant 0 : i32
      %dma_wait3A_261 = arith.constant 0 : i32
      %dma_wait3A_262 = tpu.memref_slice %arg6[%dma_wait3A_260, %dma_wait3A_261] : memref<50048x32xf32, #tpu.memory_space<vmem_shared>> -> memref<50048x32xf32, #tpu.memory_space<vmem_shared>>
      tpu.wait_indirect_dma semaphore(%arg20 : memref<!tpu.dma_semaphore, #tpu.memory_space<semaphore_mem>>) src(%arg12 : memref<256x32xf32, #tpu.memory_space<vmem>>) dst(%dma_wait3A_262 : memref<50048x32xf32, #tpu.memory_space<vmem_shared>>)
      %dma_start3A_263 = arith.constant 1 : i32
      %dma_start3A_264 = arith.constant 0 : i32
      %dma_start3A_265 = tpu.memref_slice %arg8[%dma_start3A_263, %dma_start3A_264] : memref<4x256xi32, #tpu.memory_space<vmem>> -> memref<1x256xi32, #tpu.memory_space<vmem>>
      %dma_start3A_266 = tpu.memref_squeeze %dma_start3A_265 : memref<1x256xi32, #tpu.memory_space<vmem>> -> memref<256xi32, #tpu.memory_space<vmem>>
      %dma_start3A_267 = arith.constant 0 : i32
      %dma_start3A_268 = arith.constant 0 : i32
      %dma_start3A_269 = tpu.memref_slice %arg2[%dma_start3A_267, %dma_start3A_268] : memref<100000x32xf32, #tpu.memory_space<hbm>> -> memref<100000x32xf32, #tpu.memory_space<hbm>>
      tpu.enqueue_indirect_dma source(%dma_start3A_269 : memref<100000x32xf32, #tpu.memory_space<hbm>>) target(%arg12 : memref<256x32xf32, #tpu.memory_space<vmem>>) offsets(%dma_start3A_266 : memref<256xi32, #tpu.memory_space<vmem>>) semaphore(%arg18 : memref<!tpu.dma_semaphore, #tpu.memory_space<semaphore_mem>>)
      %add3A_270 = arith.constant 0 : i32
      %add3A_271 = arith.addi %mul3A_141, %add3A_270 : i32
      %add3A_272 = arith.constant 2 : i32
      %add3A_273 = arith.addi %add3A_271, %add3A_272 : i32
      %min3A_274 = arith.constant 49 : i32
      %min3A_275 = arith.minsi %add3A_273, %min3A_274 : i32
      %mul3A_276 = arith.constant 4 : i32
      %mul3A_277 = arith.muli %min3A_275, %mul3A_276 : i32
      %dma_start3A_278 = arith.constant 0 : i32
      %dma_start3A_279 = tpu.memref_slice %arg3[%arg0, %arg1, %mul3A_277, %dma_start3A_278] : memref<2x16x200x256xi32, #tpu.memory_space<hbm>> -> memref<1x1x4x256xi32, #tpu.memory_space<hbm>>
      %dma_start3A_280 = tpu.memref_squeeze %dma_start3A_279 : memref<1x1x4x256xi32, #tpu.memory_space<hbm>> -> memref<4x256xi32, #tpu.memory_space<hbm>>
      %dma_start3A_281 = arith.constant 0 : i32
      %dma_start3A_282 = tpu.memref_slice %arg3[%arg0, %arg1, %mul3A_277, %dma_start3A_281] : memref<2x16x200x256xi32, #tpu.memory_space<hbm>> -> memref<1x1x4x256xi32, #tpu.memory_space<hbm>>
      %dma_start3A_283 = tpu.memref_squeeze %dma_start3A_282 : memref<1x1x4x256xi32, #tpu.memory_space<hbm>> -> memref<4x256xi32, #tpu.memory_space<hbm>>
      tpu.enqueue_dma source(%dma_start3A_283 : memref<4x256xi32, #tpu.memory_space<hbm>>) target(%arg7 : memref<4x256xi32, #tpu.memory_space<vmem>>) target_semaphore(%arg13 : memref<!tpu.dma_semaphore, #tpu.memory_space<semaphore_mem>>)
      %mul3A_284 = arith.constant 4 : i32
      %mul3A_285 = arith.muli %min3A_275, %mul3A_284 : i32
      %dma_start3A_286 = arith.constant 0 : i32
      %dma_start3A_287 = tpu.memref_slice %arg4[%arg1, %mul3A_285, %dma_start3A_286] : memref<16x200x256xi32, #tpu.memory_space<hbm>> -> memref<1x4x256xi32, #tpu.memory_space<hbm>>
      %dma_start3A_288 = tpu.memref_squeeze %dma_start3A_287 : memref<1x4x256xi32, #tpu.memory_space<hbm>> -> memref<4x256xi32, #tpu.memory_space<hbm>>
      %dma_start3A_289 = arith.constant 0 : i32
      %dma_start3A_290 = tpu.memref_slice %arg4[%arg1, %mul3A_285, %dma_start3A_289] : memref<16x200x256xi32, #tpu.memory_space<hbm>> -> memref<1x4x256xi32, #tpu.memory_space<hbm>>
      %dma_start3A_291 = tpu.memref_squeeze %dma_start3A_290 : memref<1x4x256xi32, #tpu.memory_space<hbm>> -> memref<4x256xi32, #tpu.memory_space<hbm>>
      tpu.enqueue_dma source(%dma_start3A_291 : memref<4x256xi32, #tpu.memory_space<hbm>>) target(%arg9 : memref<4x256xi32, #tpu.memory_space<vmem>>) target_semaphore(%arg15 : memref<!tpu.dma_semaphore, #tpu.memory_space<semaphore_mem>>)
      %dma_wait3A_292 = arith.constant 0 : i32
      %dma_wait3A_293 = arith.constant 0 : i32
      %dma_wait3A_294 = tpu.memref_slice %arg7[%dma_wait3A_292, %dma_wait3A_293] : memref<4x256xi32, #tpu.memory_space<vmem>> -> memref<1x256xi32, #tpu.memory_space<vmem>>
      %dma_wait3A_295 = tpu.memref_squeeze %dma_wait3A_294 : memref<1x256xi32, #tpu.memory_space<vmem>> -> memref<256xi32, #tpu.memory_space<vmem>>
      %dma_wait3A_296 = arith.constant 0 : i32
      %dma_wait3A_297 = arith.constant 0 : i32
      %dma_wait3A_298 = tpu.memref_slice %arg2[%dma_wait3A_296, %dma_wait3A_297] : memref<100000x32xf32, #tpu.memory_space<hbm>> -> memref<100000x32xf32, #tpu.memory_space<hbm>>
      tpu.wait_indirect_dma semaphore(%arg17 : memref<!tpu.dma_semaphore, #tpu.memory_space<semaphore_mem>>) src(%dma_wait3A_298 : memref<100000x32xf32, #tpu.memory_space<hbm>>) dst(%arg11 : memref<256x32xf32, #tpu.memory_space<vmem>>)
      %dma_start3A_299 = arith.constant 0 : i32
      %dma_start3A_300 = arith.constant 0 : i32
      %dma_start3A_301 = tpu.memref_slice %arg10[%dma_start3A_299, %dma_start3A_300] : memref<4x256xi32, #tpu.memory_space<vmem>> -> memref<1x256xi32, #tpu.memory_space<vmem>>
      %dma_start3A_302 = tpu.memref_squeeze %dma_start3A_301 : memref<1x256xi32, #tpu.memory_space<vmem>> -> memref<256xi32, #tpu.memory_space<vmem>>
      %dma_start3A_303 = arith.constant 0 : i32
      %dma_start3A_304 = arith.constant 0 : i32
      %dma_start3A_305 = tpu.memref_slice %arg6[%dma_start3A_303, %dma_start3A_304] : memref<50048x32xf32, #tpu.memory_space<vmem_shared>> -> memref<50048x32xf32, #tpu.memory_space<vmem_shared>>
      tpu.enqueue_indirect_dma source(%arg11 : memref<256x32xf32, #tpu.memory_space<vmem>>) target(%dma_start3A_305 : memref<50048x32xf32, #tpu.memory_space<vmem_shared>>) offsets(%dma_start3A_302 : memref<256xi32, #tpu.memory_space<vmem>>) semaphore(%arg19 : memref<!tpu.dma_semaphore, #tpu.memory_space<semaphore_mem>>) {add = true}
      %dma_wait3A_306 = arith.constant 0 : i32
      %dma_wait3A_307 = arith.constant 0 : i32
      %dma_wait3A_308 = tpu.memref_slice %arg9[%dma_wait3A_306, %dma_wait3A_307] : memref<4x256xi32, #tpu.memory_space<vmem>> -> memref<1x256xi32, #tpu.memory_space<vmem>>
      %dma_wait3A_309 = tpu.memref_squeeze %dma_wait3A_308 : memref<1x256xi32, #tpu.memory_space<vmem>> -> memref<256xi32, #tpu.memory_space<vmem>>
      %dma_wait3A_310 = arith.constant 0 : i32
      %dma_wait3A_311 = arith.constant 0 : i32
      %dma_wait3A_312 = tpu.memref_slice %arg6[%dma_wait3A_310, %dma_wait3A_311] : memref<50048x32xf32, #tpu.memory_space<vmem_shared>> -> memref<50048x32xf32, #tpu.memory_space<vmem_shared>>
      tpu.wait_indirect_dma semaphore(%arg19 : memref<!tpu.dma_semaphore, #tpu.memory_space<semaphore_mem>>) src(%arg11 : memref<256x32xf32, #tpu.memory_space<vmem>>) dst(%dma_wait3A_312 : memref<50048x32xf32, #tpu.memory_space<vmem_shared>>)
      %dma_start3A_313 = arith.constant 2 : i32
      %dma_start3A_314 = arith.constant 0 : i32
      %dma_start3A_315 = tpu.memref_slice %arg8[%dma_start3A_313, %dma_start3A_314] : memref<4x256xi32, #tpu.memory_space<vmem>> -> memref<1x256xi32, #tpu.memory_space<vmem>>
      %dma_start3A_316 = tpu.memref_squeeze %dma_start3A_315 : memref<1x256xi32, #tpu.memory_space<vmem>> -> memref<256xi32, #tpu.memory_space<vmem>>
      %dma_start3A_317 = arith.constant 0 : i32
      %dma_start3A_318 = arith.constant 0 : i32
      %dma_start3A_319 = tpu.memref_slice %arg2[%dma_start3A_317, %dma_start3A_318] : memref<100000x32xf32, #tpu.memory_space<hbm>> -> memref<100000x32xf32, #tpu.memory_space<hbm>>
      tpu.enqueue_indirect_dma source(%dma_start3A_319 : memref<100000x32xf32, #tpu.memory_space<hbm>>) target(%arg11 : memref<256x32xf32, #tpu.memory_space<vmem>>) offsets(%dma_start3A_316 : memref<256xi32, #tpu.memory_space<vmem>>) semaphore(%arg17 : memref<!tpu.dma_semaphore, #tpu.memory_space<semaphore_mem>>)
      %dma_wait3A_320 = arith.constant 0 : i32
      %dma_wait3A_321 = arith.constant 0 : i32
      %dma_wait3A_322 = tpu.memref_slice %arg7[%dma_wait3A_320, %dma_wait3A_321] : memref<4x256xi32, #tpu.memory_space<vmem>> -> memref<1x256xi32, #tpu.memory_space<vmem>>
      %dma_wait3A_323 = tpu.memref_squeeze %dma_wait3A_322 : memref<1x256xi32, #tpu.memory_space<vmem>> -> memref<256xi32, #tpu.memory_space<vmem>>
      %dma_wait3A_324 = arith.constant 0 : i32
      %dma_wait3A_325 = arith.constant 0 : i32
      %dma_wait3A_326 = tpu.memref_slice %arg2[%dma_wait3A_324, %dma_wait3A_325] : memref<100000x32xf32, #tpu.memory_space<hbm>> -> memref<100000x32xf32, #tpu.memory_space<hbm>>
      tpu.wait_indirect_dma semaphore(%arg18 : memref<!tpu.dma_semaphore, #tpu.memory_space<semaphore_mem>>) src(%dma_wait3A_326 : memref<100000x32xf32, #tpu.memory_space<hbm>>) dst(%arg12 : memref<256x32xf32, #tpu.memory_space<vmem>>)
      %dma_start3A_327 = arith.constant 1 : i32
      %dma_start3A_328 = arith.constant 0 : i32
      %dma_start3A_329 = tpu.memref_slice %arg10[%dma_start3A_327, %dma_start3A_328] : memref<4x256xi32, #tpu.memory_space<vmem>> -> memref<1x256xi32, #tpu.memory_space<vmem>>
      %dma_start3A_330 = tpu.memref_squeeze %dma_start3A_329 : memref<1x256xi32, #tpu.memory_space<vmem>> -> memref<256xi32, #tpu.memory_space<vmem>>
      %dma_start3A_331 = arith.constant 0 : i32
      %dma_start3A_332 = arith.constant 0 : i32
      %dma_start3A_333 = tpu.memref_slice %arg6[%dma_start3A_331, %dma_start3A_332] : memref<50048x32xf32, #tpu.memory_space<vmem_shared>> -> memref<50048x32xf32, #tpu.memory_space<vmem_shared>>
      tpu.enqueue_indirect_dma source(%arg12 : memref<256x32xf32, #tpu.memory_space<vmem>>) target(%dma_start3A_333 : memref<50048x32xf32, #tpu.memory_space<vmem_shared>>) offsets(%dma_start3A_330 : memref<256xi32, #tpu.memory_space<vmem>>) semaphore(%arg20 : memref<!tpu.dma_semaphore, #tpu.memory_space<semaphore_mem>>) {add = true}
      %dma_wait3A_334 = arith.constant 0 : i32
      %dma_wait3A_335 = arith.constant 0 : i32
      %dma_wait3A_336 = tpu.memref_slice %arg9[%dma_wait3A_334, %dma_wait3A_335] : memref<4x256xi32, #tpu.memory_space<vmem>> -> memref<1x256xi32, #tpu.memory_space<vmem>>
      %dma_wait3A_337 = tpu.memref_squeeze %dma_wait3A_336 : memref<1x256xi32, #tpu.memory_space<vmem>> -> memref<256xi32, #tpu.memory_space<vmem>>
      %dma_wait3A_338 = arith.constant 0 : i32
      %dma_wait3A_339 = arith.constant 0 : i32
      %dma_wait3A_340 = tpu.memref_slice %arg6[%dma_wait3A_338, %dma_wait3A_339] : memref<50048x32xf32, #tpu.memory_space<vmem_shared>> -> memref<50048x32xf32, #tpu.memory_space<vmem_shared>>
      tpu.wait_indirect_dma semaphore(%arg20 : memref<!tpu.dma_semaphore, #tpu.memory_space<semaphore_mem>>) src(%arg12 : memref<256x32xf32, #tpu.memory_space<vmem>>) dst(%dma_wait3A_340 : memref<50048x32xf32, #tpu.memory_space<vmem_shared>>)
      %dma_start3A_341 = arith.constant 3 : i32
      %dma_start3A_342 = arith.constant 0 : i32
      %dma_start3A_343 = tpu.memref_slice %arg8[%dma_start3A_341, %dma_start3A_342] : memref<4x256xi32, #tpu.memory_space<vmem>> -> memref<1x256xi32, #tpu.memory_space<vmem>>
      %dma_start3A_344 = tpu.memref_squeeze %dma_start3A_343 : memref<1x256xi32, #tpu.memory_space<vmem>> -> memref<256xi32, #tpu.memory_space<vmem>>
      %dma_start3A_345 = arith.constant 0 : i32
      %dma_start3A_346 = arith.constant 0 : i32
      %dma_start3A_347 = tpu.memref_slice %arg2[%dma_start3A_345, %dma_start3A_346] : memref<100000x32xf32, #tpu.memory_space<hbm>> -> memref<100000x32xf32, #tpu.memory_space<hbm>>
      tpu.enqueue_indirect_dma source(%dma_start3A_347 : memref<100000x32xf32, #tpu.memory_space<hbm>>) target(%arg12 : memref<256x32xf32, #tpu.memory_space<vmem>>) offsets(%dma_start3A_344 : memref<256xi32, #tpu.memory_space<vmem>>) semaphore(%arg18 : memref<!tpu.dma_semaphore, #tpu.memory_space<semaphore_mem>>)
      %dma_wait3A_348 = arith.constant 0 : i32
      %dma_wait3A_349 = arith.constant 0 : i32
      %dma_wait3A_350 = tpu.memref_slice %arg7[%dma_wait3A_348, %dma_wait3A_349] : memref<4x256xi32, #tpu.memory_space<vmem>> -> memref<1x256xi32, #tpu.memory_space<vmem>>
      %dma_wait3A_351 = tpu.memref_squeeze %dma_wait3A_350 : memref<1x256xi32, #tpu.memory_space<vmem>> -> memref<256xi32, #tpu.memory_space<vmem>>
      %dma_wait3A_352 = arith.constant 0 : i32
      %dma_wait3A_353 = arith.constant 0 : i32
      %dma_wait3A_354 = tpu.memref_slice %arg2[%dma_wait3A_352, %dma_wait3A_353] : memref<100000x32xf32, #tpu.memory_space<hbm>> -> memref<100000x32xf32, #tpu.memory_space<hbm>>
      tpu.wait_indirect_dma semaphore(%arg17 : memref<!tpu.dma_semaphore, #tpu.memory_space<semaphore_mem>>) src(%dma_wait3A_354 : memref<100000x32xf32, #tpu.memory_space<hbm>>) dst(%arg11 : memref<256x32xf32, #tpu.memory_space<vmem>>)
      %dma_start3A_355 = arith.constant 2 : i32
      %dma_start3A_356 = arith.constant 0 : i32
      %dma_start3A_357 = tpu.memref_slice %arg10[%dma_start3A_355, %dma_start3A_356] : memref<4x256xi32, #tpu.memory_space<vmem>> -> memref<1x256xi32, #tpu.memory_space<vmem>>
      %dma_start3A_358 = tpu.memref_squeeze %dma_start3A_357 : memref<1x256xi32, #tpu.memory_space<vmem>> -> memref<256xi32, #tpu.memory_space<vmem>>
      %dma_start3A_359 = arith.constant 0 : i32
      %dma_start3A_360 = arith.constant 0 : i32
      %dma_start3A_361 = tpu.memref_slice %arg6[%dma_start3A_359, %dma_start3A_360] : memref<50048x32xf32, #tpu.memory_space<vmem_shared>> -> memref<50048x32xf32, #tpu.memory_space<vmem_shared>>
      tpu.enqueue_indirect_dma source(%arg11 : memref<256x32xf32, #tpu.memory_space<vmem>>) target(%dma_start3A_361 : memref<50048x32xf32, #tpu.memory_space<vmem_shared>>) offsets(%dma_start3A_358 : memref<256xi32, #tpu.memory_space<vmem>>) semaphore(%arg19 : memref<!tpu.dma_semaphore, #tpu.memory_space<semaphore_mem>>) {add = true}
      %dma_wait3A_362 = arith.constant 0 : i32
      %dma_wait3A_363 = arith.constant 0 : i32
      %dma_wait3A_364 = tpu.memref_slice %arg9[%dma_wait3A_362, %dma_wait3A_363] : memref<4x256xi32, #tpu.memory_space<vmem>> -> memref<1x256xi32, #tpu.memory_space<vmem>>
      %dma_wait3A_365 = tpu.memref_squeeze %dma_wait3A_364 : memref<1x256xi32, #tpu.memory_space<vmem>> -> memref<256xi32, #tpu.memory_space<vmem>>
      %dma_wait3A_366 = arith.constant 0 : i32
      %dma_wait3A_367 = arith.constant 0 : i32
      %dma_wait3A_368 = tpu.memref_slice %arg6[%dma_wait3A_366, %dma_wait3A_367] : memref<50048x32xf32, #tpu.memory_space<vmem_shared>> -> memref<50048x32xf32, #tpu.memory_space<vmem_shared>>
      tpu.wait_indirect_dma semaphore(%arg19 : memref<!tpu.dma_semaphore, #tpu.memory_space<semaphore_mem>>) src(%arg11 : memref<256x32xf32, #tpu.memory_space<vmem>>) dst(%dma_wait3A_368 : memref<50048x32xf32, #tpu.memory_space<vmem_shared>>)
      %dma_wait3A_369 = arith.constant 0 : i32
      %dma_wait3A_370 = arith.constant 0 : i32
      %dma_wait3A_371 = tpu.memref_slice %arg3[%arg0, %arg1, %dma_wait3A_369, %dma_wait3A_370] : memref<2x16x200x256xi32, #tpu.memory_space<hbm>> -> memref<1x1x4x256xi32, #tpu.memory_space<hbm>>
      %dma_wait3A_372 = tpu.memref_squeeze %dma_wait3A_371 : memref<1x1x4x256xi32, #tpu.memory_space<hbm>> -> memref<4x256xi32, #tpu.memory_space<hbm>>
      %dma_wait3A_373 = arith.constant 0 : i32
      %dma_wait3A_374 = arith.constant 0 : i32
      %dma_wait3A_375 = tpu.memref_slice %arg3[%arg0, %arg1, %dma_wait3A_373, %dma_wait3A_374] : memref<2x16x200x256xi32, #tpu.memory_space<hbm>> -> memref<1x1x4x256xi32, #tpu.memory_space<hbm>>
      %dma_wait3A_376 = tpu.memref_squeeze %dma_wait3A_375 : memref<1x1x4x256xi32, #tpu.memory_space<hbm>> -> memref<4x256xi32, #tpu.memory_space<hbm>>
      tpu.wait_dma2 semaphore(%arg13 : memref<!tpu.dma_semaphore, #tpu.memory_space<semaphore_mem>>) src(%dma_wait3A_376 : memref<4x256xi32, #tpu.memory_space<hbm>>) dst(%arg7 : memref<4x256xi32, #tpu.memory_space<vmem>>)
      %dma_wait3A_377 = arith.constant 0 : i32
      %dma_wait3A_378 = arith.constant 0 : i32
      %dma_wait3A_379 = tpu.memref_slice %arg4[%arg1, %dma_wait3A_377, %dma_wait3A_378] : memref<16x200x256xi32, #tpu.memory_space<hbm>> -> memref<1x4x256xi32, #tpu.memory_space<hbm>>
      %dma_wait3A_380 = tpu.memref_squeeze %dma_wait3A_379 : memref<1x4x256xi32, #tpu.memory_space<hbm>> -> memref<4x256xi32, #tpu.memory_space<hbm>>
      %dma_wait3A_381 = arith.constant 0 : i32
      %dma_wait3A_382 = arith.constant 0 : i32
      %dma_wait3A_383 = tpu.memref_slice %arg4[%arg1, %dma_wait3A_381, %dma_wait3A_382] : memref<16x200x256xi32, #tpu.memory_space<hbm>> -> memref<1x4x256xi32, #tpu.memory_space<hbm>>
      %dma_wait3A_384 = tpu.memref_squeeze %dma_wait3A_383 : memref<1x4x256xi32, #tpu.memory_space<hbm>> -> memref<4x256xi32, #tpu.memory_space<hbm>>
      tpu.wait_dma2 semaphore(%arg15 : memref<!tpu.dma_semaphore, #tpu.memory_space<semaphore_mem>>) src(%dma_wait3A_384 : memref<4x256xi32, #tpu.memory_space<hbm>>) dst(%arg9 : memref<4x256xi32, #tpu.memory_space<vmem>>)
      %dma_start3A_385 = arith.constant 0 : i32
      %dma_start3A_386 = arith.constant 0 : i32
      %dma_start3A_387 = tpu.memref_slice %arg7[%dma_start3A_385, %dma_start3A_386] : memref<4x256xi32, #tpu.memory_space<vmem>> -> memref<1x256xi32, #tpu.memory_space<vmem>>
      %dma_start3A_388 = tpu.memref_squeeze %dma_start3A_387 : memref<1x256xi32, #tpu.memory_space<vmem>> -> memref<256xi32, #tpu.memory_space<vmem>>
      %dma_start3A_389 = arith.constant 0 : i32
      %dma_start3A_390 = arith.constant 0 : i32
      %dma_start3A_391 = tpu.memref_slice %arg2[%dma_start3A_389, %dma_start3A_390] : memref<100000x32xf32, #tpu.memory_space<hbm>> -> memref<100000x32xf32, #tpu.memory_space<hbm>>
      tpu.enqueue_indirect_dma source(%dma_start3A_391 : memref<100000x32xf32, #tpu.memory_space<hbm>>) target(%arg11 : memref<256x32xf32, #tpu.memory_space<vmem>>) offsets(%dma_start3A_388 : memref<256xi32, #tpu.memory_space<vmem>>) semaphore(%arg17 : memref<!tpu.dma_semaphore, #tpu.memory_space<semaphore_mem>>)
      %dma_wait3A_392 = arith.constant 0 : i32
      %dma_wait3A_393 = arith.constant 0 : i32
      %dma_wait3A_394 = tpu.memref_slice %arg7[%dma_wait3A_392, %dma_wait3A_393] : memref<4x256xi32, #tpu.memory_space<vmem>> -> memref<1x256xi32, #tpu.memory_space<vmem>>
      %dma_wait3A_395 = tpu.memref_squeeze %dma_wait3A_394 : memref<1x256xi32, #tpu.memory_space<vmem>> -> memref<256xi32, #tpu.memory_space<vmem>>
      %dma_wait3A_396 = arith.constant 0 : i32
      %dma_wait3A_397 = arith.constant 0 : i32
      %dma_wait3A_398 = tpu.memref_slice %arg2[%dma_wait3A_396, %dma_wait3A_397] : memref<100000x32xf32, #tpu.memory_space<hbm>> -> memref<100000x32xf32, #tpu.memory_space<hbm>>
      tpu.wait_indirect_dma semaphore(%arg18 : memref<!tpu.dma_semaphore, #tpu.memory_space<semaphore_mem>>) src(%dma_wait3A_398 : memref<100000x32xf32, #tpu.memory_space<hbm>>) dst(%arg12 : memref<256x32xf32, #tpu.memory_space<vmem>>)
      %dma_start3A_399 = arith.constant 3 : i32
      %dma_start3A_400 = arith.constant 0 : i32
      %dma_start3A_401 = tpu.memref_slice %arg10[%dma_start3A_399, %dma_start3A_400] : memref<4x256xi32, #tpu.memory_space<vmem>> -> memref<1x256xi32, #tpu.memory_space<vmem>>
      %dma_start3A_402 = tpu.memref_squeeze %dma_start3A_401 : memref<1x256xi32, #tpu.memory_space<vmem>> -> memref<256xi32, #tpu.memory_space<vmem>>
      %dma_start3A_403 = arith.constant 0 : i32
      %dma_start3A_404 = arith.constant 0 : i32
      %dma_start3A_405 = tpu.memref_slice %arg6[%dma_start3A_403, %dma_start3A_404] : memref<50048x32xf32, #tpu.memory_space<vmem_shared>> -> memref<50048x32xf32, #tpu.memory_space<vmem_shared>>
      tpu.enqueue_indirect_dma source(%arg12 : memref<256x32xf32, #tpu.memory_space<vmem>>) target(%dma_start3A_405 : memref<50048x32xf32, #tpu.memory_space<vmem_shared>>) offsets(%dma_start3A_402 : memref<256xi32, #tpu.memory_space<vmem>>) semaphore(%arg20 : memref<!tpu.dma_semaphore, #tpu.memory_space<semaphore_mem>>) {add = true}
      %dma_wait3A_406 = arith.constant 0 : i32
      %dma_wait3A_407 = arith.constant 0 : i32
      %dma_wait3A_408 = tpu.memref_slice %arg9[%dma_wait3A_406, %dma_wait3A_407] : memref<4x256xi32, #tpu.memory_space<vmem>> -> memref<1x256xi32, #tpu.memory_space<vmem>>
      %dma_wait3A_409 = tpu.memref_squeeze %dma_wait3A_408 : memref<1x256xi32, #tpu.memory_space<vmem>> -> memref<256xi32, #tpu.memory_space<vmem>>
      %dma_wait3A_410 = arith.constant 0 : i32
      %dma_wait3A_411 = arith.constant 0 : i32
      %dma_wait3A_412 = tpu.memref_slice %arg6[%dma_wait3A_410, %dma_wait3A_411] : memref<50048x32xf32, #tpu.memory_space<vmem_shared>> -> memref<50048x32xf32, #tpu.memory_space<vmem_shared>>
      tpu.wait_indirect_dma semaphore(%arg20 : memref<!tpu.dma_semaphore, #tpu.memory_space<semaphore_mem>>) src(%arg12 : memref<256x32xf32, #tpu.memory_space<vmem>>) dst(%dma_wait3A_412 : memref<50048x32xf32, #tpu.memory_space<vmem_shared>>)
      %dma_start3A_413 = arith.constant 1 : i32
      %dma_start3A_414 = arith.constant 0 : i32
      %dma_start3A_415 = tpu.memref_slice %arg7[%dma_start3A_413, %dma_start3A_414] : memref<4x256xi32, #tpu.memory_space<vmem>> -> memref<1x256xi32, #tpu.memory_space<vmem>>
      %dma_start3A_416 = tpu.memref_squeeze %dma_start3A_415 : memref<1x256xi32, #tpu.memory_space<vmem>> -> memref<256xi32, #tpu.memory_space<vmem>>
      %dma_start3A_417 = arith.constant 0 : i32
      %dma_start3A_418 = arith.constant 0 : i32
      %dma_start3A_419 = tpu.memref_slice %arg2[%dma_start3A_417, %dma_start3A_418] : memref<100000x32xf32, #tpu.memory_space<hbm>> -> memref<100000x32xf32, #tpu.memory_space<hbm>>
      tpu.enqueue_indirect_dma source(%dma_start3A_419 : memref<100000x32xf32, #tpu.memory_space<hbm>>) target(%arg12 : memref<256x32xf32, #tpu.memory_space<vmem>>) offsets(%dma_start3A_416 : memref<256xi32, #tpu.memory_space<vmem>>) semaphore(%arg18 : memref<!tpu.dma_semaphore, #tpu.memory_space<semaphore_mem>>)
      %add3A_420 = arith.constant 1 : i32
      %add3A_421 = arith.addi %mul3A_141, %add3A_420 : i32
      %add3A_422 = arith.constant 2 : i32
      %add3A_423 = arith.addi %add3A_421, %add3A_422 : i32
      %min3A_424 = arith.constant 49 : i32
      %min3A_425 = arith.minsi %add3A_423, %min3A_424 : i32
      %mul3A_426 = arith.constant 4 : i32
      %mul3A_427 = arith.muli %min3A_425, %mul3A_426 : i32
      %dma_start3A_428 = arith.constant 0 : i32
      %dma_start3A_429 = tpu.memref_slice %arg3[%arg0, %arg1, %mul3A_427, %dma_start3A_428] : memref<2x16x200x256xi32, #tpu.memory_space<hbm>> -> memref<1x1x4x256xi32, #tpu.memory_space<hbm>>
      %dma_start3A_430 = tpu.memref_squeeze %dma_start3A_429 : memref<1x1x4x256xi32, #tpu.memory_space<hbm>> -> memref<4x256xi32, #tpu.memory_space<hbm>>
      %dma_start3A_431 = arith.constant 0 : i32
      %dma_start3A_432 = tpu.memref_slice %arg3[%arg0, %arg1, %mul3A_427, %dma_start3A_431] : memref<2x16x200x256xi32, #tpu.memory_space<hbm>> -> memref<1x1x4x256xi32, #tpu.memory_space<hbm>>
      %dma_start3A_433 = tpu.memref_squeeze %dma_start3A_432 : memref<1x1x4x256xi32, #tpu.memory_space<hbm>> -> memref<4x256xi32, #tpu.memory_space<hbm>>
      tpu.enqueue_dma source(%dma_start3A_433 : memref<4x256xi32, #tpu.memory_space<hbm>>) target(%arg8 : memref<4x256xi32, #tpu.memory_space<vmem>>) target_semaphore(%arg14 : memref<!tpu.dma_semaphore, #tpu.memory_space<semaphore_mem>>)
      %mul3A_434 = arith.constant 4 : i32
      %mul3A_435 = arith.muli %min3A_425, %mul3A_434 : i32
      %dma_start3A_436 = arith.constant 0 : i32
      %dma_start3A_437 = tpu.memref_slice %arg4[%arg1, %mul3A_435, %dma_start3A_436] : memref<16x200x256xi32, #tpu.memory_space<hbm>> -> memref<1x4x256xi32, #tpu.memory_space<hbm>>
      %dma_start3A_438 = tpu.memref_squeeze %dma_start3A_437 : memref<1x4x256xi32, #tpu.memory_space<hbm>> -> memref<4x256xi32, #tpu.memory_space<hbm>>
      %dma_start3A_439 = arith.constant 0 : i32
      %dma_start3A_440 = tpu.memref_slice %arg4[%arg1, %mul3A_435, %dma_start3A_439] : memref<16x200x256xi32, #tpu.memory_space<hbm>> -> memref<1x4x256xi32, #tpu.memory_space<hbm>>
      %dma_start3A_441 = tpu.memref_squeeze %dma_start3A_440 : memref<1x4x256xi32, #tpu.memory_space<hbm>> -> memref<4x256xi32, #tpu.memory_space<hbm>>
      tpu.enqueue_dma source(%dma_start3A_441 : memref<4x256xi32, #tpu.memory_space<hbm>>) target(%arg10 : memref<4x256xi32, #tpu.memory_space<vmem>>) target_semaphore(%arg16 : memref<!tpu.dma_semaphore, #tpu.memory_space<semaphore_mem>>)
    }
    %scan3A_103 = arith.constant 25 : i32
    %dma_wait3A_104 = arith.constant 0 : i32
    %dma_wait3A_105 = arith.constant 0 : i32
    %dma_wait3A_106 = tpu.memref_slice %arg7[%dma_wait3A_104, %dma_wait3A_105] : memref<4x256xi32, #tpu.memory_space<vmem>> -> memref<1x256xi32, #tpu.memory_space<vmem>>
    %dma_wait3A_107 = tpu.memref_squeeze %dma_wait3A_106 : memref<1x256xi32, #tpu.memory_space<vmem>> -> memref<256xi32, #tpu.memory_space<vmem>>
    %dma_wait3A_108 = arith.constant 0 : i32
    %dma_wait3A_109 = arith.constant 0 : i32
    %dma_wait3A_110 = tpu.memref_slice %arg2[%dma_wait3A_108, %dma_wait3A_109] : memref<100000x32xf32, #tpu.memory_space<hbm>> -> memref<100000x32xf32, #tpu.memory_space<hbm>>
    tpu.wait_indirect_dma semaphore(%arg17 : memref<!tpu.dma_semaphore, #tpu.memory_space<semaphore_mem>>) src(%dma_wait3A_110 : memref<100000x32xf32, #tpu.memory_space<hbm>>) dst(%arg11 : memref<256x32xf32, #tpu.memory_space<vmem>>)
    %dma_wait3A_111 = arith.constant 0 : i32
    %dma_wait3A_112 = arith.constant 0 : i32
    %dma_wait3A_113 = tpu.memref_slice %arg7[%dma_wait3A_111, %dma_wait3A_112] : memref<4x256xi32, #tpu.memory_space<vmem>> -> memref<1x256xi32, #tpu.memory_space<vmem>>
    %dma_wait3A_114 = tpu.memref_squeeze %dma_wait3A_113 : memref<1x256xi32, #tpu.memory_space<vmem>> -> memref<256xi32, #tpu.memory_space<vmem>>
    %dma_wait3A_115 = arith.constant 0 : i32
    %dma_wait3A_116 = arith.constant 0 : i32
    %dma_wait3A_117 = tpu.memref_slice %arg2[%dma_wait3A_115, %dma_wait3A_116] : memref<100000x32xf32, #tpu.memory_space<hbm>> -> memref<100000x32xf32, #tpu.memory_space<hbm>>
    tpu.wait_indirect_dma semaphore(%arg18 : memref<!tpu.dma_semaphore, #tpu.memory_space<semaphore_mem>>) src(%dma_wait3A_117 : memref<100000x32xf32, #tpu.memory_space<hbm>>) dst(%arg12 : memref<256x32xf32, #tpu.memory_space<vmem>>)
    %dma_wait3A_118 = arith.constant 0 : i32
    %dma_wait3A_119 = arith.constant 0 : i32
    %dma_wait3A_120 = tpu.memref_slice %arg3[%arg0, %arg1, %dma_wait3A_118, %dma_wait3A_119] : memref<2x16x200x256xi32, #tpu.memory_space<hbm>> -> memref<1x1x4x256xi32, #tpu.memory_space<hbm>>
    %dma_wait3A_121 = tpu.memref_squeeze %dma_wait3A_120 : memref<1x1x4x256xi32, #tpu.memory_space<hbm>> -> memref<4x256xi32, #tpu.memory_space<hbm>>
    %dma_wait3A_122 = arith.constant 0 : i32
    %dma_wait3A_123 = arith.constant 0 : i32
    %dma_wait3A_124 = tpu.memref_slice %arg3[%arg0, %arg1, %dma_wait3A_122, %dma_wait3A_123] : memref<2x16x200x256xi32, #tpu.memory_space<hbm>> -> memref<1x1x4x256xi32, #tpu.memory_space<hbm>>
    %dma_wait3A_125 = tpu.memref_squeeze %dma_wait3A_124 : memref<1x1x4x256xi32, #tpu.memory_space<hbm>> -> memref<4x256xi32, #tpu.memory_space<hbm>>
    tpu.wait_dma2 semaphore(%arg14 : memref<!tpu.dma_semaphore, #tpu.memory_space<semaphore_mem>>) src(%dma_wait3A_125 : memref<4x256xi32, #tpu.memory_space<hbm>>) dst(%arg8 : memref<4x256xi32, #tpu.memory_space<vmem>>)
    %dma_wait3A_126 = arith.constant 0 : i32
    %dma_wait3A_127 = arith.constant 0 : i32
    %dma_wait3A_128 = tpu.memref_slice %arg4[%arg1, %dma_wait3A_126, %dma_wait3A_127] : memref<16x200x256xi32, #tpu.memory_space<hbm>> -> memref<1x4x256xi32, #tpu.memory_space<hbm>>
    %dma_wait3A_129 = tpu.memref_squeeze %dma_wait3A_128 : memref<1x4x256xi32, #tpu.memory_space<hbm>> -> memref<4x256xi32, #tpu.memory_space<hbm>>
    %dma_wait3A_130 = arith.constant 0 : i32
    %dma_wait3A_131 = arith.constant 0 : i32
    %dma_wait3A_132 = tpu.memref_slice %arg4[%arg1, %dma_wait3A_130, %dma_wait3A_131] : memref<16x200x256xi32, #tpu.memory_space<hbm>> -> memref<1x4x256xi32, #tpu.memory_space<hbm>>
    %dma_wait3A_133 = tpu.memref_squeeze %dma_wait3A_132 : memref<1x4x256xi32, #tpu.memory_space<hbm>> -> memref<4x256xi32, #tpu.memory_space<hbm>>
    tpu.wait_dma2 semaphore(%arg16 : memref<!tpu.dma_semaphore, #tpu.memory_space<semaphore_mem>>) src(%dma_wait3A_133 : memref<4x256xi32, #tpu.memory_space<hbm>>) dst(%arg10 : memref<4x256xi32, #tpu.memory_space<vmem>>)
    %barrier3A_134 = arith.constant 0 : index
    tpu.barrier barrier_id(%barrier3A_134)
    %mul3A_135 = arith.constant 3128 : i32
    %mul3A_136 = arith.muli %arg1, %mul3A_135 : i32
    %mul3A_137 = arith.constant 3128 : i32
    %mul3A_138 = arith.muli %arg1, %mul3A_137 : i32
    "tpu.region"() ({
      %run_scoped3A = tpu.sem_alloc : memref<!tpu.dma_semaphore, #tpu.memory_space<semaphore_mem>>
      %dma_start3A_139 = arith.constant 0 : i32
      %dma_start3A_140 = tpu.memref_slice %arg5[%arg0, %mul3A_138, %dma_start3A_139] : memref<2x50048x32xf32, #tpu.memory_space<hbm>> -> memref<1x3128x32xf32, #tpu.memory_space<hbm>>
      %dma_start3A_141 = tpu.memref_squeeze %dma_start3A_140 : memref<1x3128x32xf32, #tpu.memory_space<hbm>> -> memref<3128x32xf32, #tpu.memory_space<hbm>>
      %dma_start3A_142 = arith.constant 0 : i32
      %dma_start3A_143 = tpu.memref_slice %arg6[%mul3A_136, %dma_start3A_142] : memref<50048x32xf32, #tpu.memory_space<vmem_shared>> -> memref<3128x32xf32, #tpu.memory_space<vmem_shared>>
      tpu.enqueue_dma source(%dma_start3A_143 : memref<3128x32xf32, #tpu.memory_space<vmem_shared>>) target(%dma_start3A_141 : memref<3128x32xf32, #tpu.memory_space<hbm>>) target_semaphore(%run_scoped3A : memref<!tpu.dma_semaphore, #tpu.memory_space<semaphore_mem>>)
      %dma_wait3A_144 = arith.constant 0 : i32
      %dma_wait3A_145 = tpu.memref_slice %arg5[%arg0, %mul3A_138, %dma_wait3A_144] : memref<2x50048x32xf32, #tpu.memory_space<hbm>> -> memref<1x3128x32xf32, #tpu.memory_space<hbm>>
      %dma_wait3A_146 = tpu.memref_squeeze %dma_wait3A_145 : memref<1x3128x32xf32, #tpu.memory_space<hbm>> -> memref<3128x32xf32, #tpu.memory_space<hbm>>
      %dma_wait3A_147 = arith.constant 0 : i32
      %dma_wait3A_148 = tpu.memref_slice %arg6[%mul3A_136, %dma_wait3A_147] : memref<50048x32xf32, #tpu.memory_space<vmem_shared>> -> memref<3128x32xf32, #tpu.memory_space<vmem_shared>>
      tpu.wait_dma2 semaphore(%run_scoped3A : memref<!tpu.dma_semaphore, #tpu.memory_space<semaphore_mem>>) src(%dma_wait3A_148 : memref<3128x32xf32, #tpu.memory_space<vmem_shared>>) dst(%dma_wait3A_146 : memref<3128x32xf32, #tpu.memory_space<hbm>>)
      tpu.yield
    }) : () -> ()
    return
  }
}

#map = affine_map<(d0, d1) -> (0, 0)>
#map1 = affine_map<(d0, d1) -> (0, 0, 0, 0)>
#map2 = affine_map<(d0, d1) -> (0, 0, 0)>
module attributes {stable_mosaic.version = 14 : i64} {
  func.func @gin_sc_agg(%arg0: i32, %arg1: i32, %arg2: memref<100000x32xf32, #tpu.memory_space<hbm>>, %arg3: memref<2x16x200x256xi32, #tpu.memory_space<hbm>>, %arg4: memref<16x200x256xi32, #tpu.memory_space<hbm>>, %arg5: memref<2x50048x32xf32, #tpu.memory_space<hbm>>, %arg6: memref<50048x32xf32, #tpu.memory_space<vmem_shared>>, %arg7: memref<4x256xi32, #tpu.memory_space<vmem>>, %arg8: memref<4x256xi32, #tpu.memory_space<vmem>>, %arg9: memref<4x256xi32, #tpu.memory_space<vmem>>, %arg10: memref<4x256xi32, #tpu.memory_space<vmem>>, %arg11: memref<256x32xf32, #tpu.memory_space<vmem>>, %arg12: memref<256x32xf32, #tpu.memory_space<vmem>>, %arg13: memref<!tpu.dma_semaphore, #tpu.memory_space<semaphore_mem>>, %arg14: memref<!tpu.dma_semaphore, #tpu.memory_space<semaphore_mem>>, %arg15: memref<!tpu.dma_semaphore, #tpu.memory_space<semaphore_mem>>, %arg16: memref<!tpu.dma_semaphore, #tpu.memory_space<semaphore_mem>>, %arg17: memref<!tpu.dma_semaphore, #tpu.memory_space<semaphore_mem>>, %arg18: memref<!tpu.dma_semaphore, #tpu.memory_space<semaphore_mem>>, %arg19: memref<!tpu.dma_semaphore, #tpu.memory_space<semaphore_mem>>, %arg20: memref<!tpu.dma_semaphore, #tpu.memory_space<semaphore_mem>>) attributes {dimension_semantics = [#tpu.dimension_semantics<core_parallel>, #tpu.dimension_semantics<subcore_parallel>], iteration_bounds = array<i64: 2, 16>, scalar_prefetch = 0 : i64, scratch_operands = 15 : i64, tpu.core_type = #tpu.core_type<sc_vector_subcore>, window_params = [{transform_indices = #map}, {transform_indices = #map1}, {transform_indices = #map2}, {transform_indices = #map2}]} {
    %broadcast_in_dim3A = arith.constant 0.000000e+00 : f32
    %broadcast_in_dim3A_0 = vector.broadcast %broadcast_in_dim3A : f32 to vector<16xf32>
    %scan3A = arith.constant 0 : i32
    %scan3A_1 = arith.constant 0 : i32
    %scan3A_2 = arith.constant 256 : i32
    %scan3A_3 = arith.addi %scan3A_1, %scan3A_2 : i32
    %scan3A_4 = arith.constant 1 : i32
    scf.for %scan3A_139 = %scan3A_1 to %scan3A_3 step %scan3A_4  : i32 {
      %swap3A = arith.index_cast %scan3A_139 : i32 to index
      %swap3A_140 = arith.constant 0 : index
      %swap3A_141 = tpu.vector_load %arg11[%swap3A, %swap3A_140] {strides = array<i32>} : memref<256x32xf32, #tpu.memory_space<vmem>>, vector<1x16xf32>,
      %swap3A_142 = vector.shape_cast %swap3A_141 : vector<1x16xf32> to vector<16xf32>
      %swap3A_143 = vector.shape_cast %broadcast_in_dim3A_0 : vector<16xf32> to vector<1x16xf32>
      tpu.vector_store %arg11[%swap3A, %swap3A_140], %swap3A_143 {strides = array<i32>} : memref<256x32xf32, #tpu.memory_space<vmem>>, vector<1x16xf32>,
      %swap3A_144 = arith.index_cast %scan3A_139 : i32 to index
      %swap3A_145 = arith.constant 16 : index
      %swap3A_146 = tpu.vector_load %arg11[%swap3A_144, %swap3A_145] {strides = array<i32>} : memref<256x32xf32, #tpu.memory_space<vmem>>, vector<1x16xf32>,
      %swap3A_147 = vector.shape_cast %swap3A_146 : vector<1x16xf32> to vector<16xf32>
      %swap3A_148 = vector.shape_cast %broadcast_in_dim3A_0 : vector<16xf32> to vector<1x16xf32>
      tpu.vector_store %arg11[%swap3A_144, %swap3A_145], %swap3A_148 {strides = array<i32>} : memref<256x32xf32, #tpu.memory_space<vmem>>, vector<1x16xf32>,
    }
    %scan3A_5 = arith.constant 256 : i32
    %mul3A = arith.constant 3128 : i32
    %mul3A_6 = arith.muli %arg1, %mul3A : i32
    %add3A = arith.constant 0 : i32
    %add3A_7 = arith.addi %mul3A_6, %add3A : i32
    "tpu.region"() ({
      %run_scoped3A = tpu.sem_alloc : memref<!tpu.dma_semaphore, #tpu.memory_space<semaphore_mem>>
      %dma_start3A_139 = arith.constant 0 : i32
      %dma_start3A_140 = tpu.memref_slice %arg6[%add3A_7, %dma_start3A_139] : memref<50048x32xf32, #tpu.memory_space<vmem_shared>> -> memref<256x32xf32, #tpu.memory_space<vmem_shared>>
      %dma_start3A_141 = arith.constant 0 : i32
      %dma_start3A_142 = tpu.memref_slice %arg6[%add3A_7, %dma_start3A_141] : memref<50048x32xf32, #tpu.memory_space<vmem_shared>> -> memref<256x32xf32, #tpu.memory_space<vmem_shared>>
      tpu.enqueue_dma source(%arg11 : memref<256x32xf32, #tpu.memory_space<vmem>>) target(%dma_start3A_142 : memref<256x32xf32, #tpu.memory_space<vmem_shared>>) target_semaphore(%run_scoped3A : memref<!tpu.dma_semaphore, #tpu.memory_space<semaphore_mem>>)
      %dma_wait3A_143 = arith.constant 0 : i32
      %dma_wait3A_144 = tpu.memref_slice %arg6[%add3A_7, %dma_wait3A_143] : memref<50048x32xf32, #tpu.memory_space<vmem_shared>> -> memref<256x32xf32, #tpu.memory_space<vmem_shared>>
      %dma_wait3A_145 = arith.constant 0 : i32
      %dma_wait3A_146 = tpu.memref_slice %arg6[%add3A_7, %dma_wait3A_145] : memref<50048x32xf32, #tpu.memory_space<vmem_shared>> -> memref<256x32xf32, #tpu.memory_space<vmem_shared>>
      tpu.wait_dma2 semaphore(%run_scoped3A : memref<!tpu.dma_semaphore, #tpu.memory_space<semaphore_mem>>) src(%arg11 : memref<256x32xf32, #tpu.memory_space<vmem>>) dst(%dma_wait3A_146 : memref<256x32xf32, #tpu.memory_space<vmem_shared>>)
      tpu.yield
    }) : () -> ()
    %add3A_8 = arith.constant 256 : i32
    %add3A_9 = arith.addi %mul3A_6, %add3A_8 : i32
    "tpu.region"() ({
      %run_scoped3A = tpu.sem_alloc : memref<!tpu.dma_semaphore, #tpu.memory_space<semaphore_mem>>
      %dma_start3A_139 = arith.constant 0 : i32
      %dma_start3A_140 = tpu.memref_slice %arg6[%add3A_9, %dma_start3A_139] : memref<50048x32xf32, #tpu.memory_space<vmem_shared>> -> memref<256x32xf32, #tpu.memory_space<vmem_shared>>
      %dma_start3A_141 = arith.constant 0 : i32
      %dma_start3A_142 = tpu.memref_slice %arg6[%add3A_9, %dma_start3A_141] : memref<50048x32xf32, #tpu.memory_space<vmem_shared>> -> memref<256x32xf32, #tpu.memory_space<vmem_shared>>
      tpu.enqueue_dma source(%arg11 : memref<256x32xf32, #tpu.memory_space<vmem>>) target(%dma_start3A_142 : memref<256x32xf32, #tpu.memory_space<vmem_shared>>) target_semaphore(%run_scoped3A : memref<!tpu.dma_semaphore, #tpu.memory_space<semaphore_mem>>)
      %dma_wait3A_143 = arith.constant 0 : i32
      %dma_wait3A_144 = tpu.memref_slice %arg6[%add3A_9, %dma_wait3A_143] : memref<50048x32xf32, #tpu.memory_space<vmem_shared>> -> memref<256x32xf32, #tpu.memory_space<vmem_shared>>
      %dma_wait3A_145 = arith.constant 0 : i32
      %dma_wait3A_146 = tpu.memref_slice %arg6[%add3A_9, %dma_wait3A_145] : memref<50048x32xf32, #tpu.memory_space<vmem_shared>> -> memref<256x32xf32, #tpu.memory_space<vmem_shared>>
      tpu.wait_dma2 semaphore(%run_scoped3A : memref<!tpu.dma_semaphore, #tpu.memory_space<semaphore_mem>>) src(%arg11 : memref<256x32xf32, #tpu.memory_space<vmem>>) dst(%dma_wait3A_146 : memref<256x32xf32, #tpu.memory_space<vmem_shared>>)
      tpu.yield
    }) : () -> ()
    %add3A_10 = arith.constant 512 : i32
    %add3A_11 = arith.addi %mul3A_6, %add3A_10 : i32
    "tpu.region"() ({
      %run_scoped3A = tpu.sem_alloc : memref<!tpu.dma_semaphore, #tpu.memory_space<semaphore_mem>>
      %dma_start3A_139 = arith.constant 0 : i32
      %dma_start3A_140 = tpu.memref_slice %arg6[%add3A_11, %dma_start3A_139] : memref<50048x32xf32, #tpu.memory_space<vmem_shared>> -> memref<256x32xf32, #tpu.memory_space<vmem_shared>>
      %dma_start3A_141 = arith.constant 0 : i32
      %dma_start3A_142 = tpu.memref_slice %arg6[%add3A_11, %dma_start3A_141] : memref<50048x32xf32, #tpu.memory_space<vmem_shared>> -> memref<256x32xf32, #tpu.memory_space<vmem_shared>>
      tpu.enqueue_dma source(%arg11 : memref<256x32xf32, #tpu.memory_space<vmem>>) target(%dma_start3A_142 : memref<256x32xf32, #tpu.memory_space<vmem_shared>>) target_semaphore(%run_scoped3A : memref<!tpu.dma_semaphore, #tpu.memory_space<semaphore_mem>>)
      %dma_wait3A_143 = arith.constant 0 : i32
      %dma_wait3A_144 = tpu.memref_slice %arg6[%add3A_11, %dma_wait3A_143] : memref<50048x32xf32, #tpu.memory_space<vmem_shared>> -> memref<256x32xf32, #tpu.memory_space<vmem_shared>>
      %dma_wait3A_145 = arith.constant 0 : i32
      %dma_wait3A_146 = tpu.memref_slice %arg6[%add3A_11, %dma_wait3A_145] : memref<50048x32xf32, #tpu.memory_space<vmem_shared>> -> memref<256x32xf32, #tpu.memory_space<vmem_shared>>
      tpu.wait_dma2 semaphore(%run_scoped3A : memref<!tpu.dma_semaphore, #tpu.memory_space<semaphore_mem>>) src(%arg11 : memref<256x32xf32, #tpu.memory_space<vmem>>) dst(%dma_wait3A_146 : memref<256x32xf32, #tpu.memory_space<vmem_shared>>)
      tpu.yield
    }) : () -> ()
    %add3A_12 = arith.constant 768 : i32
    %add3A_13 = arith.addi %mul3A_6, %add3A_12 : i32
    "tpu.region"() ({
      %run_scoped3A = tpu.sem_alloc : memref<!tpu.dma_semaphore, #tpu.memory_space<semaphore_mem>>
      %dma_start3A_139 = arith.constant 0 : i32
      %dma_start3A_140 = tpu.memref_slice %arg6[%add3A_13, %dma_start3A_139] : memref<50048x32xf32, #tpu.memory_space<vmem_shared>> -> memref<256x32xf32, #tpu.memory_space<vmem_shared>>
      %dma_start3A_141 = arith.constant 0 : i32
      %dma_start3A_142 = tpu.memref_slice %arg6[%add3A_13, %dma_start3A_141] : memref<50048x32xf32, #tpu.memory_space<vmem_shared>> -> memref<256x32xf32, #tpu.memory_space<vmem_shared>>
      tpu.enqueue_dma source(%arg11 : memref<256x32xf32, #tpu.memory_space<vmem>>) target(%dma_start3A_142 : memref<256x32xf32, #tpu.memory_space<vmem_shared>>) target_semaphore(%run_scoped3A : memref<!tpu.dma_semaphore, #tpu.memory_space<semaphore_mem>>)
      %dma_wait3A_143 = arith.constant 0 : i32
      %dma_wait3A_144 = tpu.memref_slice %arg6[%add3A_13, %dma_wait3A_143] : memref<50048x32xf32, #tpu.memory_space<vmem_shared>> -> memref<256x32xf32, #tpu.memory_space<vmem_shared>>
      %dma_wait3A_145 = arith.constant 0 : i32
      %dma_wait3A_146 = tpu.memref_slice %arg6[%add3A_13, %dma_wait3A_145] : memref<50048x32xf32, #tpu.memory_space<vmem_shared>> -> memref<256x32xf32, #tpu.memory_space<vmem_shared>>
      tpu.wait_dma2 semaphore(%run_scoped3A : memref<!tpu.dma_semaphore, #tpu.memory_space<semaphore_mem>>) src(%arg11 : memref<256x32xf32, #tpu.memory_space<vmem>>) dst(%dma_wait3A_146 : memref<256x32xf32, #tpu.memory_space<vmem_shared>>)
      tpu.yield
    }) : () -> ()
    %add3A_14 = arith.constant 1024 : i32
    %add3A_15 = arith.addi %mul3A_6, %add3A_14 : i32
    "tpu.region"() ({
      %run_scoped3A = tpu.sem_alloc : memref<!tpu.dma_semaphore, #tpu.memory_space<semaphore_mem>>
      %dma_start3A_139 = arith.constant 0 : i32
      %dma_start3A_140 = tpu.memref_slice %arg6[%add3A_15, %dma_start3A_139] : memref<50048x32xf32, #tpu.memory_space<vmem_shared>> -> memref<256x32xf32, #tpu.memory_space<vmem_shared>>
      %dma_start3A_141 = arith.constant 0 : i32
      %dma_start3A_142 = tpu.memref_slice %arg6[%add3A_15, %dma_start3A_141] : memref<50048x32xf32, #tpu.memory_space<vmem_shared>> -> memref<256x32xf32, #tpu.memory_space<vmem_shared>>
      tpu.enqueue_dma source(%arg11 : memref<256x32xf32, #tpu.memory_space<vmem>>) target(%dma_start3A_142 : memref<256x32xf32, #tpu.memory_space<vmem_shared>>) target_semaphore(%run_scoped3A : memref<!tpu.dma_semaphore, #tpu.memory_space<semaphore_mem>>)
      %dma_wait3A_143 = arith.constant 0 : i32
      %dma_wait3A_144 = tpu.memref_slice %arg6[%add3A_15, %dma_wait3A_143] : memref<50048x32xf32, #tpu.memory_space<vmem_shared>> -> memref<256x32xf32, #tpu.memory_space<vmem_shared>>
      %dma_wait3A_145 = arith.constant 0 : i32
      %dma_wait3A_146 = tpu.memref_slice %arg6[%add3A_15, %dma_wait3A_145] : memref<50048x32xf32, #tpu.memory_space<vmem_shared>> -> memref<256x32xf32, #tpu.memory_space<vmem_shared>>
      tpu.wait_dma2 semaphore(%run_scoped3A : memref<!tpu.dma_semaphore, #tpu.memory_space<semaphore_mem>>) src(%arg11 : memref<256x32xf32, #tpu.memory_space<vmem>>) dst(%dma_wait3A_146 : memref<256x32xf32, #tpu.memory_space<vmem_shared>>)
      tpu.yield
    }) : () -> ()
    %add3A_16 = arith.constant 1280 : i32
    %add3A_17 = arith.addi %mul3A_6, %add3A_16 : i32
    "tpu.region"() ({
      %run_scoped3A = tpu.sem_alloc : memref<!tpu.dma_semaphore, #tpu.memory_space<semaphore_mem>>
      %dma_start3A_139 = arith.constant 0 : i32
      %dma_start3A_140 = tpu.memref_slice %arg6[%add3A_17, %dma_start3A_139] : memref<50048x32xf32, #tpu.memory_space<vmem_shared>> -> memref<256x32xf32, #tpu.memory_space<vmem_shared>>
      %dma_start3A_141 = arith.constant 0 : i32
      %dma_start3A_142 = tpu.memref_slice %arg6[%add3A_17, %dma_start3A_141] : memref<50048x32xf32, #tpu.memory_space<vmem_shared>> -> memref<256x32xf32, #tpu.memory_space<vmem_shared>>
      tpu.enqueue_dma source(%arg11 : memref<256x32xf32, #tpu.memory_space<vmem>>) target(%dma_start3A_142 : memref<256x32xf32, #tpu.memory_space<vmem_shared>>) target_semaphore(%run_scoped3A : memref<!tpu.dma_semaphore, #tpu.memory_space<semaphore_mem>>)
      %dma_wait3A_143 = arith.constant 0 : i32
      %dma_wait3A_144 = tpu.memref_slice %arg6[%add3A_17, %dma_wait3A_143] : memref<50048x32xf32, #tpu.memory_space<vmem_shared>> -> memref<256x32xf32, #tpu.memory_space<vmem_shared>>
      %dma_wait3A_145 = arith.constant 0 : i32
      %dma_wait3A_146 = tpu.memref_slice %arg6[%add3A_17, %dma_wait3A_145] : memref<50048x32xf32, #tpu.memory_space<vmem_shared>> -> memref<256x32xf32, #tpu.memory_space<vmem_shared>>
      tpu.wait_dma2 semaphore(%run_scoped3A : memref<!tpu.dma_semaphore, #tpu.memory_space<semaphore_mem>>) src(%arg11 : memref<256x32xf32, #tpu.memory_space<vmem>>) dst(%dma_wait3A_146 : memref<256x32xf32, #tpu.memory_space<vmem_shared>>)
      tpu.yield
    }) : () -> ()
    %add3A_18 = arith.constant 1536 : i32
    %add3A_19 = arith.addi %mul3A_6, %add3A_18 : i32
    "tpu.region"() ({
      %run_scoped3A = tpu.sem_alloc : memref<!tpu.dma_semaphore, #tpu.memory_space<semaphore_mem>>
      %dma_start3A_139 = arith.constant 0 : i32
      %dma_start3A_140 = tpu.memref_slice %arg6[%add3A_19, %dma_start3A_139] : memref<50048x32xf32, #tpu.memory_space<vmem_shared>> -> memref<256x32xf32, #tpu.memory_space<vmem_shared>>
      %dma_start3A_141 = arith.constant 0 : i32
      %dma_start3A_142 = tpu.memref_slice %arg6[%add3A_19, %dma_start3A_141] : memref<50048x32xf32, #tpu.memory_space<vmem_shared>> -> memref<256x32xf32, #tpu.memory_space<vmem_shared>>
      tpu.enqueue_dma source(%arg11 : memref<256x32xf32, #tpu.memory_space<vmem>>) target(%dma_start3A_142 : memref<256x32xf32, #tpu.memory_space<vmem_shared>>) target_semaphore(%run_scoped3A : memref<!tpu.dma_semaphore, #tpu.memory_space<semaphore_mem>>)
      %dma_wait3A_143 = arith.constant 0 : i32
      %dma_wait3A_144 = tpu.memref_slice %arg6[%add3A_19, %dma_wait3A_143] : memref<50048x32xf32, #tpu.memory_space<vmem_shared>> -> memref<256x32xf32, #tpu.memory_space<vmem_shared>>
      %dma_wait3A_145 = arith.constant 0 : i32
      %dma_wait3A_146 = tpu.memref_slice %arg6[%add3A_19, %dma_wait3A_145] : memref<50048x32xf32, #tpu.memory_space<vmem_shared>> -> memref<256x32xf32, #tpu.memory_space<vmem_shared>>
      tpu.wait_dma2 semaphore(%run_scoped3A : memref<!tpu.dma_semaphore, #tpu.memory_space<semaphore_mem>>) src(%arg11 : memref<256x32xf32, #tpu.memory_space<vmem>>) dst(%dma_wait3A_146 : memref<256x32xf32, #tpu.memory_space<vmem_shared>>)
      tpu.yield
    }) : () -> ()
    %add3A_20 = arith.constant 1792 : i32
    %add3A_21 = arith.addi %mul3A_6, %add3A_20 : i32
    "tpu.region"() ({
      %run_scoped3A = tpu.sem_alloc : memref<!tpu.dma_semaphore, #tpu.memory_space<semaphore_mem>>
      %dma_start3A_139 = arith.constant 0 : i32
      %dma_start3A_140 = tpu.memref_slice %arg6[%add3A_21, %dma_start3A_139] : memref<50048x32xf32, #tpu.memory_space<vmem_shared>> -> memref<256x32xf32, #tpu.memory_space<vmem_shared>>
      %dma_start3A_141 = arith.constant 0 : i32
      %dma_start3A_142 = tpu.memref_slice %arg6[%add3A_21, %dma_start3A_141] : memref<50048x32xf32, #tpu.memory_space<vmem_shared>> -> memref<256x32xf32, #tpu.memory_space<vmem_shared>>
      tpu.enqueue_dma source(%arg11 : memref<256x32xf32, #tpu.memory_space<vmem>>) target(%dma_start3A_142 : memref<256x32xf32, #tpu.memory_space<vmem_shared>>) target_semaphore(%run_scoped3A : memref<!tpu.dma_semaphore, #tpu.memory_space<semaphore_mem>>)
      %dma_wait3A_143 = arith.constant 0 : i32
      %dma_wait3A_144 = tpu.memref_slice %arg6[%add3A_21, %dma_wait3A_143] : memref<50048x32xf32, #tpu.memory_space<vmem_shared>> -> memref<256x32xf32, #tpu.memory_space<vmem_shared>>
      %dma_wait3A_145 = arith.constant 0 : i32
      %dma_wait3A_146 = tpu.memref_slice %arg6[%add3A_21, %dma_wait3A_145] : memref<50048x32xf32, #tpu.memory_space<vmem_shared>> -> memref<256x32xf32, #tpu.memory_space<vmem_shared>>
      tpu.wait_dma2 semaphore(%run_scoped3A : memref<!tpu.dma_semaphore, #tpu.memory_space<semaphore_mem>>) src(%arg11 : memref<256x32xf32, #tpu.memory_space<vmem>>) dst(%dma_wait3A_146 : memref<256x32xf32, #tpu.memory_space<vmem_shared>>)
      tpu.yield
    }) : () -> ()
    %add3A_22 = arith.constant 2048 : i32
    %add3A_23 = arith.addi %mul3A_6, %add3A_22 : i32
    "tpu.region"() ({
      %run_scoped3A = tpu.sem_alloc : memref<!tpu.dma_semaphore, #tpu.memory_space<semaphore_mem>>
      %dma_start3A_139 = arith.constant 0 : i32
      %dma_start3A_140 = tpu.memref_slice %arg6[%add3A_23, %dma_start3A_139] : memref<50048x32xf32, #tpu.memory_space<vmem_shared>> -> memref<256x32xf32, #tpu.memory_space<vmem_shared>>
      %dma_start3A_141 = arith.constant 0 : i32
      %dma_start3A_142 = tpu.memref_slice %arg6[%add3A_23, %dma_start3A_141] : memref<50048x32xf32, #tpu.memory_space<vmem_shared>> -> memref<256x32xf32, #tpu.memory_space<vmem_shared>>
      tpu.enqueue_dma source(%arg11 : memref<256x32xf32, #tpu.memory_space<vmem>>) target(%dma_start3A_142 : memref<256x32xf32, #tpu.memory_space<vmem_shared>>) target_semaphore(%run_scoped3A : memref<!tpu.dma_semaphore, #tpu.memory_space<semaphore_mem>>)
      %dma_wait3A_143 = arith.constant 0 : i32
      %dma_wait3A_144 = tpu.memref_slice %arg6[%add3A_23, %dma_wait3A_143] : memref<50048x32xf32, #tpu.memory_space<vmem_shared>> -> memref<256x32xf32, #tpu.memory_space<vmem_shared>>
      %dma_wait3A_145 = arith.constant 0 : i32
      %dma_wait3A_146 = tpu.memref_slice %arg6[%add3A_23, %dma_wait3A_145] : memref<50048x32xf32, #tpu.memory_space<vmem_shared>> -> memref<256x32xf32, #tpu.memory_space<vmem_shared>>
      tpu.wait_dma2 semaphore(%run_scoped3A : memref<!tpu.dma_semaphore, #tpu.memory_space<semaphore_mem>>) src(%arg11 : memref<256x32xf32, #tpu.memory_space<vmem>>) dst(%dma_wait3A_146 : memref<256x32xf32, #tpu.memory_space<vmem_shared>>)
      tpu.yield
    }) : () -> ()
    %add3A_24 = arith.constant 2304 : i32
    %add3A_25 = arith.addi %mul3A_6, %add3A_24 : i32
    "tpu.region"() ({
      %run_scoped3A = tpu.sem_alloc : memref<!tpu.dma_semaphore, #tpu.memory_space<semaphore_mem>>
      %dma_start3A_139 = arith.constant 0 : i32
      %dma_start3A_140 = tpu.memref_slice %arg6[%add3A_25, %dma_start3A_139] : memref<50048x32xf32, #tpu.memory_space<vmem_shared>> -> memref<256x32xf32, #tpu.memory_space<vmem_shared>>
      %dma_start3A_141 = arith.constant 0 : i32
      %dma_start3A_142 = tpu.memref_slice %arg6[%add3A_25, %dma_start3A_141] : memref<50048x32xf32, #tpu.memory_space<vmem_shared>> -> memref<256x32xf32, #tpu.memory_space<vmem_shared>>
      tpu.enqueue_dma source(%arg11 : memref<256x32xf32, #tpu.memory_space<vmem>>) target(%dma_start3A_142 : memref<256x32xf32, #tpu.memory_space<vmem_shared>>) target_semaphore(%run_scoped3A : memref<!tpu.dma_semaphore, #tpu.memory_space<semaphore_mem>>)
      %dma_wait3A_143 = arith.constant 0 : i32
      %dma_wait3A_144 = tpu.memref_slice %arg6[%add3A_25, %dma_wait3A_143] : memref<50048x32xf32, #tpu.memory_space<vmem_shared>> -> memref<256x32xf32, #tpu.memory_space<vmem_shared>>
      %dma_wait3A_145 = arith.constant 0 : i32
      %dma_wait3A_146 = tpu.memref_slice %arg6[%add3A_25, %dma_wait3A_145] : memref<50048x32xf32, #tpu.memory_space<vmem_shared>> -> memref<256x32xf32, #tpu.memory_space<vmem_shared>>
      tpu.wait_dma2 semaphore(%run_scoped3A : memref<!tpu.dma_semaphore, #tpu.memory_space<semaphore_mem>>) src(%arg11 : memref<256x32xf32, #tpu.memory_space<vmem>>) dst(%dma_wait3A_146 : memref<256x32xf32, #tpu.memory_space<vmem_shared>>)
      tpu.yield
    }) : () -> ()
    %add3A_26 = arith.constant 2560 : i32
    %add3A_27 = arith.addi %mul3A_6, %add3A_26 : i32
    "tpu.region"() ({
      %run_scoped3A = tpu.sem_alloc : memref<!tpu.dma_semaphore, #tpu.memory_space<semaphore_mem>>
      %dma_start3A_139 = arith.constant 0 : i32
      %dma_start3A_140 = tpu.memref_slice %arg6[%add3A_27, %dma_start3A_139] : memref<50048x32xf32, #tpu.memory_space<vmem_shared>> -> memref<256x32xf32, #tpu.memory_space<vmem_shared>>
      %dma_start3A_141 = arith.constant 0 : i32
      %dma_start3A_142 = tpu.memref_slice %arg6[%add3A_27, %dma_start3A_141] : memref<50048x32xf32, #tpu.memory_space<vmem_shared>> -> memref<256x32xf32, #tpu.memory_space<vmem_shared>>
      tpu.enqueue_dma source(%arg11 : memref<256x32xf32, #tpu.memory_space<vmem>>) target(%dma_start3A_142 : memref<256x32xf32, #tpu.memory_space<vmem_shared>>) target_semaphore(%run_scoped3A : memref<!tpu.dma_semaphore, #tpu.memory_space<semaphore_mem>>)
      %dma_wait3A_143 = arith.constant 0 : i32
      %dma_wait3A_144 = tpu.memref_slice %arg6[%add3A_27, %dma_wait3A_143] : memref<50048x32xf32, #tpu.memory_space<vmem_shared>> -> memref<256x32xf32, #tpu.memory_space<vmem_shared>>
      %dma_wait3A_145 = arith.constant 0 : i32
      %dma_wait3A_146 = tpu.memref_slice %arg6[%add3A_27, %dma_wait3A_145] : memref<50048x32xf32, #tpu.memory_space<vmem_shared>> -> memref<256x32xf32, #tpu.memory_space<vmem_shared>>
      tpu.wait_dma2 semaphore(%run_scoped3A : memref<!tpu.dma_semaphore, #tpu.memory_space<semaphore_mem>>) src(%arg11 : memref<256x32xf32, #tpu.memory_space<vmem>>) dst(%dma_wait3A_146 : memref<256x32xf32, #tpu.memory_space<vmem_shared>>)
      tpu.yield
    }) : () -> ()
    %add3A_28 = arith.constant 2816 : i32
    %add3A_29 = arith.addi %mul3A_6, %add3A_28 : i32
    "tpu.region"() ({
      %run_scoped3A = tpu.sem_alloc : memref<!tpu.dma_semaphore, #tpu.memory_space<semaphore_mem>>
      %dma_start3A_139 = arith.constant 0 : i32
      %dma_start3A_140 = tpu.memref_slice %arg6[%add3A_29, %dma_start3A_139] : memref<50048x32xf32, #tpu.memory_space<vmem_shared>> -> memref<256x32xf32, #tpu.memory_space<vmem_shared>>
      %dma_start3A_141 = arith.constant 0 : i32
      %dma_start3A_142 = tpu.memref_slice %arg6[%add3A_29, %dma_start3A_141] : memref<50048x32xf32, #tpu.memory_space<vmem_shared>> -> memref<256x32xf32, #tpu.memory_space<vmem_shared>>
      tpu.enqueue_dma source(%arg11 : memref<256x32xf32, #tpu.memory_space<vmem>>) target(%dma_start3A_142 : memref<256x32xf32, #tpu.memory_space<vmem_shared>>) target_semaphore(%run_scoped3A : memref<!tpu.dma_semaphore, #tpu.memory_space<semaphore_mem>>)
      %dma_wait3A_143 = arith.constant 0 : i32
      %dma_wait3A_144 = tpu.memref_slice %arg6[%add3A_29, %dma_wait3A_143] : memref<50048x32xf32, #tpu.memory_space<vmem_shared>> -> memref<256x32xf32, #tpu.memory_space<vmem_shared>>
      %dma_wait3A_145 = arith.constant 0 : i32
      %dma_wait3A_146 = tpu.memref_slice %arg6[%add3A_29, %dma_wait3A_145] : memref<50048x32xf32, #tpu.memory_space<vmem_shared>> -> memref<256x32xf32, #tpu.memory_space<vmem_shared>>
      tpu.wait_dma2 semaphore(%run_scoped3A : memref<!tpu.dma_semaphore, #tpu.memory_space<semaphore_mem>>) src(%arg11 : memref<256x32xf32, #tpu.memory_space<vmem>>) dst(%dma_wait3A_146 : memref<256x32xf32, #tpu.memory_space<vmem_shared>>)
      tpu.yield
    }) : () -> ()
    %add3A_30 = arith.constant 3128 : i32
    %add3A_31 = arith.addi %mul3A_6, %add3A_30 : i32
    %sub3A = arith.constant 56 : i32
    %sub3A_32 = arith.subi %add3A_31, %sub3A : i32
    "tpu.region"() ({
      %run_scoped3A = tpu.sem_alloc : memref<!tpu.dma_semaphore, #tpu.memory_space<semaphore_mem>>
      %dma_start3A_139 = arith.constant 0 : i32
      %dma_start3A_140 = arith.constant 0 : i32
      %dma_start3A_141 = tpu.memref_slice %arg11[%dma_start3A_139, %dma_start3A_140] : memref<256x32xf32, #tpu.memory_space<vmem>> -> memref<56x32xf32, #tpu.memory_space<vmem>>
      %dma_start3A_142 = arith.constant 0 : i32
      %dma_start3A_143 = tpu.memref_slice %arg6[%sub3A_32, %dma_start3A_142] : memref<50048x32xf32, #tpu.memory_space<vmem_shared>> -> memref<56x32xf32, #tpu.memory_space<vmem_shared>>
      %dma_start3A_144 = arith.constant 0 : i32
      %dma_start3A_145 = tpu.memref_slice %arg6[%sub3A_32, %dma_start3A_144] : memref<50048x32xf32, #tpu.memory_space<vmem_shared>> -> memref<56x32xf32, #tpu.memory_space<vmem_shared>>
      %dma_start3A_146 = arith.constant 0 : i32
      %dma_start3A_147 = arith.constant 0 : i32
      %dma_start3A_148 = tpu.memref_slice %arg11[%dma_start3A_146, %dma_start3A_147] : memref<256x32xf32, #tpu.memory_space<vmem>> -> memref<56x32xf32, #tpu.memory_space<vmem>>
      tpu.enqueue_dma source(%dma_start3A_148 : memref<56x32xf32, #tpu.memory_space<vmem>>) target(%dma_start3A_145 : memref<56x32xf32, #tpu.memory_space<vmem_shared>>) target_semaphore(%run_scoped3A : memref<!tpu.dma_semaphore, #tpu.memory_space<semaphore_mem>>)
      %dma_wait3A_149 = arith.constant 0 : i32
      %dma_wait3A_150 = arith.constant 0 : i32
      %dma_wait3A_151 = tpu.memref_slice %arg11[%dma_wait3A_149, %dma_wait3A_150] : memref<256x32xf32, #tpu.memory_space<vmem>> -> memref<56x32xf32, #tpu.memory_space<vmem>>
      %dma_wait3A_152 = arith.constant 0 : i32
      %dma_wait3A_153 = tpu.memref_slice %arg6[%sub3A_32, %dma_wait3A_152] : memref<50048x32xf32, #tpu.memory_space<vmem_shared>> -> memref<56x32xf32, #tpu.memory_space<vmem_shared>>
      %dma_wait3A_154 = arith.constant 0 : i32
      %dma_wait3A_155 = tpu.memref_slice %arg6[%sub3A_32, %dma_wait3A_154] : memref<50048x32xf32, #tpu.memory_space<vmem_shared>> -> memref<56x32xf32, #tpu.memory_space<vmem_shared>>
      %dma_wait3A_156 = arith.constant 0 : i32
      %dma_wait3A_157 = arith.constant 0 : i32
      %dma_wait3A_158 = tpu.memref_slice %arg11[%dma_wait3A_156, %dma_wait3A_157] : memref<256x32xf32, #tpu.memory_space<vmem>> -> memref<56x32xf32, #tpu.memory_space<vmem>>
      tpu.wait_dma2 semaphore(%run_scoped3A : memref<!tpu.dma_semaphore, #tpu.memory_space<semaphore_mem>>) src(%dma_wait3A_158 : memref<56x32xf32, #tpu.memory_space<vmem>>) dst(%dma_wait3A_155 : memref<56x32xf32, #tpu.memory_space<vmem_shared>>)
      tpu.yield
    }) : () -> ()
    %min3A = arith.constant 0 : i32
    %min3A_33 = arith.constant 49 : i32
    %min3A_34 = arith.minsi %min3A, %min3A_33 : i32
    %mul3A_35 = arith.constant 4 : i32
    %mul3A_36 = arith.muli %min3A_34, %mul3A_35 : i32
    %dma_start3A = arith.constant 0 : i32
    %dma_start3A_37 = tpu.memref_slice %arg3[%arg0, %arg1, %mul3A_36, %dma_start3A] : memref<2x16x200x256xi32, #tpu.memory_space<hbm>> -> memref<1x1x4x256xi32, #tpu.memory_space<hbm>>
    %dma_start3A_38 = tpu.memref_squeeze %dma_start3A_37 : memref<1x1x4x256xi32, #tpu.memory_space<hbm>> -> memref<4x256xi32, #tpu.memory_space<hbm>>
    %dma_start3A_39 = arith.constant 0 : i32
    %dma_start3A_40 = tpu.memref_slice %arg3[%arg0, %arg1, %mul3A_36, %dma_start3A_39] : memref<2x16x200x256xi32, #tpu.memory_space<hbm>> -> memref<1x1x4x256xi32, #tpu.memory_space<hbm>>
    %dma_start3A_41 = tpu.memref_squeeze %dma_start3A_40 : memref<1x1x4x256xi32, #tpu.memory_space<hbm>> -> memref<4x256xi32, #tpu.memory_space<hbm>>
    tpu.enqueue_dma source(%dma_start3A_41 : memref<4x256xi32, #tpu.memory_space<hbm>>) target(%arg7 : memref<4x256xi32, #tpu.memory_space<vmem>>) target_semaphore(%arg13 : memref<!tpu.dma_semaphore, #tpu.memory_space<semaphore_mem>>)
    %mul3A_42 = arith.constant 4 : i32
    %mul3A_43 = arith.muli %min3A_34, %mul3A_42 : i32
    %dma_start3A_44 = arith.constant 0 : i32
    %dma_start3A_45 = tpu.memref_slice %arg4[%arg1, %mul3A_43, %dma_start3A_44] : memref<16x200x256xi32, #tpu.memory_space<hbm>> -> memref<1x4x256xi32, #tpu.memory_space<hbm>>
    %dma_start3A_46 = tpu.memref_squeeze %dma_start3A_45 : memref<1x4x256xi32, #tpu.memory_space<hbm>> -> memref<4x256xi32, #tpu.memory_space<hbm>>
    %dma_start3A_47 = arith.constant 0 : i32
    %dma_start3A_48 = tpu.memref_slice %arg4[%arg1, %mul3A_43, %dma_start3A_47] : memref<16x200x256xi32, #tpu.memory_space<hbm>> -> memref<1x4x256xi32, #tpu.memory_space<hbm>>
    %dma_start3A_49 = tpu.memref_squeeze %dma_start3A_48 : memref<1x4x256xi32, #tpu.memory_space<hbm>> -> memref<4x256xi32, #tpu.memory_space<hbm>>
    tpu.enqueue_dma source(%dma_start3A_49 : memref<4x256xi32, #tpu.memory_space<hbm>>) target(%arg9 : memref<4x256xi32, #tpu.memory_space<vmem>>) target_semaphore(%arg15 : memref<!tpu.dma_semaphore, #tpu.memory_space<semaphore_mem>>)
    %min3A_50 = arith.constant 1 : i32
    %min3A_51 = arith.constant 49 : i32
    %min3A_52 = arith.minsi %min3A_50, %min3A_51 : i32
    %mul3A_53 = arith.constant 4 : i32
    %mul3A_54 = arith.muli %min3A_52, %mul3A_53 : i32
    %dma_start3A_55 = arith.constant 0 : i32
    %dma_start3A_56 = tpu.memref_slice %arg3[%arg0, %arg1, %mul3A_54, %dma_start3A_55] : memref<2x16x200x256xi32, #tpu.memory_space<hbm>> -> memref<1x1x4x256xi32, #tpu.memory_space<hbm>>
    %dma_start3A_57 = tpu.memref_squeeze %dma_start3A_56 : memref<1x1x4x256xi32, #tpu.memory_space<hbm>> -> memref<4x256xi32, #tpu.memory_space<hbm>>
    %dma_start3A_58 = arith.constant 0 : i32
    %dma_start3A_59 = tpu.memref_slice %arg3[%arg0, %arg1, %mul3A_54, %dma_start3A_58] : memref<2x16x200x256xi32, #tpu.memory_space<hbm>> -> memref<1x1x4x256xi32, #tpu.memory_space<hbm>>
    %dma_start3A_60 = tpu.memref_squeeze %dma_start3A_59 : memref<1x1x4x256xi32, #tpu.memory_space<hbm>> -> memref<4x256xi32, #tpu.memory_space<hbm>>
    tpu.enqueue_dma source(%dma_start3A_60 : memref<4x256xi32, #tpu.memory_space<hbm>>) target(%arg8 : memref<4x256xi32, #tpu.memory_space<vmem>>) target_semaphore(%arg14 : memref<!tpu.dma_semaphore, #tpu.memory_space<semaphore_mem>>)
    %mul3A_61 = arith.constant 4 : i32
    %mul3A_62 = arith.muli %min3A_52, %mul3A_61 : i32
    %dma_start3A_63 = arith.constant 0 : i32
    %dma_start3A_64 = tpu.memref_slice %arg4[%arg1, %mul3A_62, %dma_start3A_63] : memref<16x200x256xi32, #tpu.memory_space<hbm>> -> memref<1x4x256xi32, #tpu.memory_space<hbm>>
    %dma_start3A_65 = tpu.memref_squeeze %dma_start3A_64 : memref<1x4x256xi32, #tpu.memory_space<hbm>> -> memref<4x256xi32, #tpu.memory_space<hbm>>
    %dma_start3A_66 = arith.constant 0 : i32
    %dma_start3A_67 = tpu.memref_slice %arg4[%arg1, %mul3A_62, %dma_start3A_66] : memref<16x200x256xi32, #tpu.memory_space<hbm>> -> memref<1x4x256xi32, #tpu.memory_space<hbm>>
    %dma_start3A_68 = tpu.memref_squeeze %dma_start3A_67 : memref<1x4x256xi32, #tpu.memory_space<hbm>> -> memref<4x256xi32, #tpu.memory_space<hbm>>
    tpu.enqueue_dma source(%dma_start3A_68 : memref<4x256xi32, #tpu.memory_space<hbm>>) target(%arg10 : memref<4x256xi32, #tpu.memory_space<vmem>>) target_semaphore(%arg16 : memref<!tpu.dma_semaphore, #tpu.memory_space<semaphore_mem>>)
    %barrier3A = arith.constant 0 : index
    tpu.barrier barrier_id(%barrier3A)
    %dma_wait3A = arith.constant 0 : i32
    %dma_wait3A_69 = arith.constant 0 : i32
    %dma_wait3A_70 = tpu.memref_slice %arg3[%arg0, %arg1, %dma_wait3A, %dma_wait3A_69] : memref<2x16x200x256xi32, #tpu.memory_space<hbm>> -> memref<1x1x4x256xi32, #tpu.memory_space<hbm>>
    %dma_wait3A_71 = tpu.memref_squeeze %dma_wait3A_70 : memref<1x1x4x256xi32, #tpu.memory_space<hbm>> -> memref<4x256xi32, #tpu.memory_space<hbm>>
    %dma_wait3A_72 = arith.constant 0 : i32
    %dma_wait3A_73 = arith.constant 0 : i32
    %dma_wait3A_74 = tpu.memref_slice %arg3[%arg0, %arg1, %dma_wait3A_72, %dma_wait3A_73] : memref<2x16x200x256xi32, #tpu.memory_space<hbm>> -> memref<1x1x4x256xi32, #tpu.memory_space<hbm>>
    %dma_wait3A_75 = tpu.memref_squeeze %dma_wait3A_74 : memref<1x1x4x256xi32, #tpu.memory_space<hbm>> -> memref<4x256xi32, #tpu.memory_space<hbm>>
    tpu.wait_dma2 semaphore(%arg13 : memref<!tpu.dma_semaphore, #tpu.memory_space<semaphore_mem>>) src(%dma_wait3A_75 : memref<4x256xi32, #tpu.memory_space<hbm>>) dst(%arg7 : memref<4x256xi32, #tpu.memory_space<vmem>>)
    %dma_wait3A_76 = arith.constant 0 : i32
    %dma_wait3A_77 = arith.constant 0 : i32
    %dma_wait3A_78 = tpu.memref_slice %arg4[%arg1, %dma_wait3A_76, %dma_wait3A_77] : memref<16x200x256xi32, #tpu.memory_space<hbm>> -> memref<1x4x256xi32, #tpu.memory_space<hbm>>
    %dma_wait3A_79 = tpu.memref_squeeze %dma_wait3A_78 : memref<1x4x256xi32, #tpu.memory_space<hbm>> -> memref<4x256xi32, #tpu.memory_space<hbm>>
    %dma_wait3A_80 = arith.constant 0 : i32
    %dma_wait3A_81 = arith.constant 0 : i32
    %dma_wait3A_82 = tpu.memref_slice %arg4[%arg1, %dma_wait3A_80, %dma_wait3A_81] : memref<16x200x256xi32, #tpu.memory_space<hbm>> -> memref<1x4x256xi32, #tpu.memory_space<hbm>>
    %dma_wait3A_83 = tpu.memref_squeeze %dma_wait3A_82 : memref<1x4x256xi32, #tpu.memory_space<hbm>> -> memref<4x256xi32, #tpu.memory_space<hbm>>
    tpu.wait_dma2 semaphore(%arg15 : memref<!tpu.dma_semaphore, #tpu.memory_space<semaphore_mem>>) src(%dma_wait3A_83 : memref<4x256xi32, #tpu.memory_space<hbm>>) dst(%arg9 : memref<4x256xi32, #tpu.memory_space<vmem>>)
    %dma_start3A_84 = arith.constant 0 : i32
    %dma_start3A_85 = arith.constant 0 : i32
    %dma_start3A_86 = tpu.memref_slice %arg7[%dma_start3A_84, %dma_start3A_85] : memref<4x256xi32, #tpu.memory_space<vmem>> -> memref<1x256xi32, #tpu.memory_space<vmem>>
    %dma_start3A_87 = tpu.memref_squeeze %dma_start3A_86 : memref<1x256xi32, #tpu.memory_space<vmem>> -> memref<256xi32, #tpu.memory_space<vmem>>
    %dma_start3A_88 = arith.constant 0 : i32
    %dma_start3A_89 = arith.constant 0 : i32
    %dma_start3A_90 = tpu.memref_slice %arg2[%dma_start3A_88, %dma_start3A_89] : memref<100000x32xf32, #tpu.memory_space<hbm>> -> memref<100000x32xf32, #tpu.memory_space<hbm>>
    tpu.enqueue_indirect_dma source(%dma_start3A_90 : memref<100000x32xf32, #tpu.memory_space<hbm>>) target(%arg11 : memref<256x32xf32, #tpu.memory_space<vmem>>) offsets(%dma_start3A_87 : memref<256xi32, #tpu.memory_space<vmem>>) semaphore(%arg17 : memref<!tpu.dma_semaphore, #tpu.memory_space<semaphore_mem>>)
    %dma_start3A_91 = arith.constant 1 : i32
    %dma_start3A_92 = arith.constant 0 : i32
    %dma_start3A_93 = tpu.memref_slice %arg7[%dma_start3A_91, %dma_start3A_92] : memref<4x256xi32, #tpu.memory_space<vmem>> -> memref<1x256xi32, #tpu.memory_space<vmem>>
    %dma_start3A_94 = tpu.memref_squeeze %dma_start3A_93 : memref<1x256xi32, #tpu.memory_space<vmem>> -> memref<256xi32, #tpu.memory_space<vmem>>
    %dma_start3A_95 = arith.constant 0 : i32
    %dma_start3A_96 = arith.constant 0 : i32
    %dma_start3A_97 = tpu.memref_slice %arg2[%dma_start3A_95, %dma_start3A_96] : memref<100000x32xf32, #tpu.memory_space<hbm>> -> memref<100000x32xf32, #tpu.memory_space<hbm>>
    tpu.enqueue_indirect_dma source(%dma_start3A_97 : memref<100000x32xf32, #tpu.memory_space<hbm>>) target(%arg12 : memref<256x32xf32, #tpu.memory_space<vmem>>) offsets(%dma_start3A_94 : memref<256xi32, #tpu.memory_space<vmem>>) semaphore(%arg18 : memref<!tpu.dma_semaphore, #tpu.memory_space<semaphore_mem>>)
    %scan3A_98 = arith.constant 0 : i32
    %scan3A_99 = arith.constant 0 : i32
    %scan3A_100 = arith.constant 25 : i32
    %scan3A_101 = arith.addi %scan3A_99, %scan3A_100 : i32
    %scan3A_102 = arith.constant 1 : i32
    scf.for %scan3A_139 = %scan3A_99 to %scan3A_101 step %scan3A_102  : i32 {
      %mul3A_140 = arith.constant 2 : i32
      %mul3A_141 = arith.muli %scan3A_139, %mul3A_140 : i32
      %dma_wait3A_142 = arith.constant 0 : i32
      %dma_wait3A_143 = arith.constant 0 : i32
      %dma_wait3A_144 = tpu.memref_slice %arg7[%dma_wait3A_142, %dma_wait3A_143] : memref<4x256xi32, #tpu.memory_space<vmem>> -> memref<1x256xi32, #tpu.memory_space<vmem>>
      %dma_wait3A_145 = tpu.memref_squeeze %dma_wait3A_144 : memref<1x256xi32, #tpu.memory_space<vmem>> -> memref<256xi32, #tpu.memory_space<vmem>>
      %dma_wait3A_146 = arith.constant 0 : i32
      %dma_wait3A_147 = arith.constant 0 : i32
      %dma_wait3A_148 = tpu.memref_slice %arg2[%dma_wait3A_146, %dma_wait3A_147] : memref<100000x32xf32, #tpu.memory_space<hbm>> -> memref<100000x32xf32, #tpu.memory_space<hbm>>
      tpu.wait_indirect_dma semaphore(%arg17 : memref<!tpu.dma_semaphore, #tpu.memory_space<semaphore_mem>>) src(%dma_wait3A_148 : memref<100000x32xf32, #tpu.memory_space<hbm>>) dst(%arg11 : memref<256x32xf32, #tpu.memory_space<vmem>>)
      %dma_start3A_149 = arith.constant 0 : i32
      %dma_start3A_150 = arith.constant 0 : i32
      %dma_start3A_151 = tpu.memref_slice %arg9[%dma_start3A_149, %dma_start3A_150] : memref<4x256xi32, #tpu.memory_space<vmem>> -> memref<1x256xi32, #tpu.memory_space<vmem>>
      %dma_start3A_152 = tpu.memref_squeeze %dma_start3A_151 : memref<1x256xi32, #tpu.memory_space<vmem>> -> memref<256xi32, #tpu.memory_space<vmem>>
      %dma_start3A_153 = arith.constant 0 : i32
      %dma_start3A_154 = arith.constant 0 : i32
      %dma_start3A_155 = tpu.memref_slice %arg6[%dma_start3A_153, %dma_start3A_154] : memref<50048x32xf32, #tpu.memory_space<vmem_shared>> -> memref<50048x32xf32, #tpu.memory_space<vmem_shared>>
      tpu.enqueue_indirect_dma source(%arg11 : memref<256x32xf32, #tpu.memory_space<vmem>>) target(%dma_start3A_155 : memref<50048x32xf32, #tpu.memory_space<vmem_shared>>) offsets(%dma_start3A_152 : memref<256xi32, #tpu.memory_space<vmem>>) semaphore(%arg19 : memref<!tpu.dma_semaphore, #tpu.memory_space<semaphore_mem>>) {add = true}
      %dma_wait3A_156 = arith.constant 0 : i32
      %dma_wait3A_157 = arith.constant 0 : i32
      %dma_wait3A_158 = tpu.memref_slice %arg9[%dma_wait3A_156, %dma_wait3A_157] : memref<4x256xi32, #tpu.memory_space<vmem>> -> memref<1x256xi32, #tpu.memory_space<vmem>>
      %dma_wait3A_159 = tpu.memref_squeeze %dma_wait3A_158 : memref<1x256xi32, #tpu.memory_space<vmem>> -> memref<256xi32, #tpu.memory_space<vmem>>
      %dma_wait3A_160 = arith.constant 0 : i32
      %dma_wait3A_161 = arith.constant 0 : i32
      %dma_wait3A_162 = tpu.memref_slice %arg6[%dma_wait3A_160, %dma_wait3A_161] : memref<50048x32xf32, #tpu.memory_space<vmem_shared>> -> memref<50048x32xf32, #tpu.memory_space<vmem_shared>>
      tpu.wait_indirect_dma semaphore(%arg19 : memref<!tpu.dma_semaphore, #tpu.memory_space<semaphore_mem>>) src(%arg11 : memref<256x32xf32, #tpu.memory_space<vmem>>) dst(%dma_wait3A_162 : memref<50048x32xf32, #tpu.memory_space<vmem_shared>>)
      %dma_start3A_163 = arith.constant 2 : i32
      %dma_start3A_164 = arith.constant 0 : i32
      %dma_start3A_165 = tpu.memref_slice %arg7[%dma_start3A_163, %dma_start3A_164] : memref<4x256xi32, #tpu.memory_space<vmem>> -> memref<1x256xi32, #tpu.memory_space<vmem>>
      %dma_start3A_166 = tpu.memref_squeeze %dma_start3A_165 : memref<1x256xi32, #tpu.memory_space<vmem>> -> memref<256xi32, #tpu.memory_space<vmem>>
      %dma_start3A_167 = arith.constant 0 : i32
      %dma_start3A_168 = arith.constant 0 : i32
      %dma_start3A_169 = tpu.memref_slice %arg2[%dma_start3A_167, %dma_start3A_168] : memref<100000x32xf32, #tpu.memory_space<hbm>> -> memref<100000x32xf32, #tpu.memory_space<hbm>>
      tpu.enqueue_indirect_dma source(%dma_start3A_169 : memref<100000x32xf32, #tpu.memory_space<hbm>>) target(%arg11 : memref<256x32xf32, #tpu.memory_space<vmem>>) offsets(%dma_start3A_166 : memref<256xi32, #tpu.memory_space<vmem>>) semaphore(%arg17 : memref<!tpu.dma_semaphore, #tpu.memory_space<semaphore_mem>>)
      %dma_wait3A_170 = arith.constant 0 : i32
      %dma_wait3A_171 = arith.constant 0 : i32
      %dma_wait3A_172 = tpu.memref_slice %arg7[%dma_wait3A_170, %dma_wait3A_171] : memref<4x256xi32, #tpu.memory_space<vmem>> -> memref<1x256xi32, #tpu.memory_space<vmem>>
      %dma_wait3A_173 = tpu.memref_squeeze %dma_wait3A_172 : memref<1x256xi32, #tpu.memory_space<vmem>> -> memref<256xi32, #tpu.memory_space<vmem>>
      %dma_wait3A_174 = arith.constant 0 : i32
      %dma_wait3A_175 = arith.constant 0 : i32
      %dma_wait3A_176 = tpu.memref_slice %arg2[%dma_wait3A_174, %dma_wait3A_175] : memref<100000x32xf32, #tpu.memory_space<hbm>> -> memref<100000x32xf32, #tpu.memory_space<hbm>>
      tpu.wait_indirect_dma semaphore(%arg18 : memref<!tpu.dma_semaphore, #tpu.memory_space<semaphore_mem>>) src(%dma_wait3A_176 : memref<100000x32xf32, #tpu.memory_space<hbm>>) dst(%arg12 : memref<256x32xf32, #tpu.memory_space<vmem>>)
      %dma_start3A_177 = arith.constant 1 : i32
      %dma_start3A_178 = arith.constant 0 : i32
      %dma_start3A_179 = tpu.memref_slice %arg9[%dma_start3A_177, %dma_start3A_178] : memref<4x256xi32, #tpu.memory_space<vmem>> -> memref<1x256xi32, #tpu.memory_space<vmem>>
      %dma_start3A_180 = tpu.memref_squeeze %dma_start3A_179 : memref<1x256xi32, #tpu.memory_space<vmem>> -> memref<256xi32, #tpu.memory_space<vmem>>
      %dma_start3A_181 = arith.constant 0 : i32
      %dma_start3A_182 = arith.constant 0 : i32
      %dma_start3A_183 = tpu.memref_slice %arg6[%dma_start3A_181, %dma_start3A_182] : memref<50048x32xf32, #tpu.memory_space<vmem_shared>> -> memref<50048x32xf32, #tpu.memory_space<vmem_shared>>
      tpu.enqueue_indirect_dma source(%arg12 : memref<256x32xf32, #tpu.memory_space<vmem>>) target(%dma_start3A_183 : memref<50048x32xf32, #tpu.memory_space<vmem_shared>>) offsets(%dma_start3A_180 : memref<256xi32, #tpu.memory_space<vmem>>) semaphore(%arg20 : memref<!tpu.dma_semaphore, #tpu.memory_space<semaphore_mem>>) {add = true}
      %dma_wait3A_184 = arith.constant 0 : i32
      %dma_wait3A_185 = arith.constant 0 : i32
      %dma_wait3A_186 = tpu.memref_slice %arg9[%dma_wait3A_184, %dma_wait3A_185] : memref<4x256xi32, #tpu.memory_space<vmem>> -> memref<1x256xi32, #tpu.memory_space<vmem>>
      %dma_wait3A_187 = tpu.memref_squeeze %dma_wait3A_186 : memref<1x256xi32, #tpu.memory_space<vmem>> -> memref<256xi32, #tpu.memory_space<vmem>>
      %dma_wait3A_188 = arith.constant 0 : i32
      %dma_wait3A_189 = arith.constant 0 : i32
      %dma_wait3A_190 = tpu.memref_slice %arg6[%dma_wait3A_188, %dma_wait3A_189] : memref<50048x32xf32, #tpu.memory_space<vmem_shared>> -> memref<50048x32xf32, #tpu.memory_space<vmem_shared>>
      tpu.wait_indirect_dma semaphore(%arg20 : memref<!tpu.dma_semaphore, #tpu.memory_space<semaphore_mem>>) src(%arg12 : memref<256x32xf32, #tpu.memory_space<vmem>>) dst(%dma_wait3A_190 : memref<50048x32xf32, #tpu.memory_space<vmem_shared>>)
      %dma_start3A_191 = arith.constant 3 : i32
      %dma_start3A_192 = arith.constant 0 : i32
      %dma_start3A_193 = tpu.memref_slice %arg7[%dma_start3A_191, %dma_start3A_192] : memref<4x256xi32, #tpu.memory_space<vmem>> -> memref<1x256xi32, #tpu.memory_space<vmem>>
      %dma_start3A_194 = tpu.memref_squeeze %dma_start3A_193 : memref<1x256xi32, #tpu.memory_space<vmem>> -> memref<256xi32, #tpu.memory_space<vmem>>
      %dma_start3A_195 = arith.constant 0 : i32
      %dma_start3A_196 = arith.constant 0 : i32
      %dma_start3A_197 = tpu.memref_slice %arg2[%dma_start3A_195, %dma_start3A_196] : memref<100000x32xf32, #tpu.memory_space<hbm>> -> memref<100000x32xf32, #tpu.memory_space<hbm>>
      tpu.enqueue_indirect_dma source(%dma_start3A_197 : memref<100000x32xf32, #tpu.memory_space<hbm>>) target(%arg12 : memref<256x32xf32, #tpu.memory_space<vmem>>) offsets(%dma_start3A_194 : memref<256xi32, #tpu.memory_space<vmem>>) semaphore(%arg18 : memref<!tpu.dma_semaphore, #tpu.memory_space<semaphore_mem>>)
      %dma_wait3A_198 = arith.constant 0 : i32
      %dma_wait3A_199 = arith.constant 0 : i32
      %dma_wait3A_200 = tpu.memref_slice %arg7[%dma_wait3A_198, %dma_wait3A_199] : memref<4x256xi32, #tpu.memory_space<vmem>> -> memref<1x256xi32, #tpu.memory_space<vmem>>
      %dma_wait3A_201 = tpu.memref_squeeze %dma_wait3A_200 : memref<1x256xi32, #tpu.memory_space<vmem>> -> memref<256xi32, #tpu.memory_space<vmem>>
      %dma_wait3A_202 = arith.constant 0 : i32
      %dma_wait3A_203 = arith.constant 0 : i32
      %dma_wait3A_204 = tpu.memref_slice %arg2[%dma_wait3A_202, %dma_wait3A_203] : memref<100000x32xf32, #tpu.memory_space<hbm>> -> memref<100000x32xf32, #tpu.memory_space<hbm>>
      tpu.wait_indirect_dma semaphore(%arg17 : memref<!tpu.dma_semaphore, #tpu.memory_space<semaphore_mem>>) src(%dma_wait3A_204 : memref<100000x32xf32, #tpu.memory_space<hbm>>) dst(%arg11 : memref<256x32xf32, #tpu.memory_space<vmem>>)
      %dma_start3A_205 = arith.constant 2 : i32
      %dma_start3A_206 = arith.constant 0 : i32
      %dma_start3A_207 = tpu.memref_slice %arg9[%dma_start3A_205, %dma_start3A_206] : memref<4x256xi32, #tpu.memory_space<vmem>> -> memref<1x256xi32, #tpu.memory_space<vmem>>
      %dma_start3A_208 = tpu.memref_squeeze %dma_start3A_207 : memref<1x256xi32, #tpu.memory_space<vmem>> -> memref<256xi32, #tpu.memory_space<vmem>>
      %dma_start3A_209 = arith.constant 0 : i32
      %dma_start3A_210 = arith.constant 0 : i32
      %dma_start3A_211 = tpu.memref_slice %arg6[%dma_start3A_209, %dma_start3A_210] : memref<50048x32xf32, #tpu.memory_space<vmem_shared>> -> memref<50048x32xf32, #tpu.memory_space<vmem_shared>>
      tpu.enqueue_indirect_dma source(%arg11 : memref<256x32xf32, #tpu.memory_space<vmem>>) target(%dma_start3A_211 : memref<50048x32xf32, #tpu.memory_space<vmem_shared>>) offsets(%dma_start3A_208 : memref<256xi32, #tpu.memory_space<vmem>>) semaphore(%arg19 : memref<!tpu.dma_semaphore, #tpu.memory_space<semaphore_mem>>) {add = true}
      %dma_wait3A_212 = arith.constant 0 : i32
      %dma_wait3A_213 = arith.constant 0 : i32
      %dma_wait3A_214 = tpu.memref_slice %arg9[%dma_wait3A_212, %dma_wait3A_213] : memref<4x256xi32, #tpu.memory_space<vmem>> -> memref<1x256xi32, #tpu.memory_space<vmem>>
      %dma_wait3A_215 = tpu.memref_squeeze %dma_wait3A_214 : memref<1x256xi32, #tpu.memory_space<vmem>> -> memref<256xi32, #tpu.memory_space<vmem>>
      %dma_wait3A_216 = arith.constant 0 : i32
      %dma_wait3A_217 = arith.constant 0 : i32
      %dma_wait3A_218 = tpu.memref_slice %arg6[%dma_wait3A_216, %dma_wait3A_217] : memref<50048x32xf32, #tpu.memory_space<vmem_shared>> -> memref<50048x32xf32, #tpu.memory_space<vmem_shared>>
      tpu.wait_indirect_dma semaphore(%arg19 : memref<!tpu.dma_semaphore, #tpu.memory_space<semaphore_mem>>) src(%arg11 : memref<256x32xf32, #tpu.memory_space<vmem>>) dst(%dma_wait3A_218 : memref<50048x32xf32, #tpu.memory_space<vmem_shared>>)
      %dma_wait3A_219 = arith.constant 0 : i32
      %dma_wait3A_220 = arith.constant 0 : i32
      %dma_wait3A_221 = tpu.memref_slice %arg3[%arg0, %arg1, %dma_wait3A_219, %dma_wait3A_220] : memref<2x16x200x256xi32, #tpu.memory_space<hbm>> -> memref<1x1x4x256xi32, #tpu.memory_space<hbm>>
      %dma_wait3A_222 = tpu.memref_squeeze %dma_wait3A_221 : memref<1x1x4x256xi32, #tpu.memory_space<hbm>> -> memref<4x256xi32, #tpu.memory_space<hbm>>
      %dma_wait3A_223 = arith.constant 0 : i32
      %dma_wait3A_224 = arith.constant 0 : i32
      %dma_wait3A_225 = tpu.memref_slice %arg3[%arg0, %arg1, %dma_wait3A_223, %dma_wait3A_224] : memref<2x16x200x256xi32, #tpu.memory_space<hbm>> -> memref<1x1x4x256xi32, #tpu.memory_space<hbm>>
      %dma_wait3A_226 = tpu.memref_squeeze %dma_wait3A_225 : memref<1x1x4x256xi32, #tpu.memory_space<hbm>> -> memref<4x256xi32, #tpu.memory_space<hbm>>
      tpu.wait_dma2 semaphore(%arg14 : memref<!tpu.dma_semaphore, #tpu.memory_space<semaphore_mem>>) src(%dma_wait3A_226 : memref<4x256xi32, #tpu.memory_space<hbm>>) dst(%arg8 : memref<4x256xi32, #tpu.memory_space<vmem>>)
      %dma_wait3A_227 = arith.constant 0 : i32
      %dma_wait3A_228 = arith.constant 0 : i32
      %dma_wait3A_229 = tpu.memref_slice %arg4[%arg1, %dma_wait3A_227, %dma_wait3A_228] : memref<16x200x256xi32, #tpu.memory_space<hbm>> -> memref<1x4x256xi32, #tpu.memory_space<hbm>>
      %dma_wait3A_230 = tpu.memref_squeeze %dma_wait3A_229 : memref<1x4x256xi32, #tpu.memory_space<hbm>> -> memref<4x256xi32, #tpu.memory_space<hbm>>
      %dma_wait3A_231 = arith.constant 0 : i32
      %dma_wait3A_232 = arith.constant 0 : i32
      %dma_wait3A_233 = tpu.memref_slice %arg4[%arg1, %dma_wait3A_231, %dma_wait3A_232] : memref<16x200x256xi32, #tpu.memory_space<hbm>> -> memref<1x4x256xi32, #tpu.memory_space<hbm>>
      %dma_wait3A_234 = tpu.memref_squeeze %dma_wait3A_233 : memref<1x4x256xi32, #tpu.memory_space<hbm>> -> memref<4x256xi32, #tpu.memory_space<hbm>>
      tpu.wait_dma2 semaphore(%arg16 : memref<!tpu.dma_semaphore, #tpu.memory_space<semaphore_mem>>) src(%dma_wait3A_234 : memref<4x256xi32, #tpu.memory_space<hbm>>) dst(%arg10 : memref<4x256xi32, #tpu.memory_space<vmem>>)
      %dma_start3A_235 = arith.constant 0 : i32
      %dma_start3A_236 = arith.constant 0 : i32
      %dma_start3A_237 = tpu.memref_slice %arg8[%dma_start3A_235, %dma_start3A_236] : memref<4x256xi32, #tpu.memory_space<vmem>> -> memref<1x256xi32, #tpu.memory_space<vmem>>
      %dma_start3A_238 = tpu.memref_squeeze %dma_start3A_237 : memref<1x256xi32, #tpu.memory_space<vmem>> -> memref<256xi32, #tpu.memory_space<vmem>>
      %dma_start3A_239 = arith.constant 0 : i32
      %dma_start3A_240 = arith.constant 0 : i32
      %dma_start3A_241 = tpu.memref_slice %arg2[%dma_start3A_239, %dma_start3A_240] : memref<100000x32xf32, #tpu.memory_space<hbm>> -> memref<100000x32xf32, #tpu.memory_space<hbm>>
      tpu.enqueue_indirect_dma source(%dma_start3A_241 : memref<100000x32xf32, #tpu.memory_space<hbm>>) target(%arg11 : memref<256x32xf32, #tpu.memory_space<vmem>>) offsets(%dma_start3A_238 : memref<256xi32, #tpu.memory_space<vmem>>) semaphore(%arg17 : memref<!tpu.dma_semaphore, #tpu.memory_space<semaphore_mem>>)
      %dma_wait3A_242 = arith.constant 0 : i32
      %dma_wait3A_243 = arith.constant 0 : i32
      %dma_wait3A_244 = tpu.memref_slice %arg7[%dma_wait3A_242, %dma_wait3A_243] : memref<4x256xi32, #tpu.memory_space<vmem>> -> memref<1x256xi32, #tpu.memory_space<vmem>>
      %dma_wait3A_245 = tpu.memref_squeeze %dma_wait3A_244 : memref<1x256xi32, #tpu.memory_space<vmem>> -> memref<256xi32, #tpu.memory_space<vmem>>
      %dma_wait3A_246 = arith.constant 0 : i32
      %dma_wait3A_247 = arith.constant 0 : i32
      %dma_wait3A_248 = tpu.memref_slice %arg2[%dma_wait3A_246, %dma_wait3A_247] : memref<100000x32xf32, #tpu.memory_space<hbm>> -> memref<100000x32xf32, #tpu.memory_space<hbm>>
      tpu.wait_indirect_dma semaphore(%arg18 : memref<!tpu.dma_semaphore, #tpu.memory_space<semaphore_mem>>) src(%dma_wait3A_248 : memref<100000x32xf32, #tpu.memory_space<hbm>>) dst(%arg12 : memref<256x32xf32, #tpu.memory_space<vmem>>)
      %dma_start3A_249 = arith.constant 3 : i32
      %dma_start3A_250 = arith.constant 0 : i32
      %dma_start3A_251 = tpu.memref_slice %arg9[%dma_start3A_249, %dma_start3A_250] : memref<4x256xi32, #tpu.memory_space<vmem>> -> memref<1x256xi32, #tpu.memory_space<vmem>>
      %dma_start3A_252 = tpu.memref_squeeze %dma_start3A_251 : memref<1x256xi32, #tpu.memory_space<vmem>> -> memref<256xi32, #tpu.memory_space<vmem>>
      %dma_start3A_253 = arith.constant 0 : i32
      %dma_start3A_254 = arith.constant 0 : i32
      %dma_start3A_255 = tpu.memref_slice %arg6[%dma_start3A_253, %dma_start3A_254] : memref<50048x32xf32, #tpu.memory_space<vmem_shared>> -> memref<50048x32xf32, #tpu.memory_space<vmem_shared>>
      tpu.enqueue_indirect_dma source(%arg12 : memref<256x32xf32, #tpu.memory_space<vmem>>) target(%dma_start3A_255 : memref<50048x32xf32, #tpu.memory_space<vmem_shared>>) offsets(%dma_start3A_252 : memref<256xi32, #tpu.memory_space<vmem>>) semaphore(%arg20 : memref<!tpu.dma_semaphore, #tpu.memory_space<semaphore_mem>>) {add = true}
      %dma_wait3A_256 = arith.constant 0 : i32
      %dma_wait3A_257 = arith.constant 0 : i32
      %dma_wait3A_258 = tpu.memref_slice %arg9[%dma_wait3A_256, %dma_wait3A_257] : memref<4x256xi32, #tpu.memory_space<vmem>> -> memref<1x256xi32, #tpu.memory_space<vmem>>
      %dma_wait3A_259 = tpu.memref_squeeze %dma_wait3A_258 : memref<1x256xi32, #tpu.memory_space<vmem>> -> memref<256xi32, #tpu.memory_space<vmem>>
      %dma_wait3A_260 = arith.constant 0 : i32
      %dma_wait3A_261 = arith.constant 0 : i32
      %dma_wait3A_262 = tpu.memref_slice %arg6[%dma_wait3A_260, %dma_wait3A_261] : memref<50048x32xf32, #tpu.memory_space<vmem_shared>> -> memref<50048x32xf32, #tpu.memory_space<vmem_shared>>
      tpu.wait_indirect_dma semaphore(%arg20 : memref<!tpu.dma_semaphore, #tpu.memory_space<semaphore_mem>>) src(%arg12 : memref<256x32xf32, #tpu.memory_space<vmem>>) dst(%dma_wait3A_262 : memref<50048x32xf32, #tpu.memory_space<vmem_shared>>)
      %dma_start3A_263 = arith.constant 1 : i32
      %dma_start3A_264 = arith.constant 0 : i32
      %dma_start3A_265 = tpu.memref_slice %arg8[%dma_start3A_263, %dma_start3A_264] : memref<4x256xi32, #tpu.memory_space<vmem>> -> memref<1x256xi32, #tpu.memory_space<vmem>>
      %dma_start3A_266 = tpu.memref_squeeze %dma_start3A_265 : memref<1x256xi32, #tpu.memory_space<vmem>> -> memref<256xi32, #tpu.memory_space<vmem>>
      %dma_start3A_267 = arith.constant 0 : i32
      %dma_start3A_268 = arith.constant 0 : i32
      %dma_start3A_269 = tpu.memref_slice %arg2[%dma_start3A_267, %dma_start3A_268] : memref<100000x32xf32, #tpu.memory_space<hbm>> -> memref<100000x32xf32, #tpu.memory_space<hbm>>
      tpu.enqueue_indirect_dma source(%dma_start3A_269 : memref<100000x32xf32, #tpu.memory_space<hbm>>) target(%arg12 : memref<256x32xf32, #tpu.memory_space<vmem>>) offsets(%dma_start3A_266 : memref<256xi32, #tpu.memory_space<vmem>>) semaphore(%arg18 : memref<!tpu.dma_semaphore, #tpu.memory_space<semaphore_mem>>)
      %add3A_270 = arith.constant 0 : i32
      %add3A_271 = arith.addi %mul3A_141, %add3A_270 : i32
      %add3A_272 = arith.constant 2 : i32
      %add3A_273 = arith.addi %add3A_271, %add3A_272 : i32
      %min3A_274 = arith.constant 49 : i32
      %min3A_275 = arith.minsi %add3A_273, %min3A_274 : i32
      %mul3A_276 = arith.constant 4 : i32
      %mul3A_277 = arith.muli %min3A_275, %mul3A_276 : i32
      %dma_start3A_278 = arith.constant 0 : i32
      %dma_start3A_279 = tpu.memref_slice %arg3[%arg0, %arg1, %mul3A_277, %dma_start3A_278] : memref<2x16x200x256xi32, #tpu.memory_space<hbm>> -> memref<1x1x4x256xi32, #tpu.memory_space<hbm>>
      %dma_start3A_280 = tpu.memref_squeeze %dma_start3A_279 : memref<1x1x4x256xi32, #tpu.memory_space<hbm>> -> memref<4x256xi32, #tpu.memory_space<hbm>>
      %dma_start3A_281 = arith.constant 0 : i32
      %dma_start3A_282 = tpu.memref_slice %arg3[%arg0, %arg1, %mul3A_277, %dma_start3A_281] : memref<2x16x200x256xi32, #tpu.memory_space<hbm>> -> memref<1x1x4x256xi32, #tpu.memory_space<hbm>>
      %dma_start3A_283 = tpu.memref_squeeze %dma_start3A_282 : memref<1x1x4x256xi32, #tpu.memory_space<hbm>> -> memref<4x256xi32, #tpu.memory_space<hbm>>
      tpu.enqueue_dma source(%dma_start3A_283 : memref<4x256xi32, #tpu.memory_space<hbm>>) target(%arg7 : memref<4x256xi32, #tpu.memory_space<vmem>>) target_semaphore(%arg13 : memref<!tpu.dma_semaphore, #tpu.memory_space<semaphore_mem>>)
      %mul3A_284 = arith.constant 4 : i32
      %mul3A_285 = arith.muli %min3A_275, %mul3A_284 : i32
      %dma_start3A_286 = arith.constant 0 : i32
      %dma_start3A_287 = tpu.memref_slice %arg4[%arg1, %mul3A_285, %dma_start3A_286] : memref<16x200x256xi32, #tpu.memory_space<hbm>> -> memref<1x4x256xi32, #tpu.memory_space<hbm>>
      %dma_start3A_288 = tpu.memref_squeeze %dma_start3A_287 : memref<1x4x256xi32, #tpu.memory_space<hbm>> -> memref<4x256xi32, #tpu.memory_space<hbm>>
      %dma_start3A_289 = arith.constant 0 : i32
      %dma_start3A_290 = tpu.memref_slice %arg4[%arg1, %mul3A_285, %dma_start3A_289] : memref<16x200x256xi32, #tpu.memory_space<hbm>> -> memref<1x4x256xi32, #tpu.memory_space<hbm>>
      %dma_start3A_291 = tpu.memref_squeeze %dma_start3A_290 : memref<1x4x256xi32, #tpu.memory_space<hbm>> -> memref<4x256xi32, #tpu.memory_space<hbm>>
      tpu.enqueue_dma source(%dma_start3A_291 : memref<4x256xi32, #tpu.memory_space<hbm>>) target(%arg9 : memref<4x256xi32, #tpu.memory_space<vmem>>) target_semaphore(%arg15 : memref<!tpu.dma_semaphore, #tpu.memory_space<semaphore_mem>>)
      %dma_wait3A_292 = arith.constant 0 : i32
      %dma_wait3A_293 = arith.constant 0 : i32
      %dma_wait3A_294 = tpu.memref_slice %arg7[%dma_wait3A_292, %dma_wait3A_293] : memref<4x256xi32, #tpu.memory_space<vmem>> -> memref<1x256xi32, #tpu.memory_space<vmem>>
      %dma_wait3A_295 = tpu.memref_squeeze %dma_wait3A_294 : memref<1x256xi32, #tpu.memory_space<vmem>> -> memref<256xi32, #tpu.memory_space<vmem>>
      %dma_wait3A_296 = arith.constant 0 : i32
      %dma_wait3A_297 = arith.constant 0 : i32
      %dma_wait3A_298 = tpu.memref_slice %arg2[%dma_wait3A_296, %dma_wait3A_297] : memref<100000x32xf32, #tpu.memory_space<hbm>> -> memref<100000x32xf32, #tpu.memory_space<hbm>>
      tpu.wait_indirect_dma semaphore(%arg17 : memref<!tpu.dma_semaphore, #tpu.memory_space<semaphore_mem>>) src(%dma_wait3A_298 : memref<100000x32xf32, #tpu.memory_space<hbm>>) dst(%arg11 : memref<256x32xf32, #tpu.memory_space<vmem>>)
      %dma_start3A_299 = arith.constant 0 : i32
      %dma_start3A_300 = arith.constant 0 : i32
      %dma_start3A_301 = tpu.memref_slice %arg10[%dma_start3A_299, %dma_start3A_300] : memref<4x256xi32, #tpu.memory_space<vmem>> -> memref<1x256xi32, #tpu.memory_space<vmem>>
      %dma_start3A_302 = tpu.memref_squeeze %dma_start3A_301 : memref<1x256xi32, #tpu.memory_space<vmem>> -> memref<256xi32, #tpu.memory_space<vmem>>
      %dma_start3A_303 = arith.constant 0 : i32
      %dma_start3A_304 = arith.constant 0 : i32
      %dma_start3A_305 = tpu.memref_slice %arg6[%dma_start3A_303, %dma_start3A_304] : memref<50048x32xf32, #tpu.memory_space<vmem_shared>> -> memref<50048x32xf32, #tpu.memory_space<vmem_shared>>
      tpu.enqueue_indirect_dma source(%arg11 : memref<256x32xf32, #tpu.memory_space<vmem>>) target(%dma_start3A_305 : memref<50048x32xf32, #tpu.memory_space<vmem_shared>>) offsets(%dma_start3A_302 : memref<256xi32, #tpu.memory_space<vmem>>) semaphore(%arg19 : memref<!tpu.dma_semaphore, #tpu.memory_space<semaphore_mem>>) {add = true}
      %dma_wait3A_306 = arith.constant 0 : i32
      %dma_wait3A_307 = arith.constant 0 : i32
      %dma_wait3A_308 = tpu.memref_slice %arg9[%dma_wait3A_306, %dma_wait3A_307] : memref<4x256xi32, #tpu.memory_space<vmem>> -> memref<1x256xi32, #tpu.memory_space<vmem>>
      %dma_wait3A_309 = tpu.memref_squeeze %dma_wait3A_308 : memref<1x256xi32, #tpu.memory_space<vmem>> -> memref<256xi32, #tpu.memory_space<vmem>>
      %dma_wait3A_310 = arith.constant 0 : i32
      %dma_wait3A_311 = arith.constant 0 : i32
      %dma_wait3A_312 = tpu.memref_slice %arg6[%dma_wait3A_310, %dma_wait3A_311] : memref<50048x32xf32, #tpu.memory_space<vmem_shared>> -> memref<50048x32xf32, #tpu.memory_space<vmem_shared>>
      tpu.wait_indirect_dma semaphore(%arg19 : memref<!tpu.dma_semaphore, #tpu.memory_space<semaphore_mem>>) src(%arg11 : memref<256x32xf32, #tpu.memory_space<vmem>>) dst(%dma_wait3A_312 : memref<50048x32xf32, #tpu.memory_space<vmem_shared>>)
      %dma_start3A_313 = arith.constant 2 : i32
      %dma_start3A_314 = arith.constant 0 : i32
      %dma_start3A_315 = tpu.memref_slice %arg8[%dma_start3A_313, %dma_start3A_314] : memref<4x256xi32, #tpu.memory_space<vmem>> -> memref<1x256xi32, #tpu.memory_space<vmem>>
      %dma_start3A_316 = tpu.memref_squeeze %dma_start3A_315 : memref<1x256xi32, #tpu.memory_space<vmem>> -> memref<256xi32, #tpu.memory_space<vmem>>
      %dma_start3A_317 = arith.constant 0 : i32
      %dma_start3A_318 = arith.constant 0 : i32
      %dma_start3A_319 = tpu.memref_slice %arg2[%dma_start3A_317, %dma_start3A_318] : memref<100000x32xf32, #tpu.memory_space<hbm>> -> memref<100000x32xf32, #tpu.memory_space<hbm>>
      tpu.enqueue_indirect_dma source(%dma_start3A_319 : memref<100000x32xf32, #tpu.memory_space<hbm>>) target(%arg11 : memref<256x32xf32, #tpu.memory_space<vmem>>) offsets(%dma_start3A_316 : memref<256xi32, #tpu.memory_space<vmem>>) semaphore(%arg17 : memref<!tpu.dma_semaphore, #tpu.memory_space<semaphore_mem>>)
      %dma_wait3A_320 = arith.constant 0 : i32
      %dma_wait3A_321 = arith.constant 0 : i32
      %dma_wait3A_322 = tpu.memref_slice %arg7[%dma_wait3A_320, %dma_wait3A_321] : memref<4x256xi32, #tpu.memory_space<vmem>> -> memref<1x256xi32, #tpu.memory_space<vmem>>
      %dma_wait3A_323 = tpu.memref_squeeze %dma_wait3A_322 : memref<1x256xi32, #tpu.memory_space<vmem>> -> memref<256xi32, #tpu.memory_space<vmem>>
      %dma_wait3A_324 = arith.constant 0 : i32
      %dma_wait3A_325 = arith.constant 0 : i32
      %dma_wait3A_326 = tpu.memref_slice %arg2[%dma_wait3A_324, %dma_wait3A_325] : memref<100000x32xf32, #tpu.memory_space<hbm>> -> memref<100000x32xf32, #tpu.memory_space<hbm>>
      tpu.wait_indirect_dma semaphore(%arg18 : memref<!tpu.dma_semaphore, #tpu.memory_space<semaphore_mem>>) src(%dma_wait3A_326 : memref<100000x32xf32, #tpu.memory_space<hbm>>) dst(%arg12 : memref<256x32xf32, #tpu.memory_space<vmem>>)
      %dma_start3A_327 = arith.constant 1 : i32
      %dma_start3A_328 = arith.constant 0 : i32
      %dma_start3A_329 = tpu.memref_slice %arg10[%dma_start3A_327, %dma_start3A_328] : memref<4x256xi32, #tpu.memory_space<vmem>> -> memref<1x256xi32, #tpu.memory_space<vmem>>
      %dma_start3A_330 = tpu.memref_squeeze %dma_start3A_329 : memref<1x256xi32, #tpu.memory_space<vmem>> -> memref<256xi32, #tpu.memory_space<vmem>>
      %dma_start3A_331 = arith.constant 0 : i32
      %dma_start3A_332 = arith.constant 0 : i32
      %dma_start3A_333 = tpu.memref_slice %arg6[%dma_start3A_331, %dma_start3A_332] : memref<50048x32xf32, #tpu.memory_space<vmem_shared>> -> memref<50048x32xf32, #tpu.memory_space<vmem_shared>>
      tpu.enqueue_indirect_dma source(%arg12 : memref<256x32xf32, #tpu.memory_space<vmem>>) target(%dma_start3A_333 : memref<50048x32xf32, #tpu.memory_space<vmem_shared>>) offsets(%dma_start3A_330 : memref<256xi32, #tpu.memory_space<vmem>>) semaphore(%arg20 : memref<!tpu.dma_semaphore, #tpu.memory_space<semaphore_mem>>) {add = true}
      %dma_wait3A_334 = arith.constant 0 : i32
      %dma_wait3A_335 = arith.constant 0 : i32
      %dma_wait3A_336 = tpu.memref_slice %arg9[%dma_wait3A_334, %dma_wait3A_335] : memref<4x256xi32, #tpu.memory_space<vmem>> -> memref<1x256xi32, #tpu.memory_space<vmem>>
      %dma_wait3A_337 = tpu.memref_squeeze %dma_wait3A_336 : memref<1x256xi32, #tpu.memory_space<vmem>> -> memref<256xi32, #tpu.memory_space<vmem>>
      %dma_wait3A_338 = arith.constant 0 : i32
      %dma_wait3A_339 = arith.constant 0 : i32
      %dma_wait3A_340 = tpu.memref_slice %arg6[%dma_wait3A_338, %dma_wait3A_339] : memref<50048x32xf32, #tpu.memory_space<vmem_shared>> -> memref<50048x32xf32, #tpu.memory_space<vmem_shared>>
      tpu.wait_indirect_dma semaphore(%arg20 : memref<!tpu.dma_semaphore, #tpu.memory_space<semaphore_mem>>) src(%arg12 : memref<256x32xf32, #tpu.memory_space<vmem>>) dst(%dma_wait3A_340 : memref<50048x32xf32, #tpu.memory_space<vmem_shared>>)
      %dma_start3A_341 = arith.constant 3 : i32
      %dma_start3A_342 = arith.constant 0 : i32
      %dma_start3A_343 = tpu.memref_slice %arg8[%dma_start3A_341, %dma_start3A_342] : memref<4x256xi32, #tpu.memory_space<vmem>> -> memref<1x256xi32, #tpu.memory_space<vmem>>
      %dma_start3A_344 = tpu.memref_squeeze %dma_start3A_343 : memref<1x256xi32, #tpu.memory_space<vmem>> -> memref<256xi32, #tpu.memory_space<vmem>>
      %dma_start3A_345 = arith.constant 0 : i32
      %dma_start3A_346 = arith.constant 0 : i32
      %dma_start3A_347 = tpu.memref_slice %arg2[%dma_start3A_345, %dma_start3A_346] : memref<100000x32xf32, #tpu.memory_space<hbm>> -> memref<100000x32xf32, #tpu.memory_space<hbm>>
      tpu.enqueue_indirect_dma source(%dma_start3A_347 : memref<100000x32xf32, #tpu.memory_space<hbm>>) target(%arg12 : memref<256x32xf32, #tpu.memory_space<vmem>>) offsets(%dma_start3A_344 : memref<256xi32, #tpu.memory_space<vmem>>) semaphore(%arg18 : memref<!tpu.dma_semaphore, #tpu.memory_space<semaphore_mem>>)
      %dma_wait3A_348 = arith.constant 0 : i32
      %dma_wait3A_349 = arith.constant 0 : i32
      %dma_wait3A_350 = tpu.memref_slice %arg7[%dma_wait3A_348, %dma_wait3A_349] : memref<4x256xi32, #tpu.memory_space<vmem>> -> memref<1x256xi32, #tpu.memory_space<vmem>>
      %dma_wait3A_351 = tpu.memref_squeeze %dma_wait3A_350 : memref<1x256xi32, #tpu.memory_space<vmem>> -> memref<256xi32, #tpu.memory_space<vmem>>
      %dma_wait3A_352 = arith.constant 0 : i32
      %dma_wait3A_353 = arith.constant 0 : i32
      %dma_wait3A_354 = tpu.memref_slice %arg2[%dma_wait3A_352, %dma_wait3A_353] : memref<100000x32xf32, #tpu.memory_space<hbm>> -> memref<100000x32xf32, #tpu.memory_space<hbm>>
      tpu.wait_indirect_dma semaphore(%arg17 : memref<!tpu.dma_semaphore, #tpu.memory_space<semaphore_mem>>) src(%dma_wait3A_354 : memref<100000x32xf32, #tpu.memory_space<hbm>>) dst(%arg11 : memref<256x32xf32, #tpu.memory_space<vmem>>)
      %dma_start3A_355 = arith.constant 2 : i32
      %dma_start3A_356 = arith.constant 0 : i32
      %dma_start3A_357 = tpu.memref_slice %arg10[%dma_start3A_355, %dma_start3A_356] : memref<4x256xi32, #tpu.memory_space<vmem>> -> memref<1x256xi32, #tpu.memory_space<vmem>>
      %dma_start3A_358 = tpu.memref_squeeze %dma_start3A_357 : memref<1x256xi32, #tpu.memory_space<vmem>> -> memref<256xi32, #tpu.memory_space<vmem>>
      %dma_start3A_359 = arith.constant 0 : i32
      %dma_start3A_360 = arith.constant 0 : i32
      %dma_start3A_361 = tpu.memref_slice %arg6[%dma_start3A_359, %dma_start3A_360] : memref<50048x32xf32, #tpu.memory_space<vmem_shared>> -> memref<50048x32xf32, #tpu.memory_space<vmem_shared>>
      tpu.enqueue_indirect_dma source(%arg11 : memref<256x32xf32, #tpu.memory_space<vmem>>) target(%dma_start3A_361 : memref<50048x32xf32, #tpu.memory_space<vmem_shared>>) offsets(%dma_start3A_358 : memref<256xi32, #tpu.memory_space<vmem>>) semaphore(%arg19 : memref<!tpu.dma_semaphore, #tpu.memory_space<semaphore_mem>>) {add = true}
      %dma_wait3A_362 = arith.constant 0 : i32
      %dma_wait3A_363 = arith.constant 0 : i32
      %dma_wait3A_364 = tpu.memref_slice %arg9[%dma_wait3A_362, %dma_wait3A_363] : memref<4x256xi32, #tpu.memory_space<vmem>> -> memref<1x256xi32, #tpu.memory_space<vmem>>
      %dma_wait3A_365 = tpu.memref_squeeze %dma_wait3A_364 : memref<1x256xi32, #tpu.memory_space<vmem>> -> memref<256xi32, #tpu.memory_space<vmem>>
      %dma_wait3A_366 = arith.constant 0 : i32
      %dma_wait3A_367 = arith.constant 0 : i32
      %dma_wait3A_368 = tpu.memref_slice %arg6[%dma_wait3A_366, %dma_wait3A_367] : memref<50048x32xf32, #tpu.memory_space<vmem_shared>> -> memref<50048x32xf32, #tpu.memory_space<vmem_shared>>
      tpu.wait_indirect_dma semaphore(%arg19 : memref<!tpu.dma_semaphore, #tpu.memory_space<semaphore_mem>>) src(%arg11 : memref<256x32xf32, #tpu.memory_space<vmem>>) dst(%dma_wait3A_368 : memref<50048x32xf32, #tpu.memory_space<vmem_shared>>)
      %dma_wait3A_369 = arith.constant 0 : i32
      %dma_wait3A_370 = arith.constant 0 : i32
      %dma_wait3A_371 = tpu.memref_slice %arg3[%arg0, %arg1, %dma_wait3A_369, %dma_wait3A_370] : memref<2x16x200x256xi32, #tpu.memory_space<hbm>> -> memref<1x1x4x256xi32, #tpu.memory_space<hbm>>
      %dma_wait3A_372 = tpu.memref_squeeze %dma_wait3A_371 : memref<1x1x4x256xi32, #tpu.memory_space<hbm>> -> memref<4x256xi32, #tpu.memory_space<hbm>>
      %dma_wait3A_373 = arith.constant 0 : i32
      %dma_wait3A_374 = arith.constant 0 : i32
      %dma_wait3A_375 = tpu.memref_slice %arg3[%arg0, %arg1, %dma_wait3A_373, %dma_wait3A_374] : memref<2x16x200x256xi32, #tpu.memory_space<hbm>> -> memref<1x1x4x256xi32, #tpu.memory_space<hbm>>
      %dma_wait3A_376 = tpu.memref_squeeze %dma_wait3A_375 : memref<1x1x4x256xi32, #tpu.memory_space<hbm>> -> memref<4x256xi32, #tpu.memory_space<hbm>>
      tpu.wait_dma2 semaphore(%arg13 : memref<!tpu.dma_semaphore, #tpu.memory_space<semaphore_mem>>) src(%dma_wait3A_376 : memref<4x256xi32, #tpu.memory_space<hbm>>) dst(%arg7 : memref<4x256xi32, #tpu.memory_space<vmem>>)
      %dma_wait3A_377 = arith.constant 0 : i32
      %dma_wait3A_378 = arith.constant 0 : i32
      %dma_wait3A_379 = tpu.memref_slice %arg4[%arg1, %dma_wait3A_377, %dma_wait3A_378] : memref<16x200x256xi32, #tpu.memory_space<hbm>> -> memref<1x4x256xi32, #tpu.memory_space<hbm>>
      %dma_wait3A_380 = tpu.memref_squeeze %dma_wait3A_379 : memref<1x4x256xi32, #tpu.memory_space<hbm>> -> memref<4x256xi32, #tpu.memory_space<hbm>>
      %dma_wait3A_381 = arith.constant 0 : i32
      %dma_wait3A_382 = arith.constant 0 : i32
      %dma_wait3A_383 = tpu.memref_slice %arg4[%arg1, %dma_wait3A_381, %dma_wait3A_382] : memref<16x200x256xi32, #tpu.memory_space<hbm>> -> memref<1x4x256xi32, #tpu.memory_space<hbm>>
      %dma_wait3A_384 = tpu.memref_squeeze %dma_wait3A_383 : memref<1x4x256xi32, #tpu.memory_space<hbm>> -> memref<4x256xi32, #tpu.memory_space<hbm>>
      tpu.wait_dma2 semaphore(%arg15 : memref<!tpu.dma_semaphore, #tpu.memory_space<semaphore_mem>>) src(%dma_wait3A_384 : memref<4x256xi32, #tpu.memory_space<hbm>>) dst(%arg9 : memref<4x256xi32, #tpu.memory_space<vmem>>)
      %dma_start3A_385 = arith.constant 0 : i32
      %dma_start3A_386 = arith.constant 0 : i32
      %dma_start3A_387 = tpu.memref_slice %arg7[%dma_start3A_385, %dma_start3A_386] : memref<4x256xi32, #tpu.memory_space<vmem>> -> memref<1x256xi32, #tpu.memory_space<vmem>>
      %dma_start3A_388 = tpu.memref_squeeze %dma_start3A_387 : memref<1x256xi32, #tpu.memory_space<vmem>> -> memref<256xi32, #tpu.memory_space<vmem>>
      %dma_start3A_389 = arith.constant 0 : i32
      %dma_start3A_390 = arith.constant 0 : i32
      %dma_start3A_391 = tpu.memref_slice %arg2[%dma_start3A_389, %dma_start3A_390] : memref<100000x32xf32, #tpu.memory_space<hbm>> -> memref<100000x32xf32, #tpu.memory_space<hbm>>
      tpu.enqueue_indirect_dma source(%dma_start3A_391 : memref<100000x32xf32, #tpu.memory_space<hbm>>) target(%arg11 : memref<256x32xf32, #tpu.memory_space<vmem>>) offsets(%dma_start3A_388 : memref<256xi32, #tpu.memory_space<vmem>>) semaphore(%arg17 : memref<!tpu.dma_semaphore, #tpu.memory_space<semaphore_mem>>)
      %dma_wait3A_392 = arith.constant 0 : i32
      %dma_wait3A_393 = arith.constant 0 : i32
      %dma_wait3A_394 = tpu.memref_slice %arg7[%dma_wait3A_392, %dma_wait3A_393] : memref<4x256xi32, #tpu.memory_space<vmem>> -> memref<1x256xi32, #tpu.memory_space<vmem>>
      %dma_wait3A_395 = tpu.memref_squeeze %dma_wait3A_394 : memref<1x256xi32, #tpu.memory_space<vmem>> -> memref<256xi32, #tpu.memory_space<vmem>>
      %dma_wait3A_396 = arith.constant 0 : i32
      %dma_wait3A_397 = arith.constant 0 : i32
      %dma_wait3A_398 = tpu.memref_slice %arg2[%dma_wait3A_396, %dma_wait3A_397] : memref<100000x32xf32, #tpu.memory_space<hbm>> -> memref<100000x32xf32, #tpu.memory_space<hbm>>
      tpu.wait_indirect_dma semaphore(%arg18 : memref<!tpu.dma_semaphore, #tpu.memory_space<semaphore_mem>>) src(%dma_wait3A_398 : memref<100000x32xf32, #tpu.memory_space<hbm>>) dst(%arg12 : memref<256x32xf32, #tpu.memory_space<vmem>>)
      %dma_start3A_399 = arith.constant 3 : i32
      %dma_start3A_400 = arith.constant 0 : i32
      %dma_start3A_401 = tpu.memref_slice %arg10[%dma_start3A_399, %dma_start3A_400] : memref<4x256xi32, #tpu.memory_space<vmem>> -> memref<1x256xi32, #tpu.memory_space<vmem>>
      %dma_start3A_402 = tpu.memref_squeeze %dma_start3A_401 : memref<1x256xi32, #tpu.memory_space<vmem>> -> memref<256xi32, #tpu.memory_space<vmem>>
      %dma_start3A_403 = arith.constant 0 : i32
      %dma_start3A_404 = arith.constant 0 : i32
      %dma_start3A_405 = tpu.memref_slice %arg6[%dma_start3A_403, %dma_start3A_404] : memref<50048x32xf32, #tpu.memory_space<vmem_shared>> -> memref<50048x32xf32, #tpu.memory_space<vmem_shared>>
      tpu.enqueue_indirect_dma source(%arg12 : memref<256x32xf32, #tpu.memory_space<vmem>>) target(%dma_start3A_405 : memref<50048x32xf32, #tpu.memory_space<vmem_shared>>) offsets(%dma_start3A_402 : memref<256xi32, #tpu.memory_space<vmem>>) semaphore(%arg20 : memref<!tpu.dma_semaphore, #tpu.memory_space<semaphore_mem>>) {add = true}
      %dma_wait3A_406 = arith.constant 0 : i32
      %dma_wait3A_407 = arith.constant 0 : i32
      %dma_wait3A_408 = tpu.memref_slice %arg9[%dma_wait3A_406, %dma_wait3A_407] : memref<4x256xi32, #tpu.memory_space<vmem>> -> memref<1x256xi32, #tpu.memory_space<vmem>>
      %dma_wait3A_409 = tpu.memref_squeeze %dma_wait3A_408 : memref<1x256xi32, #tpu.memory_space<vmem>> -> memref<256xi32, #tpu.memory_space<vmem>>
      %dma_wait3A_410 = arith.constant 0 : i32
      %dma_wait3A_411 = arith.constant 0 : i32
      %dma_wait3A_412 = tpu.memref_slice %arg6[%dma_wait3A_410, %dma_wait3A_411] : memref<50048x32xf32, #tpu.memory_space<vmem_shared>> -> memref<50048x32xf32, #tpu.memory_space<vmem_shared>>
      tpu.wait_indirect_dma semaphore(%arg20 : memref<!tpu.dma_semaphore, #tpu.memory_space<semaphore_mem>>) src(%arg12 : memref<256x32xf32, #tpu.memory_space<vmem>>) dst(%dma_wait3A_412 : memref<50048x32xf32, #tpu.memory_space<vmem_shared>>)
      %dma_start3A_413 = arith.constant 1 : i32
      %dma_start3A_414 = arith.constant 0 : i32
      %dma_start3A_415 = tpu.memref_slice %arg7[%dma_start3A_413, %dma_start3A_414] : memref<4x256xi32, #tpu.memory_space<vmem>> -> memref<1x256xi32, #tpu.memory_space<vmem>>
      %dma_start3A_416 = tpu.memref_squeeze %dma_start3A_415 : memref<1x256xi32, #tpu.memory_space<vmem>> -> memref<256xi32, #tpu.memory_space<vmem>>
      %dma_start3A_417 = arith.constant 0 : i32
      %dma_start3A_418 = arith.constant 0 : i32
      %dma_start3A_419 = tpu.memref_slice %arg2[%dma_start3A_417, %dma_start3A_418] : memref<100000x32xf32, #tpu.memory_space<hbm>> -> memref<100000x32xf32, #tpu.memory_space<hbm>>
      tpu.enqueue_indirect_dma source(%dma_start3A_419 : memref<100000x32xf32, #tpu.memory_space<hbm>>) target(%arg12 : memref<256x32xf32, #tpu.memory_space<vmem>>) offsets(%dma_start3A_416 : memref<256xi32, #tpu.memory_space<vmem>>) semaphore(%arg18 : memref<!tpu.dma_semaphore, #tpu.memory_space<semaphore_mem>>)
      %add3A_420 = arith.constant 1 : i32
      %add3A_421 = arith.addi %mul3A_141, %add3A_420 : i32
      %add3A_422 = arith.constant 2 : i32
      %add3A_423 = arith.addi %add3A_421, %add3A_422 : i32
      %min3A_424 = arith.constant 49 : i32
      %min3A_425 = arith.minsi %add3A_423, %min3A_424 : i32
      %mul3A_426 = arith.constant 4 : i32
      %mul3A_427 = arith.muli %min3A_425, %mul3A_426 : i32
      %dma_start3A_428 = arith.constant 0 : i32
      %dma_start3A_429 = tpu.memref_slice %arg3[%arg0, %arg1, %mul3A_427, %dma_start3A_428] : memref<2x16x200x256xi32, #tpu.memory_space<hbm>> -> memref<1x1x4x256xi32, #tpu.memory_space<hbm>>
      %dma_start3A_430 = tpu.memref_squeeze %dma_start3A_429 : memref<1x1x4x256xi32, #tpu.memory_space<hbm>> -> memref<4x256xi32, #tpu.memory_space<hbm>>
      %dma_start3A_431 = arith.constant 0 : i32
      %dma_start3A_432 = tpu.memref_slice %arg3[%arg0, %arg1, %mul3A_427, %dma_start3A_431] : memref<2x16x200x256xi32, #tpu.memory_space<hbm>> -> memref<1x1x4x256xi32, #tpu.memory_space<hbm>>
      %dma_start3A_433 = tpu.memref_squeeze %dma_start3A_432 : memref<1x1x4x256xi32, #tpu.memory_space<hbm>> -> memref<4x256xi32, #tpu.memory_space<hbm>>
      tpu.enqueue_dma source(%dma_start3A_433 : memref<4x256xi32, #tpu.memory_space<hbm>>) target(%arg8 : memref<4x256xi32, #tpu.memory_space<vmem>>) target_semaphore(%arg14 : memref<!tpu.dma_semaphore, #tpu.memory_space<semaphore_mem>>)
      %mul3A_434 = arith.constant 4 : i32
      %mul3A_435 = arith.muli %min3A_425, %mul3A_434 : i32
      %dma_start3A_436 = arith.constant 0 : i32
      %dma_start3A_437 = tpu.memref_slice %arg4[%arg1, %mul3A_435, %dma_start3A_436] : memref<16x200x256xi32, #tpu.memory_space<hbm>> -> memref<1x4x256xi32, #tpu.memory_space<hbm>>
      %dma_start3A_438 = tpu.memref_squeeze %dma_start3A_437 : memref<1x4x256xi32, #tpu.memory_space<hbm>> -> memref<4x256xi32, #tpu.memory_space<hbm>>
      %dma_start3A_439 = arith.constant 0 : i32
      %dma_start3A_440 = tpu.memref_slice %arg4[%arg1, %mul3A_435, %dma_start3A_439] : memref<16x200x256xi32, #tpu.memory_space<hbm>> -> memref<1x4x256xi32, #tpu.memory_space<hbm>>
      %dma_start3A_441 = tpu.memref_squeeze %dma_start3A_440 : memref<1x4x256xi32, #tpu.memory_space<hbm>> -> memref<4x256xi32, #tpu.memory_space<hbm>>
      tpu.enqueue_dma source(%dma_start3A_441 : memref<4x256xi32, #tpu.memory_space<hbm>>) target(%arg10 : memref<4x256xi32, #tpu.memory_space<vmem>>) target_semaphore(%arg16 : memref<!tpu.dma_semaphore, #tpu.memory_space<semaphore_mem>>)
    }
    %scan3A_103 = arith.constant 25 : i32
    %dma_wait3A_104 = arith.constant 0 : i32
    %dma_wait3A_105 = arith.constant 0 : i32
    %dma_wait3A_106 = tpu.memref_slice %arg7[%dma_wait3A_104, %dma_wait3A_105] : memref<4x256xi32, #tpu.memory_space<vmem>> -> memref<1x256xi32, #tpu.memory_space<vmem>>
    %dma_wait3A_107 = tpu.memref_squeeze %dma_wait3A_106 : memref<1x256xi32, #tpu.memory_space<vmem>> -> memref<256xi32, #tpu.memory_space<vmem>>
    %dma_wait3A_108 = arith.constant 0 : i32
    %dma_wait3A_109 = arith.constant 0 : i32
    %dma_wait3A_110 = tpu.memref_slice %arg2[%dma_wait3A_108, %dma_wait3A_109] : memref<100000x32xf32, #tpu.memory_space<hbm>> -> memref<100000x32xf32, #tpu.memory_space<hbm>>
    tpu.wait_indirect_dma semaphore(%arg17 : memref<!tpu.dma_semaphore, #tpu.memory_space<semaphore_mem>>) src(%dma_wait3A_110 : memref<100000x32xf32, #tpu.memory_space<hbm>>) dst(%arg11 : memref<256x32xf32, #tpu.memory_space<vmem>>)
    %dma_wait3A_111 = arith.constant 0 : i32
    %dma_wait3A_112 = arith.constant 0 : i32
    %dma_wait3A_113 = tpu.memref_slice %arg7[%dma_wait3A_111, %dma_wait3A_112] : memref<4x256xi32, #tpu.memory_space<vmem>> -> memref<1x256xi32, #tpu.memory_space<vmem>>
    %dma_wait3A_114 = tpu.memref_squeeze %dma_wait3A_113 : memref<1x256xi32, #tpu.memory_space<vmem>> -> memref<256xi32, #tpu.memory_space<vmem>>
    %dma_wait3A_115 = arith.constant 0 : i32
    %dma_wait3A_116 = arith.constant 0 : i32
    %dma_wait3A_117 = tpu.memref_slice %arg2[%dma_wait3A_115, %dma_wait3A_116] : memref<100000x32xf32, #tpu.memory_space<hbm>> -> memref<100000x32xf32, #tpu.memory_space<hbm>>
    tpu.wait_indirect_dma semaphore(%arg18 : memref<!tpu.dma_semaphore, #tpu.memory_space<semaphore_mem>>) src(%dma_wait3A_117 : memref<100000x32xf32, #tpu.memory_space<hbm>>) dst(%arg12 : memref<256x32xf32, #tpu.memory_space<vmem>>)
    %dma_wait3A_118 = arith.constant 0 : i32
    %dma_wait3A_119 = arith.constant 0 : i32
    %dma_wait3A_120 = tpu.memref_slice %arg3[%arg0, %arg1, %dma_wait3A_118, %dma_wait3A_119] : memref<2x16x200x256xi32, #tpu.memory_space<hbm>> -> memref<1x1x4x256xi32, #tpu.memory_space<hbm>>
    %dma_wait3A_121 = tpu.memref_squeeze %dma_wait3A_120 : memref<1x1x4x256xi32, #tpu.memory_space<hbm>> -> memref<4x256xi32, #tpu.memory_space<hbm>>
    %dma_wait3A_122 = arith.constant 0 : i32
    %dma_wait3A_123 = arith.constant 0 : i32
    %dma_wait3A_124 = tpu.memref_slice %arg3[%arg0, %arg1, %dma_wait3A_122, %dma_wait3A_123] : memref<2x16x200x256xi32, #tpu.memory_space<hbm>> -> memref<1x1x4x256xi32, #tpu.memory_space<hbm>>
    %dma_wait3A_125 = tpu.memref_squeeze %dma_wait3A_124 : memref<1x1x4x256xi32, #tpu.memory_space<hbm>> -> memref<4x256xi32, #tpu.memory_space<hbm>>
    tpu.wait_dma2 semaphore(%arg14 : memref<!tpu.dma_semaphore, #tpu.memory_space<semaphore_mem>>) src(%dma_wait3A_125 : memref<4x256xi32, #tpu.memory_space<hbm>>) dst(%arg8 : memref<4x256xi32, #tpu.memory_space<vmem>>)
    %dma_wait3A_126 = arith.constant 0 : i32
    %dma_wait3A_127 = arith.constant 0 : i32
    %dma_wait3A_128 = tpu.memref_slice %arg4[%arg1, %dma_wait3A_126, %dma_wait3A_127] : memref<16x200x256xi32, #tpu.memory_space<hbm>> -> memref<1x4x256xi32, #tpu.memory_space<hbm>>
    %dma_wait3A_129 = tpu.memref_squeeze %dma_wait3A_128 : memref<1x4x256xi32, #tpu.memory_space<hbm>> -> memref<4x256xi32, #tpu.memory_space<hbm>>
    %dma_wait3A_130 = arith.constant 0 : i32
    %dma_wait3A_131 = arith.constant 0 : i32
    %dma_wait3A_132 = tpu.memref_slice %arg4[%arg1, %dma_wait3A_130, %dma_wait3A_131] : memref<16x200x256xi32, #tpu.memory_space<hbm>> -> memref<1x4x256xi32, #tpu.memory_space<hbm>>
    %dma_wait3A_133 = tpu.memref_squeeze %dma_wait3A_132 : memref<1x4x256xi32, #tpu.memory_space<hbm>> -> memref<4x256xi32, #tpu.memory_space<hbm>>
    tpu.wait_dma2 semaphore(%arg16 : memref<!tpu.dma_semaphore, #tpu.memory_space<semaphore_mem>>) src(%dma_wait3A_133 : memref<4x256xi32, #tpu.memory_space<hbm>>) dst(%arg10 : memref<4x256xi32, #tpu.memory_space<vmem>>)
    %barrier3A_134 = arith.constant 0 : index
    tpu.barrier barrier_id(%barrier3A_134)
    %mul3A_135 = arith.constant 3128 : i32
    %mul3A_136 = arith.muli %arg1, %mul3A_135 : i32
    %mul3A_137 = arith.constant 3128 : i32
    %mul3A_138 = arith.muli %arg1, %mul3A_137 : i32
    "tpu.region"() ({
      %run_scoped3A = tpu.sem_alloc : memref<!tpu.dma_semaphore, #tpu.memory_space<semaphore_mem>>
      %dma_start3A_139 = arith.constant 0 : i32
      %dma_start3A_140 = tpu.memref_slice %arg5[%arg0, %mul3A_138, %dma_start3A_139] : memref<2x50048x32xf32, #tpu.memory_space<hbm>> -> memref<1x3128x32xf32, #tpu.memory_space<hbm>>
      %dma_start3A_141 = tpu.memref_squeeze %dma_start3A_140 : memref<1x3128x32xf32, #tpu.memory_space<hbm>> -> memref<3128x32xf32, #tpu.memory_space<hbm>>
      %dma_start3A_142 = arith.constant 0 : i32
      %dma_start3A_143 = tpu.memref_slice %arg6[%mul3A_136, %dma_start3A_142] : memref<50048x32xf32, #tpu.memory_space<vmem_shared>> -> memref<3128x32xf32, #tpu.memory_space<vmem_shared>>
      tpu.enqueue_dma source(%dma_start3A_143 : memref<3128x32xf32, #tpu.memory_space<vmem_shared>>) target(%dma_start3A_141 : memref<3128x32xf32, #tpu.memory_space<hbm>>) target_semaphore(%run_scoped3A : memref<!tpu.dma_semaphore, #tpu.memory_space<semaphore_mem>>)
      %dma_wait3A_144 = arith.constant 0 : i32
      %dma_wait3A_145 = tpu.memref_slice %arg5[%arg0, %mul3A_138, %dma_wait3A_144] : memref<2x50048x32xf32, #tpu.memory_space<hbm>> -> memref<1x3128x32xf32, #tpu.memory_space<hbm>>
      %dma_wait3A_146 = tpu.memref_squeeze %dma_wait3A_145 : memref<1x3128x32xf32, #tpu.memory_space<hbm>> -> memref<3128x32xf32, #tpu.memory_space<hbm>>
      %dma_wait3A_147 = arith.constant 0 : i32
      %dma_wait3A_148 = tpu.memref_slice %arg6[%mul3A_136, %dma_wait3A_147] : memref<50048x32xf32, #tpu.memory_space<vmem_shared>> -> memref<3128x32xf32, #tpu.memory_space<vmem_shared>>
      tpu.wait_dma2 semaphore(%run_scoped3A : memref<!tpu.dma_semaphore, #tpu.memory_space<semaphore_mem>>) src(%dma_wait3A_148 : memref<3128x32xf32, #tpu.memory_space<vmem_shared>>) dst(%dma_wait3A_146 : memref<3128x32xf32, #tpu.memory_space<hbm>>)
      tpu.yield
    }) : () -> ()
    return
  }
}

#map = affine_map<(d0, d1) -> (0, 0)>
#map1 = affine_map<(d0, d1) -> (0, 0, 0, 0)>
#map2 = affine_map<(d0, d1) -> (0, 0, 0)>
module attributes {stable_mosaic.version = 14 : i64} {
  func.func @gin_sc_agg(%arg0: i32, %arg1: i32, %arg2: memref<100000x32xf32, #tpu.memory_space<hbm>>, %arg3: memref<2x16x200x256xi32, #tpu.memory_space<hbm>>, %arg4: memref<16x200x256xi32, #tpu.memory_space<hbm>>, %arg5: memref<2x50048x32xf32, #tpu.memory_space<hbm>>, %arg6: memref<50048x32xf32, #tpu.memory_space<vmem_shared>>, %arg7: memref<4x256xi32, #tpu.memory_space<vmem>>, %arg8: memref<4x256xi32, #tpu.memory_space<vmem>>, %arg9: memref<4x256xi32, #tpu.memory_space<vmem>>, %arg10: memref<4x256xi32, #tpu.memory_space<vmem>>, %arg11: memref<256x32xf32, #tpu.memory_space<vmem>>, %arg12: memref<256x32xf32, #tpu.memory_space<vmem>>, %arg13: memref<!tpu.dma_semaphore, #tpu.memory_space<semaphore_mem>>, %arg14: memref<!tpu.dma_semaphore, #tpu.memory_space<semaphore_mem>>, %arg15: memref<!tpu.dma_semaphore, #tpu.memory_space<semaphore_mem>>, %arg16: memref<!tpu.dma_semaphore, #tpu.memory_space<semaphore_mem>>, %arg17: memref<!tpu.dma_semaphore, #tpu.memory_space<semaphore_mem>>, %arg18: memref<!tpu.dma_semaphore, #tpu.memory_space<semaphore_mem>>, %arg19: memref<!tpu.dma_semaphore, #tpu.memory_space<semaphore_mem>>, %arg20: memref<!tpu.dma_semaphore, #tpu.memory_space<semaphore_mem>>) attributes {dimension_semantics = [#tpu.dimension_semantics<core_parallel>, #tpu.dimension_semantics<subcore_parallel>], iteration_bounds = array<i64: 2, 16>, scalar_prefetch = 0 : i64, scratch_operands = 15 : i64, tpu.core_type = #tpu.core_type<sc_vector_subcore>, window_params = [{transform_indices = #map}, {transform_indices = #map1}, {transform_indices = #map2}, {transform_indices = #map2}]} {
    %broadcast_in_dim3A = arith.constant 0.000000e+00 : f32
    %broadcast_in_dim3A_0 = vector.broadcast %broadcast_in_dim3A : f32 to vector<16xf32>
    %scan3A = arith.constant 0 : i32
    %scan3A_1 = arith.constant 0 : i32
    %scan3A_2 = arith.constant 256 : i32
    %scan3A_3 = arith.addi %scan3A_1, %scan3A_2 : i32
    %scan3A_4 = arith.constant 1 : i32
    scf.for %scan3A_139 = %scan3A_1 to %scan3A_3 step %scan3A_4  : i32 {
      %swap3A = arith.index_cast %scan3A_139 : i32 to index
      %swap3A_140 = arith.constant 0 : index
      %swap3A_141 = tpu.vector_load %arg11[%swap3A, %swap3A_140] {strides = array<i32>} : memref<256x32xf32, #tpu.memory_space<vmem>>, vector<1x16xf32>,
      %swap3A_142 = vector.shape_cast %swap3A_141 : vector<1x16xf32> to vector<16xf32>
      %swap3A_143 = vector.shape_cast %broadcast_in_dim3A_0 : vector<16xf32> to vector<1x16xf32>
      tpu.vector_store %arg11[%swap3A, %swap3A_140], %swap3A_143 {strides = array<i32>} : memref<256x32xf32, #tpu.memory_space<vmem>>, vector<1x16xf32>,
      %swap3A_144 = arith.index_cast %scan3A_139 : i32 to index
      %swap3A_145 = arith.constant 16 : index
      %swap3A_146 = tpu.vector_load %arg11[%swap3A_144, %swap3A_145] {strides = array<i32>} : memref<256x32xf32, #tpu.memory_space<vmem>>, vector<1x16xf32>,
      %swap3A_147 = vector.shape_cast %swap3A_146 : vector<1x16xf32> to vector<16xf32>
      %swap3A_148 = vector.shape_cast %broadcast_in_dim3A_0 : vector<16xf32> to vector<1x16xf32>
      tpu.vector_store %arg11[%swap3A_144, %swap3A_145], %swap3A_148 {strides = array<i32>} : memref<256x32xf32, #tpu.memory_space<vmem>>, vector<1x16xf32>,
    }
    %scan3A_5 = arith.constant 256 : i32
    %mul3A = arith.constant 3128 : i32
    %mul3A_6 = arith.muli %arg1, %mul3A : i32
    %add3A = arith.constant 0 : i32
    %add3A_7 = arith.addi %mul3A_6, %add3A : i32
    "tpu.region"() ({
      %run_scoped3A = tpu.sem_alloc : memref<!tpu.dma_semaphore, #tpu.memory_space<semaphore_mem>>
      %dma_start3A_139 = arith.constant 0 : i32
      %dma_start3A_140 = tpu.memref_slice %arg6[%add3A_7, %dma_start3A_139] : memref<50048x32xf32, #tpu.memory_space<vmem_shared>> -> memref<256x32xf32, #tpu.memory_space<vmem_shared>>
      %dma_start3A_141 = arith.constant 0 : i32
      %dma_start3A_142 = tpu.memref_slice %arg6[%add3A_7, %dma_start3A_141] : memref<50048x32xf32, #tpu.memory_space<vmem_shared>> -> memref<256x32xf32, #tpu.memory_space<vmem_shared>>
      tpu.enqueue_dma source(%arg11 : memref<256x32xf32, #tpu.memory_space<vmem>>) target(%dma_start3A_142 : memref<256x32xf32, #tpu.memory_space<vmem_shared>>) target_semaphore(%run_scoped3A : memref<!tpu.dma_semaphore, #tpu.memory_space<semaphore_mem>>)
      %dma_wait3A_143 = arith.constant 0 : i32
      %dma_wait3A_144 = tpu.memref_slice %arg6[%add3A_7, %dma_wait3A_143] : memref<50048x32xf32, #tpu.memory_space<vmem_shared>> -> memref<256x32xf32, #tpu.memory_space<vmem_shared>>
      %dma_wait3A_145 = arith.constant 0 : i32
      %dma_wait3A_146 = tpu.memref_slice %arg6[%add3A_7, %dma_wait3A_145] : memref<50048x32xf32, #tpu.memory_space<vmem_shared>> -> memref<256x32xf32, #tpu.memory_space<vmem_shared>>
      tpu.wait_dma2 semaphore(%run_scoped3A : memref<!tpu.dma_semaphore, #tpu.memory_space<semaphore_mem>>) src(%arg11 : memref<256x32xf32, #tpu.memory_space<vmem>>) dst(%dma_wait3A_146 : memref<256x32xf32, #tpu.memory_space<vmem_shared>>)
      tpu.yield
    }) : () -> ()
    %add3A_8 = arith.constant 256 : i32
    %add3A_9 = arith.addi %mul3A_6, %add3A_8 : i32
    "tpu.region"() ({
      %run_scoped3A = tpu.sem_alloc : memref<!tpu.dma_semaphore, #tpu.memory_space<semaphore_mem>>
      %dma_start3A_139 = arith.constant 0 : i32
      %dma_start3A_140 = tpu.memref_slice %arg6[%add3A_9, %dma_start3A_139] : memref<50048x32xf32, #tpu.memory_space<vmem_shared>> -> memref<256x32xf32, #tpu.memory_space<vmem_shared>>
      %dma_start3A_141 = arith.constant 0 : i32
      %dma_start3A_142 = tpu.memref_slice %arg6[%add3A_9, %dma_start3A_141] : memref<50048x32xf32, #tpu.memory_space<vmem_shared>> -> memref<256x32xf32, #tpu.memory_space<vmem_shared>>
      tpu.enqueue_dma source(%arg11 : memref<256x32xf32, #tpu.memory_space<vmem>>) target(%dma_start3A_142 : memref<256x32xf32, #tpu.memory_space<vmem_shared>>) target_semaphore(%run_scoped3A : memref<!tpu.dma_semaphore, #tpu.memory_space<semaphore_mem>>)
      %dma_wait3A_143 = arith.constant 0 : i32
      %dma_wait3A_144 = tpu.memref_slice %arg6[%add3A_9, %dma_wait3A_143] : memref<50048x32xf32, #tpu.memory_space<vmem_shared>> -> memref<256x32xf32, #tpu.memory_space<vmem_shared>>
      %dma_wait3A_145 = arith.constant 0 : i32
      %dma_wait3A_146 = tpu.memref_slice %arg6[%add3A_9, %dma_wait3A_145] : memref<50048x32xf32, #tpu.memory_space<vmem_shared>> -> memref<256x32xf32, #tpu.memory_space<vmem_shared>>
      tpu.wait_dma2 semaphore(%run_scoped3A : memref<!tpu.dma_semaphore, #tpu.memory_space<semaphore_mem>>) src(%arg11 : memref<256x32xf32, #tpu.memory_space<vmem>>) dst(%dma_wait3A_146 : memref<256x32xf32, #tpu.memory_space<vmem_shared>>)
      tpu.yield
    }) : () -> ()
    %add3A_10 = arith.constant 512 : i32
    %add3A_11 = arith.addi %mul3A_6, %add3A_10 : i32
    "tpu.region"() ({
      %run_scoped3A = tpu.sem_alloc : memref<!tpu.dma_semaphore, #tpu.memory_space<semaphore_mem>>
      %dma_start3A_139 = arith.constant 0 : i32
      %dma_start3A_140 = tpu.memref_slice %arg6[%add3A_11, %dma_start3A_139] : memref<50048x32xf32, #tpu.memory_space<vmem_shared>> -> memref<256x32xf32, #tpu.memory_space<vmem_shared>>
      %dma_start3A_141 = arith.constant 0 : i32
      %dma_start3A_142 = tpu.memref_slice %arg6[%add3A_11, %dma_start3A_141] : memref<50048x32xf32, #tpu.memory_space<vmem_shared>> -> memref<256x32xf32, #tpu.memory_space<vmem_shared>>
      tpu.enqueue_dma source(%arg11 : memref<256x32xf32, #tpu.memory_space<vmem>>) target(%dma_start3A_142 : memref<256x32xf32, #tpu.memory_space<vmem_shared>>) target_semaphore(%run_scoped3A : memref<!tpu.dma_semaphore, #tpu.memory_space<semaphore_mem>>)
      %dma_wait3A_143 = arith.constant 0 : i32
      %dma_wait3A_144 = tpu.memref_slice %arg6[%add3A_11, %dma_wait3A_143] : memref<50048x32xf32, #tpu.memory_space<vmem_shared>> -> memref<256x32xf32, #tpu.memory_space<vmem_shared>>
      %dma_wait3A_145 = arith.constant 0 : i32
      %dma_wait3A_146 = tpu.memref_slice %arg6[%add3A_11, %dma_wait3A_145] : memref<50048x32xf32, #tpu.memory_space<vmem_shared>> -> memref<256x32xf32, #tpu.memory_space<vmem_shared>>
      tpu.wait_dma2 semaphore(%run_scoped3A : memref<!tpu.dma_semaphore, #tpu.memory_space<semaphore_mem>>) src(%arg11 : memref<256x32xf32, #tpu.memory_space<vmem>>) dst(%dma_wait3A_146 : memref<256x32xf32, #tpu.memory_space<vmem_shared>>)
      tpu.yield
    }) : () -> ()
    %add3A_12 = arith.constant 768 : i32
    %add3A_13 = arith.addi %mul3A_6, %add3A_12 : i32
    "tpu.region"() ({
      %run_scoped3A = tpu.sem_alloc : memref<!tpu.dma_semaphore, #tpu.memory_space<semaphore_mem>>
      %dma_start3A_139 = arith.constant 0 : i32
      %dma_start3A_140 = tpu.memref_slice %arg6[%add3A_13, %dma_start3A_139] : memref<50048x32xf32, #tpu.memory_space<vmem_shared>> -> memref<256x32xf32, #tpu.memory_space<vmem_shared>>
      %dma_start3A_141 = arith.constant 0 : i32
      %dma_start3A_142 = tpu.memref_slice %arg6[%add3A_13, %dma_start3A_141] : memref<50048x32xf32, #tpu.memory_space<vmem_shared>> -> memref<256x32xf32, #tpu.memory_space<vmem_shared>>
      tpu.enqueue_dma source(%arg11 : memref<256x32xf32, #tpu.memory_space<vmem>>) target(%dma_start3A_142 : memref<256x32xf32, #tpu.memory_space<vmem_shared>>) target_semaphore(%run_scoped3A : memref<!tpu.dma_semaphore, #tpu.memory_space<semaphore_mem>>)
      %dma_wait3A_143 = arith.constant 0 : i32
      %dma_wait3A_144 = tpu.memref_slice %arg6[%add3A_13, %dma_wait3A_143] : memref<50048x32xf32, #tpu.memory_space<vmem_shared>> -> memref<256x32xf32, #tpu.memory_space<vmem_shared>>
      %dma_wait3A_145 = arith.constant 0 : i32
      %dma_wait3A_146 = tpu.memref_slice %arg6[%add3A_13, %dma_wait3A_145] : memref<50048x32xf32, #tpu.memory_space<vmem_shared>> -> memref<256x32xf32, #tpu.memory_space<vmem_shared>>
      tpu.wait_dma2 semaphore(%run_scoped3A : memref<!tpu.dma_semaphore, #tpu.memory_space<semaphore_mem>>) src(%arg11 : memref<256x32xf32, #tpu.memory_space<vmem>>) dst(%dma_wait3A_146 : memref<256x32xf32, #tpu.memory_space<vmem_shared>>)
      tpu.yield
    }) : () -> ()
    %add3A_14 = arith.constant 1024 : i32
    %add3A_15 = arith.addi %mul3A_6, %add3A_14 : i32
    "tpu.region"() ({
      %run_scoped3A = tpu.sem_alloc : memref<!tpu.dma_semaphore, #tpu.memory_space<semaphore_mem>>
      %dma_start3A_139 = arith.constant 0 : i32
      %dma_start3A_140 = tpu.memref_slice %arg6[%add3A_15, %dma_start3A_139] : memref<50048x32xf32, #tpu.memory_space<vmem_shared>> -> memref<256x32xf32, #tpu.memory_space<vmem_shared>>
      %dma_start3A_141 = arith.constant 0 : i32
      %dma_start3A_142 = tpu.memref_slice %arg6[%add3A_15, %dma_start3A_141] : memref<50048x32xf32, #tpu.memory_space<vmem_shared>> -> memref<256x32xf32, #tpu.memory_space<vmem_shared>>
      tpu.enqueue_dma source(%arg11 : memref<256x32xf32, #tpu.memory_space<vmem>>) target(%dma_start3A_142 : memref<256x32xf32, #tpu.memory_space<vmem_shared>>) target_semaphore(%run_scoped3A : memref<!tpu.dma_semaphore, #tpu.memory_space<semaphore_mem>>)
      %dma_wait3A_143 = arith.constant 0 : i32
      %dma_wait3A_144 = tpu.memref_slice %arg6[%add3A_15, %dma_wait3A_143] : memref<50048x32xf32, #tpu.memory_space<vmem_shared>> -> memref<256x32xf32, #tpu.memory_space<vmem_shared>>
      %dma_wait3A_145 = arith.constant 0 : i32
      %dma_wait3A_146 = tpu.memref_slice %arg6[%add3A_15, %dma_wait3A_145] : memref<50048x32xf32, #tpu.memory_space<vmem_shared>> -> memref<256x32xf32, #tpu.memory_space<vmem_shared>>
      tpu.wait_dma2 semaphore(%run_scoped3A : memref<!tpu.dma_semaphore, #tpu.memory_space<semaphore_mem>>) src(%arg11 : memref<256x32xf32, #tpu.memory_space<vmem>>) dst(%dma_wait3A_146 : memref<256x32xf32, #tpu.memory_space<vmem_shared>>)
      tpu.yield
    }) : () -> ()
    %add3A_16 = arith.constant 1280 : i32
    %add3A_17 = arith.addi %mul3A_6, %add3A_16 : i32
    "tpu.region"() ({
      %run_scoped3A = tpu.sem_alloc : memref<!tpu.dma_semaphore, #tpu.memory_space<semaphore_mem>>
      %dma_start3A_139 = arith.constant 0 : i32
      %dma_start3A_140 = tpu.memref_slice %arg6[%add3A_17, %dma_start3A_139] : memref<50048x32xf32, #tpu.memory_space<vmem_shared>> -> memref<256x32xf32, #tpu.memory_space<vmem_shared>>
      %dma_start3A_141 = arith.constant 0 : i32
      %dma_start3A_142 = tpu.memref_slice %arg6[%add3A_17, %dma_start3A_141] : memref<50048x32xf32, #tpu.memory_space<vmem_shared>> -> memref<256x32xf32, #tpu.memory_space<vmem_shared>>
      tpu.enqueue_dma source(%arg11 : memref<256x32xf32, #tpu.memory_space<vmem>>) target(%dma_start3A_142 : memref<256x32xf32, #tpu.memory_space<vmem_shared>>) target_semaphore(%run_scoped3A : memref<!tpu.dma_semaphore, #tpu.memory_space<semaphore_mem>>)
      %dma_wait3A_143 = arith.constant 0 : i32
      %dma_wait3A_144 = tpu.memref_slice %arg6[%add3A_17, %dma_wait3A_143] : memref<50048x32xf32, #tpu.memory_space<vmem_shared>> -> memref<256x32xf32, #tpu.memory_space<vmem_shared>>
      %dma_wait3A_145 = arith.constant 0 : i32
      %dma_wait3A_146 = tpu.memref_slice %arg6[%add3A_17, %dma_wait3A_145] : memref<50048x32xf32, #tpu.memory_space<vmem_shared>> -> memref<256x32xf32, #tpu.memory_space<vmem_shared>>
      tpu.wait_dma2 semaphore(%run_scoped3A : memref<!tpu.dma_semaphore, #tpu.memory_space<semaphore_mem>>) src(%arg11 : memref<256x32xf32, #tpu.memory_space<vmem>>) dst(%dma_wait3A_146 : memref<256x32xf32, #tpu.memory_space<vmem_shared>>)
      tpu.yield
    }) : () -> ()
    %add3A_18 = arith.constant 1536 : i32
    %add3A_19 = arith.addi %mul3A_6, %add3A_18 : i32
    "tpu.region"() ({
      %run_scoped3A = tpu.sem_alloc : memref<!tpu.dma_semaphore, #tpu.memory_space<semaphore_mem>>
      %dma_start3A_139 = arith.constant 0 : i32
      %dma_start3A_140 = tpu.memref_slice %arg6[%add3A_19, %dma_start3A_139] : memref<50048x32xf32, #tpu.memory_space<vmem_shared>> -> memref<256x32xf32, #tpu.memory_space<vmem_shared>>
      %dma_start3A_141 = arith.constant 0 : i32
      %dma_start3A_142 = tpu.memref_slice %arg6[%add3A_19, %dma_start3A_141] : memref<50048x32xf32, #tpu.memory_space<vmem_shared>> -> memref<256x32xf32, #tpu.memory_space<vmem_shared>>
      tpu.enqueue_dma source(%arg11 : memref<256x32xf32, #tpu.memory_space<vmem>>) target(%dma_start3A_142 : memref<256x32xf32, #tpu.memory_space<vmem_shared>>) target_semaphore(%run_scoped3A : memref<!tpu.dma_semaphore, #tpu.memory_space<semaphore_mem>>)
      %dma_wait3A_143 = arith.constant 0 : i32
      %dma_wait3A_144 = tpu.memref_slice %arg6[%add3A_19, %dma_wait3A_143] : memref<50048x32xf32, #tpu.memory_space<vmem_shared>> -> memref<256x32xf32, #tpu.memory_space<vmem_shared>>
      %dma_wait3A_145 = arith.constant 0 : i32
      %dma_wait3A_146 = tpu.memref_slice %arg6[%add3A_19, %dma_wait3A_145] : memref<50048x32xf32, #tpu.memory_space<vmem_shared>> -> memref<256x32xf32, #tpu.memory_space<vmem_shared>>
      tpu.wait_dma2 semaphore(%run_scoped3A : memref<!tpu.dma_semaphore, #tpu.memory_space<semaphore_mem>>) src(%arg11 : memref<256x32xf32, #tpu.memory_space<vmem>>) dst(%dma_wait3A_146 : memref<256x32xf32, #tpu.memory_space<vmem_shared>>)
      tpu.yield
    }) : () -> ()
    %add3A_20 = arith.constant 1792 : i32
    %add3A_21 = arith.addi %mul3A_6, %add3A_20 : i32
    "tpu.region"() ({
      %run_scoped3A = tpu.sem_alloc : memref<!tpu.dma_semaphore, #tpu.memory_space<semaphore_mem>>
      %dma_start3A_139 = arith.constant 0 : i32
      %dma_start3A_140 = tpu.memref_slice %arg6[%add3A_21, %dma_start3A_139] : memref<50048x32xf32, #tpu.memory_space<vmem_shared>> -> memref<256x32xf32, #tpu.memory_space<vmem_shared>>
      %dma_start3A_141 = arith.constant 0 : i32
      %dma_start3A_142 = tpu.memref_slice %arg6[%add3A_21, %dma_start3A_141] : memref<50048x32xf32, #tpu.memory_space<vmem_shared>> -> memref<256x32xf32, #tpu.memory_space<vmem_shared>>
      tpu.enqueue_dma source(%arg11 : memref<256x32xf32, #tpu.memory_space<vmem>>) target(%dma_start3A_142 : memref<256x32xf32, #tpu.memory_space<vmem_shared>>) target_semaphore(%run_scoped3A : memref<!tpu.dma_semaphore, #tpu.memory_space<semaphore_mem>>)
      %dma_wait3A_143 = arith.constant 0 : i32
      %dma_wait3A_144 = tpu.memref_slice %arg6[%add3A_21, %dma_wait3A_143] : memref<50048x32xf32, #tpu.memory_space<vmem_shared>> -> memref<256x32xf32, #tpu.memory_space<vmem_shared>>
      %dma_wait3A_145 = arith.constant 0 : i32
      %dma_wait3A_146 = tpu.memref_slice %arg6[%add3A_21, %dma_wait3A_145] : memref<50048x32xf32, #tpu.memory_space<vmem_shared>> -> memref<256x32xf32, #tpu.memory_space<vmem_shared>>
      tpu.wait_dma2 semaphore(%run_scoped3A : memref<!tpu.dma_semaphore, #tpu.memory_space<semaphore_mem>>) src(%arg11 : memref<256x32xf32, #tpu.memory_space<vmem>>) dst(%dma_wait3A_146 : memref<256x32xf32, #tpu.memory_space<vmem_shared>>)
      tpu.yield
    }) : () -> ()
    %add3A_22 = arith.constant 2048 : i32
    %add3A_23 = arith.addi %mul3A_6, %add3A_22 : i32
    "tpu.region"() ({
      %run_scoped3A = tpu.sem_alloc : memref<!tpu.dma_semaphore, #tpu.memory_space<semaphore_mem>>
      %dma_start3A_139 = arith.constant 0 : i32
      %dma_start3A_140 = tpu.memref_slice %arg6[%add3A_23, %dma_start3A_139] : memref<50048x32xf32, #tpu.memory_space<vmem_shared>> -> memref<256x32xf32, #tpu.memory_space<vmem_shared>>
      %dma_start3A_141 = arith.constant 0 : i32
      %dma_start3A_142 = tpu.memref_slice %arg6[%add3A_23, %dma_start3A_141] : memref<50048x32xf32, #tpu.memory_space<vmem_shared>> -> memref<256x32xf32, #tpu.memory_space<vmem_shared>>
      tpu.enqueue_dma source(%arg11 : memref<256x32xf32, #tpu.memory_space<vmem>>) target(%dma_start3A_142 : memref<256x32xf32, #tpu.memory_space<vmem_shared>>) target_semaphore(%run_scoped3A : memref<!tpu.dma_semaphore, #tpu.memory_space<semaphore_mem>>)
      %dma_wait3A_143 = arith.constant 0 : i32
      %dma_wait3A_144 = tpu.memref_slice %arg6[%add3A_23, %dma_wait3A_143] : memref<50048x32xf32, #tpu.memory_space<vmem_shared>> -> memref<256x32xf32, #tpu.memory_space<vmem_shared>>
      %dma_wait3A_145 = arith.constant 0 : i32
      %dma_wait3A_146 = tpu.memref_slice %arg6[%add3A_23, %dma_wait3A_145] : memref<50048x32xf32, #tpu.memory_space<vmem_shared>> -> memref<256x32xf32, #tpu.memory_space<vmem_shared>>
      tpu.wait_dma2 semaphore(%run_scoped3A : memref<!tpu.dma_semaphore, #tpu.memory_space<semaphore_mem>>) src(%arg11 : memref<256x32xf32, #tpu.memory_space<vmem>>) dst(%dma_wait3A_146 : memref<256x32xf32, #tpu.memory_space<vmem_shared>>)
      tpu.yield
    }) : () -> ()
    %add3A_24 = arith.constant 2304 : i32
    %add3A_25 = arith.addi %mul3A_6, %add3A_24 : i32
    "tpu.region"() ({
      %run_scoped3A = tpu.sem_alloc : memref<!tpu.dma_semaphore, #tpu.memory_space<semaphore_mem>>
      %dma_start3A_139 = arith.constant 0 : i32
      %dma_start3A_140 = tpu.memref_slice %arg6[%add3A_25, %dma_start3A_139] : memref<50048x32xf32, #tpu.memory_space<vmem_shared>> -> memref<256x32xf32, #tpu.memory_space<vmem_shared>>
      %dma_start3A_141 = arith.constant 0 : i32
      %dma_start3A_142 = tpu.memref_slice %arg6[%add3A_25, %dma_start3A_141] : memref<50048x32xf32, #tpu.memory_space<vmem_shared>> -> memref<256x32xf32, #tpu.memory_space<vmem_shared>>
      tpu.enqueue_dma source(%arg11 : memref<256x32xf32, #tpu.memory_space<vmem>>) target(%dma_start3A_142 : memref<256x32xf32, #tpu.memory_space<vmem_shared>>) target_semaphore(%run_scoped3A : memref<!tpu.dma_semaphore, #tpu.memory_space<semaphore_mem>>)
      %dma_wait3A_143 = arith.constant 0 : i32
      %dma_wait3A_144 = tpu.memref_slice %arg6[%add3A_25, %dma_wait3A_143] : memref<50048x32xf32, #tpu.memory_space<vmem_shared>> -> memref<256x32xf32, #tpu.memory_space<vmem_shared>>
      %dma_wait3A_145 = arith.constant 0 : i32
      %dma_wait3A_146 = tpu.memref_slice %arg6[%add3A_25, %dma_wait3A_145] : memref<50048x32xf32, #tpu.memory_space<vmem_shared>> -> memref<256x32xf32, #tpu.memory_space<vmem_shared>>
      tpu.wait_dma2 semaphore(%run_scoped3A : memref<!tpu.dma_semaphore, #tpu.memory_space<semaphore_mem>>) src(%arg11 : memref<256x32xf32, #tpu.memory_space<vmem>>) dst(%dma_wait3A_146 : memref<256x32xf32, #tpu.memory_space<vmem_shared>>)
      tpu.yield
    }) : () -> ()
    %add3A_26 = arith.constant 2560 : i32
    %add3A_27 = arith.addi %mul3A_6, %add3A_26 : i32
    "tpu.region"() ({
      %run_scoped3A = tpu.sem_alloc : memref<!tpu.dma_semaphore, #tpu.memory_space<semaphore_mem>>
      %dma_start3A_139 = arith.constant 0 : i32
      %dma_start3A_140 = tpu.memref_slice %arg6[%add3A_27, %dma_start3A_139] : memref<50048x32xf32, #tpu.memory_space<vmem_shared>> -> memref<256x32xf32, #tpu.memory_space<vmem_shared>>
      %dma_start3A_141 = arith.constant 0 : i32
      %dma_start3A_142 = tpu.memref_slice %arg6[%add3A_27, %dma_start3A_141] : memref<50048x32xf32, #tpu.memory_space<vmem_shared>> -> memref<256x32xf32, #tpu.memory_space<vmem_shared>>
      tpu.enqueue_dma source(%arg11 : memref<256x32xf32, #tpu.memory_space<vmem>>) target(%dma_start3A_142 : memref<256x32xf32, #tpu.memory_space<vmem_shared>>) target_semaphore(%run_scoped3A : memref<!tpu.dma_semaphore, #tpu.memory_space<semaphore_mem>>)
      %dma_wait3A_143 = arith.constant 0 : i32
      %dma_wait3A_144 = tpu.memref_slice %arg6[%add3A_27, %dma_wait3A_143] : memref<50048x32xf32, #tpu.memory_space<vmem_shared>> -> memref<256x32xf32, #tpu.memory_space<vmem_shared>>
      %dma_wait3A_145 = arith.constant 0 : i32
      %dma_wait3A_146 = tpu.memref_slice %arg6[%add3A_27, %dma_wait3A_145] : memref<50048x32xf32, #tpu.memory_space<vmem_shared>> -> memref<256x32xf32, #tpu.memory_space<vmem_shared>>
      tpu.wait_dma2 semaphore(%run_scoped3A : memref<!tpu.dma_semaphore, #tpu.memory_space<semaphore_mem>>) src(%arg11 : memref<256x32xf32, #tpu.memory_space<vmem>>) dst(%dma_wait3A_146 : memref<256x32xf32, #tpu.memory_space<vmem_shared>>)
      tpu.yield
    }) : () -> ()
    %add3A_28 = arith.constant 2816 : i32
    %add3A_29 = arith.addi %mul3A_6, %add3A_28 : i32
    "tpu.region"() ({
      %run_scoped3A = tpu.sem_alloc : memref<!tpu.dma_semaphore, #tpu.memory_space<semaphore_mem>>
      %dma_start3A_139 = arith.constant 0 : i32
      %dma_start3A_140 = tpu.memref_slice %arg6[%add3A_29, %dma_start3A_139] : memref<50048x32xf32, #tpu.memory_space<vmem_shared>> -> memref<256x32xf32, #tpu.memory_space<vmem_shared>>
      %dma_start3A_141 = arith.constant 0 : i32
      %dma_start3A_142 = tpu.memref_slice %arg6[%add3A_29, %dma_start3A_141] : memref<50048x32xf32, #tpu.memory_space<vmem_shared>> -> memref<256x32xf32, #tpu.memory_space<vmem_shared>>
      tpu.enqueue_dma source(%arg11 : memref<256x32xf32, #tpu.memory_space<vmem>>) target(%dma_start3A_142 : memref<256x32xf32, #tpu.memory_space<vmem_shared>>) target_semaphore(%run_scoped3A : memref<!tpu.dma_semaphore, #tpu.memory_space<semaphore_mem>>)
      %dma_wait3A_143 = arith.constant 0 : i32
      %dma_wait3A_144 = tpu.memref_slice %arg6[%add3A_29, %dma_wait3A_143] : memref<50048x32xf32, #tpu.memory_space<vmem_shared>> -> memref<256x32xf32, #tpu.memory_space<vmem_shared>>
      %dma_wait3A_145 = arith.constant 0 : i32
      %dma_wait3A_146 = tpu.memref_slice %arg6[%add3A_29, %dma_wait3A_145] : memref<50048x32xf32, #tpu.memory_space<vmem_shared>> -> memref<256x32xf32, #tpu.memory_space<vmem_shared>>
      tpu.wait_dma2 semaphore(%run_scoped3A : memref<!tpu.dma_semaphore, #tpu.memory_space<semaphore_mem>>) src(%arg11 : memref<256x32xf32, #tpu.memory_space<vmem>>) dst(%dma_wait3A_146 : memref<256x32xf32, #tpu.memory_space<vmem_shared>>)
      tpu.yield
    }) : () -> ()
    %add3A_30 = arith.constant 3128 : i32
    %add3A_31 = arith.addi %mul3A_6, %add3A_30 : i32
    %sub3A = arith.constant 56 : i32
    %sub3A_32 = arith.subi %add3A_31, %sub3A : i32
    "tpu.region"() ({
      %run_scoped3A = tpu.sem_alloc : memref<!tpu.dma_semaphore, #tpu.memory_space<semaphore_mem>>
      %dma_start3A_139 = arith.constant 0 : i32
      %dma_start3A_140 = arith.constant 0 : i32
      %dma_start3A_141 = tpu.memref_slice %arg11[%dma_start3A_139, %dma_start3A_140] : memref<256x32xf32, #tpu.memory_space<vmem>> -> memref<56x32xf32, #tpu.memory_space<vmem>>
      %dma_start3A_142 = arith.constant 0 : i32
      %dma_start3A_143 = tpu.memref_slice %arg6[%sub3A_32, %dma_start3A_142] : memref<50048x32xf32, #tpu.memory_space<vmem_shared>> -> memref<56x32xf32, #tpu.memory_space<vmem_shared>>
      %dma_start3A_144 = arith.constant 0 : i32
      %dma_start3A_145 = tpu.memref_slice %arg6[%sub3A_32, %dma_start3A_144] : memref<50048x32xf32, #tpu.memory_space<vmem_shared>> -> memref<56x32xf32, #tpu.memory_space<vmem_shared>>
      %dma_start3A_146 = arith.constant 0 : i32
      %dma_start3A_147 = arith.constant 0 : i32
      %dma_start3A_148 = tpu.memref_slice %arg11[%dma_start3A_146, %dma_start3A_147] : memref<256x32xf32, #tpu.memory_space<vmem>> -> memref<56x32xf32, #tpu.memory_space<vmem>>
      tpu.enqueue_dma source(%dma_start3A_148 : memref<56x32xf32, #tpu.memory_space<vmem>>) target(%dma_start3A_145 : memref<56x32xf32, #tpu.memory_space<vmem_shared>>) target_semaphore(%run_scoped3A : memref<!tpu.dma_semaphore, #tpu.memory_space<semaphore_mem>>)
      %dma_wait3A_149 = arith.constant 0 : i32
      %dma_wait3A_150 = arith.constant 0 : i32
      %dma_wait3A_151 = tpu.memref_slice %arg11[%dma_wait3A_149, %dma_wait3A_150] : memref<256x32xf32, #tpu.memory_space<vmem>> -> memref<56x32xf32, #tpu.memory_space<vmem>>
      %dma_wait3A_152 = arith.constant 0 : i32
      %dma_wait3A_153 = tpu.memref_slice %arg6[%sub3A_32, %dma_wait3A_152] : memref<50048x32xf32, #tpu.memory_space<vmem_shared>> -> memref<56x32xf32, #tpu.memory_space<vmem_shared>>
      %dma_wait3A_154 = arith.constant 0 : i32
      %dma_wait3A_155 = tpu.memref_slice %arg6[%sub3A_32, %dma_wait3A_154] : memref<50048x32xf32, #tpu.memory_space<vmem_shared>> -> memref<56x32xf32, #tpu.memory_space<vmem_shared>>
      %dma_wait3A_156 = arith.constant 0 : i32
      %dma_wait3A_157 = arith.constant 0 : i32
      %dma_wait3A_158 = tpu.memref_slice %arg11[%dma_wait3A_156, %dma_wait3A_157] : memref<256x32xf32, #tpu.memory_space<vmem>> -> memref<56x32xf32, #tpu.memory_space<vmem>>
      tpu.wait_dma2 semaphore(%run_scoped3A : memref<!tpu.dma_semaphore, #tpu.memory_space<semaphore_mem>>) src(%dma_wait3A_158 : memref<56x32xf32, #tpu.memory_space<vmem>>) dst(%dma_wait3A_155 : memref<56x32xf32, #tpu.memory_space<vmem_shared>>)
      tpu.yield
    }) : () -> ()
    %min3A = arith.constant 0 : i32
    %min3A_33 = arith.constant 49 : i32
    %min3A_34 = arith.minsi %min3A, %min3A_33 : i32
    %mul3A_35 = arith.constant 4 : i32
    %mul3A_36 = arith.muli %min3A_34, %mul3A_35 : i32
    %dma_start3A = arith.constant 0 : i32
    %dma_start3A_37 = tpu.memref_slice %arg3[%arg0, %arg1, %mul3A_36, %dma_start3A] : memref<2x16x200x256xi32, #tpu.memory_space<hbm>> -> memref<1x1x4x256xi32, #tpu.memory_space<hbm>>
    %dma_start3A_38 = tpu.memref_squeeze %dma_start3A_37 : memref<1x1x4x256xi32, #tpu.memory_space<hbm>> -> memref<4x256xi32, #tpu.memory_space<hbm>>
    %dma_start3A_39 = arith.constant 0 : i32
    %dma_start3A_40 = tpu.memref_slice %arg3[%arg0, %arg1, %mul3A_36, %dma_start3A_39] : memref<2x16x200x256xi32, #tpu.memory_space<hbm>> -> memref<1x1x4x256xi32, #tpu.memory_space<hbm>>
    %dma_start3A_41 = tpu.memref_squeeze %dma_start3A_40 : memref<1x1x4x256xi32, #tpu.memory_space<hbm>> -> memref<4x256xi32, #tpu.memory_space<hbm>>
    tpu.enqueue_dma source(%dma_start3A_41 : memref<4x256xi32, #tpu.memory_space<hbm>>) target(%arg7 : memref<4x256xi32, #tpu.memory_space<vmem>>) target_semaphore(%arg13 : memref<!tpu.dma_semaphore, #tpu.memory_space<semaphore_mem>>)
    %mul3A_42 = arith.constant 4 : i32
    %mul3A_43 = arith.muli %min3A_34, %mul3A_42 : i32
    %dma_start3A_44 = arith.constant 0 : i32
    %dma_start3A_45 = tpu.memref_slice %arg4[%arg1, %mul3A_43, %dma_start3A_44] : memref<16x200x256xi32, #tpu.memory_space<hbm>> -> memref<1x4x256xi32, #tpu.memory_space<hbm>>
    %dma_start3A_46 = tpu.memref_squeeze %dma_start3A_45 : memref<1x4x256xi32, #tpu.memory_space<hbm>> -> memref<4x256xi32, #tpu.memory_space<hbm>>
    %dma_start3A_47 = arith.constant 0 : i32
    %dma_start3A_48 = tpu.memref_slice %arg4[%arg1, %mul3A_43, %dma_start3A_47] : memref<16x200x256xi32, #tpu.memory_space<hbm>> -> memref<1x4x256xi32, #tpu.memory_space<hbm>>
    %dma_start3A_49 = tpu.memref_squeeze %dma_start3A_48 : memref<1x4x256xi32, #tpu.memory_space<hbm>> -> memref<4x256xi32, #tpu.memory_space<hbm>>
    tpu.enqueue_dma source(%dma_start3A_49 : memref<4x256xi32, #tpu.memory_space<hbm>>) target(%arg9 : memref<4x256xi32, #tpu.memory_space<vmem>>) target_semaphore(%arg15 : memref<!tpu.dma_semaphore, #tpu.memory_space<semaphore_mem>>)
    %min3A_50 = arith.constant 1 : i32
    %min3A_51 = arith.constant 49 : i32
    %min3A_52 = arith.minsi %min3A_50, %min3A_51 : i32
    %mul3A_53 = arith.constant 4 : i32
    %mul3A_54 = arith.muli %min3A_52, %mul3A_53 : i32
    %dma_start3A_55 = arith.constant 0 : i32
    %dma_start3A_56 = tpu.memref_slice %arg3[%arg0, %arg1, %mul3A_54, %dma_start3A_55] : memref<2x16x200x256xi32, #tpu.memory_space<hbm>> -> memref<1x1x4x256xi32, #tpu.memory_space<hbm>>
    %dma_start3A_57 = tpu.memref_squeeze %dma_start3A_56 : memref<1x1x4x256xi32, #tpu.memory_space<hbm>> -> memref<4x256xi32, #tpu.memory_space<hbm>>
    %dma_start3A_58 = arith.constant 0 : i32
    %dma_start3A_59 = tpu.memref_slice %arg3[%arg0, %arg1, %mul3A_54, %dma_start3A_58] : memref<2x16x200x256xi32, #tpu.memory_space<hbm>> -> memref<1x1x4x256xi32, #tpu.memory_space<hbm>>
    %dma_start3A_60 = tpu.memref_squeeze %dma_start3A_59 : memref<1x1x4x256xi32, #tpu.memory_space<hbm>> -> memref<4x256xi32, #tpu.memory_space<hbm>>
    tpu.enqueue_dma source(%dma_start3A_60 : memref<4x256xi32, #tpu.memory_space<hbm>>) target(%arg8 : memref<4x256xi32, #tpu.memory_space<vmem>>) target_semaphore(%arg14 : memref<!tpu.dma_semaphore, #tpu.memory_space<semaphore_mem>>)
    %mul3A_61 = arith.constant 4 : i32
    %mul3A_62 = arith.muli %min3A_52, %mul3A_61 : i32
    %dma_start3A_63 = arith.constant 0 : i32
    %dma_start3A_64 = tpu.memref_slice %arg4[%arg1, %mul3A_62, %dma_start3A_63] : memref<16x200x256xi32, #tpu.memory_space<hbm>> -> memref<1x4x256xi32, #tpu.memory_space<hbm>>
    %dma_start3A_65 = tpu.memref_squeeze %dma_start3A_64 : memref<1x4x256xi32, #tpu.memory_space<hbm>> -> memref<4x256xi32, #tpu.memory_space<hbm>>
    %dma_start3A_66 = arith.constant 0 : i32
    %dma_start3A_67 = tpu.memref_slice %arg4[%arg1, %mul3A_62, %dma_start3A_66] : memref<16x200x256xi32, #tpu.memory_space<hbm>> -> memref<1x4x256xi32, #tpu.memory_space<hbm>>
    %dma_start3A_68 = tpu.memref_squeeze %dma_start3A_67 : memref<1x4x256xi32, #tpu.memory_space<hbm>> -> memref<4x256xi32, #tpu.memory_space<hbm>>
    tpu.enqueue_dma source(%dma_start3A_68 : memref<4x256xi32, #tpu.memory_space<hbm>>) target(%arg10 : memref<4x256xi32, #tpu.memory_space<vmem>>) target_semaphore(%arg16 : memref<!tpu.dma_semaphore, #tpu.memory_space<semaphore_mem>>)
    %barrier3A = arith.constant 0 : index
    tpu.barrier barrier_id(%barrier3A)
    %dma_wait3A = arith.constant 0 : i32
    %dma_wait3A_69 = arith.constant 0 : i32
    %dma_wait3A_70 = tpu.memref_slice %arg3[%arg0, %arg1, %dma_wait3A, %dma_wait3A_69] : memref<2x16x200x256xi32, #tpu.memory_space<hbm>> -> memref<1x1x4x256xi32, #tpu.memory_space<hbm>>
    %dma_wait3A_71 = tpu.memref_squeeze %dma_wait3A_70 : memref<1x1x4x256xi32, #tpu.memory_space<hbm>> -> memref<4x256xi32, #tpu.memory_space<hbm>>
    %dma_wait3A_72 = arith.constant 0 : i32
    %dma_wait3A_73 = arith.constant 0 : i32
    %dma_wait3A_74 = tpu.memref_slice %arg3[%arg0, %arg1, %dma_wait3A_72, %dma_wait3A_73] : memref<2x16x200x256xi32, #tpu.memory_space<hbm>> -> memref<1x1x4x256xi32, #tpu.memory_space<hbm>>
    %dma_wait3A_75 = tpu.memref_squeeze %dma_wait3A_74 : memref<1x1x4x256xi32, #tpu.memory_space<hbm>> -> memref<4x256xi32, #tpu.memory_space<hbm>>
    tpu.wait_dma2 semaphore(%arg13 : memref<!tpu.dma_semaphore, #tpu.memory_space<semaphore_mem>>) src(%dma_wait3A_75 : memref<4x256xi32, #tpu.memory_space<hbm>>) dst(%arg7 : memref<4x256xi32, #tpu.memory_space<vmem>>)
    %dma_wait3A_76 = arith.constant 0 : i32
    %dma_wait3A_77 = arith.constant 0 : i32
    %dma_wait3A_78 = tpu.memref_slice %arg4[%arg1, %dma_wait3A_76, %dma_wait3A_77] : memref<16x200x256xi32, #tpu.memory_space<hbm>> -> memref<1x4x256xi32, #tpu.memory_space<hbm>>
    %dma_wait3A_79 = tpu.memref_squeeze %dma_wait3A_78 : memref<1x4x256xi32, #tpu.memory_space<hbm>> -> memref<4x256xi32, #tpu.memory_space<hbm>>
    %dma_wait3A_80 = arith.constant 0 : i32
    %dma_wait3A_81 = arith.constant 0 : i32
    %dma_wait3A_82 = tpu.memref_slice %arg4[%arg1, %dma_wait3A_80, %dma_wait3A_81] : memref<16x200x256xi32, #tpu.memory_space<hbm>> -> memref<1x4x256xi32, #tpu.memory_space<hbm>>
    %dma_wait3A_83 = tpu.memref_squeeze %dma_wait3A_82 : memref<1x4x256xi32, #tpu.memory_space<hbm>> -> memref<4x256xi32, #tpu.memory_space<hbm>>
    tpu.wait_dma2 semaphore(%arg15 : memref<!tpu.dma_semaphore, #tpu.memory_space<semaphore_mem>>) src(%dma_wait3A_83 : memref<4x256xi32, #tpu.memory_space<hbm>>) dst(%arg9 : memref<4x256xi32, #tpu.memory_space<vmem>>)
    %dma_start3A_84 = arith.constant 0 : i32
    %dma_start3A_85 = arith.constant 0 : i32
    %dma_start3A_86 = tpu.memref_slice %arg7[%dma_start3A_84, %dma_start3A_85] : memref<4x256xi32, #tpu.memory_space<vmem>> -> memref<1x256xi32, #tpu.memory_space<vmem>>
    %dma_start3A_87 = tpu.memref_squeeze %dma_start3A_86 : memref<1x256xi32, #tpu.memory_space<vmem>> -> memref<256xi32, #tpu.memory_space<vmem>>
    %dma_start3A_88 = arith.constant 0 : i32
    %dma_start3A_89 = arith.constant 0 : i32
    %dma_start3A_90 = tpu.memref_slice %arg2[%dma_start3A_88, %dma_start3A_89] : memref<100000x32xf32, #tpu.memory_space<hbm>> -> memref<100000x32xf32, #tpu.memory_space<hbm>>
    tpu.enqueue_indirect_dma source(%dma_start3A_90 : memref<100000x32xf32, #tpu.memory_space<hbm>>) target(%arg11 : memref<256x32xf32, #tpu.memory_space<vmem>>) offsets(%dma_start3A_87 : memref<256xi32, #tpu.memory_space<vmem>>) semaphore(%arg17 : memref<!tpu.dma_semaphore, #tpu.memory_space<semaphore_mem>>)
    %dma_start3A_91 = arith.constant 1 : i32
    %dma_start3A_92 = arith.constant 0 : i32
    %dma_start3A_93 = tpu.memref_slice %arg7[%dma_start3A_91, %dma_start3A_92] : memref<4x256xi32, #tpu.memory_space<vmem>> -> memref<1x256xi32, #tpu.memory_space<vmem>>
    %dma_start3A_94 = tpu.memref_squeeze %dma_start3A_93 : memref<1x256xi32, #tpu.memory_space<vmem>> -> memref<256xi32, #tpu.memory_space<vmem>>
    %dma_start3A_95 = arith.constant 0 : i32
    %dma_start3A_96 = arith.constant 0 : i32
    %dma_start3A_97 = tpu.memref_slice %arg2[%dma_start3A_95, %dma_start3A_96] : memref<100000x32xf32, #tpu.memory_space<hbm>> -> memref<100000x32xf32, #tpu.memory_space<hbm>>
    tpu.enqueue_indirect_dma source(%dma_start3A_97 : memref<100000x32xf32, #tpu.memory_space<hbm>>) target(%arg12 : memref<256x32xf32, #tpu.memory_space<vmem>>) offsets(%dma_start3A_94 : memref<256xi32, #tpu.memory_space<vmem>>) semaphore(%arg18 : memref<!tpu.dma_semaphore, #tpu.memory_space<semaphore_mem>>)
    %scan3A_98 = arith.constant 0 : i32
    %scan3A_99 = arith.constant 0 : i32
    %scan3A_100 = arith.constant 25 : i32
    %scan3A_101 = arith.addi %scan3A_99, %scan3A_100 : i32
    %scan3A_102 = arith.constant 1 : i32
    scf.for %scan3A_139 = %scan3A_99 to %scan3A_101 step %scan3A_102  : i32 {
      %mul3A_140 = arith.constant 2 : i32
      %mul3A_141 = arith.muli %scan3A_139, %mul3A_140 : i32
      %dma_wait3A_142 = arith.constant 0 : i32
      %dma_wait3A_143 = arith.constant 0 : i32
      %dma_wait3A_144 = tpu.memref_slice %arg7[%dma_wait3A_142, %dma_wait3A_143] : memref<4x256xi32, #tpu.memory_space<vmem>> -> memref<1x256xi32, #tpu.memory_space<vmem>>
      %dma_wait3A_145 = tpu.memref_squeeze %dma_wait3A_144 : memref<1x256xi32, #tpu.memory_space<vmem>> -> memref<256xi32, #tpu.memory_space<vmem>>
      %dma_wait3A_146 = arith.constant 0 : i32
      %dma_wait3A_147 = arith.constant 0 : i32
      %dma_wait3A_148 = tpu.memref_slice %arg2[%dma_wait3A_146, %dma_wait3A_147] : memref<100000x32xf32, #tpu.memory_space<hbm>> -> memref<100000x32xf32, #tpu.memory_space<hbm>>
      tpu.wait_indirect_dma semaphore(%arg17 : memref<!tpu.dma_semaphore, #tpu.memory_space<semaphore_mem>>) src(%dma_wait3A_148 : memref<100000x32xf32, #tpu.memory_space<hbm>>) dst(%arg11 : memref<256x32xf32, #tpu.memory_space<vmem>>)
      %dma_start3A_149 = arith.constant 0 : i32
      %dma_start3A_150 = arith.constant 0 : i32
      %dma_start3A_151 = tpu.memref_slice %arg9[%dma_start3A_149, %dma_start3A_150] : memref<4x256xi32, #tpu.memory_space<vmem>> -> memref<1x256xi32, #tpu.memory_space<vmem>>
      %dma_start3A_152 = tpu.memref_squeeze %dma_start3A_151 : memref<1x256xi32, #tpu.memory_space<vmem>> -> memref<256xi32, #tpu.memory_space<vmem>>
      %dma_start3A_153 = arith.constant 0 : i32
      %dma_start3A_154 = arith.constant 0 : i32
      %dma_start3A_155 = tpu.memref_slice %arg6[%dma_start3A_153, %dma_start3A_154] : memref<50048x32xf32, #tpu.memory_space<vmem_shared>> -> memref<50048x32xf32, #tpu.memory_space<vmem_shared>>
      tpu.enqueue_indirect_dma source(%arg11 : memref<256x32xf32, #tpu.memory_space<vmem>>) target(%dma_start3A_155 : memref<50048x32xf32, #tpu.memory_space<vmem_shared>>) offsets(%dma_start3A_152 : memref<256xi32, #tpu.memory_space<vmem>>) semaphore(%arg19 : memref<!tpu.dma_semaphore, #tpu.memory_space<semaphore_mem>>) {add = true}
      %dma_wait3A_156 = arith.constant 0 : i32
      %dma_wait3A_157 = arith.constant 0 : i32
      %dma_wait3A_158 = tpu.memref_slice %arg9[%dma_wait3A_156, %dma_wait3A_157] : memref<4x256xi32, #tpu.memory_space<vmem>> -> memref<1x256xi32, #tpu.memory_space<vmem>>
      %dma_wait3A_159 = tpu.memref_squeeze %dma_wait3A_158 : memref<1x256xi32, #tpu.memory_space<vmem>> -> memref<256xi32, #tpu.memory_space<vmem>>
      %dma_wait3A_160 = arith.constant 0 : i32
      %dma_wait3A_161 = arith.constant 0 : i32
      %dma_wait3A_162 = tpu.memref_slice %arg6[%dma_wait3A_160, %dma_wait3A_161] : memref<50048x32xf32, #tpu.memory_space<vmem_shared>> -> memref<50048x32xf32, #tpu.memory_space<vmem_shared>>
      tpu.wait_indirect_dma semaphore(%arg19 : memref<!tpu.dma_semaphore, #tpu.memory_space<semaphore_mem>>) src(%arg11 : memref<256x32xf32, #tpu.memory_space<vmem>>) dst(%dma_wait3A_162 : memref<50048x32xf32, #tpu.memory_space<vmem_shared>>)
      %dma_start3A_163 = arith.constant 2 : i32
      %dma_start3A_164 = arith.constant 0 : i32
      %dma_start3A_165 = tpu.memref_slice %arg7[%dma_start3A_163, %dma_start3A_164] : memref<4x256xi32, #tpu.memory_space<vmem>> -> memref<1x256xi32, #tpu.memory_space<vmem>>
      %dma_start3A_166 = tpu.memref_squeeze %dma_start3A_165 : memref<1x256xi32, #tpu.memory_space<vmem>> -> memref<256xi32, #tpu.memory_space<vmem>>
      %dma_start3A_167 = arith.constant 0 : i32
      %dma_start3A_168 = arith.constant 0 : i32
      %dma_start3A_169 = tpu.memref_slice %arg2[%dma_start3A_167, %dma_start3A_168] : memref<100000x32xf32, #tpu.memory_space<hbm>> -> memref<100000x32xf32, #tpu.memory_space<hbm>>
      tpu.enqueue_indirect_dma source(%dma_start3A_169 : memref<100000x32xf32, #tpu.memory_space<hbm>>) target(%arg11 : memref<256x32xf32, #tpu.memory_space<vmem>>) offsets(%dma_start3A_166 : memref<256xi32, #tpu.memory_space<vmem>>) semaphore(%arg17 : memref<!tpu.dma_semaphore, #tpu.memory_space<semaphore_mem>>)
      %dma_wait3A_170 = arith.constant 0 : i32
      %dma_wait3A_171 = arith.constant 0 : i32
      %dma_wait3A_172 = tpu.memref_slice %arg7[%dma_wait3A_170, %dma_wait3A_171] : memref<4x256xi32, #tpu.memory_space<vmem>> -> memref<1x256xi32, #tpu.memory_space<vmem>>
      %dma_wait3A_173 = tpu.memref_squeeze %dma_wait3A_172 : memref<1x256xi32, #tpu.memory_space<vmem>> -> memref<256xi32, #tpu.memory_space<vmem>>
      %dma_wait3A_174 = arith.constant 0 : i32
      %dma_wait3A_175 = arith.constant 0 : i32
      %dma_wait3A_176 = tpu.memref_slice %arg2[%dma_wait3A_174, %dma_wait3A_175] : memref<100000x32xf32, #tpu.memory_space<hbm>> -> memref<100000x32xf32, #tpu.memory_space<hbm>>
      tpu.wait_indirect_dma semaphore(%arg18 : memref<!tpu.dma_semaphore, #tpu.memory_space<semaphore_mem>>) src(%dma_wait3A_176 : memref<100000x32xf32, #tpu.memory_space<hbm>>) dst(%arg12 : memref<256x32xf32, #tpu.memory_space<vmem>>)
      %dma_start3A_177 = arith.constant 1 : i32
      %dma_start3A_178 = arith.constant 0 : i32
      %dma_start3A_179 = tpu.memref_slice %arg9[%dma_start3A_177, %dma_start3A_178] : memref<4x256xi32, #tpu.memory_space<vmem>> -> memref<1x256xi32, #tpu.memory_space<vmem>>
      %dma_start3A_180 = tpu.memref_squeeze %dma_start3A_179 : memref<1x256xi32, #tpu.memory_space<vmem>> -> memref<256xi32, #tpu.memory_space<vmem>>
      %dma_start3A_181 = arith.constant 0 : i32
      %dma_start3A_182 = arith.constant 0 : i32
      %dma_start3A_183 = tpu.memref_slice %arg6[%dma_start3A_181, %dma_start3A_182] : memref<50048x32xf32, #tpu.memory_space<vmem_shared>> -> memref<50048x32xf32, #tpu.memory_space<vmem_shared>>
      tpu.enqueue_indirect_dma source(%arg12 : memref<256x32xf32, #tpu.memory_space<vmem>>) target(%dma_start3A_183 : memref<50048x32xf32, #tpu.memory_space<vmem_shared>>) offsets(%dma_start3A_180 : memref<256xi32, #tpu.memory_space<vmem>>) semaphore(%arg20 : memref<!tpu.dma_semaphore, #tpu.memory_space<semaphore_mem>>) {add = true}
      %dma_wait3A_184 = arith.constant 0 : i32
      %dma_wait3A_185 = arith.constant 0 : i32
      %dma_wait3A_186 = tpu.memref_slice %arg9[%dma_wait3A_184, %dma_wait3A_185] : memref<4x256xi32, #tpu.memory_space<vmem>> -> memref<1x256xi32, #tpu.memory_space<vmem>>
      %dma_wait3A_187 = tpu.memref_squeeze %dma_wait3A_186 : memref<1x256xi32, #tpu.memory_space<vmem>> -> memref<256xi32, #tpu.memory_space<vmem>>
      %dma_wait3A_188 = arith.constant 0 : i32
      %dma_wait3A_189 = arith.constant 0 : i32
      %dma_wait3A_190 = tpu.memref_slice %arg6[%dma_wait3A_188, %dma_wait3A_189] : memref<50048x32xf32, #tpu.memory_space<vmem_shared>> -> memref<50048x32xf32, #tpu.memory_space<vmem_shared>>
      tpu.wait_indirect_dma semaphore(%arg20 : memref<!tpu.dma_semaphore, #tpu.memory_space<semaphore_mem>>) src(%arg12 : memref<256x32xf32, #tpu.memory_space<vmem>>) dst(%dma_wait3A_190 : memref<50048x32xf32, #tpu.memory_space<vmem_shared>>)
      %dma_start3A_191 = arith.constant 3 : i32
      %dma_start3A_192 = arith.constant 0 : i32
      %dma_start3A_193 = tpu.memref_slice %arg7[%dma_start3A_191, %dma_start3A_192] : memref<4x256xi32, #tpu.memory_space<vmem>> -> memref<1x256xi32, #tpu.memory_space<vmem>>
      %dma_start3A_194 = tpu.memref_squeeze %dma_start3A_193 : memref<1x256xi32, #tpu.memory_space<vmem>> -> memref<256xi32, #tpu.memory_space<vmem>>
      %dma_start3A_195 = arith.constant 0 : i32
      %dma_start3A_196 = arith.constant 0 : i32
      %dma_start3A_197 = tpu.memref_slice %arg2[%dma_start3A_195, %dma_start3A_196] : memref<100000x32xf32, #tpu.memory_space<hbm>> -> memref<100000x32xf32, #tpu.memory_space<hbm>>
      tpu.enqueue_indirect_dma source(%dma_start3A_197 : memref<100000x32xf32, #tpu.memory_space<hbm>>) target(%arg12 : memref<256x32xf32, #tpu.memory_space<vmem>>) offsets(%dma_start3A_194 : memref<256xi32, #tpu.memory_space<vmem>>) semaphore(%arg18 : memref<!tpu.dma_semaphore, #tpu.memory_space<semaphore_mem>>)
      %dma_wait3A_198 = arith.constant 0 : i32
      %dma_wait3A_199 = arith.constant 0 : i32
      %dma_wait3A_200 = tpu.memref_slice %arg7[%dma_wait3A_198, %dma_wait3A_199] : memref<4x256xi32, #tpu.memory_space<vmem>> -> memref<1x256xi32, #tpu.memory_space<vmem>>
      %dma_wait3A_201 = tpu.memref_squeeze %dma_wait3A_200 : memref<1x256xi32, #tpu.memory_space<vmem>> -> memref<256xi32, #tpu.memory_space<vmem>>
      %dma_wait3A_202 = arith.constant 0 : i32
      %dma_wait3A_203 = arith.constant 0 : i32
      %dma_wait3A_204 = tpu.memref_slice %arg2[%dma_wait3A_202, %dma_wait3A_203] : memref<100000x32xf32, #tpu.memory_space<hbm>> -> memref<100000x32xf32, #tpu.memory_space<hbm>>
      tpu.wait_indirect_dma semaphore(%arg17 : memref<!tpu.dma_semaphore, #tpu.memory_space<semaphore_mem>>) src(%dma_wait3A_204 : memref<100000x32xf32, #tpu.memory_space<hbm>>) dst(%arg11 : memref<256x32xf32, #tpu.memory_space<vmem>>)
      %dma_start3A_205 = arith.constant 2 : i32
      %dma_start3A_206 = arith.constant 0 : i32
      %dma_start3A_207 = tpu.memref_slice %arg9[%dma_start3A_205, %dma_start3A_206] : memref<4x256xi32, #tpu.memory_space<vmem>> -> memref<1x256xi32, #tpu.memory_space<vmem>>
      %dma_start3A_208 = tpu.memref_squeeze %dma_start3A_207 : memref<1x256xi32, #tpu.memory_space<vmem>> -> memref<256xi32, #tpu.memory_space<vmem>>
      %dma_start3A_209 = arith.constant 0 : i32
      %dma_start3A_210 = arith.constant 0 : i32
      %dma_start3A_211 = tpu.memref_slice %arg6[%dma_start3A_209, %dma_start3A_210] : memref<50048x32xf32, #tpu.memory_space<vmem_shared>> -> memref<50048x32xf32, #tpu.memory_space<vmem_shared>>
      tpu.enqueue_indirect_dma source(%arg11 : memref<256x32xf32, #tpu.memory_space<vmem>>) target(%dma_start3A_211 : memref<50048x32xf32, #tpu.memory_space<vmem_shared>>) offsets(%dma_start3A_208 : memref<256xi32, #tpu.memory_space<vmem>>) semaphore(%arg19 : memref<!tpu.dma_semaphore, #tpu.memory_space<semaphore_mem>>) {add = true}
      %dma_wait3A_212 = arith.constant 0 : i32
      %dma_wait3A_213 = arith.constant 0 : i32
      %dma_wait3A_214 = tpu.memref_slice %arg9[%dma_wait3A_212, %dma_wait3A_213] : memref<4x256xi32, #tpu.memory_space<vmem>> -> memref<1x256xi32, #tpu.memory_space<vmem>>
      %dma_wait3A_215 = tpu.memref_squeeze %dma_wait3A_214 : memref<1x256xi32, #tpu.memory_space<vmem>> -> memref<256xi32, #tpu.memory_space<vmem>>
      %dma_wait3A_216 = arith.constant 0 : i32
      %dma_wait3A_217 = arith.constant 0 : i32
      %dma_wait3A_218 = tpu.memref_slice %arg6[%dma_wait3A_216, %dma_wait3A_217] : memref<50048x32xf32, #tpu.memory_space<vmem_shared>> -> memref<50048x32xf32, #tpu.memory_space<vmem_shared>>
      tpu.wait_indirect_dma semaphore(%arg19 : memref<!tpu.dma_semaphore, #tpu.memory_space<semaphore_mem>>) src(%arg11 : memref<256x32xf32, #tpu.memory_space<vmem>>) dst(%dma_wait3A_218 : memref<50048x32xf32, #tpu.memory_space<vmem_shared>>)
      %dma_wait3A_219 = arith.constant 0 : i32
      %dma_wait3A_220 = arith.constant 0 : i32
      %dma_wait3A_221 = tpu.memref_slice %arg3[%arg0, %arg1, %dma_wait3A_219, %dma_wait3A_220] : memref<2x16x200x256xi32, #tpu.memory_space<hbm>> -> memref<1x1x4x256xi32, #tpu.memory_space<hbm>>
      %dma_wait3A_222 = tpu.memref_squeeze %dma_wait3A_221 : memref<1x1x4x256xi32, #tpu.memory_space<hbm>> -> memref<4x256xi32, #tpu.memory_space<hbm>>
      %dma_wait3A_223 = arith.constant 0 : i32
      %dma_wait3A_224 = arith.constant 0 : i32
      %dma_wait3A_225 = tpu.memref_slice %arg3[%arg0, %arg1, %dma_wait3A_223, %dma_wait3A_224] : memref<2x16x200x256xi32, #tpu.memory_space<hbm>> -> memref<1x1x4x256xi32, #tpu.memory_space<hbm>>
      %dma_wait3A_226 = tpu.memref_squeeze %dma_wait3A_225 : memref<1x1x4x256xi32, #tpu.memory_space<hbm>> -> memref<4x256xi32, #tpu.memory_space<hbm>>
      tpu.wait_dma2 semaphore(%arg14 : memref<!tpu.dma_semaphore, #tpu.memory_space<semaphore_mem>>) src(%dma_wait3A_226 : memref<4x256xi32, #tpu.memory_space<hbm>>) dst(%arg8 : memref<4x256xi32, #tpu.memory_space<vmem>>)
      %dma_wait3A_227 = arith.constant 0 : i32
      %dma_wait3A_228 = arith.constant 0 : i32
      %dma_wait3A_229 = tpu.memref_slice %arg4[%arg1, %dma_wait3A_227, %dma_wait3A_228] : memref<16x200x256xi32, #tpu.memory_space<hbm>> -> memref<1x4x256xi32, #tpu.memory_space<hbm>>
      %dma_wait3A_230 = tpu.memref_squeeze %dma_wait3A_229 : memref<1x4x256xi32, #tpu.memory_space<hbm>> -> memref<4x256xi32, #tpu.memory_space<hbm>>
      %dma_wait3A_231 = arith.constant 0 : i32
      %dma_wait3A_232 = arith.constant 0 : i32
      %dma_wait3A_233 = tpu.memref_slice %arg4[%arg1, %dma_wait3A_231, %dma_wait3A_232] : memref<16x200x256xi32, #tpu.memory_space<hbm>> -> memref<1x4x256xi32, #tpu.memory_space<hbm>>
      %dma_wait3A_234 = tpu.memref_squeeze %dma_wait3A_233 : memref<1x4x256xi32, #tpu.memory_space<hbm>> -> memref<4x256xi32, #tpu.memory_space<hbm>>
      tpu.wait_dma2 semaphore(%arg16 : memref<!tpu.dma_semaphore, #tpu.memory_space<semaphore_mem>>) src(%dma_wait3A_234 : memref<4x256xi32, #tpu.memory_space<hbm>>) dst(%arg10 : memref<4x256xi32, #tpu.memory_space<vmem>>)
      %dma_start3A_235 = arith.constant 0 : i32
      %dma_start3A_236 = arith.constant 0 : i32
      %dma_start3A_237 = tpu.memref_slice %arg8[%dma_start3A_235, %dma_start3A_236] : memref<4x256xi32, #tpu.memory_space<vmem>> -> memref<1x256xi32, #tpu.memory_space<vmem>>
      %dma_start3A_238 = tpu.memref_squeeze %dma_start3A_237 : memref<1x256xi32, #tpu.memory_space<vmem>> -> memref<256xi32, #tpu.memory_space<vmem>>
      %dma_start3A_239 = arith.constant 0 : i32
      %dma_start3A_240 = arith.constant 0 : i32
      %dma_start3A_241 = tpu.memref_slice %arg2[%dma_start3A_239, %dma_start3A_240] : memref<100000x32xf32, #tpu.memory_space<hbm>> -> memref<100000x32xf32, #tpu.memory_space<hbm>>
      tpu.enqueue_indirect_dma source(%dma_start3A_241 : memref<100000x32xf32, #tpu.memory_space<hbm>>) target(%arg11 : memref<256x32xf32, #tpu.memory_space<vmem>>) offsets(%dma_start3A_238 : memref<256xi32, #tpu.memory_space<vmem>>) semaphore(%arg17 : memref<!tpu.dma_semaphore, #tpu.memory_space<semaphore_mem>>)
      %dma_wait3A_242 = arith.constant 0 : i32
      %dma_wait3A_243 = arith.constant 0 : i32
      %dma_wait3A_244 = tpu.memref_slice %arg7[%dma_wait3A_242, %dma_wait3A_243] : memref<4x256xi32, #tpu.memory_space<vmem>> -> memref<1x256xi32, #tpu.memory_space<vmem>>
      %dma_wait3A_245 = tpu.memref_squeeze %dma_wait3A_244 : memref<1x256xi32, #tpu.memory_space<vmem>> -> memref<256xi32, #tpu.memory_space<vmem>>
      %dma_wait3A_246 = arith.constant 0 : i32
      %dma_wait3A_247 = arith.constant 0 : i32
      %dma_wait3A_248 = tpu.memref_slice %arg2[%dma_wait3A_246, %dma_wait3A_247] : memref<100000x32xf32, #tpu.memory_space<hbm>> -> memref<100000x32xf32, #tpu.memory_space<hbm>>
      tpu.wait_indirect_dma semaphore(%arg18 : memref<!tpu.dma_semaphore, #tpu.memory_space<semaphore_mem>>) src(%dma_wait3A_248 : memref<100000x32xf32, #tpu.memory_space<hbm>>) dst(%arg12 : memref<256x32xf32, #tpu.memory_space<vmem>>)
      %dma_start3A_249 = arith.constant 3 : i32
      %dma_start3A_250 = arith.constant 0 : i32
      %dma_start3A_251 = tpu.memref_slice %arg9[%dma_start3A_249, %dma_start3A_250] : memref<4x256xi32, #tpu.memory_space<vmem>> -> memref<1x256xi32, #tpu.memory_space<vmem>>
      %dma_start3A_252 = tpu.memref_squeeze %dma_start3A_251 : memref<1x256xi32, #tpu.memory_space<vmem>> -> memref<256xi32, #tpu.memory_space<vmem>>
      %dma_start3A_253 = arith.constant 0 : i32
      %dma_start3A_254 = arith.constant 0 : i32
      %dma_start3A_255 = tpu.memref_slice %arg6[%dma_start3A_253, %dma_start3A_254] : memref<50048x32xf32, #tpu.memory_space<vmem_shared>> -> memref<50048x32xf32, #tpu.memory_space<vmem_shared>>
      tpu.enqueue_indirect_dma source(%arg12 : memref<256x32xf32, #tpu.memory_space<vmem>>) target(%dma_start3A_255 : memref<50048x32xf32, #tpu.memory_space<vmem_shared>>) offsets(%dma_start3A_252 : memref<256xi32, #tpu.memory_space<vmem>>) semaphore(%arg20 : memref<!tpu.dma_semaphore, #tpu.memory_space<semaphore_mem>>) {add = true}
      %dma_wait3A_256 = arith.constant 0 : i32
      %dma_wait3A_257 = arith.constant 0 : i32
      %dma_wait3A_258 = tpu.memref_slice %arg9[%dma_wait3A_256, %dma_wait3A_257] : memref<4x256xi32, #tpu.memory_space<vmem>> -> memref<1x256xi32, #tpu.memory_space<vmem>>
      %dma_wait3A_259 = tpu.memref_squeeze %dma_wait3A_258 : memref<1x256xi32, #tpu.memory_space<vmem>> -> memref<256xi32, #tpu.memory_space<vmem>>
      %dma_wait3A_260 = arith.constant 0 : i32
      %dma_wait3A_261 = arith.constant 0 : i32
      %dma_wait3A_262 = tpu.memref_slice %arg6[%dma_wait3A_260, %dma_wait3A_261] : memref<50048x32xf32, #tpu.memory_space<vmem_shared>> -> memref<50048x32xf32, #tpu.memory_space<vmem_shared>>
      tpu.wait_indirect_dma semaphore(%arg20 : memref<!tpu.dma_semaphore, #tpu.memory_space<semaphore_mem>>) src(%arg12 : memref<256x32xf32, #tpu.memory_space<vmem>>) dst(%dma_wait3A_262 : memref<50048x32xf32, #tpu.memory_space<vmem_shared>>)
      %dma_start3A_263 = arith.constant 1 : i32
      %dma_start3A_264 = arith.constant 0 : i32
      %dma_start3A_265 = tpu.memref_slice %arg8[%dma_start3A_263, %dma_start3A_264] : memref<4x256xi32, #tpu.memory_space<vmem>> -> memref<1x256xi32, #tpu.memory_space<vmem>>
      %dma_start3A_266 = tpu.memref_squeeze %dma_start3A_265 : memref<1x256xi32, #tpu.memory_space<vmem>> -> memref<256xi32, #tpu.memory_space<vmem>>
      %dma_start3A_267 = arith.constant 0 : i32
      %dma_start3A_268 = arith.constant 0 : i32
      %dma_start3A_269 = tpu.memref_slice %arg2[%dma_start3A_267, %dma_start3A_268] : memref<100000x32xf32, #tpu.memory_space<hbm>> -> memref<100000x32xf32, #tpu.memory_space<hbm>>
      tpu.enqueue_indirect_dma source(%dma_start3A_269 : memref<100000x32xf32, #tpu.memory_space<hbm>>) target(%arg12 : memref<256x32xf32, #tpu.memory_space<vmem>>) offsets(%dma_start3A_266 : memref<256xi32, #tpu.memory_space<vmem>>) semaphore(%arg18 : memref<!tpu.dma_semaphore, #tpu.memory_space<semaphore_mem>>)
      %add3A_270 = arith.constant 0 : i32
      %add3A_271 = arith.addi %mul3A_141, %add3A_270 : i32
      %add3A_272 = arith.constant 2 : i32
      %add3A_273 = arith.addi %add3A_271, %add3A_272 : i32
      %min3A_274 = arith.constant 49 : i32
      %min3A_275 = arith.minsi %add3A_273, %min3A_274 : i32
      %mul3A_276 = arith.constant 4 : i32
      %mul3A_277 = arith.muli %min3A_275, %mul3A_276 : i32
      %dma_start3A_278 = arith.constant 0 : i32
      %dma_start3A_279 = tpu.memref_slice %arg3[%arg0, %arg1, %mul3A_277, %dma_start3A_278] : memref<2x16x200x256xi32, #tpu.memory_space<hbm>> -> memref<1x1x4x256xi32, #tpu.memory_space<hbm>>
      %dma_start3A_280 = tpu.memref_squeeze %dma_start3A_279 : memref<1x1x4x256xi32, #tpu.memory_space<hbm>> -> memref<4x256xi32, #tpu.memory_space<hbm>>
      %dma_start3A_281 = arith.constant 0 : i32
      %dma_start3A_282 = tpu.memref_slice %arg3[%arg0, %arg1, %mul3A_277, %dma_start3A_281] : memref<2x16x200x256xi32, #tpu.memory_space<hbm>> -> memref<1x1x4x256xi32, #tpu.memory_space<hbm>>
      %dma_start3A_283 = tpu.memref_squeeze %dma_start3A_282 : memref<1x1x4x256xi32, #tpu.memory_space<hbm>> -> memref<4x256xi32, #tpu.memory_space<hbm>>
      tpu.enqueue_dma source(%dma_start3A_283 : memref<4x256xi32, #tpu.memory_space<hbm>>) target(%arg7 : memref<4x256xi32, #tpu.memory_space<vmem>>) target_semaphore(%arg13 : memref<!tpu.dma_semaphore, #tpu.memory_space<semaphore_mem>>)
      %mul3A_284 = arith.constant 4 : i32
      %mul3A_285 = arith.muli %min3A_275, %mul3A_284 : i32
      %dma_start3A_286 = arith.constant 0 : i32
      %dma_start3A_287 = tpu.memref_slice %arg4[%arg1, %mul3A_285, %dma_start3A_286] : memref<16x200x256xi32, #tpu.memory_space<hbm>> -> memref<1x4x256xi32, #tpu.memory_space<hbm>>
      %dma_start3A_288 = tpu.memref_squeeze %dma_start3A_287 : memref<1x4x256xi32, #tpu.memory_space<hbm>> -> memref<4x256xi32, #tpu.memory_space<hbm>>
      %dma_start3A_289 = arith.constant 0 : i32
      %dma_start3A_290 = tpu.memref_slice %arg4[%arg1, %mul3A_285, %dma_start3A_289] : memref<16x200x256xi32, #tpu.memory_space<hbm>> -> memref<1x4x256xi32, #tpu.memory_space<hbm>>
      %dma_start3A_291 = tpu.memref_squeeze %dma_start3A_290 : memref<1x4x256xi32, #tpu.memory_space<hbm>> -> memref<4x256xi32, #tpu.memory_space<hbm>>
      tpu.enqueue_dma source(%dma_start3A_291 : memref<4x256xi32, #tpu.memory_space<hbm>>) target(%arg9 : memref<4x256xi32, #tpu.memory_space<vmem>>) target_semaphore(%arg15 : memref<!tpu.dma_semaphore, #tpu.memory_space<semaphore_mem>>)
      %dma_wait3A_292 = arith.constant 0 : i32
      %dma_wait3A_293 = arith.constant 0 : i32
      %dma_wait3A_294 = tpu.memref_slice %arg7[%dma_wait3A_292, %dma_wait3A_293] : memref<4x256xi32, #tpu.memory_space<vmem>> -> memref<1x256xi32, #tpu.memory_space<vmem>>
      %dma_wait3A_295 = tpu.memref_squeeze %dma_wait3A_294 : memref<1x256xi32, #tpu.memory_space<vmem>> -> memref<256xi32, #tpu.memory_space<vmem>>
      %dma_wait3A_296 = arith.constant 0 : i32
      %dma_wait3A_297 = arith.constant 0 : i32
      %dma_wait3A_298 = tpu.memref_slice %arg2[%dma_wait3A_296, %dma_wait3A_297] : memref<100000x32xf32, #tpu.memory_space<hbm>> -> memref<100000x32xf32, #tpu.memory_space<hbm>>
      tpu.wait_indirect_dma semaphore(%arg17 : memref<!tpu.dma_semaphore, #tpu.memory_space<semaphore_mem>>) src(%dma_wait3A_298 : memref<100000x32xf32, #tpu.memory_space<hbm>>) dst(%arg11 : memref<256x32xf32, #tpu.memory_space<vmem>>)
      %dma_start3A_299 = arith.constant 0 : i32
      %dma_start3A_300 = arith.constant 0 : i32
      %dma_start3A_301 = tpu.memref_slice %arg10[%dma_start3A_299, %dma_start3A_300] : memref<4x256xi32, #tpu.memory_space<vmem>> -> memref<1x256xi32, #tpu.memory_space<vmem>>
      %dma_start3A_302 = tpu.memref_squeeze %dma_start3A_301 : memref<1x256xi32, #tpu.memory_space<vmem>> -> memref<256xi32, #tpu.memory_space<vmem>>
      %dma_start3A_303 = arith.constant 0 : i32
      %dma_start3A_304 = arith.constant 0 : i32
      %dma_start3A_305 = tpu.memref_slice %arg6[%dma_start3A_303, %dma_start3A_304] : memref<50048x32xf32, #tpu.memory_space<vmem_shared>> -> memref<50048x32xf32, #tpu.memory_space<vmem_shared>>
      tpu.enqueue_indirect_dma source(%arg11 : memref<256x32xf32, #tpu.memory_space<vmem>>) target(%dma_start3A_305 : memref<50048x32xf32, #tpu.memory_space<vmem_shared>>) offsets(%dma_start3A_302 : memref<256xi32, #tpu.memory_space<vmem>>) semaphore(%arg19 : memref<!tpu.dma_semaphore, #tpu.memory_space<semaphore_mem>>) {add = true}
      %dma_wait3A_306 = arith.constant 0 : i32
      %dma_wait3A_307 = arith.constant 0 : i32
      %dma_wait3A_308 = tpu.memref_slice %arg9[%dma_wait3A_306, %dma_wait3A_307] : memref<4x256xi32, #tpu.memory_space<vmem>> -> memref<1x256xi32, #tpu.memory_space<vmem>>
      %dma_wait3A_309 = tpu.memref_squeeze %dma_wait3A_308 : memref<1x256xi32, #tpu.memory_space<vmem>> -> memref<256xi32, #tpu.memory_space<vmem>>
      %dma_wait3A_310 = arith.constant 0 : i32
      %dma_wait3A_311 = arith.constant 0 : i32
      %dma_wait3A_312 = tpu.memref_slice %arg6[%dma_wait3A_310, %dma_wait3A_311] : memref<50048x32xf32, #tpu.memory_space<vmem_shared>> -> memref<50048x32xf32, #tpu.memory_space<vmem_shared>>
      tpu.wait_indirect_dma semaphore(%arg19 : memref<!tpu.dma_semaphore, #tpu.memory_space<semaphore_mem>>) src(%arg11 : memref<256x32xf32, #tpu.memory_space<vmem>>) dst(%dma_wait3A_312 : memref<50048x32xf32, #tpu.memory_space<vmem_shared>>)
      %dma_start3A_313 = arith.constant 2 : i32
      %dma_start3A_314 = arith.constant 0 : i32
      %dma_start3A_315 = tpu.memref_slice %arg8[%dma_start3A_313, %dma_start3A_314] : memref<4x256xi32, #tpu.memory_space<vmem>> -> memref<1x256xi32, #tpu.memory_space<vmem>>
      %dma_start3A_316 = tpu.memref_squeeze %dma_start3A_315 : memref<1x256xi32, #tpu.memory_space<vmem>> -> memref<256xi32, #tpu.memory_space<vmem>>
      %dma_start3A_317 = arith.constant 0 : i32
      %dma_start3A_318 = arith.constant 0 : i32
      %dma_start3A_319 = tpu.memref_slice %arg2[%dma_start3A_317, %dma_start3A_318] : memref<100000x32xf32, #tpu.memory_space<hbm>> -> memref<100000x32xf32, #tpu.memory_space<hbm>>
      tpu.enqueue_indirect_dma source(%dma_start3A_319 : memref<100000x32xf32, #tpu.memory_space<hbm>>) target(%arg11 : memref<256x32xf32, #tpu.memory_space<vmem>>) offsets(%dma_start3A_316 : memref<256xi32, #tpu.memory_space<vmem>>) semaphore(%arg17 : memref<!tpu.dma_semaphore, #tpu.memory_space<semaphore_mem>>)
      %dma_wait3A_320 = arith.constant 0 : i32
      %dma_wait3A_321 = arith.constant 0 : i32
      %dma_wait3A_322 = tpu.memref_slice %arg7[%dma_wait3A_320, %dma_wait3A_321] : memref<4x256xi32, #tpu.memory_space<vmem>> -> memref<1x256xi32, #tpu.memory_space<vmem>>
      %dma_wait3A_323 = tpu.memref_squeeze %dma_wait3A_322 : memref<1x256xi32, #tpu.memory_space<vmem>> -> memref<256xi32, #tpu.memory_space<vmem>>
      %dma_wait3A_324 = arith.constant 0 : i32
      %dma_wait3A_325 = arith.constant 0 : i32
      %dma_wait3A_326 = tpu.memref_slice %arg2[%dma_wait3A_324, %dma_wait3A_325] : memref<100000x32xf32, #tpu.memory_space<hbm>> -> memref<100000x32xf32, #tpu.memory_space<hbm>>
      tpu.wait_indirect_dma semaphore(%arg18 : memref<!tpu.dma_semaphore, #tpu.memory_space<semaphore_mem>>) src(%dma_wait3A_326 : memref<100000x32xf32, #tpu.memory_space<hbm>>) dst(%arg12 : memref<256x32xf32, #tpu.memory_space<vmem>>)
      %dma_start3A_327 = arith.constant 1 : i32
      %dma_start3A_328 = arith.constant 0 : i32
      %dma_start3A_329 = tpu.memref_slice %arg10[%dma_start3A_327, %dma_start3A_328] : memref<4x256xi32, #tpu.memory_space<vmem>> -> memref<1x256xi32, #tpu.memory_space<vmem>>
      %dma_start3A_330 = tpu.memref_squeeze %dma_start3A_329 : memref<1x256xi32, #tpu.memory_space<vmem>> -> memref<256xi32, #tpu.memory_space<vmem>>
      %dma_start3A_331 = arith.constant 0 : i32
      %dma_start3A_332 = arith.constant 0 : i32
      %dma_start3A_333 = tpu.memref_slice %arg6[%dma_start3A_331, %dma_start3A_332] : memref<50048x32xf32, #tpu.memory_space<vmem_shared>> -> memref<50048x32xf32, #tpu.memory_space<vmem_shared>>
      tpu.enqueue_indirect_dma source(%arg12 : memref<256x32xf32, #tpu.memory_space<vmem>>) target(%dma_start3A_333 : memref<50048x32xf32, #tpu.memory_space<vmem_shared>>) offsets(%dma_start3A_330 : memref<256xi32, #tpu.memory_space<vmem>>) semaphore(%arg20 : memref<!tpu.dma_semaphore, #tpu.memory_space<semaphore_mem>>) {add = true}
      %dma_wait3A_334 = arith.constant 0 : i32
      %dma_wait3A_335 = arith.constant 0 : i32
      %dma_wait3A_336 = tpu.memref_slice %arg9[%dma_wait3A_334, %dma_wait3A_335] : memref<4x256xi32, #tpu.memory_space<vmem>> -> memref<1x256xi32, #tpu.memory_space<vmem>>
      %dma_wait3A_337 = tpu.memref_squeeze %dma_wait3A_336 : memref<1x256xi32, #tpu.memory_space<vmem>> -> memref<256xi32, #tpu.memory_space<vmem>>
      %dma_wait3A_338 = arith.constant 0 : i32
      %dma_wait3A_339 = arith.constant 0 : i32
      %dma_wait3A_340 = tpu.memref_slice %arg6[%dma_wait3A_338, %dma_wait3A_339] : memref<50048x32xf32, #tpu.memory_space<vmem_shared>> -> memref<50048x32xf32, #tpu.memory_space<vmem_shared>>
      tpu.wait_indirect_dma semaphore(%arg20 : memref<!tpu.dma_semaphore, #tpu.memory_space<semaphore_mem>>) src(%arg12 : memref<256x32xf32, #tpu.memory_space<vmem>>) dst(%dma_wait3A_340 : memref<50048x32xf32, #tpu.memory_space<vmem_shared>>)
      %dma_start3A_341 = arith.constant 3 : i32
      %dma_start3A_342 = arith.constant 0 : i32
      %dma_start3A_343 = tpu.memref_slice %arg8[%dma_start3A_341, %dma_start3A_342] : memref<4x256xi32, #tpu.memory_space<vmem>> -> memref<1x256xi32, #tpu.memory_space<vmem>>
      %dma_start3A_344 = tpu.memref_squeeze %dma_start3A_343 : memref<1x256xi32, #tpu.memory_space<vmem>> -> memref<256xi32, #tpu.memory_space<vmem>>
      %dma_start3A_345 = arith.constant 0 : i32
      %dma_start3A_346 = arith.constant 0 : i32
      %dma_start3A_347 = tpu.memref_slice %arg2[%dma_start3A_345, %dma_start3A_346] : memref<100000x32xf32, #tpu.memory_space<hbm>> -> memref<100000x32xf32, #tpu.memory_space<hbm>>
      tpu.enqueue_indirect_dma source(%dma_start3A_347 : memref<100000x32xf32, #tpu.memory_space<hbm>>) target(%arg12 : memref<256x32xf32, #tpu.memory_space<vmem>>) offsets(%dma_start3A_344 : memref<256xi32, #tpu.memory_space<vmem>>) semaphore(%arg18 : memref<!tpu.dma_semaphore, #tpu.memory_space<semaphore_mem>>)
      %dma_wait3A_348 = arith.constant 0 : i32
      %dma_wait3A_349 = arith.constant 0 : i32
      %dma_wait3A_350 = tpu.memref_slice %arg7[%dma_wait3A_348, %dma_wait3A_349] : memref<4x256xi32, #tpu.memory_space<vmem>> -> memref<1x256xi32, #tpu.memory_space<vmem>>
      %dma_wait3A_351 = tpu.memref_squeeze %dma_wait3A_350 : memref<1x256xi32, #tpu.memory_space<vmem>> -> memref<256xi32, #tpu.memory_space<vmem>>
      %dma_wait3A_352 = arith.constant 0 : i32
      %dma_wait3A_353 = arith.constant 0 : i32
      %dma_wait3A_354 = tpu.memref_slice %arg2[%dma_wait3A_352, %dma_wait3A_353] : memref<100000x32xf32, #tpu.memory_space<hbm>> -> memref<100000x32xf32, #tpu.memory_space<hbm>>
      tpu.wait_indirect_dma semaphore(%arg17 : memref<!tpu.dma_semaphore, #tpu.memory_space<semaphore_mem>>) src(%dma_wait3A_354 : memref<100000x32xf32, #tpu.memory_space<hbm>>) dst(%arg11 : memref<256x32xf32, #tpu.memory_space<vmem>>)
      %dma_start3A_355 = arith.constant 2 : i32
      %dma_start3A_356 = arith.constant 0 : i32
      %dma_start3A_357 = tpu.memref_slice %arg10[%dma_start3A_355, %dma_start3A_356] : memref<4x256xi32, #tpu.memory_space<vmem>> -> memref<1x256xi32, #tpu.memory_space<vmem>>
      %dma_start3A_358 = tpu.memref_squeeze %dma_start3A_357 : memref<1x256xi32, #tpu.memory_space<vmem>> -> memref<256xi32, #tpu.memory_space<vmem>>
      %dma_start3A_359 = arith.constant 0 : i32
      %dma_start3A_360 = arith.constant 0 : i32
      %dma_start3A_361 = tpu.memref_slice %arg6[%dma_start3A_359, %dma_start3A_360] : memref<50048x32xf32, #tpu.memory_space<vmem_shared>> -> memref<50048x32xf32, #tpu.memory_space<vmem_shared>>
      tpu.enqueue_indirect_dma source(%arg11 : memref<256x32xf32, #tpu.memory_space<vmem>>) target(%dma_start3A_361 : memref<50048x32xf32, #tpu.memory_space<vmem_shared>>) offsets(%dma_start3A_358 : memref<256xi32, #tpu.memory_space<vmem>>) semaphore(%arg19 : memref<!tpu.dma_semaphore, #tpu.memory_space<semaphore_mem>>) {add = true}
      %dma_wait3A_362 = arith.constant 0 : i32
      %dma_wait3A_363 = arith.constant 0 : i32
      %dma_wait3A_364 = tpu.memref_slice %arg9[%dma_wait3A_362, %dma_wait3A_363] : memref<4x256xi32, #tpu.memory_space<vmem>> -> memref<1x256xi32, #tpu.memory_space<vmem>>
      %dma_wait3A_365 = tpu.memref_squeeze %dma_wait3A_364 : memref<1x256xi32, #tpu.memory_space<vmem>> -> memref<256xi32, #tpu.memory_space<vmem>>
      %dma_wait3A_366 = arith.constant 0 : i32
      %dma_wait3A_367 = arith.constant 0 : i32
      %dma_wait3A_368 = tpu.memref_slice %arg6[%dma_wait3A_366, %dma_wait3A_367] : memref<50048x32xf32, #tpu.memory_space<vmem_shared>> -> memref<50048x32xf32, #tpu.memory_space<vmem_shared>>
      tpu.wait_indirect_dma semaphore(%arg19 : memref<!tpu.dma_semaphore, #tpu.memory_space<semaphore_mem>>) src(%arg11 : memref<256x32xf32, #tpu.memory_space<vmem>>) dst(%dma_wait3A_368 : memref<50048x32xf32, #tpu.memory_space<vmem_shared>>)
      %dma_wait3A_369 = arith.constant 0 : i32
      %dma_wait3A_370 = arith.constant 0 : i32
      %dma_wait3A_371 = tpu.memref_slice %arg3[%arg0, %arg1, %dma_wait3A_369, %dma_wait3A_370] : memref<2x16x200x256xi32, #tpu.memory_space<hbm>> -> memref<1x1x4x256xi32, #tpu.memory_space<hbm>>
      %dma_wait3A_372 = tpu.memref_squeeze %dma_wait3A_371 : memref<1x1x4x256xi32, #tpu.memory_space<hbm>> -> memref<4x256xi32, #tpu.memory_space<hbm>>
      %dma_wait3A_373 = arith.constant 0 : i32
      %dma_wait3A_374 = arith.constant 0 : i32
      %dma_wait3A_375 = tpu.memref_slice %arg3[%arg0, %arg1, %dma_wait3A_373, %dma_wait3A_374] : memref<2x16x200x256xi32, #tpu.memory_space<hbm>> -> memref<1x1x4x256xi32, #tpu.memory_space<hbm>>
      %dma_wait3A_376 = tpu.memref_squeeze %dma_wait3A_375 : memref<1x1x4x256xi32, #tpu.memory_space<hbm>> -> memref<4x256xi32, #tpu.memory_space<hbm>>
      tpu.wait_dma2 semaphore(%arg13 : memref<!tpu.dma_semaphore, #tpu.memory_space<semaphore_mem>>) src(%dma_wait3A_376 : memref<4x256xi32, #tpu.memory_space<hbm>>) dst(%arg7 : memref<4x256xi32, #tpu.memory_space<vmem>>)
      %dma_wait3A_377 = arith.constant 0 : i32
      %dma_wait3A_378 = arith.constant 0 : i32
      %dma_wait3A_379 = tpu.memref_slice %arg4[%arg1, %dma_wait3A_377, %dma_wait3A_378] : memref<16x200x256xi32, #tpu.memory_space<hbm>> -> memref<1x4x256xi32, #tpu.memory_space<hbm>>
      %dma_wait3A_380 = tpu.memref_squeeze %dma_wait3A_379 : memref<1x4x256xi32, #tpu.memory_space<hbm>> -> memref<4x256xi32, #tpu.memory_space<hbm>>
      %dma_wait3A_381 = arith.constant 0 : i32
      %dma_wait3A_382 = arith.constant 0 : i32
      %dma_wait3A_383 = tpu.memref_slice %arg4[%arg1, %dma_wait3A_381, %dma_wait3A_382] : memref<16x200x256xi32, #tpu.memory_space<hbm>> -> memref<1x4x256xi32, #tpu.memory_space<hbm>>
      %dma_wait3A_384 = tpu.memref_squeeze %dma_wait3A_383 : memref<1x4x256xi32, #tpu.memory_space<hbm>> -> memref<4x256xi32, #tpu.memory_space<hbm>>
      tpu.wait_dma2 semaphore(%arg15 : memref<!tpu.dma_semaphore, #tpu.memory_space<semaphore_mem>>) src(%dma_wait3A_384 : memref<4x256xi32, #tpu.memory_space<hbm>>) dst(%arg9 : memref<4x256xi32, #tpu.memory_space<vmem>>)
      %dma_start3A_385 = arith.constant 0 : i32
      %dma_start3A_386 = arith.constant 0 : i32
      %dma_start3A_387 = tpu.memref_slice %arg7[%dma_start3A_385, %dma_start3A_386] : memref<4x256xi32, #tpu.memory_space<vmem>> -> memref<1x256xi32, #tpu.memory_space<vmem>>
      %dma_start3A_388 = tpu.memref_squeeze %dma_start3A_387 : memref<1x256xi32, #tpu.memory_space<vmem>> -> memref<256xi32, #tpu.memory_space<vmem>>
      %dma_start3A_389 = arith.constant 0 : i32
      %dma_start3A_390 = arith.constant 0 : i32
      %dma_start3A_391 = tpu.memref_slice %arg2[%dma_start3A_389, %dma_start3A_390] : memref<100000x32xf32, #tpu.memory_space<hbm>> -> memref<100000x32xf32, #tpu.memory_space<hbm>>
      tpu.enqueue_indirect_dma source(%dma_start3A_391 : memref<100000x32xf32, #tpu.memory_space<hbm>>) target(%arg11 : memref<256x32xf32, #tpu.memory_space<vmem>>) offsets(%dma_start3A_388 : memref<256xi32, #tpu.memory_space<vmem>>) semaphore(%arg17 : memref<!tpu.dma_semaphore, #tpu.memory_space<semaphore_mem>>)
      %dma_wait3A_392 = arith.constant 0 : i32
      %dma_wait3A_393 = arith.constant 0 : i32
      %dma_wait3A_394 = tpu.memref_slice %arg7[%dma_wait3A_392, %dma_wait3A_393] : memref<4x256xi32, #tpu.memory_space<vmem>> -> memref<1x256xi32, #tpu.memory_space<vmem>>
      %dma_wait3A_395 = tpu.memref_squeeze %dma_wait3A_394 : memref<1x256xi32, #tpu.memory_space<vmem>> -> memref<256xi32, #tpu.memory_space<vmem>>
      %dma_wait3A_396 = arith.constant 0 : i32
      %dma_wait3A_397 = arith.constant 0 : i32
      %dma_wait3A_398 = tpu.memref_slice %arg2[%dma_wait3A_396, %dma_wait3A_397] : memref<100000x32xf32, #tpu.memory_space<hbm>> -> memref<100000x32xf32, #tpu.memory_space<hbm>>
      tpu.wait_indirect_dma semaphore(%arg18 : memref<!tpu.dma_semaphore, #tpu.memory_space<semaphore_mem>>) src(%dma_wait3A_398 : memref<100000x32xf32, #tpu.memory_space<hbm>>) dst(%arg12 : memref<256x32xf32, #tpu.memory_space<vmem>>)
      %dma_start3A_399 = arith.constant 3 : i32
      %dma_start3A_400 = arith.constant 0 : i32
      %dma_start3A_401 = tpu.memref_slice %arg10[%dma_start3A_399, %dma_start3A_400] : memref<4x256xi32, #tpu.memory_space<vmem>> -> memref<1x256xi32, #tpu.memory_space<vmem>>
      %dma_start3A_402 = tpu.memref_squeeze %dma_start3A_401 : memref<1x256xi32, #tpu.memory_space<vmem>> -> memref<256xi32, #tpu.memory_space<vmem>>
      %dma_start3A_403 = arith.constant 0 : i32
      %dma_start3A_404 = arith.constant 0 : i32
      %dma_start3A_405 = tpu.memref_slice %arg6[%dma_start3A_403, %dma_start3A_404] : memref<50048x32xf32, #tpu.memory_space<vmem_shared>> -> memref<50048x32xf32, #tpu.memory_space<vmem_shared>>
      tpu.enqueue_indirect_dma source(%arg12 : memref<256x32xf32, #tpu.memory_space<vmem>>) target(%dma_start3A_405 : memref<50048x32xf32, #tpu.memory_space<vmem_shared>>) offsets(%dma_start3A_402 : memref<256xi32, #tpu.memory_space<vmem>>) semaphore(%arg20 : memref<!tpu.dma_semaphore, #tpu.memory_space<semaphore_mem>>) {add = true}
      %dma_wait3A_406 = arith.constant 0 : i32
      %dma_wait3A_407 = arith.constant 0 : i32
      %dma_wait3A_408 = tpu.memref_slice %arg9[%dma_wait3A_406, %dma_wait3A_407] : memref<4x256xi32, #tpu.memory_space<vmem>> -> memref<1x256xi32, #tpu.memory_space<vmem>>
      %dma_wait3A_409 = tpu.memref_squeeze %dma_wait3A_408 : memref<1x256xi32, #tpu.memory_space<vmem>> -> memref<256xi32, #tpu.memory_space<vmem>>
      %dma_wait3A_410 = arith.constant 0 : i32
      %dma_wait3A_411 = arith.constant 0 : i32
      %dma_wait3A_412 = tpu.memref_slice %arg6[%dma_wait3A_410, %dma_wait3A_411] : memref<50048x32xf32, #tpu.memory_space<vmem_shared>> -> memref<50048x32xf32, #tpu.memory_space<vmem_shared>>
      tpu.wait_indirect_dma semaphore(%arg20 : memref<!tpu.dma_semaphore, #tpu.memory_space<semaphore_mem>>) src(%arg12 : memref<256x32xf32, #tpu.memory_space<vmem>>) dst(%dma_wait3A_412 : memref<50048x32xf32, #tpu.memory_space<vmem_shared>>)
      %dma_start3A_413 = arith.constant 1 : i32
      %dma_start3A_414 = arith.constant 0 : i32
      %dma_start3A_415 = tpu.memref_slice %arg7[%dma_start3A_413, %dma_start3A_414] : memref<4x256xi32, #tpu.memory_space<vmem>> -> memref<1x256xi32, #tpu.memory_space<vmem>>
      %dma_start3A_416 = tpu.memref_squeeze %dma_start3A_415 : memref<1x256xi32, #tpu.memory_space<vmem>> -> memref<256xi32, #tpu.memory_space<vmem>>
      %dma_start3A_417 = arith.constant 0 : i32
      %dma_start3A_418 = arith.constant 0 : i32
      %dma_start3A_419 = tpu.memref_slice %arg2[%dma_start3A_417, %dma_start3A_418] : memref<100000x32xf32, #tpu.memory_space<hbm>> -> memref<100000x32xf32, #tpu.memory_space<hbm>>
      tpu.enqueue_indirect_dma source(%dma_start3A_419 : memref<100000x32xf32, #tpu.memory_space<hbm>>) target(%arg12 : memref<256x32xf32, #tpu.memory_space<vmem>>) offsets(%dma_start3A_416 : memref<256xi32, #tpu.memory_space<vmem>>) semaphore(%arg18 : memref<!tpu.dma_semaphore, #tpu.memory_space<semaphore_mem>>)
      %add3A_420 = arith.constant 1 : i32
      %add3A_421 = arith.addi %mul3A_141, %add3A_420 : i32
      %add3A_422 = arith.constant 2 : i32
      %add3A_423 = arith.addi %add3A_421, %add3A_422 : i32
      %min3A_424 = arith.constant 49 : i32
      %min3A_425 = arith.minsi %add3A_423, %min3A_424 : i32
      %mul3A_426 = arith.constant 4 : i32
      %mul3A_427 = arith.muli %min3A_425, %mul3A_426 : i32
      %dma_start3A_428 = arith.constant 0 : i32
      %dma_start3A_429 = tpu.memref_slice %arg3[%arg0, %arg1, %mul3A_427, %dma_start3A_428] : memref<2x16x200x256xi32, #tpu.memory_space<hbm>> -> memref<1x1x4x256xi32, #tpu.memory_space<hbm>>
      %dma_start3A_430 = tpu.memref_squeeze %dma_start3A_429 : memref<1x1x4x256xi32, #tpu.memory_space<hbm>> -> memref<4x256xi32, #tpu.memory_space<hbm>>
      %dma_start3A_431 = arith.constant 0 : i32
      %dma_start3A_432 = tpu.memref_slice %arg3[%arg0, %arg1, %mul3A_427, %dma_start3A_431] : memref<2x16x200x256xi32, #tpu.memory_space<hbm>> -> memref<1x1x4x256xi32, #tpu.memory_space<hbm>>
      %dma_start3A_433 = tpu.memref_squeeze %dma_start3A_432 : memref<1x1x4x256xi32, #tpu.memory_space<hbm>> -> memref<4x256xi32, #tpu.memory_space<hbm>>
      tpu.enqueue_dma source(%dma_start3A_433 : memref<4x256xi32, #tpu.memory_space<hbm>>) target(%arg8 : memref<4x256xi32, #tpu.memory_space<vmem>>) target_semaphore(%arg14 : memref<!tpu.dma_semaphore, #tpu.memory_space<semaphore_mem>>)
      %mul3A_434 = arith.constant 4 : i32
      %mul3A_435 = arith.muli %min3A_425, %mul3A_434 : i32
      %dma_start3A_436 = arith.constant 0 : i32
      %dma_start3A_437 = tpu.memref_slice %arg4[%arg1, %mul3A_435, %dma_start3A_436] : memref<16x200x256xi32, #tpu.memory_space<hbm>> -> memref<1x4x256xi32, #tpu.memory_space<hbm>>
      %dma_start3A_438 = tpu.memref_squeeze %dma_start3A_437 : memref<1x4x256xi32, #tpu.memory_space<hbm>> -> memref<4x256xi32, #tpu.memory_space<hbm>>
      %dma_start3A_439 = arith.constant 0 : i32
      %dma_start3A_440 = tpu.memref_slice %arg4[%arg1, %mul3A_435, %dma_start3A_439] : memref<16x200x256xi32, #tpu.memory_space<hbm>> -> memref<1x4x256xi32, #tpu.memory_space<hbm>>
      %dma_start3A_441 = tpu.memref_squeeze %dma_start3A_440 : memref<1x4x256xi32, #tpu.memory_space<hbm>> -> memref<4x256xi32, #tpu.memory_space<hbm>>
      tpu.enqueue_dma source(%dma_start3A_441 : memref<4x256xi32, #tpu.memory_space<hbm>>) target(%arg10 : memref<4x256xi32, #tpu.memory_space<vmem>>) target_semaphore(%arg16 : memref<!tpu.dma_semaphore, #tpu.memory_space<semaphore_mem>>)
    }
    %scan3A_103 = arith.constant 25 : i32
    %dma_wait3A_104 = arith.constant 0 : i32
    %dma_wait3A_105 = arith.constant 0 : i32
    %dma_wait3A_106 = tpu.memref_slice %arg7[%dma_wait3A_104, %dma_wait3A_105] : memref<4x256xi32, #tpu.memory_space<vmem>> -> memref<1x256xi32, #tpu.memory_space<vmem>>
    %dma_wait3A_107 = tpu.memref_squeeze %dma_wait3A_106 : memref<1x256xi32, #tpu.memory_space<vmem>> -> memref<256xi32, #tpu.memory_space<vmem>>
    %dma_wait3A_108 = arith.constant 0 : i32
    %dma_wait3A_109 = arith.constant 0 : i32
    %dma_wait3A_110 = tpu.memref_slice %arg2[%dma_wait3A_108, %dma_wait3A_109] : memref<100000x32xf32, #tpu.memory_space<hbm>> -> memref<100000x32xf32, #tpu.memory_space<hbm>>
    tpu.wait_indirect_dma semaphore(%arg17 : memref<!tpu.dma_semaphore, #tpu.memory_space<semaphore_mem>>) src(%dma_wait3A_110 : memref<100000x32xf32, #tpu.memory_space<hbm>>) dst(%arg11 : memref<256x32xf32, #tpu.memory_space<vmem>>)
    %dma_wait3A_111 = arith.constant 0 : i32
    %dma_wait3A_112 = arith.constant 0 : i32
    %dma_wait3A_113 = tpu.memref_slice %arg7[%dma_wait3A_111, %dma_wait3A_112] : memref<4x256xi32, #tpu.memory_space<vmem>> -> memref<1x256xi32, #tpu.memory_space<vmem>>
    %dma_wait3A_114 = tpu.memref_squeeze %dma_wait3A_113 : memref<1x256xi32, #tpu.memory_space<vmem>> -> memref<256xi32, #tpu.memory_space<vmem>>
    %dma_wait3A_115 = arith.constant 0 : i32
    %dma_wait3A_116 = arith.constant 0 : i32
    %dma_wait3A_117 = tpu.memref_slice %arg2[%dma_wait3A_115, %dma_wait3A_116] : memref<100000x32xf32, #tpu.memory_space<hbm>> -> memref<100000x32xf32, #tpu.memory_space<hbm>>
    tpu.wait_indirect_dma semaphore(%arg18 : memref<!tpu.dma_semaphore, #tpu.memory_space<semaphore_mem>>) src(%dma_wait3A_117 : memref<100000x32xf32, #tpu.memory_space<hbm>>) dst(%arg12 : memref<256x32xf32, #tpu.memory_space<vmem>>)
    %dma_wait3A_118 = arith.constant 0 : i32
    %dma_wait3A_119 = arith.constant 0 : i32
    %dma_wait3A_120 = tpu.memref_slice %arg3[%arg0, %arg1, %dma_wait3A_118, %dma_wait3A_119] : memref<2x16x200x256xi32, #tpu.memory_space<hbm>> -> memref<1x1x4x256xi32, #tpu.memory_space<hbm>>
    %dma_wait3A_121 = tpu.memref_squeeze %dma_wait3A_120 : memref<1x1x4x256xi32, #tpu.memory_space<hbm>> -> memref<4x256xi32, #tpu.memory_space<hbm>>
    %dma_wait3A_122 = arith.constant 0 : i32
    %dma_wait3A_123 = arith.constant 0 : i32
    %dma_wait3A_124 = tpu.memref_slice %arg3[%arg0, %arg1, %dma_wait3A_122, %dma_wait3A_123] : memref<2x16x200x256xi32, #tpu.memory_space<hbm>> -> memref<1x1x4x256xi32, #tpu.memory_space<hbm>>
    %dma_wait3A_125 = tpu.memref_squeeze %dma_wait3A_124 : memref<1x1x4x256xi32, #tpu.memory_space<hbm>> -> memref<4x256xi32, #tpu.memory_space<hbm>>
    tpu.wait_dma2 semaphore(%arg14 : memref<!tpu.dma_semaphore, #tpu.memory_space<semaphore_mem>>) src(%dma_wait3A_125 : memref<4x256xi32, #tpu.memory_space<hbm>>) dst(%arg8 : memref<4x256xi32, #tpu.memory_space<vmem>>)
    %dma_wait3A_126 = arith.constant 0 : i32
    %dma_wait3A_127 = arith.constant 0 : i32
    %dma_wait3A_128 = tpu.memref_slice %arg4[%arg1, %dma_wait3A_126, %dma_wait3A_127] : memref<16x200x256xi32, #tpu.memory_space<hbm>> -> memref<1x4x256xi32, #tpu.memory_space<hbm>>
    %dma_wait3A_129 = tpu.memref_squeeze %dma_wait3A_128 : memref<1x4x256xi32, #tpu.memory_space<hbm>> -> memref<4x256xi32, #tpu.memory_space<hbm>>
    %dma_wait3A_130 = arith.constant 0 : i32
    %dma_wait3A_131 = arith.constant 0 : i32
    %dma_wait3A_132 = tpu.memref_slice %arg4[%arg1, %dma_wait3A_130, %dma_wait3A_131] : memref<16x200x256xi32, #tpu.memory_space<hbm>> -> memref<1x4x256xi32, #tpu.memory_space<hbm>>
    %dma_wait3A_133 = tpu.memref_squeeze %dma_wait3A_132 : memref<1x4x256xi32, #tpu.memory_space<hbm>> -> memref<4x256xi32, #tpu.memory_space<hbm>>
    tpu.wait_dma2 semaphore(%arg16 : memref<!tpu.dma_semaphore, #tpu.memory_space<semaphore_mem>>) src(%dma_wait3A_133 : memref<4x256xi32, #tpu.memory_space<hbm>>) dst(%arg10 : memref<4x256xi32, #tpu.memory_space<vmem>>)
    %barrier3A_134 = arith.constant 0 : index
    tpu.barrier barrier_id(%barrier3A_134)
    %mul3A_135 = arith.constant 3128 : i32
    %mul3A_136 = arith.muli %arg1, %mul3A_135 : i32
    %mul3A_137 = arith.constant 3128 : i32
    %mul3A_138 = arith.muli %arg1, %mul3A_137 : i32
    "tpu.region"() ({
      %run_scoped3A = tpu.sem_alloc : memref<!tpu.dma_semaphore, #tpu.memory_space<semaphore_mem>>
      %dma_start3A_139 = arith.constant 0 : i32
      %dma_start3A_140 = tpu.memref_slice %arg5[%arg0, %mul3A_138, %dma_start3A_139] : memref<2x50048x32xf32, #tpu.memory_space<hbm>> -> memref<1x3128x32xf32, #tpu.memory_space<hbm>>
      %dma_start3A_141 = tpu.memref_squeeze %dma_start3A_140 : memref<1x3128x32xf32, #tpu.memory_space<hbm>> -> memref<3128x32xf32, #tpu.memory_space<hbm>>
      %dma_start3A_142 = arith.constant 0 : i32
      %dma_start3A_143 = tpu.memref_slice %arg6[%mul3A_136, %dma_start3A_142] : memref<50048x32xf32, #tpu.memory_space<vmem_shared>> -> memref<3128x32xf32, #tpu.memory_space<vmem_shared>>
      tpu.enqueue_dma source(%dma_start3A_143 : memref<3128x32xf32, #tpu.memory_space<vmem_shared>>) target(%dma_start3A_141 : memref<3128x32xf32, #tpu.memory_space<hbm>>) target_semaphore(%run_scoped3A : memref<!tpu.dma_semaphore, #tpu.memory_space<semaphore_mem>>)
      %dma_wait3A_144 = arith.constant 0 : i32
      %dma_wait3A_145 = tpu.memref_slice %arg5[%arg0, %mul3A_138, %dma_wait3A_144] : memref<2x50048x32xf32, #tpu.memory_space<hbm>> -> memref<1x3128x32xf32, #tpu.memory_space<hbm>>
      %dma_wait3A_146 = tpu.memref_squeeze %dma_wait3A_145 : memref<1x3128x32xf32, #tpu.memory_space<hbm>> -> memref<3128x32xf32, #tpu.memory_space<hbm>>
      %dma_wait3A_147 = arith.constant 0 : i32
      %dma_wait3A_148 = tpu.memref_slice %arg6[%mul3A_136, %dma_wait3A_147] : memref<50048x32xf32, #tpu.memory_space<vmem_shared>> -> memref<3128x32xf32, #tpu.memory_space<vmem_shared>>
      tpu.wait_dma2 semaphore(%run_scoped3A : memref<!tpu.dma_semaphore, #tpu.memory_space<semaphore_mem>>) src(%dma_wait3A_148 : memref<3128x32xf32, #tpu.memory_space<vmem_shared>>) dst(%dma_wait3A_146 : memref<3128x32xf32, #tpu.memory_space<hbm>>)
      tpu.yield
    }) : () -> ()
    return
  }
}

module attributes {stable_mosaic.version = 14 : i64} {
  func.func @_tc_input_body(%arg0: i32, %arg1: memref<2000x128xf32, #tpu.memory_space<vmem>>, %arg2: memref<128x64xf32, #tpu.memory_space<vmem>>, %arg3: memref<1x64xf32, #tpu.memory_space<vmem>>, %arg4: memref<2x2000x32xf32, #tpu.memory_space<vmem>>) attributes {dimension_semantics = [#tpu.dimension_semantics<arbitrary>], iteration_bounds = array<i64: 25>, scalar_prefetch = 0 : i64, scratch_operands = 0 : i64, tpu.core_type = #tpu.core_type<tc>, window_params = [{transform_indices = @transform_0, window_bounds = array<i64: 2000, 128>}, {pipeline_mode = #tpu.pipeline_mode<synchronous>, transform_indices = @transform_1, window_bounds = array<i64: 128, 64>}, {pipeline_mode = #tpu.pipeline_mode<synchronous>, transform_indices = @transform_2, window_bounds = array<i64: 1, 64>}, {transform_indices = @transform_3, window_bounds = array<i64: 2, 2000, 32>}]} {
    %get3A = arith.constant 0 : index
    %get3A_0 = arith.constant 0 : index
    %get3A_1 = vector.load %arg1[%get3A, %get3A_0] : memref<2000x128xf32, #tpu.memory_space<vmem>>, vector<2000x128xf32>
    %get3A_2 = arith.constant 0 : index
    %get3A_3 = arith.constant 0 : index
    %get3A_4 = vector.load %arg2[%get3A_2, %get3A_3] : memref<128x64xf32, #tpu.memory_space<vmem>>, vector<128x64xf32>
    %dot_general3A = arith.constant dense<0.000000e+00> : vector<2000x64xf32>
    %dot_general3A_5 = tpu.matmul %get3A_1, %get3A_4, %dot_general3A {dimension_numbers = #tpu.dot_dimension_numbers<[1], [0], [0], [1], [0, 0, 1, 1], [], []>, precision = #tpu.contract_precision<fp32>, transpose_lhs_hint = false} : vector<2000x128xf32>, vector<128x64xf32>, vector<2000x64xf32> -> vector<2000x64xf32>
    %get3A_6 = arith.constant 0 : index
    %get3A_7 = arith.constant 0 : index
    %get3A_8 = vector.load %arg3[%get3A_6, %get3A_7] : memref<1x64xf32, #tpu.memory_space<vmem>>, vector<1x64xf32>
    %add3A = vector.broadcast %get3A_8 : vector<1x64xf32> to vector<2000x64xf32>
    %add3A_9 = arith.addf %dot_general3A_5, %add3A : vector<2000x64xf32>
    %slice3A = vector.extract_strided_slice %add3A_9 {offsets = [0, 0], sizes = [2000, 32], strides = [1, 1]} : vector<2000x64xf32> to vector<2000x32xf32>
    %swap3A = arith.constant 0 : index
    %swap3A_10 = arith.constant 0 : index
    %swap3A_11 = arith.constant 0 : index
    %swap3A_12 = vector.load %arg4[%swap3A, %swap3A_10, %swap3A_11] : memref<2x2000x32xf32, #tpu.memory_space<vmem>>, vector<1x2000x32xf32>
    %swap3A_13 = vector.shape_cast %swap3A_12 : vector<1x2000x32xf32> to vector<2000x32xf32>
    %swap3A_14 = vector.shape_cast %slice3A : vector<2000x32xf32> to vector<1x2000x32xf32>
    tpu.vector_store %arg4[%swap3A, %swap3A_10, %swap3A_11], %swap3A_14 {strides = array<i32>} : memref<2x2000x32xf32, #tpu.memory_space<vmem>>, vector<1x2000x32xf32>,
    %slice3A_15 = vector.extract_strided_slice %add3A_9 {offsets = [0, 32], sizes = [2000, 32], strides = [1, 1]} : vector<2000x64xf32> to vector<2000x32xf32>
    %swap3A_16 = arith.constant 1 : index
    %swap3A_17 = arith.constant 0 : index
    %swap3A_18 = arith.constant 0 : index
    %swap3A_19 = vector.load %arg4[%swap3A_16, %swap3A_17, %swap3A_18] : memref<2x2000x32xf32, #tpu.memory_space<vmem>>, vector<1x2000x32xf32>
    %swap3A_20 = vector.shape_cast %swap3A_19 : vector<1x2000x32xf32> to vector<2000x32xf32>
    %swap3A_21 = vector.shape_cast %slice3A_15 : vector<2000x32xf32> to vector<1x2000x32xf32>
    tpu.vector_store %arg4[%swap3A_16, %swap3A_17, %swap3A_18], %swap3A_21 {strides = array<i32>} : memref<2x2000x32xf32, #tpu.memory_space<vmem>>, vector<1x2000x32xf32>,
    return
  }
  func.func @transform_0(%arg0: i32) -> (i32, i32) {
    %c0_i32 = arith.constant 0 : i32
    %c0_i32_0 = arith.constant 0 : i32
    return %arg0, %c0_i32 : i32, i32
  }
  func.func @transform_1(%arg0: i32) -> (i32, i32) {
    %c0_i32 = arith.constant 0 : i32
    %c0_i32_0 = arith.constant 0 : i32
    %c0_i32_1 = arith.constant 0 : i32
    return %c0_i32, %c0_i32_0 : i32, i32
  }
  func.func @transform_2(%arg0: i32) -> (i32, i32) {
    %c0_i32 = arith.constant 0 : i32
    %c0_i32_0 = arith.constant 0 : i32
    %c0_i32_1 = arith.constant 0 : i32
    return %c0_i32, %c0_i32_0 : i32, i32
  }
  func.func @transform_3(%arg0: i32) -> (i32, i32, i32) {
    %c0_i32 = arith.constant 0 : i32
    %c0_i32_0 = arith.constant 0 : i32
    %c0_i32_1 = arith.constant 0 : i32
    return %c0_i32, %arg0, %c0_i32_0 : i32, i32, i32
  }
}

module attributes {stable_mosaic.version = 14 : i64} {
  func.func @_tc_layer_body(%arg0: i32, %arg1: memref<2x2000x32xf32, #tpu.memory_space<vmem>>, %arg2: memref<2x2000x32xf32, #tpu.memory_space<vmem>>, %arg3: memref<64x64xf32, #tpu.memory_space<vmem>>, %arg4: memref<1x64xf32, #tpu.memory_space<vmem>>, %arg5: memref<64x64xf32, #tpu.memory_space<vmem>>, %arg6: memref<1x64xf32, #tpu.memory_space<vmem>>, %arg7: memref<2x2000x32xf32, #tpu.memory_space<vmem>>) attributes {dimension_semantics = [#tpu.dimension_semantics<arbitrary>], iteration_bounds = array<i64: 25>, scalar_prefetch = 0 : i64, scratch_operands = 0 : i64, tpu.core_type = #tpu.core_type<tc>, window_params = [{transform_indices = @transform_0, window_bounds = array<i64: 2, 2000, 32>}, {transform_indices = @transform_1, window_bounds = array<i64: 2, 2000, 32>}, {pipeline_mode = #tpu.pipeline_mode<synchronous>, transform_indices = @transform_2, window_bounds = array<i64: 64, 64>}, {pipeline_mode = #tpu.pipeline_mode<synchronous>, transform_indices = @transform_3, window_bounds = array<i64: 1, 64>}, {pipeline_mode = #tpu.pipeline_mode<synchronous>, transform_indices = @transform_4, window_bounds = array<i64: 64, 64>}, {pipeline_mode = #tpu.pipeline_mode<synchronous>, transform_indices = @transform_5, window_bounds = array<i64: 1, 64>}, {transform_indices = @transform_6, window_bounds = array<i64: 2, 2000, 32>}]} {
    %get3A = arith.constant 0 : index
    %get3A_0 = arith.constant 0 : index
    %get3A_1 = arith.constant 0 : index
    %get3A_2 = vector.load %arg1[%get3A, %get3A_0, %get3A_1] : memref<2x2000x32xf32, #tpu.memory_space<vmem>>, vector<1x2000x32xf32>
    %get3A_3 = vector.shape_cast %get3A_2 : vector<1x2000x32xf32> to vector<2000x32xf32>
    %get3A_4 = arith.constant 1 : index
    %get3A_5 = arith.constant 0 : index
    %get3A_6 = arith.constant 0 : index
    %get3A_7 = vector.load %arg1[%get3A_4, %get3A_5, %get3A_6] : memref<2x2000x32xf32, #tpu.memory_space<vmem>>, vector<1x2000x32xf32>
    %get3A_8 = vector.shape_cast %get3A_7 : vector<1x2000x32xf32> to vector<2000x32xf32>
    %concatenate3A = tpu.concatenate %get3A_3, %get3A_8 in 1 : vector<2000x32xf32>, vector<2000x32xf32> -> vector<2000x64xf32>
    %get3A_9 = arith.constant 0 : index
    %get3A_10 = arith.constant 0 : index
    %get3A_11 = arith.constant 0 : index
    %get3A_12 = vector.load %arg2[%get3A_9, %get3A_10, %get3A_11] : memref<2x2000x32xf32, #tpu.memory_space<vmem>>, vector<1x2000x32xf32>
    %get3A_13 = vector.shape_cast %get3A_12 : vector<1x2000x32xf32> to vector<2000x32xf32>
    %get3A_14 = arith.constant 1 : index
    %get3A_15 = arith.constant 0 : index
    %get3A_16 = arith.constant 0 : index
    %get3A_17 = vector.load %arg2[%get3A_14, %get3A_15, %get3A_16] : memref<2x2000x32xf32, #tpu.memory_space<vmem>>, vector<1x2000x32xf32>
    %get3A_18 = vector.shape_cast %get3A_17 : vector<1x2000x32xf32> to vector<2000x32xf32>
    %concatenate3A_19 = tpu.concatenate %get3A_13, %get3A_18 in 1 : vector<2000x32xf32>, vector<2000x32xf32> -> vector<2000x64xf32>
    %mul3A = arith.constant 2.000000e+00 : f32
    %mul3A_20 = vector.broadcast %mul3A : f32 to vector<2000x64xf32>
    %mul3A_21 = arith.mulf %mul3A_20, %concatenate3A : vector<2000x64xf32>
    %add3A = arith.addf %mul3A_21, %concatenate3A_19 : vector<2000x64xf32>
    %get3A_22 = arith.constant 0 : index
    %get3A_23 = arith.constant 0 : index
    %get3A_24 = vector.load %arg3[%get3A_22, %get3A_23] : memref<64x64xf32, #tpu.memory_space<vmem>>, vector<64x64xf32>
    %dot_general3A = arith.constant dense<0.000000e+00> : vector<2000x64xf32>
    %dot_general3A_25 = tpu.matmul %add3A, %get3A_24, %dot_general3A {dimension_numbers = #tpu.dot_dimension_numbers<[1], [0], [0], [1], [0, 0, 1, 1], [], []>, precision = #tpu.contract_precision<fp32>, transpose_lhs_hint = false} : vector<2000x64xf32>, vector<64x64xf32>, vector<2000x64xf32> -> vector<2000x64xf32>
    %get3A_26 = arith.constant 0 : index
    %get3A_27 = arith.constant 0 : index
    %get3A_28 = vector.load %arg4[%get3A_26, %get3A_27] : memref<1x64xf32, #tpu.memory_space<vmem>>, vector<1x64xf32>
    %add3A_29 = vector.broadcast %get3A_28 : vector<1x64xf32> to vector<2000x64xf32>
    %add3A_30 = arith.addf %dot_general3A_25, %add3A_29 : vector<2000x64xf32>
    %max3A = arith.constant 0.000000e+00 : f32
    %max3A_31 = vector.broadcast %max3A : f32 to vector<2000x64xf32>
    %max3A_32 = arith.maximumf %add3A_30, %max3A_31 : vector<2000x64xf32>
    %get3A_33 = arith.constant 0 : index
    %get3A_34 = arith.constant 0 : index
    %get3A_35 = vector.load %arg5[%get3A_33, %get3A_34] : memref<64x64xf32, #tpu.memory_space<vmem>>, vector<64x64xf32>
    %dot_general3A_36 = arith.constant dense<0.000000e+00> : vector<2000x64xf32>
    %dot_general3A_37 = tpu.matmul %max3A_32, %get3A_35, %dot_general3A_36 {dimension_numbers = #tpu.dot_dimension_numbers<[1], [0], [0], [1], [0, 0, 1, 1], [], []>, precision = #tpu.contract_precision<fp32>, transpose_lhs_hint = false} : vector<2000x64xf32>, vector<64x64xf32>, vector<2000x64xf32> -> vector<2000x64xf32>
    %get3A_38 = arith.constant 0 : index
    %get3A_39 = arith.constant 0 : index
    %get3A_40 = vector.load %arg6[%get3A_38, %get3A_39] : memref<1x64xf32, #tpu.memory_space<vmem>>, vector<1x64xf32>
    %add3A_41 = vector.broadcast %get3A_40 : vector<1x64xf32> to vector<2000x64xf32>
    %add3A_42 = arith.addf %dot_general3A_37, %add3A_41 : vector<2000x64xf32>
    %max3A_43 = arith.constant 0.000000e+00 : f32
    %max3A_44 = vector.broadcast %max3A_43 : f32 to vector<2000x64xf32>
    %max3A_45 = arith.maximumf %add3A_42, %max3A_44 : vector<2000x64xf32>
    %slice3A = vector.extract_strided_slice %max3A_45 {offsets = [0, 0], sizes = [2000, 32], strides = [1, 1]} : vector<2000x64xf32> to vector<2000x32xf32>
    %swap3A = arith.constant 0 : index
    %swap3A_46 = arith.constant 0 : index
    %swap3A_47 = arith.constant 0 : index
    %swap3A_48 = vector.load %arg7[%swap3A, %swap3A_46, %swap3A_47] : memref<2x2000x32xf32, #tpu.memory_space<vmem>>, vector<1x2000x32xf32>
    %swap3A_49 = vector.shape_cast %swap3A_48 : vector<1x2000x32xf32> to vector<2000x32xf32>
    %swap3A_50 = vector.shape_cast %slice3A : vector<2000x32xf32> to vector<1x2000x32xf32>
    tpu.vector_store %arg7[%swap3A, %swap3A_46, %swap3A_47], %swap3A_50 {strides = array<i32>} : memref<2x2000x32xf32, #tpu.memory_space<vmem>>, vector<1x2000x32xf32>,
    %slice3A_51 = vector.extract_strided_slice %max3A_45 {offsets = [0, 32], sizes = [2000, 32], strides = [1, 1]} : vector<2000x64xf32> to vector<2000x32xf32>
    %swap3A_52 = arith.constant 1 : index
    %swap3A_53 = arith.constant 0 : index
    %swap3A_54 = arith.constant 0 : index
    %swap3A_55 = vector.load %arg7[%swap3A_52, %swap3A_53, %swap3A_54] : memref<2x2000x32xf32, #tpu.memory_space<vmem>>, vector<1x2000x32xf32>
    %swap3A_56 = vector.shape_cast %swap3A_55 : vector<1x2000x32xf32> to vector<2000x32xf32>
    %swap3A_57 = vector.shape_cast %slice3A_51 : vector<2000x32xf32> to vector<1x2000x32xf32>
    tpu.vector_store %arg7[%swap3A_52, %swap3A_53, %swap3A_54], %swap3A_57 {strides = array<i32>} : memref<2x2000x32xf32, #tpu.memory_space<vmem>>, vector<1x2000x32xf32>,
    return
  }
  func.func @transform_0(%arg0: i32) -> (i32, i32, i32) {
    %c0_i32 = arith.constant 0 : i32
    %c0_i32_0 = arith.constant 0 : i32
    %c0_i32_1 = arith.constant 0 : i32
    return %c0_i32, %arg0, %c0_i32_0 : i32, i32, i32
  }
  func.func @transform_1(%arg0: i32) -> (i32, i32, i32) {
    %c0_i32 = arith.constant 0 : i32
    %c0_i32_0 = arith.constant 0 : i32
    %c0_i32_1 = arith.constant 0 : i32
    return %c0_i32, %arg0, %c0_i32_0 : i32, i32, i32
  }
  func.func @transform_2(%arg0: i32) -> (i32, i32) {
    %c0_i32 = arith.constant 0 : i32
    %c0_i32_0 = arith.constant 0 : i32
    %c0_i32_1 = arith.constant 0 : i32
    return %c0_i32, %c0_i32_0 : i32, i32
  }
  func.func @transform_3(%arg0: i32) -> (i32, i32) {
    %c0_i32 = arith.constant 0 : i32
    %c0_i32_0 = arith.constant 0 : i32
    %c0_i32_1 = arith.constant 0 : i32
    return %c0_i32, %c0_i32_0 : i32, i32
  }
  func.func @transform_4(%arg0: i32) -> (i32, i32) {
    %c0_i32 = arith.constant 0 : i32
    %c0_i32_0 = arith.constant 0 : i32
    %c0_i32_1 = arith.constant 0 : i32
    return %c0_i32, %c0_i32_0 : i32, i32
  }
  func.func @transform_5(%arg0: i32) -> (i32, i32) {
    %c0_i32 = arith.constant 0 : i32
    %c0_i32_0 = arith.constant 0 : i32
    %c0_i32_1 = arith.constant 0 : i32
    return %c0_i32, %c0_i32_0 : i32, i32
  }
  func.func @transform_6(%arg0: i32) -> (i32, i32, i32) {
    %c0_i32 = arith.constant 0 : i32
    %c0_i32_0 = arith.constant 0 : i32
    %c0_i32_1 = arith.constant 0 : i32
    return %c0_i32, %arg0, %c0_i32_0 : i32, i32, i32
  }
}

module attributes {stable_mosaic.version = 14 : i64} {
  func.func @_tc_last_body(%arg0: i32, %arg1: memref<2x2000x32xf32, #tpu.memory_space<vmem>>, %arg2: memref<2x2000x32xf32, #tpu.memory_space<vmem>>, %arg3: memref<64x64xf32, #tpu.memory_space<vmem>>, %arg4: memref<1x64xf32, #tpu.memory_space<vmem>>, %arg5: memref<64x64xf32, #tpu.memory_space<vmem>>, %arg6: memref<1x64xf32, #tpu.memory_space<vmem>>, %arg7: memref<2x2000x32xf32, #tpu.memory_space<vmem>>, %arg8: memref<1x64xf32, #tpu.memory_space<vmem>>) attributes {dimension_semantics = [#tpu.dimension_semantics<arbitrary>], iteration_bounds = array<i64: 25>, scalar_prefetch = 0 : i64, scratch_operands = 0 : i64, tpu.core_type = #tpu.core_type<tc>, window_params = [{transform_indices = @transform_0, window_bounds = array<i64: 2, 2000, 32>}, {transform_indices = @transform_1, window_bounds = array<i64: 2, 2000, 32>}, {pipeline_mode = #tpu.pipeline_mode<synchronous>, transform_indices = @transform_2, window_bounds = array<i64: 64, 64>}, {pipeline_mode = #tpu.pipeline_mode<synchronous>, transform_indices = @transform_3, window_bounds = array<i64: 1, 64>}, {pipeline_mode = #tpu.pipeline_mode<synchronous>, transform_indices = @transform_4, window_bounds = array<i64: 64, 64>}, {pipeline_mode = #tpu.pipeline_mode<synchronous>, transform_indices = @transform_5, window_bounds = array<i64: 1, 64>}, {transform_indices = @transform_6, window_bounds = array<i64: 2, 2000, 32>}, {pipeline_mode = #tpu.pipeline_mode<synchronous>, transform_indices = @transform_7, window_bounds = array<i64: 1, 64>}]} {
    %get3A = arith.constant 0 : index
    %get3A_0 = arith.constant 0 : index
    %get3A_1 = arith.constant 0 : index
    %get3A_2 = vector.load %arg1[%get3A, %get3A_0, %get3A_1] : memref<2x2000x32xf32, #tpu.memory_space<vmem>>, vector<1x2000x32xf32>
    %get3A_3 = vector.shape_cast %get3A_2 : vector<1x2000x32xf32> to vector<2000x32xf32>
    %get3A_4 = arith.constant 1 : index
    %get3A_5 = arith.constant 0 : index
    %get3A_6 = arith.constant 0 : index
    %get3A_7 = vector.load %arg1[%get3A_4, %get3A_5, %get3A_6] : memref<2x2000x32xf32, #tpu.memory_space<vmem>>, vector<1x2000x32xf32>
    %get3A_8 = vector.shape_cast %get3A_7 : vector<1x2000x32xf32> to vector<2000x32xf32>
    %concatenate3A = tpu.concatenate %get3A_3, %get3A_8 in 1 : vector<2000x32xf32>, vector<2000x32xf32> -> vector<2000x64xf32>
    %get3A_9 = arith.constant 0 : index
    %get3A_10 = arith.constant 0 : index
    %get3A_11 = arith.constant 0 : index
    %get3A_12 = vector.load %arg2[%get3A_9, %get3A_10, %get3A_11] : memref<2x2000x32xf32, #tpu.memory_space<vmem>>, vector<1x2000x32xf32>
    %get3A_13 = vector.shape_cast %get3A_12 : vector<1x2000x32xf32> to vector<2000x32xf32>
    %get3A_14 = arith.constant 1 : index
    %get3A_15 = arith.constant 0 : index
    %get3A_16 = arith.constant 0 : index
    %get3A_17 = vector.load %arg2[%get3A_14, %get3A_15, %get3A_16] : memref<2x2000x32xf32, #tpu.memory_space<vmem>>, vector<1x2000x32xf32>
    %get3A_18 = vector.shape_cast %get3A_17 : vector<1x2000x32xf32> to vector<2000x32xf32>
    %concatenate3A_19 = tpu.concatenate %get3A_13, %get3A_18 in 1 : vector<2000x32xf32>, vector<2000x32xf32> -> vector<2000x64xf32>
    %mul3A = arith.constant 2.000000e+00 : f32
    %mul3A_20 = vector.broadcast %mul3A : f32 to vector<2000x64xf32>
    %mul3A_21 = arith.mulf %mul3A_20, %concatenate3A : vector<2000x64xf32>
    %add3A = arith.addf %mul3A_21, %concatenate3A_19 : vector<2000x64xf32>
    %get3A_22 = arith.constant 0 : index
    %get3A_23 = arith.constant 0 : index
    %get3A_24 = vector.load %arg3[%get3A_22, %get3A_23] : memref<64x64xf32, #tpu.memory_space<vmem>>, vector<64x64xf32>
    %dot_general3A = arith.constant dense<0.000000e+00> : vector<2000x64xf32>
    %dot_general3A_25 = tpu.matmul %add3A, %get3A_24, %dot_general3A {dimension_numbers = #tpu.dot_dimension_numbers<[1], [0], [0], [1], [0, 0, 1, 1], [], []>, precision = #tpu.contract_precision<fp32>, transpose_lhs_hint = false} : vector<2000x64xf32>, vector<64x64xf32>, vector<2000x64xf32> -> vector<2000x64xf32>
    %get3A_26 = arith.constant 0 : index
    %get3A_27 = arith.constant 0 : index
    %get3A_28 = vector.load %arg4[%get3A_26, %get3A_27] : memref<1x64xf32, #tpu.memory_space<vmem>>, vector<1x64xf32>
    %add3A_29 = vector.broadcast %get3A_28 : vector<1x64xf32> to vector<2000x64xf32>
    %add3A_30 = arith.addf %dot_general3A_25, %add3A_29 : vector<2000x64xf32>
    %max3A = arith.constant 0.000000e+00 : f32
    %max3A_31 = vector.broadcast %max3A : f32 to vector<2000x64xf32>
    %max3A_32 = arith.maximumf %add3A_30, %max3A_31 : vector<2000x64xf32>
    %get3A_33 = arith.constant 0 : index
    %get3A_34 = arith.constant 0 : index
    %get3A_35 = vector.load %arg5[%get3A_33, %get3A_34] : memref<64x64xf32, #tpu.memory_space<vmem>>, vector<64x64xf32>
    %dot_general3A_36 = arith.constant dense<0.000000e+00> : vector<2000x64xf32>
    %dot_general3A_37 = tpu.matmul %max3A_32, %get3A_35, %dot_general3A_36 {dimension_numbers = #tpu.dot_dimension_numbers<[1], [0], [0], [1], [0, 0, 1, 1], [], []>, precision = #tpu.contract_precision<fp32>, transpose_lhs_hint = false} : vector<2000x64xf32>, vector<64x64xf32>, vector<2000x64xf32> -> vector<2000x64xf32>
    %get3A_38 = arith.constant 0 : index
    %get3A_39 = arith.constant 0 : index
    %get3A_40 = vector.load %arg6[%get3A_38, %get3A_39] : memref<1x64xf32, #tpu.memory_space<vmem>>, vector<1x64xf32>
    %add3A_41 = vector.broadcast %get3A_40 : vector<1x64xf32> to vector<2000x64xf32>
    %add3A_42 = arith.addf %dot_general3A_37, %add3A_41 : vector<2000x64xf32>
    %max3A_43 = arith.constant 0.000000e+00 : f32
    %max3A_44 = vector.broadcast %max3A_43 : f32 to vector<2000x64xf32>
    %max3A_45 = arith.maximumf %add3A_42, %max3A_44 : vector<2000x64xf32>
    %slice3A = vector.extract_strided_slice %max3A_45 {offsets = [0, 0], sizes = [2000, 32], strides = [1, 1]} : vector<2000x64xf32> to vector<2000x32xf32>
    %swap3A = arith.constant 0 : index
    %swap3A_46 = arith.constant 0 : index
    %swap3A_47 = arith.constant 0 : index
    %swap3A_48 = vector.load %arg7[%swap3A, %swap3A_46, %swap3A_47] : memref<2x2000x32xf32, #tpu.memory_space<vmem>>, vector<1x2000x32xf32>
    %swap3A_49 = vector.shape_cast %swap3A_48 : vector<1x2000x32xf32> to vector<2000x32xf32>
    %swap3A_50 = vector.shape_cast %slice3A : vector<2000x32xf32> to vector<1x2000x32xf32>
    tpu.vector_store %arg7[%swap3A, %swap3A_46, %swap3A_47], %swap3A_50 {strides = array<i32>} : memref<2x2000x32xf32, #tpu.memory_space<vmem>>, vector<1x2000x32xf32>,
    %slice3A_51 = vector.extract_strided_slice %max3A_45 {offsets = [0, 32], sizes = [2000, 32], strides = [1, 1]} : vector<2000x64xf32> to vector<2000x32xf32>
    %swap3A_52 = arith.constant 1 : index
    %swap3A_53 = arith.constant 0 : index
    %swap3A_54 = arith.constant 0 : index
    %swap3A_55 = vector.load %arg7[%swap3A_52, %swap3A_53, %swap3A_54] : memref<2x2000x32xf32, #tpu.memory_space<vmem>>, vector<1x2000x32xf32>
    %swap3A_56 = vector.shape_cast %swap3A_55 : vector<1x2000x32xf32> to vector<2000x32xf32>
    %swap3A_57 = vector.shape_cast %slice3A_51 : vector<2000x32xf32> to vector<1x2000x32xf32>
    tpu.vector_store %arg7[%swap3A_52, %swap3A_53, %swap3A_54], %swap3A_57 {strides = array<i32>} : memref<2x2000x32xf32, #tpu.memory_space<vmem>>, vector<1x2000x32xf32>,
    %reduce_sum3A = arith.constant dense<0.000000e+00> : vector<64xf32>
    %reduce_sum3A_58 = vector.multi_reduction <add>, %max3A_45, %reduce_sum3A [0] : vector<2000x64xf32> to vector<64xf32>
    %broadcast_in_dim3A = vector.shape_cast %reduce_sum3A_58 : vector<64xf32> to vector<1x64xf32>
    %eq3A = arith.constant 0 : i32
    %eq3A_59 = arith.cmpi eq, %arg0, %eq3A : i32
    %convert_element_type3A = arith.extui %eq3A_59 : i1 to i32
    %cond3A = arith.constant 0 : i32
    %cond3A_60 = arith.cmpi ne, %convert_element_type3A, %cond3A : i32
    scf.if %cond3A_60 {
      %swap3A_65 = arith.constant 0 : index
      %swap3A_66 = arith.constant 0 : index
      %swap3A_67 = vector.load %arg8[%swap3A_65, %swap3A_66] : memref<1x64xf32, #tpu.memory_space<vmem>>, vector<1x64xf32>
      tpu.vector_store %arg8[%swap3A_65, %swap3A_66], %broadcast_in_dim3A {strides = array<i32>} : memref<1x64xf32, #tpu.memory_space<vmem>>, vector<1x64xf32>,
    } else {
    }
    %ne3A = arith.constant 0 : i32
    %ne3A_61 = arith.cmpi ne, %arg0, %ne3A : i32
    %convert_element_type3A_62 = arith.extui %ne3A_61 : i1 to i32
    %cond3A_63 = arith.constant 0 : i32
    %cond3A_64 = arith.cmpi ne, %convert_element_type3A_62, %cond3A_63 : i32
    scf.if %cond3A_64 {
      %get3A_65 = arith.constant 0 : index
      %get3A_66 = arith.constant 0 : index
      %get3A_67 = vector.load %arg8[%get3A_65, %get3A_66] : memref<1x64xf32, #tpu.memory_space<vmem>>, vector<1x64xf32>
      %add3A_68 = arith.addf %get3A_67, %broadcast_in_dim3A : vector<1x64xf32>
      %swap3A_69 = arith.constant 0 : index
      %swap3A_70 = arith.constant 0 : index
      %swap3A_71 = vector.load %arg8[%swap3A_69, %swap3A_70] : memref<1x64xf32, #tpu.memory_space<vmem>>, vector<1x64xf32>
      tpu.vector_store %arg8[%swap3A_69, %swap3A_70], %add3A_68 {strides = array<i32>} : memref<1x64xf32, #tpu.memory_space<vmem>>, vector<1x64xf32>,
    } else {
    }
    return
  }
  func.func @transform_0(%arg0: i32) -> (i32, i32, i32) {
    %c0_i32 = arith.constant 0 : i32
    %c0_i32_0 = arith.constant 0 : i32
    %c0_i32_1 = arith.constant 0 : i32
    return %c0_i32, %arg0, %c0_i32_0 : i32, i32, i32
  }
  func.func @transform_1(%arg0: i32) -> (i32, i32, i32) {
    %c0_i32 = arith.constant 0 : i32
    %c0_i32_0 = arith.constant 0 : i32
    %c0_i32_1 = arith.constant 0 : i32
    return %c0_i32, %arg0, %c0_i32_0 : i32, i32, i32
  }
  func.func @transform_2(%arg0: i32) -> (i32, i32) {
    %c0_i32 = arith.constant 0 : i32
    %c0_i32_0 = arith.constant 0 : i32
    %c0_i32_1 = arith.constant 0 : i32
    return %c0_i32, %c0_i32_0 : i32, i32
  }
  func.func @transform_3(%arg0: i32) -> (i32, i32) {
    %c0_i32 = arith.constant 0 : i32
    %c0_i32_0 = arith.constant 0 : i32
    %c0_i32_1 = arith.constant 0 : i32
    return %c0_i32, %c0_i32_0 : i32, i32
  }
  func.func @transform_4(%arg0: i32) -> (i32, i32) {
    %c0_i32 = arith.constant 0 : i32
    %c0_i32_0 = arith.constant 0 : i32
    %c0_i32_1 = arith.constant 0 : i32
    return %c0_i32, %c0_i32_0 : i32, i32
  }
  func.func @transform_5(%arg0: i32) -> (i32, i32) {
    %c0_i32 = arith.constant 0 : i32
    %c0_i32_0 = arith.constant 0 : i32
    %c0_i32_1 = arith.constant 0 : i32
    return %c0_i32, %c0_i32_0 : i32, i32
  }
  func.func @transform_6(%arg0: i32) -> (i32, i32, i32) {
    %c0_i32 = arith.constant 0 : i32
    %c0_i32_0 = arith.constant 0 : i32
    %c0_i32_1 = arith.constant 0 : i32
    return %c0_i32, %arg0, %c0_i32_0 : i32, i32, i32
  }
  func.func @transform_7(%arg0: i32) -> (i32, i32) {
    %c0_i32 = arith.constant 0 : i32
    %c0_i32_0 = arith.constant 0 : i32
    %c0_i32_1 = arith.constant 0 : i32
    return %c0_i32, %c0_i32_0 : i32, i32
  }
}

module attributes {stable_mosaic.version = 14 : i64} {
  func.func @_tc_head_body(%arg0: memref<1x64xf32, #tpu.memory_space<vmem>>, %arg1: memref<64x256xf32, #tpu.memory_space<vmem>>, %arg2: memref<1x256xf32, #tpu.memory_space<vmem>>, %arg3: memref<256x256xf32, #tpu.memory_space<vmem>>, %arg4: memref<1x256xf32, #tpu.memory_space<vmem>>, %arg5: memref<1x256xf32, #tpu.memory_space<vmem>>) attributes {dimension_semantics = [], scalar_prefetch = 0 : i64, scratch_operands = 0 : i64, tpu.core_type = #tpu.core_type<tc>} {
    %get3A = arith.constant 0 : index
    %get3A_0 = arith.constant 0 : index
    %get3A_1 = vector.load %arg0[%get3A, %get3A_0] : memref<1x64xf32, #tpu.memory_space<vmem>>, vector<1x64xf32>
    %mul3A = arith.constant 2.000000e-05 : f32
    %mul3A_2 = vector.broadcast %mul3A : f32 to vector<1x64xf32>
    %mul3A_3 = arith.mulf %get3A_1, %mul3A_2 : vector<1x64xf32>
    %get3A_4 = arith.constant 0 : index
    %get3A_5 = arith.constant 0 : index
    %get3A_6 = vector.load %arg1[%get3A_4, %get3A_5] : memref<64x256xf32, #tpu.memory_space<vmem>>, vector<64x256xf32>
    %dot_general3A = arith.constant dense<0.000000e+00> : vector<1x256xf32>
    %dot_general3A_7 = tpu.matmul %mul3A_3, %get3A_6, %dot_general3A {dimension_numbers = #tpu.dot_dimension_numbers<[1], [0], [0], [1], [0, 0, 1, 1], [], []>, precision = #tpu.contract_precision<fp32>, transpose_lhs_hint = false} : vector<1x64xf32>, vector<64x256xf32>, vector<1x256xf32> -> vector<1x256xf32>
    %get3A_8 = arith.constant 0 : index
    %get3A_9 = arith.constant 0 : index
    %get3A_10 = vector.load %arg2[%get3A_8, %get3A_9] : memref<1x256xf32, #tpu.memory_space<vmem>>, vector<1x256xf32>
    %add3A = arith.addf %dot_general3A_7, %get3A_10 : vector<1x256xf32>
    %max3A = arith.constant 0.000000e+00 : f32
    %max3A_11 = vector.broadcast %max3A : f32 to vector<1x256xf32>
    %max3A_12 = arith.maximumf %add3A, %max3A_11 : vector<1x256xf32>
    %get3A_13 = arith.constant 0 : index
    %get3A_14 = arith.constant 0 : index
    %get3A_15 = vector.load %arg3[%get3A_13, %get3A_14] : memref<256x256xf32, #tpu.memory_space<vmem>>, vector<256x256xf32>
    %dot_general3A_16 = arith.constant dense<0.000000e+00> : vector<1x256xf32>
    %dot_general3A_17 = tpu.matmul %max3A_12, %get3A_15, %dot_general3A_16 {dimension_numbers = #tpu.dot_dimension_numbers<[1], [0], [0], [1], [0, 0, 1, 1], [], []>, precision = #tpu.contract_precision<fp32>, transpose_lhs_hint = false} : vector<1x256xf32>, vector<256x256xf32>, vector<1x256xf32> -> vector<1x256xf32>
    %get3A_18 = arith.constant 0 : index
    %get3A_19 = arith.constant 0 : index
    %get3A_20 = vector.load %arg4[%get3A_18, %get3A_19] : memref<1x256xf32, #tpu.memory_space<vmem>>, vector<1x256xf32>
    %add3A_21 = arith.addf %dot_general3A_17, %get3A_20 : vector<1x256xf32>
    %swap3A = arith.constant 0 : index
    %swap3A_22 = arith.constant 0 : index
    %swap3A_23 = vector.load %arg5[%swap3A, %swap3A_22] : memref<1x256xf32, #tpu.memory_space<vmem>>, vector<1x256xf32>
    tpu.vector_store %arg5[%swap3A, %swap3A_22], %add3A_21 {strides = array<i32>} : memref<1x256xf32, #tpu.memory_space<vmem>>, vector<1x256xf32>,
    return
  }
}

</mosaic_0001>

<sc_bundles>
// kernel: gin_sc_agg.11.cloned.1.call-start
scs
__scs_entry_jumppad:
0x0: {  	(pc) =	sbr.rel $0x88, $3  }
0x1: {  	(tag) =	ssettag $0x0;
	lr =	simm.s32 $0x1  }
0x2: {  	[smem:$0x3F7F] =	sst lr;
	_ =	strace $0xD0000000  }
0x3: {  	_ = 	snop  }
0x4: {  	_ = 	snop  }
0x5: {  	_ = 	snop  }
0x6: {  	_ = 	snop  }
0x7: {  	_ = 	snop  }
__scs_overlays_trampoline_lowered:
0x8: {  	[smem:$0x3F8E] =	sst s0  }
0x9: {  	[smem:$0x3F8F] =	sst s1  }
0xa: {  	[smem:$0x3F90] =	sst s2  }
0xb: {  	[smem:$0x3F91] =	sst s3  }
0xc: {  	[smem:$0x3F92] =	sst s4  }
0xd: {  	[smem:$0x3F93] =	sst s5  }
0xe: {  	[smem:$0x3F94] =	sst s6  }
0xf: {  	[smem:$0x3F95] =	sst s7  }
0x10: {  	[smem:$0x3F96] =	sst s8  }
0x11: {  	[smem:$0x3F97] =	sst s9;
	s0 =	simm.s32 @!p0 $0x0  }
0x12: {  	s1 =	sld [smem:$0x3F7D];
	s0 =	simm.s32 @p0 $0x1  }
0x13: {  	[smem:$0x3F98] =	sst s0;
	s0 =	simm.s32 @!p1 $0x0  }
0x14: {  	s2 =	sld [smem:$0x3F7C];
	s0 =	simm.s32 @p1 $0x1  }
0x15: {  	[smem:$0x3F99] =	sst s0;
	s0 =	simm.s32 @!p2 $0x0  }
0x16: {  	s3 =	sld [smem:$0x3FDB];
	s0 =	simm.s32 @p2 $0x1  }
0x17: {  	s4 =	simm.s32 $0x1BF5;
	[smem:$0x3F9B] =	sst s0  }
0x18: {  	s0 =	sld [smem:$0x3F7E];
	_ =	swait.ge [sflag:s4], $0x0  }
0x19: {  	s7 =	sld [smem:$0x3F7F]  }
0x1a: {  	s8 =	sadd.s32 $0xFFFFE003, lr  }
0x1b: {  	s9 =	sadd.s32 $0xFFFFFEF7, lr;
	s5 =	simm.s32 $0xFFFFFFFF;
	p2 =	slt.u32 s8, $0xFFFFF086  }
0x1c: {  	p1 =	slt.u32 s9, $0xF7A;
	s5 =	simm.s32 @!p2 $0x0  }
0x1d: {  	s5 =	simm.s32 @p1 $0x1;
	p0 =	seq.s32 s7, s2  }
0x1e: {  	s7 =	smul.u32 @!p0 $0xF7A, s2;
	p2 =	seq.s32 @!p0 s5, $0x0  }
0x1f: {  	s9 =	smul.u32 $0xF7A, s1;
	s8 =	simm.s32 @!p0 $0x1BF5;
	p2 =	por !p2, p0  }
0x20: {  	[sflag:s8] =	ssyncset.s32 @!p0 $0xFFFFF086;
	s6 =	sadd.s32 @!p0 s3, s7;
	s7 =	simm.s32 @!p0 $0x108  }
0x21: {  	s3 =	sadd.s32 s3, s9;
	s6 =	sadd.s32 @!p0 $0x88, s6;
	s7 =	simm.s32 @p2 $0x1082  }
0x22: {  	[simem:s7], [sflag:s8] =	dma.local @!p0 [hbm:s6], $0xF7A  }
0x23: {  	s9 =	sor.u32 $0xD0000000, s2;
	s6 =	simm.s32 $0x108;
	_ =	swait.ge @!p0 [sflag:s8], $0x0  }
0x24: {  	s3 =	sadd.s32 $0x88, s3;
	s6 =	simm.s32 @!p1 $0x1082;
	[sflag:s4] =	ssyncset.s32 $0xFFFFF086  }
0x25: {  	[simem:s6], [sflag:s4] =	dma.local [hbm:s3], $0xF7A  }
0x26: {  	[smem:$0x3F7F] =	sst s1;
	(tag) =	ssettag s2;
	_ =	strace s9  }
0x27: {  	s1 =	sld [smem:$0x3F8F]  }
0x28: {  	s2 =	sld [smem:$0x3F90]  }
0x29: {  	s4 =	sld [smem:$0x3F92]  }
0x2a: {  	p0 =	seq.s32 s5, $0x0;
	s5 =	sld [smem:$0x3F93]  }
0x2b: {  	s6 =	sld [smem:$0x3F94]  }
0x2c: {  	s7 =	sld [smem:$0x3F95]  }
0x2d: {  	s3 =	simm.s32 $0x108;
	s8 =	sld [smem:$0x3F96]  }
0x2e: {  	s3 =	simm.s32 @!p0 $0x1082;
	s9 =	sld [smem:$0x3F97]  }
0x2f: {  	lr =	sadd.s32 s0, s3;
	s0 =	sld [smem:$0x3F8E]  }
0x30: {  	s3 =	sld [smem:$0x3F91]  }
0x31: {  	[smem:$0x3F9A] =	sst s10  }
0x32: {  	s10 =	sld [smem:$0x3F98];
	_ =	sdelay $0x3  }
0x33: {  	p0 =	seq.s32 s10, $0x1;
	s10 =	sld [smem:$0x3F9A];
	_ =	sdelay $0x3  }
0x34: {  	[smem:$0x3F9A] =	sst s10  }
0x35: {  	s10 =	sld [smem:$0x3F99];
	_ =	sdelay $0x3  }
0x36: {  	p1 =	seq.s32 s10, $0x1;
	s10 =	sld [smem:$0x3F9A];
	_ =	sdelay $0x3  }
0x37: {  	[smem:$0x3F9A] =	sst s10  }
0x38: {  	s10 =	sld [smem:$0x3F9B]  }
0x39: {  	_ = 	snop;
	(pc) =	sbr.ind lr, $3  }
0x3a: {  	_ = 	snop  }
0x3b: {  	_ = 	snop  }
0x3c: {  	p2 =	seq.s32 s10, $0x1;
	s10 =	sld [smem:$0x3F9A]  }
0x3d: {  	_ =	shalt  }
0x3e: {  	_ =	shalt  }
0x3f: {  	_ =	shalt  }
0x40: {  	_ =	shalt  }
0x41: {  	_ =	shalt  }
0x42: {  	_ =	shalt  }
0x43: {  	_ =	shalt  }
0x44: {  	_ =	shalt  }
0x45: {  	_ =	shalt  }
0x46: {  	_ =	shalt  }
0x47: {  	_ =	shalt  }
0x48: {  	_ =	shalt  }
0x49: {  	_ =	shalt  }
0x4a: {  	_ =	shalt  }
0x4b: {  	_ =	shalt  }
0x4c: {  	_ =	shalt  }
0x4d: {  	_ =	shalt  }
0x4e: {  	_ =	shalt  }
0x4f: {  	_ =	shalt  }
0x50: {  	_ =	shalt  }
0x51: {  	_ =	shalt  }
0x52: {  	_ =	shalt  }
0x53: {  	_ =	shalt  }
0x54: {  	_ =	shalt  }
0x55: {  	_ =	shalt  }
0x56: {  	_ =	shalt  }
0x57: {  	_ =	shalt  }
0x58: {  	_ =	shalt  }
0x59: {  	_ =	shalt  }
0x5a: {  	_ =	shalt  }
0x5b: {  	_ =	shalt  }
0x5c: {  	_ =	shalt  }
0x5d: {  	_ =	shalt  }
0x5e: {  	_ =	shalt  }
0x5f: {  	_ =	shalt  }
0x60: {  	_ =	shalt  }
0x61: {  	_ =	shalt  }
0x62: {  	_ =	shalt  }
0x63: {  	_ =	shalt  }
0x64: {  	_ =	shalt  }
0x65: {  	_ =	shalt  }
0x66: {  	_ =	shalt  }
0x67: {  	_ =	shalt  }
0x68: {  	_ =	shalt  }
0x69: {  	_ =	shalt  }
0x6a: {  	_ =	shalt  }
0x6b: {  	_ =	shalt  }
0x6c: {  	_ =	shalt  }
0x6d: {  	_ =	shalt  }
0x6e: {  	_ =	shalt  }
0x6f: {  	_ =	shalt  }
0x70: {  	_ =	shalt  }
0x71: {  	_ =	shalt  }
0x72: {  	_ =	shalt  }
0x73: {  	_ =	shalt  }
0x74: {  	_ =	shalt  }
0x75: {  	_ =	shalt  }
0x76: {  	_ =	shalt  }
0x77: {  	_ =	shalt  }
0x78: {  	_ =	shalt  }
0x79: {  	_ =	shalt  }
0x7a: {  	_ =	shalt  }
0x7b: {  	_ =	shalt  }
0x7c: {  	_ =	shalt  }
0x7d: {  	_ =	shalt  }
0x7e: {  	_ =	shalt  }
0x7f: {  	_ =	shalt  }
0x80: {  	_ =	shalt  }
0x81: {  	_ =	shalt  }
0x82: {  	_ =	shalt  }
0x83: {  	_ =	shalt  }
0x84: {  	_ =	shalt  }
0x85: {  	_ =	shalt  }
0x86: {  	_ =	shalt  }
0x87: {  	_ =	shalt  }
.Lfunc_end0:
.L_simem_size_0:
called_computation.2_lowered:
.L_overlay_start_0:
0x88: {  	s2 =	sld [smem:$0x3FD9]  }
0x89: {  	s3 =	sld [smem:$0x3FFE];
	_ =	sdelay $0x1  }
0x8a: {  	s1 =	srdreg.scid  }
0x8b: {  	s0 =	sand.u32 $0x1, s1  }
0x8c: {  	s16 =	sshll.u32 s0, $0xA;
	s2 =	sadd.s32 s3, s2  }
0x8d: {  	s2 =	sadd.s32 s2, s16  }
0x8e: {  	[smem:$0x3FA6] =	sst s2  }
0x8f: {  	_ = 	snop  }
0x90: {  	(tm) =	ssettm $0x1  }
0x91: {  	s17 =	sld [smem:$0x3FFB];
	_ =	sdelay $0x3  }
0x92: {  	_ =	strace s17  }
0x93: {  	s2 =	sld [smem:$0x3FFC];
	_ =	sdelay $0x3  }
0x94: {  	_ =	strace s2  }
0x95: {  	s2 =	sld [smem:$0x3FFD];
	_ =	sdelay $0x3  }
0x96: {  	_ =	strace s2  }
0x97: {  	_ =	strace $0x8FFFFFFF  }
0x98: {  	s18 =	sld [smem:$0x3FDB];
	_ =	sdelay $0x1  }
0x99: {  	s19 =	simm.s32 $_scs_section_size  }
0x9a: {  	s4 =	simm.s32 $_size__tile_overlayer_lowered;
	s5 =	simm.s32 $_tile_overlayer_lowered  }
0x9b: {  	s22 =	simm.s32 $0x1BFF;
	s21 =	sshll.u32 s5, $0x1;
	s2 =	sadd.s32 s19, s18  }
0x9c: {  	s6 =	simm.s32 $0x0;
	s20 =	sshll.u32 s4, $0x1;
	s4 =	sadd.s32 s21, s2  }
0x9d: {  	[timem:s6], [sflag:s22] =	dma.local [hbm:s4], s20  }
0x9e: {  	_ =	swait.ge [sflag:s22], s20  }
0x9f: {  	s3 =	ssub.s32 $0x0, s20;
	[sflag:s22] =	ssyncset.done $0x0  }
0xa0: {  	[sflag:s22] =	ssyncadd.s32 s3;
	_ =	sdelay $0x1  }
0xa1: {  	s23 =	simm.s32 $0x1B8B  }
0xa2: {  	_ =	swait.ge [sflag:s23], $0x1  }
0xa3: {  	[sflag:s23] =	ssyncset.done $0x0  }
0xa4: {  	s25 =	simm.s32 $0x1B8E;
	s24 =	sld [smem:$0x3FFE];
	[sflag:s23] =	ssyncadd.s32 $0xFFFFFFFF  }
0xa5: {  	s26 =	simm.s32 $execute0_lowered;
	[smem:$0x3FD2] =	sst s25  }
0xa6: {  	s4 =	sshll.u32 s26, $0x1;
	_ =	strace $0x8000004C;
	[dreg:$0x1] =	wrdreg $0xFFFFFFFF  }
0xa7: {  	s28 =	simm.s32 $_size_execute0_lowered;
	s2 =	sadd.s32 s2, s4;
	[dreg:$0x0] =	wrdreg $0x0  }
0xa8: {  	s4 =	sshll.u32 s28, $0x1;
	[dreg:$0x2] =	wrdreg s2  }
0xa9: {  	[dreg:$0x3] =	wrdreg s4  }
0xaa: {  	[dreg:$0x4] =	wrdreg $0xC0  }
0xab: {  	_ =	task [dreg:s6], $0x5FFFF  }
0xac: {  	[dreg:$0x1] =	wrdreg $0xFFFFFFFF  }
0xad: {  	[dreg:$0x0] =	wrdreg $0x60  }
0xae: {  	[dreg:$0x2] =	wrdreg s24  }
0xaf: {  	[dreg:$0x3] =	wrdreg $0x0  }
0xb0: {  	[dreg:$0x4] =	wrdreg $0x9  }
0xb1: {  	_ =	task.clear_ibuf [dreg:s6], $0x5FFFF;
	_ =	strace $0x9000004C  }
0xb2: {  	s29 =	simm.s32 $0x9;
	_ =	strace $0x8000004E  }
0xb3: {  	_ =	swait.ge [sflag:s29], $0x1  }
0xb4: {  	[sflag:s29] =	ssyncadd.s32 $0xFFFFFFFF  }
0xb5: {  	_ =	strace $0x9000004E  }
0xb6: {  	_ =	sfence  }
0xb7: {  	s30 =	sld [smem:$0x0];
	_ =	sdelay $0x2  }
0xb8: {  	s31 =	sshll.u32 s1, $0xD;
	s1 =	sshrl.u32 s1, $0x2  }
0xb9: {  	s3 =	sand.u32 $0x4000, s31;
	s1 =	sadd.s32 s1, s30  }
0xba: {  	s0 =	sor.u32 s3, s0;
	s1 =	sshll.u32 s1, $0x11  }
0xbb: {  	s0 =	sor.u32 s1, s0  }
0xbc: {  	s0 =	sadd.s32 $0x8F2B, s0  }
0xbd: {  	[sflag:s0] =	ssyncadd.remote.s32 $0x1  }
0xbe: {  	_ =	sfence.sel $0xFFFF  }
0xbf: {  	[dreg:$0x0] =	wrdreg $0xFFFFFFFF;
	(pc) =	sbr.abs _section_cstart, $3  }
0xc0: {  	[dreg:$0x1] =	wrdreg $0xFFFFFFFF  }
0xc1: {  	_ =	task.clear_ibuf [dreg:s6], $0x2FFFF;
	_ =	strace $0x9FFFFFFF  }
0xc2: {  	(tm) =	ssettm $0x7FFFFFFF  }
0xc3: {  	_ =	shalt  }
tec
execute0_lowered:
.L_overlay_start_1:
0x0: {  	(tag) =	ssettag $0x1  }
0x1: {  	s0 =	rddreg [dreg:$0x0]  }
0x2: {  	s2 =	rddreg [dreg:$0x1]  }
0x3: {  	s1 =	srdreg.scid;
	s11 =	stileid.u32;
	s3 =	simm.s32 $0x0  }
0x4: {  	s20 =	simm.s32 $0x18900;
	s21 =	simm.s32 $0x19000;
	s23 =	simm.s32 $0x18A00  }
0x5: {  	s25 =	simm.s32 $0x19100;
	s28 =	simm.s32 $0x19200;
	[smem:$0x7FF] =	sst s3  }
0x6: {  	s29 =	simm.s32 $0x19700;
	_ =	strace $0x8000004D;
	[dreg:$0x3] =	wrdreg s20  }
0x7: {  	s30 =	simm.s32 $0x9;
	s9 =	smul.u32 $0x61C00, s11;
	[dreg:$0x4] =	wrdreg s21  }
0x8: {  	s31 =	simm.s32 $0x18700;
	s1 =	sand.u32 $0x1, s1;
	[dreg:$0x5] =	wrdreg s23  }
0x9: {  	s7 =	smul.u32 $0x18700, s11;
	[dreg:$0x6] =	wrdreg s25;
	s9 =	sshrl.u32 s9, $0x2  }
0xa: {  	[dreg:$0x7] =	wrdreg s28;
	s20 =	simm.s32 $0x19500;
	s9 =	sadd.s32 s9, s2  }
0xb: {  	s4 =	sadd.s32 $0x1BE600, s0;
	[dreg:$0xc] =	wrdreg s20;
	s15 =	sadd.s32 $0x2000, s9  }
0xc: {  	s5 =	sadd.s32 $0x5C00, s0;
	s16 =	sadd.s32 $0x4000, s9;
	[dreg:$0xe] =	wrdreg s15  }
0xd: {  	s6 =	smul.u32 $0x187000, s1;
	s17 =	sadd.s32 $0x6000, s9;
	[dreg:$0xf] =	wrdreg s16  }
0xe: {  	s10 =	ssub.s32 $0x2, s1;
	s18 =	sadd.s32 $0x8000, s9;
	[dreg:$0x10] =	wrdreg s17  }
0xf: {  	s1 =	smul.u32 $0xC8000, s1;
	s19 =	sadd.s32 $0xA000, s9;
	[dreg:$0x11] =	wrdreg s18  }
0x10: {  	s14 =	sshrl.u32 s10, $0x1;
	s12 =	sadd.s32 $0xC000, s9;
	[dreg:$0x12] =	wrdreg s19  }
0x11: {  	s20 =	simm.s32 $0x4;
	s22 =	sadd.s32 $0xE000, s9;
	[dreg:$0x13] =	wrdreg s12  }
0x12: {  	s8 =	sadd.s32 s7, s6;
	s24 =	sadd.s32 $0x10000, s9;
	[dreg:$0x14] =	wrdreg s22  }
0x13: {  	s6 =	sadd.s32 $0x220200, s0;
	s26 =	sadd.s32 $0x12000, s9;
	[dreg:$0x15] =	wrdreg s24  }
0x14: {  	s8 =	sshrl.u32 s8, $0x3;
	s13 =	sadd.s32 $0x14000, s9;
	[dreg:$0x16] =	wrdreg s26  }
0x15: {  	s0 =	sadd.s32 s8, s0;
	[dreg:$0x17] =	wrdreg s13;
	s15 =	sadd.s32 $0x16000, s9  }
0x16: {  	s8 =	ssub.s32 s10, s14;
	s14 =	simm.s32 $0x18C00;
	[dreg:$0x18] =	wrdreg s15  }
0x17: {  	s7 =	sadd.s32 s7, s2;
	s16 =	simm.s32 $0x18D00;
	[dreg:$0x8] =	wrdreg s14  }
0x18: {  	s17 =	simm.s32 $0x19400;
	s19 =	smul.u32 $0xC800, s11;
	[dreg:$0x9] =	wrdreg s16  }
0x19: {  	s18 =	simm.s32 $0x18E00;
	s9 =	sadd.s32 $0x18000, s9;
	[dreg:$0xa] =	wrdreg s17  }
0x1a: {  	s22 =	simm.s32 $0x19600;
	s10 =	simm.s32 $0x3;
	[dreg:$0x19] =	wrdreg s9  }
0x1b: {  	s11 =	simm.s32 $0x100;
	s12 =	simm.s32 $0x18800;
	[dreg:$0xb] =	wrdreg s18  }
0x1c: {  	s13 =	simm.s32 $0x1B700;
	[dreg:$0xd] =	wrdreg s22;
	s0 =	sadd.s32 $0x239200, s0  }
0x1d: {  	s25 =	smax.u32 s8, $0x1;
	s8 =	simm.s32 $0x19300;
	s14 =	simm.s32 $0x5  }
0x1e: {  	s15 =	simm.s32 $0x7;
	s16 =	simm.s32 $0x6;
	s17 =	simm.s32 $0x8  }
0x1f: {  	s21 =	sadd.s32 s19, s1;
	s24 =	sshrl.u32 s19, $0x3;
	[dreg:$0x1c] =	wrdreg s0  }
0x20: {  	[dreg:$0x1d] =	wrdreg s25;
	s23 =	sshrl.u32 s21, $0x3;
	s1 =	sadd.s32 s6, s24  }
0x21: {  	s18 =	simm.s32 $0x2;
	s9 =	sadd.s32 s5, s23;
	[dreg:$0x1b] =	wrdreg s1  }
0x22: {  	s0 =	simm.s32 $0x18F00;
	s28 =	sadd.s32 $0x80, s1;
	[dreg:$0x1a] =	wrdreg s9  }
0x23: {  	s24 =	simm.s32 $0x0;
	s26 =	sadd.s32 $0x80, s9;
	[dreg:$0x1f] =	wrdreg s28  }
0x24: {  	v0 =	vimm.f32 $0.0e+00;
	s1 =	simm.s32 $0x18B00;
	s9 =	simm.s32 $0x1;
	[dreg:$0x1e] =	wrdreg s26  }
.LBB2_1:
0x25: {  	s25 =	simm.s32 $0x80;
	s26 =	simm.s32 $0x0  }
.LBB2_2:
0x26: {  	p0 =	sne.s32 s25, $0x7F80;
	[tilespmem:s26+$0x19700] =	vst v0;
	s28 =	smov.u32 s25;
	s25 =	sadd.s32 $0x80, s25  }
.Ltmp0:
0x27: {  	[tilespmem:s26+$0x19710] =	vst v0;
	(pc) =	sbr.rel @p0 .LBB2_2-.Ltmp0, $2  }
0x28: {  	_ =	sdelay $0x2  }
0x29: {  	s26 =	sshra.s32 s28, $0x2  }
0x2a: {  	[tilespmem:s26+$0x19700] =	vst v0  }
0x2b: {  	[tilespmem:s26+$0x19710] =	vst v0  }
0x2c: {  	[spmem:s7] =	stream.linear.scatter [tilespmem:s29], [sflag:$0x9], $0x2000, $0x38;
	[tilespmem:$0x1D700] =	vst v63  }
0x2d: {  	_ =	swait.ge [sflag:s30], $0x2000  }
0x2e: {  	[sflag:s30] =	ssyncset.done $0x0  }
0x2f: {  	s22 =	rddreg [dreg:$0xe];
	[sflag:s30] =	ssyncadd.s32 $0xFFFFE000  }
0x30: {  	[spmem:s22] =	stream.linear.scatter [tilespmem:s29], [sflag:$0x9], $0x2000, $0x38;
	[tilespmem:$0x1D700] =	vst v63  }
0x31: {  	_ =	swait.ge [sflag:s30], $0x2000  }
0x32: {  	[sflag:s30] =	ssyncset.done $0x0  }
0x33: {  	s25 =	rddreg [dreg:$0xf];
	[sflag:s30] =	ssyncadd.s32 $0xFFFFE000  }
0x34: {  	[spmem:s25] =	stream.linear.scatter [tilespmem:s29], [sflag:$0x9], $0x2000, $0x38;
	[tilespmem:$0x1D700] =	vst v63  }
0x35: {  	_ =	swait.ge [sflag:s30], $0x2000  }
0x36: {  	[sflag:s30] =	ssyncset.done $0x0  }
0x37: {  	s26 =	rddreg [dreg:$0x10];
	[sflag:s30] =	ssyncadd.s32 $0xFFFFE000  }
0x38: {  	[spmem:s26] =	stream.linear.scatter [tilespmem:s29], [sflag:$0x9], $0x2000, $0x38;
	[tilespmem:$0x1D700] =	vst v63  }
0x39: {  	_ =	swait.ge [sflag:s30], $0x2000  }
0x3a: {  	[sflag:s30] =	ssyncset.done $0x0  }
0x3b: {  	s23 =	rddreg [dreg:$0x11];
	[sflag:s30] =	ssyncadd.s32 $0xFFFFE000  }
0x3c: {  	[spmem:s23] =	stream.linear.scatter [tilespmem:s29], [sflag:$0x9], $0x2000, $0x38;
	[tilespmem:$0x1D700] =	vst v63  }
0x3d: {  	_ =	swait.ge [sflag:s30], $0x2000  }
0x3e: {  	[sflag:s30] =	ssyncset.done $0x0  }
0x3f: {  	s25 =	rddreg [dreg:$0x12];
	[sflag:s30] =	ssyncadd.s32 $0xFFFFE000  }
0x40: {  	[spmem:s25] =	stream.linear.scatter [tilespmem:s29], [sflag:$0x9], $0x2000, $0x38;
	[tilespmem:$0x1D700] =	vst v63  }
0x41: {  	_ =	swait.ge [sflag:s30], $0x2000  }
0x42: {  	[sflag:s30] =	ssyncset.done $0x0  }
0x43: {  	s26 =	rddreg [dreg:$0x13];
	[sflag:s30] =	ssyncadd.s32 $0xFFFFE000  }
0x44: {  	[spmem:s26] =	stream.linear.scatter [tilespmem:s29], [sflag:$0x9], $0x2000, $0x38;
	[tilespmem:$0x1D700] =	vst v63  }
0x45: {  	_ =	swait.ge [sflag:s30], $0x2000  }
0x46: {  	[sflag:s30] =	ssyncset.done $0x0  }
0x47: {  	s23 =	rddreg [dreg:$0x14];
	[sflag:s30] =	ssyncadd.s32 $0xFFFFE000  }
0x48: {  	[spmem:s23] =	stream.linear.scatter [tilespmem:s29], [sflag:$0x9], $0x2000, $0x38;
	[tilespmem:$0x1D700] =	vst v63  }
0x49: {  	_ =	swait.ge [sflag:s30], $0x2000  }
0x4a: {  	[sflag:s30] =	ssyncset.done $0x0  }
0x4b: {  	s25 =	rddreg [dreg:$0x15];
	[sflag:s30] =	ssyncadd.s32 $0xFFFFE000  }
0x4c: {  	[spmem:s25] =	stream.linear.scatter [tilespmem:s29], [sflag:$0x9], $0x2000, $0x38;
	[tilespmem:$0x1D700] =	vst v63  }
0x4d: {  	_ =	swait.ge [sflag:s30], $0x2000  }
0x4e: {  	[sflag:s30] =	ssyncset.done $0x0  }
0x4f: {  	s26 =	rddreg [dreg:$0x16];
	[sflag:s30] =	ssyncadd.s32 $0xFFFFE000  }
0x50: {  	[spmem:s26] =	stream.linear.scatter [tilespmem:s29], [sflag:$0x9], $0x2000, $0x38;
	[tilespmem:$0x1D700] =	vst v63  }
0x51: {  	_ =	swait.ge [sflag:s30], $0x2000  }
0x52: {  	[sflag:s30] =	ssyncset.done $0x0  }
0x53: {  	s23 =	rddreg [dreg:$0x17];
	[sflag:s30] =	ssyncadd.s32 $0xFFFFE000  }
0x54: {  	[spmem:s23] =	stream.linear.scatter [tilespmem:s29], [sflag:$0x9], $0x2000, $0x38;
	[tilespmem:$0x1D700] =	vst v63  }
0x55: {  	_ =	swait.ge [sflag:s30], $0x2000  }
0x56: {  	[sflag:s30] =	ssyncset.done $0x0  }
0x57: {  	s25 =	rddreg [dreg:$0x18];
	[sflag:s30] =	ssyncadd.s32 $0xFFFFE000  }
0x58: {  	[spmem:s25] =	stream.linear.scatter [tilespmem:s29], [sflag:$0x9], $0x2000, $0x38;
	[tilespmem:$0x1D700] =	vst v63  }
0x59: {  	_ =	swait.ge [sflag:s30], $0x2000  }
0x5a: {  	[sflag:s30] =	ssyncset.done $0x0  }
0x5b: {  	s26 =	rddreg [dreg:$0x19];
	[sflag:s30] =	ssyncadd.s32 $0xFFFFE000  }
0x5c: {  	[spmem:s26] =	stream.linear.scatter [tilespmem:s29], [sflag:$0x9], $0x700, $0x38;
	[tilespmem:$0x1D700] =	vst v63  }
0x5d: {  	_ =	swait.ge [sflag:s30], $0x700  }
0x5e: {  	[sflag:s30] =	ssyncset.done $0x0  }
0x5f: {  	s25 =	simm.s32 $0x0;
	s23 =	rddreg [dreg:$0x1a];
	[sflag:s30] =	ssyncadd.s32 $0xFFFFF900  }
0x60: {  	[tilespmem:s31], [sflag:$0x1] =	stream.linear.gather [hbm4b:s23+s25], $0x400, $0x38;
	[tilespmem:$0x1D700] =	vst v63  }
0x61: {  	s26 =	rddreg [dreg:$0x1b]  }
0x62: {  	[tilespmem:s0], [sflag:$0x3] =	stream.linear.gather [hbm4b:s26+s25], $0x400, $0x38;
	[tilespmem:$0x1D700] =	vst v63  }
0x63: {  	s23 =	rddreg [dreg:$0x1e]  }
0x64: {  	[tilespmem:s1], [sflag:$0x2] =	stream.linear.gather [hbm4b:s23+s25], $0x400, $0x38;
	[tilespmem:$0x1D700] =	vst v63  }
0x65: {  	s26 =	rddreg [dreg:$0x1f]  }
0x66: {  	[tilespmem:s8], [sflag:$0x4] =	stream.linear.gather [hbm4b:s26+s25], $0x400, $0x38;
	[tilespmem:$0x1D700] =	vst v63  }
0x67: {  	[bflag:$0x0] =	sbarrier.arrive $0xFFFF  }
0x68: {  	_ =	swait.ge [sflag:s9], $0x400  }
0x69: {  	[sflag:s9] =	ssyncset.done $0x0  }
0x6a: {  	[sflag:s9] =	ssyncadd.s32 $0xFFFFFC00  }
0x6b: {  	_ =	swait.ge [sflag:s10], $0x400  }
0x6c: {  	[sflag:s10] =	ssyncset.done $0x0  }
0x6d: {  	[sflag:s10] =	ssyncadd.s32 $0xFFFFFC00  }
0x6e: {  	[tilespmem:s29], [sflag:$0x5] =	stream.indirect.gather [hbm4b:s4+s11], $0x20, s31, s11, $0xb8;
	[tilespmem:$0x1D700] =	vst v63  }
0x6f: {  	_ = 	snop  }
0x70: {  	[tilespmem:s13], [sflag:$0x6] =	stream.indirect.gather [hbm4b:s4+s11], $0x20, s12, s11, $0xb8;
	[tilespmem:$0x1D700] =	vst v63  }
0x71: {  	_ =	swait.ge [sflag:s14], $0x2000  }
0x72: {  	[sflag:s14] =	ssyncset.done $0x0  }
0x73: {  	[sflag:s14] =	ssyncadd.s32 $0xFFFFE000  }
0x74: {  	[spmem:s2] =	stream.indirect.scatter.add.f32 [tilespmem:s29], [sflag:$0x7], $0x20, s0, s11, $0xb8;
	[tilespmem:$0x1D700] =	vst v63  }
0x75: {  	_ =	swait.ge [sflag:s15], $0x2000  }
0x76: {  	[sflag:s15] =	ssyncset.done $0x0  }
0x77: {  	s22 =	rddreg [dreg:$0x3];
	[sflag:s15] =	ssyncadd.s32 $0xFFFFE000  }
0x78: {  	[tilespmem:s29], [sflag:$0x5] =	stream.indirect.gather [hbm4b:s4+s11], $0x20, s22, s11, $0xb8;
	[tilespmem:$0x1D700] =	vst v63  }
0x79: {  	_ =	swait.ge [sflag:s16], $0x2000  }
0x7a: {  	[sflag:s16] =	ssyncset.done $0x0  }
0x7b: {  	s23 =	rddreg [dreg:$0x4];
	[sflag:s16] =	ssyncadd.s32 $0xFFFFE000  }
0x7c: {  	[spmem:s2] =	stream.indirect.scatter.add.f32 [tilespmem:s13], [sflag:$0x8], $0x20, s23, s11, $0xb8;
	[tilespmem:$0x1D700] =	vst v63  }
0x7d: {  	_ =	swait.ge [sflag:s17], $0x2000  }
0x7e: {  	[sflag:s17] =	ssyncset.done $0x0  }
0x7f: {  	s22 =	rddreg [dreg:$0x5];
	[sflag:s17] =	ssyncadd.s32 $0xFFFFE000  }
0x80: {  	[tilespmem:s13], [sflag:$0x6] =	stream.indirect.gather [hbm4b:s4+s11], $0x20, s22, s11, $0xb8;
	[tilespmem:$0x1D700] =	vst v63  }
0x81: {  	_ =	swait.ge [sflag:s14], $0x2000  }
0x82: {  	[sflag:s14] =	ssyncset.done $0x0  }
0x83: {  	s23 =	rddreg [dreg:$0x6];
	[sflag:s14] =	ssyncadd.s32 $0xFFFFE000  }
0x84: {  	[spmem:s2] =	stream.indirect.scatter.add.f32 [tilespmem:s29], [sflag:$0x7], $0x20, s23, s11, $0xb8;
	[tilespmem:$0x1D700] =	vst v63  }
0x85: {  	_ =	swait.ge [sflag:s15], $0x2000  }
0x86: {  	[sflag:s15] =	ssyncset.done $0x0  }
0x87: {  	[sflag:s15] =	ssyncadd.s32 $0xFFFFE000  }
0x88: {  	_ =	swait.ge [sflag:s18], $0x400  }
0x89: {  	[sflag:s18] =	ssyncset.done $0x0  }
0x8a: {  	[sflag:s18] =	ssyncadd.s32 $0xFFFFFC00  }
0x8b: {  	_ =	swait.ge [sflag:s20], $0x400  }
0x8c: {  	[sflag:s20] =	ssyncset.done $0x0  }
0x8d: {  	[sflag:s20] =	ssyncadd.s32 $0xFFFFFC00  }
0x8e: {  	[tilespmem:s29], [sflag:$0x5] =	stream.indirect.gather [hbm4b:s4+s11], $0x20, s1, s11, $0xb8;
	[tilespmem:$0x1D700] =	vst v63  }
0x8f: {  	_ =	swait.ge [sflag:s16], $0x2000  }
0x90: {  	[sflag:s16] =	ssyncset.done $0x0  }
0x91: {  	s22 =	rddreg [dreg:$0x7];
	[sflag:s16] =	ssyncadd.s32 $0xFFFFE000  }
0x92: {  	[spmem:s2] =	stream.indirect.scatter.add.f32 [tilespmem:s13], [sflag:$0x8], $0x20, s22, s11, $0xb8;
	[tilespmem:$0x1D700] =	vst v63  }
0x93: {  	s23 =	smin.u32 s25, $0x2F;
	_ =	swait.ge [sflag:s17], $0x2000  }
0x94: {  	s26 =	sshll.u32 s23, $0xA;
	[sflag:s17] =	ssyncset.done $0x0  }
0x95: {  	s26 =	sadd.s32 $0x800, s26;
	s28 =	rddreg [dreg:$0x8];
	[sflag:s17] =	ssyncadd.s32 $0xFFFFE000  }
0x96: {  	[tilespmem:s13], [sflag:$0x6] =	stream.indirect.gather [hbm4b:s4+s11], $0x20, s28, s11, $0xb8;
	[tilespmem:$0x1D700] =	vst v63  }
0x97: {  	s28 =	sadd.s32 s21, s26  }
0x98: {  	s26 =	sadd.s32 s19, s26;
	s28 =	sshrl.u32 s28, $0x3  }
0x99: {  	s26 =	sshrl.u32 s26, $0x3;
	s28 =	sadd.s32 s5, s28  }
0x9a: {  	[tilespmem:s31], [sflag:$0x1] =	stream.linear.gather [hbm4b:s28+s3], $0x400, $0x38;
	[tilespmem:$0x1D700] =	vst v63  }
0x9b: {  	s26 =	sadd.s32 s6, s26  }
0x9c: {  	[tilespmem:s0], [sflag:$0x3] =	stream.linear.gather [hbm4b:s26+s3], $0x400, $0x38;
	[tilespmem:$0x1D700] =	vst v63  }
0x9d: {  	_ =	swait.ge [sflag:s14], $0x2000  }
0x9e: {  	[sflag:s14] =	ssyncset.done $0x0  }
0x9f: {  	[sflag:s14] =	ssyncadd.s32 $0xFFFFE000  }
0xa0: {  	[spmem:s2] =	stream.indirect.scatter.add.f32 [tilespmem:s29], [sflag:$0x7], $0x20, s8, s11, $0xb8;
	[tilespmem:$0x1D700] =	vst v63  }
0xa1: {  	_ =	swait.ge [sflag:s15], $0x2000  }
0xa2: {  	[sflag:s15] =	ssyncset.done $0x0  }
0xa3: {  	s22 =	rddreg [dreg:$0x9];
	[sflag:s15] =	ssyncadd.s32 $0xFFFFE000  }
0xa4: {  	[tilespmem:s29], [sflag:$0x5] =	stream.indirect.gather [hbm4b:s4+s11], $0x20, s22, s11, $0xb8;
	[tilespmem:$0x1D700] =	vst v63  }
0xa5: {  	_ =	swait.ge [sflag:s16], $0x2000  }
0xa6: {  	[sflag:s16] =	ssyncset.done $0x0  }
0xa7: {  	s23 =	rddreg [dreg:$0xa];
	[sflag:s16] =	ssyncadd.s32 $0xFFFFE000  }
0xa8: {  	[spmem:s2] =	stream.indirect.scatter.add.f32 [tilespmem:s13], [sflag:$0x8], $0x20, s23, s11, $0xb8;
	[tilespmem:$0x1D700] =	vst v63  }
0xa9: {  	_ =	swait.ge [sflag:s17], $0x2000  }
0xaa: {  	[sflag:s17] =	ssyncset.done $0x0  }
0xab: {  	s22 =	rddreg [dreg:$0xb];
	[sflag:s17] =	ssyncadd.s32 $0xFFFFE000  }
0xac: {  	[tilespmem:s13], [sflag:$0x6] =	stream.indirect.gather [hbm4b:s4+s11], $0x20, s22, s11, $0xb8;
	[tilespmem:$0x1D700] =	vst v63  }
0xad: {  	_ =	swait.ge [sflag:s14], $0x2000  }
0xae: {  	[sflag:s14] =	ssyncset.done $0x0  }
0xaf: {  	s23 =	rddreg [dreg:$0xc];
	[sflag:s14] =	ssyncadd.s32 $0xFFFFE000  }
0xb0: {  	[spmem:s2] =	stream.indirect.scatter.add.f32 [tilespmem:s29], [sflag:$0x7], $0x20, s23, s11, $0xb8;
	[tilespmem:$0x1D700] =	vst v63  }
0xb1: {  	_ =	swait.ge [sflag:s15], $0x2000  }
0xb2: {  	[sflag:s15] =	ssyncset.done $0x0  }
0xb3: {  	[sflag:s15] =	ssyncadd.s32 $0xFFFFE000  }
0xb4: {  	_ =	swait.ge [sflag:s9], $0x400  }
0xb5: {  	[sflag:s9] =	ssyncset.done $0x0  }
0xb6: {  	[sflag:s9] =	ssyncadd.s32 $0xFFFFFC00  }
0xb7: {  	_ =	swait.ge [sflag:s10], $0x400  }
0xb8: {  	[sflag:s10] =	ssyncset.done $0x0  }
0xb9: {  	s25 =	smin.u32 s25, $0x2E;
	[sflag:s10] =	ssyncadd.s32 $0xFFFFFC00  }
0xba: {  	[tilespmem:s29], [sflag:$0x5] =	stream.indirect.gather [hbm4b:s4+s11], $0x20, s31, s11, $0xb8;
	[tilespmem:$0x1D700] =	vst v63  }
0xbb: {  	s25 =	sshll.u32 s25, $0xA;
	_ =	swait.ge [sflag:s16], $0x2000  }
0xbc: {  	s25 =	sadd.s32 $0xC00, s25;
	[sflag:s16] =	ssyncset.done $0x0  }
0xbd: {  	s23 =	sadd.s32 s21, s25;
	s22 =	rddreg [dreg:$0xd];
	[sflag:s16] =	ssyncadd.s32 $0xFFFFE000  }
0xbe: {  	[spmem:s2] =	stream.indirect.scatter.add.f32 [tilespmem:s13], [sflag:$0x8], $0x20, s22, s11, $0xb8;
	[tilespmem:$0x1D700] =	vst v63  }
0xbf: {  	s25 =	sadd.s32 s19, s25;
	s26 =	sshrl.u32 s23, $0x3;
	_ =	swait.ge [sflag:s17], $0x2000  }
0xc0: {  	s28 =	sshrl.u32 s25, $0x3;
	s25 =	simm.s32 $0x2;
	[sflag:s17] =	ssyncset.done $0x0  }
0xc1: {  	s26 =	sadd.s32 s5, s26;
	s28 =	sadd.s32 s6, s28;
	[sflag:s17] =	ssyncadd.s32 $0xFFFFE000  }
0xc2: {  	[tilespmem:s13], [sflag:$0x6] =	stream.indirect.gather [hbm4b:s4+s11], $0x20, s12, s11, $0xb8;
	[tilespmem:$0x1D700] =	vst v63  }
.LBB2_4:
0xc3: {  	[tilespmem:s1], [sflag:$0x2] =	stream.linear.gather [hbm4b:s26+s3], $0x400, $0x38;
	[tilespmem:$0x1D700] =	vst v63  }
0xc4: {  	_ = 	snop  }
0xc5: {  	[tilespmem:s8], [sflag:$0x4] =	stream.linear.gather [hbm4b:s28+s3], $0x400, $0x38;
	[tilespmem:$0x1D700] =	vst v63  }
0xc6: {  	_ =	swait.ge [sflag:s14], $0x2000  }
0xc7: {  	[sflag:s14] =	ssyncset.done $0x0  }
0xc8: {  	[sflag:s14] =	ssyncadd.s32 $0xFFFFE000  }
0xc9: {  	[spmem:s2] =	stream.indirect.scatter.add.f32 [tilespmem:s29], [sflag:$0x7], $0x20, s0, s11, $0xb8;
	[tilespmem:$0x1D700] =	vst v63  }
0xca: {  	_ =	swait.ge [sflag:s15], $0x2000  }
0xcb: {  	[sflag:s15] =	ssyncset.done $0x0  }
0xcc: {  	s28 =	rddreg [dreg:$0x3];
	[sflag:s15] =	ssyncadd.s32 $0xFFFFE000  }
0xcd: {  	[tilespmem:s29], [sflag:$0x5] =	stream.indirect.gather [hbm4b:s4+s11], $0x20, s28, s11, $0xb8;
	[tilespmem:$0x1D700] =	vst v63  }
0xce: {  	_ =	swait.ge [sflag:s16], $0x2000  }
0xcf: {  	[sflag:s16] =	ssyncset.done $0x0  }
0xd0: {  	s28 =	rddreg [dreg:$0x4];
	[sflag:s16] =	ssyncadd.s32 $0xFFFFE000  }
0xd1: {  	[spmem:s2] =	stream.indirect.scatter.add.f32 [tilespmem:s13], [sflag:$0x8], $0x20, s28, s11, $0xb8;
	[tilespmem:$0x1D700] =	vst v63  }
0xd2: {  	_ =	swait.ge [sflag:s17], $0x2000  }
0xd3: {  	[sflag:s17] =	ssyncset.done $0x0  }
0xd4: {  	s28 =	rddreg [dreg:$0x5];
	[sflag:s17] =	ssyncadd.s32 $0xFFFFE000  }
0xd5: {  	[tilespmem:s13], [sflag:$0x6] =	stream.indirect.gather [hbm4b:s4+s11], $0x20, s28, s11, $0xb8;
	[tilespmem:$0x1D700] =	vst v63  }
0xd6: {  	_ =	swait.ge [sflag:s14], $0x2000  }
0xd7: {  	[sflag:s14] =	ssyncset.done $0x0  }
0xd8: {  	s28 =	rddreg [dreg:$0x6];
	[sflag:s14] =	ssyncadd.s32 $0xFFFFE000  }
0xd9: {  	[spmem:s2] =	stream.indirect.scatter.add.f32 [tilespmem:s29], [sflag:$0x7], $0x20, s28, s11, $0xb8;
	[tilespmem:$0x1D700] =	vst v63  }
0xda: {  	_ =	swait.ge [sflag:s15], $0x2000  }
0xdb: {  	[sflag:s15] =	ssyncset.done $0x0  }
0xdc: {  	[sflag:s15] =	ssyncadd.s32 $0xFFFFE000  }
0xdd: {  	_ =	swait.ge [sflag:s18], $0x400  }
0xde: {  	[sflag:s18] =	ssyncset.done $0x0  }
0xdf: {  	[sflag:s18] =	ssyncadd.s32 $0xFFFFFC00  }
0xe0: {  	_ =	swait.ge [sflag:s20], $0x400  }
0xe1: {  	[sflag:s20] =	ssyncset.done $0x0  }
0xe2: {  	[sflag:s20] =	ssyncadd.s32 $0xFFFFFC00  }
0xe3: {  	[tilespmem:s29], [sflag:$0x5] =	stream.indirect.gather [hbm4b:s4+s11], $0x20, s1, s11, $0xb8;
	[tilespmem:$0x1D700] =	vst v63  }
0xe4: {  	s26 =	smov.u32 s25;
	_ =	swait.ge [sflag:s16], $0x2000  }
0xe5: {  	s22 =	smin.u32 s26, $0x2F;
	[sflag:s16] =	ssyncset.done $0x0  }
0xe6: {  	s22 =	sshll.u32 s22, $0xA;
	s28 =	rddreg [dreg:$0x7];
	[sflag:s16] =	ssyncadd.s32 $0xFFFFE000  }
0xe7: {  	[spmem:s2] =	stream.indirect.scatter.add.f32 [tilespmem:s13], [sflag:$0x8], $0x20, s28, s11, $0xb8;
	[tilespmem:$0x1D700] =	vst v63  }
0xe8: {  	s22 =	sadd.s32 $0x800, s22;
	_ =	swait.ge [sflag:s17], $0x2000  }
0xe9: {  	s23 =	sadd.s32 s21, s22;
	s22 =	sadd.s32 s19, s22;
	[sflag:s17] =	ssyncset.done $0x0  }
0xea: {  	s23 =	sshrl.u32 s23, $0x3;
	s28 =	rddreg [dreg:$0x8];
	[sflag:s17] =	ssyncadd.s32 $0xFFFFE000  }
0xeb: {  	[tilespmem:s13], [sflag:$0x6] =	stream.indirect.gather [hbm4b:s4+s11], $0x20, s28, s11, $0xb8;
	[tilespmem:$0x1D700] =	vst v63  }
0xec: {  	s22 =	sshrl.u32 s22, $0x3;
	s23 =	sadd.s32 s5, s23  }
0xed: {  	[tilespmem:s31], [sflag:$0x1] =	stream.linear.gather [hbm4b:s23+s3], $0x400, $0x38;
	[tilespmem:$0x1D700] =	vst v63  }
0xee: {  	s22 =	sadd.s32 s6, s22  }
0xef: {  	[tilespmem:s0], [sflag:$0x3] =	stream.linear.gather [hbm4b:s22+s3], $0x400, $0x38;
	[tilespmem:$0x1D700] =	vst v63  }
0xf0: {  	_ =	swait.ge [sflag:s14], $0x2000  }
0xf1: {  	[sflag:s14] =	ssyncset.done $0x0  }
0xf2: {  	[sflag:s14] =	ssyncadd.s32 $0xFFFFE000  }
0xf3: {  	[spmem:s2] =	stream.indirect.scatter.add.f32 [tilespmem:s29], [sflag:$0x7], $0x20, s8, s11, $0xb8;
	[tilespmem:$0x1D700] =	vst v63  }
0xf4: {  	_ =	swait.ge [sflag:s15], $0x2000  }
0xf5: {  	[sflag:s15] =	ssyncset.done $0x0  }
0xf6: {  	s23 =	rddreg [dreg:$0x9];
	[sflag:s15] =	ssyncadd.s32 $0xFFFFE000  }
0xf7: {  	[tilespmem:s29], [sflag:$0x5] =	stream.indirect.gather [hbm4b:s4+s11], $0x20, s23, s11, $0xb8;
	[tilespmem:$0x1D700] =	vst v63  }
0xf8: {  	_ =	swait.ge [sflag:s16], $0x2000  }
0xf9: {  	[sflag:s16] =	ssyncset.done $0x0  }
0xfa: {  	s23 =	rddreg [dreg:$0xa];
	[sflag:s16] =	ssyncadd.s32 $0xFFFFE000  }
0xfb: {  	[spmem:s2] =	stream.indirect.scatter.add.f32 [tilespmem:s13], [sflag:$0x8], $0x20, s23, s11, $0xb8;
	[tilespmem:$0x1D700] =	vst v63  }
0xfc: {  	_ =	swait.ge [sflag:s17], $0x2000  }
0xfd: {  	[sflag:s17] =	ssyncset.done $0x0  }
0xfe: {  	s23 =	rddreg [dreg:$0xb];
	[sflag:s17] =	ssyncadd.s32 $0xFFFFE000  }
0xff: {  	[tilespmem:s13], [sflag:$0x6] =	stream.indirect.gather [hbm4b:s4+s11], $0x20, s23, s11, $0xb8;
	[tilespmem:$0x1D700] =	vst v63  }
0x100: {  	_ =	swait.ge [sflag:s14], $0x2000  }
0x101: {  	[sflag:s14] =	ssyncset.done $0x0  }
0x102: {  	s23 =	rddreg [dreg:$0xc];
	[sflag:s14] =	ssyncadd.s32 $0xFFFFE000  }
0x103: {  	[spmem:s2] =	stream.indirect.scatter.add.f32 [tilespmem:s29], [sflag:$0x7], $0x20, s23, s11, $0xb8;
	[tilespmem:$0x1D700] =	vst v63  }
0x104: {  	_ =	swait.ge [sflag:s15], $0x2000  }
0x105: {  	[sflag:s15] =	ssyncset.done $0x0  }
0x106: {  	[sflag:s15] =	ssyncadd.s32 $0xFFFFE000  }
0x107: {  	_ =	swait.ge [sflag:s9], $0x400  }
0x108: {  	[sflag:s9] =	ssyncset.done $0x0  }
0x109: {  	[sflag:s9] =	ssyncadd.s32 $0xFFFFFC00  }
0x10a: {  	_ =	swait.ge [sflag:s10], $0x400  }
0x10b: {  	[sflag:s10] =	ssyncset.done $0x0  }
0x10c: {  	[sflag:s10] =	ssyncadd.s32 $0xFFFFFC00  }
0x10d: {  	[tilespmem:s29], [sflag:$0x5] =	stream.indirect.gather [hbm4b:s4+s11], $0x20, s31, s11, $0xb8;
	[tilespmem:$0x1D700] =	vst v63  }
0x10e: {  	_ =	swait.ge [sflag:s16], $0x2000  }
0x10f: {  	p0 =	sne.s32 s25, $0x30;
	s26 =	smin.u32 s26, $0x2E;
	[sflag:s16] =	ssyncset.done $0x0  }
0x110: {  	s23 =	sshll.u32 s26, $0xA;
	s22 =	rddreg [dreg:$0xd];
	[sflag:s16] =	ssyncadd.s32 $0xFFFFE000  }
0x111: {  	[spmem:s2] =	stream.indirect.scatter.add.f32 [tilespmem:s13], [sflag:$0x8], $0x20, s22, s11, $0xb8;
	[tilespmem:$0x1D700] =	vst v63  }
.Ltmp1:
0x112: {  	s25 =	sadd.s32 $0x2, s25;
	s26 =	sadd.s32 $0xC00, s23;
	(pc) =	sbr.rel @p0 .LBB2_4-.Ltmp1, $4  }
0x113: {  	s23 =	sadd.s32 s21, s26;
	s22 =	sadd.s32 s19, s26;
	_ =	swait.ge [sflag:s17], $0x2000  }
0x114: {  	s23 =	sshrl.u32 s23, $0x3;
	s22 =	sshrl.u32 s22, $0x3;
	[sflag:s17] =	ssyncset.done $0x0  }
0x115: {  	s26 =	sadd.s32 s5, s23;
	s28 =	sadd.s32 s6, s22;
	[sflag:s17] =	ssyncadd.s32 $0xFFFFE000  }
0x116: {  	[tilespmem:s13], [sflag:$0x6] =	stream.indirect.gather [hbm4b:s4+s11], $0x20, s12, s11, $0xb8;
	[tilespmem:$0x1D700] =	vst v63  }
0x117: {  	[tilespmem:s1], [sflag:$0x2] =	stream.linear.gather [hbm4b:s26+s3], $0x400, $0x38;
	[tilespmem:$0x1D700] =	vst v63  }
0x118: {  	_ = 	snop  }
0x119: {  	[tilespmem:s8], [sflag:$0x4] =	stream.linear.gather [hbm4b:s28+s3], $0x400, $0x38;
	[tilespmem:$0x1D700] =	vst v63  }
0x11a: {  	_ =	swait.ge [sflag:s14], $0x2000  }
0x11b: {  	[sflag:s14] =	ssyncset.done $0x0  }
0x11c: {  	[sflag:s14] =	ssyncadd.s32 $0xFFFFE000  }
0x11d: {  	_ =	swait.ge [sflag:s16], $0x2000  }
0x11e: {  	[sflag:s16] =	ssyncset.done $0x0  }
0x11f: {  	[sflag:s16] =	ssyncadd.s32 $0xFFFFE000  }
0x120: {  	_ =	swait.ge [sflag:s18], $0x400  }
0x121: {  	[sflag:s18] =	ssyncset.done $0x0  }
0x122: {  	[sflag:s18] =	ssyncadd.s32 $0xFFFFFC00  }
0x123: {  	_ =	swait.ge [sflag:s20], $0x400  }
0x124: {  	[sflag:s20] =	ssyncset.done $0x0  }
0x125: {  	s22 =	stileid.u32;
	[sflag:s20] =	ssyncadd.s32 $0xFFFFFC00  }
0x126: {  	s22 =	sshll.u32 s22, $0x6;
	[bflag:$0x0] =	sbarrier.arrive $0xFFFF  }
0x127: {  	s23 =	sshrl.u32 s7, $0x3;
	s22 =	sor.u32 $0x1C09, s22;
	s25 =	rddreg [dreg:$0x1c]  }
0x128: {  	[hbm:s25], [sflag:s22] =	dma.local [spmem:s23], $0x30E0  }
0x129: {  	_ =	swait.ge [sflag:s30], $0x30E0  }
0x12a: {  	s24 =	sadd.s32 $0x1, s24;
	s28 =	rddreg [dreg:$0x1d]  }
0x12b: {  	p0 =	sne.s32 s24, s28  }
.Ltmp2:
0x12c: {  	_ = 	snop;
	(pc) =	sbr.rel @p0 .LBB2_1-.Ltmp2, $3  }
0x12d: {  	_ =	sdelay $0x1  }
0x12e: {  	[sflag:s30] =	ssyncset.done $0x0  }
0x12f: {  	[sflag:s30] =	ssyncadd.s32 $0xFFFFCF20  }
0x130: {  	_ =	sfence.sel $0x180000  }
0x131: {  	[bflag:$0x0] =	sbarrier.arrive $0xFFFF  }
0x132: {  	_ =	strace $0x9000004D  }
0x133: {  	s0 =	stileid.u32;
	[bflag:$0x2] =	sbarrier.arrive $0xFFFF  }
0x134: {  	p0 =	sne.s32 s0, $0x0;
	s0 =	rddreg [dreg:$0x2]  }
0x135: {  	s0 =	sadd.s32 @!p0 $0x100000, s0  }
0x136: {  	[sflag:s0] =	ssyncadd.tile.s32 @!p0 $0x1;
	_ =	shalt  }
.Lfunc_end2:
_tile_overlayer_lowered:
.L_overlay_start_2:
0x137: {  	(tag) =	ssettag $0x2  }
0x138: {  	s0 =	rddreg [dreg:$0x0];
	s2 =	stileid.u32  }
0x139: {  	s1 =	rddreg [dreg:$0x1];
	p0 =	sne.s32 s2, $0x0  }
0x13a: {  	s3 =	rddreg [dreg:$0x2];
	[bflag:$0x3] =	sbarrier.arrive $0xFFFF;
	s2 =	simm.s32 @!p0 $0x1C09  }
0x13b: {  	[timem:s3], [sflag:s2] =	dma.local @!p0 [hbm:s0], s1  }
0x13c: {  	s0 =	simm.s32 @!p0 $0x9  }
0x13d: {  	_ =	swait.ge @!p0 [sflag:s0], s1  }
0x13e: {  	s1 =	ssub.s32 @!p0 $0x0, s1;
	[sflag:s0] =	ssyncset.done @!p0 $0x0  }
0x13f: {  	[sflag:s0] =	ssyncadd.s32 @!p0 s1  }
0x140: {  	[bflag:$0x3] =	sbarrier.arrive $0xFFFF  }
0x141: {  	_ =	shalt  }

// kernel: gin_sc_agg.5.cloned.1.call-start
scs
__scs_entry_jumppad:
0x0: {  	(pc) =	sbr.rel $0x88, $3  }
0x1: {  	(tag) =	ssettag $0x0;
	lr =	simm.s32 $0x1  }
0x2: {  	[smem:$0x3F7F] =	sst lr;
	_ =	strace $0xD0000000  }
0x3: {  	_ = 	snop  }
0x4: {  	_ = 	snop  }
0x5: {  	_ = 	snop  }
0x6: {  	_ = 	snop  }
0x7: {  	_ = 	snop  }
__scs_overlays_trampoline_lowered:
0x8: {  	[smem:$0x3F8E] =	sst s0  }
0x9: {  	[smem:$0x3F8F] =	sst s1  }
0xa: {  	[smem:$0x3F90] =	sst s2  }
0xb: {  	[smem:$0x3F91] =	sst s3  }
0xc: {  	[smem:$0x3F92] =	sst s4  }
0xd: {  	[smem:$0x3F93] =	sst s5  }
0xe: {  	[smem:$0x3F94] =	sst s6  }
0xf: {  	[smem:$0x3F95] =	sst s7  }
0x10: {  	[smem:$0x3F96] =	sst s8  }
0x11: {  	[smem:$0x3F97] =	sst s9;
	s0 =	simm.s32 @!p0 $0x0  }
0x12: {  	s1 =	sld [smem:$0x3F7D];
	s0 =	simm.s32 @p0 $0x1  }
0x13: {  	[smem:$0x3F98] =	sst s0;
	s0 =	simm.s32 @!p1 $0x0  }
0x14: {  	s2 =	sld [smem:$0x3F7C];
	s0 =	simm.s32 @p1 $0x1  }
0x15: {  	[smem:$0x3F99] =	sst s0;
	s0 =	simm.s32 @!p2 $0x0  }
0x16: {  	s3 =	sld [smem:$0x3FDB];
	s0 =	simm.s32 @p2 $0x1  }
0x17: {  	s4 =	simm.s32 $0x1BF5;
	[smem:$0x3F9B] =	sst s0  }
0x18: {  	s0 =	sld [smem:$0x3F7E];
	_ =	swait.ge [sflag:s4], $0x0  }
0x19: {  	s7 =	sld [smem:$0x3F7F]  }
0x1a: {  	s8 =	sadd.s32 $0xFFFFE003, lr  }
0x1b: {  	s9 =	sadd.s32 $0xFFFFFEF7, lr;
	s5 =	simm.s32 $0xFFFFFFFF;
	p2 =	slt.u32 s8, $0xFFFFF086  }
0x1c: {  	p1 =	slt.u32 s9, $0xF7A;
	s5 =	simm.s32 @!p2 $0x0  }
0x1d: {  	s5 =	simm.s32 @p1 $0x1;
	p0 =	seq.s32 s7, s2  }
0x1e: {  	s7 =	smul.u32 @!p0 $0xF7A, s2;
	p2 =	seq.s32 @!p0 s5, $0x0  }
0x1f: {  	s9 =	smul.u32 $0xF7A, s1;
	s8 =	simm.s32 @!p0 $0x1BF5;
	p2 =	por !p2, p0  }
0x20: {  	[sflag:s8] =	ssyncset.s32 @!p0 $0xFFFFF086;
	s6 =	sadd.s32 @!p0 s3, s7;
	s7 =	simm.s32 @!p0 $0x108  }
0x21: {  	s3 =	sadd.s32 s3, s9;
	s6 =	sadd.s32 @!p0 $0x88, s6;
	s7 =	simm.s32 @p2 $0x1082  }
0x22: {  	[simem:s7], [sflag:s8] =	dma.local @!p0 [hbm:s6], $0xF7A  }
0x23: {  	s9 =	sor.u32 $0xD0000000, s2;
	s6 =	simm.s32 $0x108;
	_ =	swait.ge @!p0 [sflag:s8], $0x0  }
0x24: {  	s3 =	sadd.s32 $0x88, s3;
	s6 =	simm.s32 @!p1 $0x1082;
	[sflag:s4] =	ssyncset.s32 $0xFFFFF086  }
0x25: {  	[simem:s6], [sflag:s4] =	dma.local [hbm:s3], $0xF7A  }
0x26: {  	[smem:$0x3F7F] =	sst s1;
	(tag) =	ssettag s2;
	_ =	strace s9  }
0x27: {  	s1 =	sld [smem:$0x3F8F]  }
0x28: {  	s2 =	sld [smem:$0x3F90]  }
0x29: {  	s4 =	sld [smem:$0x3F92]  }
0x2a: {  	p0 =	seq.s32 s5, $0x0;
	s5 =	sld [smem:$0x3F93]  }
0x2b: {  	s6 =	sld [smem:$0x3F94]  }
0x2c: {  	s7 =	sld [smem:$0x3F95]  }
0x2d: {  	s3 =	simm.s32 $0x108;
	s8 =	sld [smem:$0x3F96]  }
0x2e: {  	s3 =	simm.s32 @!p0 $0x1082;
	s9 =	sld [smem:$0x3F97]  }
0x2f: {  	lr =	sadd.s32 s0, s3;
	s0 =	sld [smem:$0x3F8E]  }
0x30: {  	s3 =	sld [smem:$0x3F91]  }
0x31: {  	[smem:$0x3F9A] =	sst s10  }
0x32: {  	s10 =	sld [smem:$0x3F98];
	_ =	sdelay $0x3  }
0x33: {  	p0 =	seq.s32 s10, $0x1;
	s10 =	sld [smem:$0x3F9A];
	_ =	sdelay $0x3  }
0x34: {  	[smem:$0x3F9A] =	sst s10  }
0x35: {  	s10 =	sld [smem:$0x3F99];
	_ =	sdelay $0x3  }
0x36: {  	p1 =	seq.s32 s10, $0x1;
	s10 =	sld [smem:$0x3F9A];
	_ =	sdelay $0x3  }
0x37: {  	[smem:$0x3F9A] =	sst s10  }
0x38: {  	s10 =	sld [smem:$0x3F9B]  }
0x39: {  	_ = 	snop;
	(pc) =	sbr.ind lr, $3  }
0x3a: {  	_ = 	snop  }
0x3b: {  	_ = 	snop  }
0x3c: {  	p2 =	seq.s32 s10, $0x1;
	s10 =	sld [smem:$0x3F9A]  }
0x3d: {  	_ =	shalt  }
0x3e: {  	_ =	shalt  }
0x3f: {  	_ =	shalt  }
0x40: {  	_ =	shalt  }
0x41: {  	_ =	shalt  }
0x42: {  	_ =	shalt  }
0x43: {  	_ =	shalt  }
0x44: {  	_ =	shalt  }
0x45: {  	_ =	shalt  }
0x46: {  	_ =	shalt  }
0x47: {  	_ =	shalt  }
0x48: {  	_ =	shalt  }
0x49: {  	_ =	shalt  }
0x4a: {  	_ =	shalt  }
0x4b: {  	_ =	shalt  }
0x4c: {  	_ =	shalt  }
0x4d: {  	_ =	shalt  }
0x4e: {  	_ =	shalt  }
0x4f: {  	_ =	shalt  }
0x50: {  	_ =	shalt  }
0x51: {  	_ =	shalt  }
0x52: {  	_ =	shalt  }
0x53: {  	_ =	shalt  }
0x54: {  	_ =	shalt  }
0x55: {  	_ =	shalt  }
0x56: {  	_ =	shalt  }
0x57: {  	_ =	shalt  }
0x58: {  	_ =	shalt  }
0x59: {  	_ =	shalt  }
0x5a: {  	_ =	shalt  }
0x5b: {  	_ =	shalt  }
0x5c: {  	_ =	shalt  }
0x5d: {  	_ =	shalt  }
0x5e: {  	_ =	shalt  }
0x5f: {  	_ =	shalt  }
0x60: {  	_ =	shalt  }
0x61: {  	_ =	shalt  }
0x62: {  	_ =	shalt  }
0x63: {  	_ =	shalt  }
0x64: {  	_ =	shalt  }
0x65: {  	_ =	shalt  }
0x66: {  	_ =	shalt  }
0x67: {  	_ =	shalt  }
0x68: {  	_ =	shalt  }
0x69: {  	_ =	shalt  }
0x6a: {  	_ =	shalt  }
0x6b: {  	_ =	shalt  }
0x6c: {  	_ =	shalt  }
0x6d: {  	_ =	shalt  }
0x6e: {  	_ =	shalt  }
0x6f: {  	_ =	shalt  }
0x70: {  	_ =	shalt  }
0x71: {  	_ =	shalt  }
0x72: {  	_ =	shalt  }
0x73: {  	_ =	shalt  }
0x74: {  	_ =	shalt  }
0x75: {  	_ =	shalt  }
0x76: {  	_ =	shalt  }
0x77: {  	_ =	shalt  }
0x78: {  	_ =	shalt  }
0x79: {  	_ =	shalt  }
0x7a: {  	_ =	shalt  }
0x7b: {  	_ =	shalt  }
0x7c: {  	_ =	shalt  }
0x7d: {  	_ =	shalt  }
0x7e: {  	_ =	shalt  }
0x7f: {  	_ =	shalt  }
0x80: {  	_ =	shalt  }
0x81: {  	_ =	shalt  }
0x82: {  	_ =	shalt  }
0x83: {  	_ =	shalt  }
0x84: {  	_ =	shalt  }
0x85: {  	_ =	shalt  }
0x86: {  	_ =	shalt  }
0x87: {  	_ =	shalt  }
.Lfunc_end0:
.L_simem_size_0:
called_computation_lowered:
.L_overlay_start_0:
0x88: {  	s2 =	sld [smem:$0x3FD9]  }
0x89: {  	s3 =	sld [smem:$0x3FFE];
	_ =	sdelay $0x1  }
0x8a: {  	s1 =	srdreg.scid  }
0x8b: {  	s0 =	sand.u32 $0x1, s1  }
0x8c: {  	s16 =	sshll.u32 s0, $0xA;
	s2 =	sadd.s32 s3, s2  }
0x8d: {  	s2 =	sadd.s32 s2, s16  }
0x8e: {  	[smem:$0x3FA6] =	sst s2  }
0x8f: {  	_ = 	snop  }
0x90: {  	(tm) =	ssettm $0x1  }
0x91: {  	s17 =	sld [smem:$0x3FFB];
	_ =	sdelay $0x3  }
0x92: {  	_ =	strace s17  }
0x93: {  	s2 =	sld [smem:$0x3FFC];
	_ =	sdelay $0x3  }
0x94: {  	_ =	strace s2  }
0x95: {  	s2 =	sld [smem:$0x3FFD];
	_ =	sdelay $0x3  }
0x96: {  	_ =	strace s2  }
0x97: {  	_ =	strace $0x8FFFFFFF  }
0x98: {  	s18 =	sld [smem:$0x3FDB];
	_ =	sdelay $0x1  }
0x99: {  	s19 =	simm.s32 $_scs_section_size  }
0x9a: {  	s4 =	simm.s32 $_size__tile_overlayer_lowered;
	s5 =	simm.s32 $_tile_overlayer_lowered  }
0x9b: {  	s22 =	simm.s32 $0x1BFF;
	s21 =	sshll.u32 s5, $0x1;
	s2 =	sadd.s32 s19, s18  }
0x9c: {  	s6 =	simm.s32 $0x0;
	s20 =	sshll.u32 s4, $0x1;
	s4 =	sadd.s32 s21, s2  }
0x9d: {  	[timem:s6], [sflag:s22] =	dma.local [hbm:s4], s20  }
0x9e: {  	_ =	swait.ge [sflag:s22], s20  }
0x9f: {  	s3 =	ssub.s32 $0x0, s20;
	[sflag:s22] =	ssyncset.done $0x0  }
0xa0: {  	[sflag:s22] =	ssyncadd.s32 s3;
	_ =	sdelay $0x1  }
0xa1: {  	s23 =	simm.s32 $0x1B8B  }
0xa2: {  	_ =	swait.ge [sflag:s23], $0x1  }
0xa3: {  	[sflag:s23] =	ssyncset.done $0x0  }
0xa4: {  	s25 =	simm.s32 $0x1B8E;
	s24 =	sld [smem:$0x3FFE];
	[sflag:s23] =	ssyncadd.s32 $0xFFFFFFFF  }
0xa5: {  	s26 =	simm.s32 $execute0_lowered;
	[smem:$0x3FD2] =	sst s25  }
0xa6: {  	s4 =	sshll.u32 s26, $0x1;
	_ =	strace $0x80000046;
	[dreg:$0x1] =	wrdreg $0xFFFFFFFF  }
0xa7: {  	s28 =	simm.s32 $_size_execute0_lowered;
	s2 =	sadd.s32 s2, s4;
	[dreg:$0x0] =	wrdreg $0x0  }
0xa8: {  	s4 =	sshll.u32 s28, $0x1;
	[dreg:$0x2] =	wrdreg s2  }
0xa9: {  	[dreg:$0x3] =	wrdreg s4  }
0xaa: {  	[dreg:$0x4] =	wrdreg $0xC0  }
0xab: {  	_ =	task [dreg:s6], $0x5FFFF  }
0xac: {  	[dreg:$0x1] =	wrdreg $0xFFFFFFFF  }
0xad: {  	[dreg:$0x0] =	wrdreg $0x60  }
0xae: {  	[dreg:$0x2] =	wrdreg s24  }
0xaf: {  	[dreg:$0x3] =	wrdreg $0x0  }
0xb0: {  	[dreg:$0x4] =	wrdreg $0x9  }
0xb1: {  	_ =	task.clear_ibuf [dreg:s6], $0x5FFFF;
	_ =	strace $0x90000046  }
0xb2: {  	s29 =	simm.s32 $0x9;
	_ =	strace $0x80000048  }
0xb3: {  	_ =	swait.ge [sflag:s29], $0x1  }
0xb4: {  	[sflag:s29] =	ssyncadd.s32 $0xFFFFFFFF  }
0xb5: {  	_ =	strace $0x90000048  }
0xb6: {  	_ =	sfence  }
0xb7: {  	s30 =	sld [smem:$0x0];
	_ =	sdelay $0x2  }
0xb8: {  	s31 =	sshll.u32 s1, $0xD;
	s1 =	sshrl.u32 s1, $0x2  }
0xb9: {  	s3 =	sand.u32 $0x4000, s31;
	s1 =	sadd.s32 s1, s30  }
0xba: {  	s0 =	sor.u32 s3, s0;
	s1 =	sshll.u32 s1, $0x11  }
0xbb: {  	s0 =	sor.u32 s1, s0  }
0xbc: {  	s0 =	sadd.s32 $0x8F2B, s0  }
0xbd: {  	[sflag:s0] =	ssyncadd.remote.s32 $0x1  }
0xbe: {  	_ =	sfence.sel $0xFFFF  }
0xbf: {  	[dreg:$0x0] =	wrdreg $0xFFFFFFFF;
	(pc) =	sbr.abs _section_cstart, $3  }
0xc0: {  	[dreg:$0x1] =	wrdreg $0xFFFFFFFF  }
0xc1: {  	_ =	task.clear_ibuf [dreg:s6], $0x2FFFF;
	_ =	strace $0x9FFFFFFF  }
0xc2: {  	(tm) =	ssettm $0x7FFFFFFF  }
0xc3: {  	_ =	shalt  }
tec
execute0_lowered:
.L_overlay_start_1:
0x0: {  	(tag) =	ssettag $0x1  }
0x1: {  	s0 =	rddreg [dreg:$0x0]  }
0x2: {  	s2 =	rddreg [dreg:$0x1]  }
0x3: {  	s1 =	srdreg.scid;
	s11 =	stileid.u32;
	s3 =	simm.s32 $0x0  }
0x4: {  	s20 =	simm.s32 $0x18900;
	s21 =	simm.s32 $0x19000;
	s23 =	simm.s32 $0x18A00  }
0x5: {  	s25 =	simm.s32 $0x19100;
	s28 =	simm.s32 $0x19200;
	[smem:$0x7FF] =	sst s3  }
0x6: {  	s29 =	simm.s32 $0x19700;
	_ =	strace $0x80000047;
	[dreg:$0x3] =	wrdreg s20  }
0x7: {  	s30 =	simm.s32 $0x9;
	s9 =	smul.u32 $0x61C00, s11;
	[dreg:$0x4] =	wrdreg s21  }
0x8: {  	s31 =	simm.s32 $0x18700;
	s1 =	sand.u32 $0x1, s1;
	[dreg:$0x5] =	wrdreg s23  }
0x9: {  	s7 =	smul.u32 $0x18700, s11;
	[dreg:$0x6] =	wrdreg s25;
	s9 =	sshrl.u32 s9, $0x2  }
0xa: {  	[dreg:$0x7] =	wrdreg s28;
	s20 =	simm.s32 $0x19500;
	s9 =	sadd.s32 s9, s2  }
0xb: {  	s4 =	sadd.s32 $0x1BE600, s0;
	[dreg:$0xc] =	wrdreg s20;
	s15 =	sadd.s32 $0x2000, s9  }
0xc: {  	s5 =	sadd.s32 $0x5C00, s0;
	s16 =	sadd.s32 $0x4000, s9;
	[dreg:$0xe] =	wrdreg s15  }
0xd: {  	s6 =	smul.u32 $0x187000, s1;
	s17 =	sadd.s32 $0x6000, s9;
	[dreg:$0xf] =	wrdreg s16  }
0xe: {  	s10 =	ssub.s32 $0x2, s1;
	s18 =	sadd.s32 $0x8000, s9;
	[dreg:$0x10] =	wrdreg s17  }
0xf: {  	s1 =	smul.u32 $0xC8000, s1;
	s19 =	sadd.s32 $0xA000, s9;
	[dreg:$0x11] =	wrdreg s18  }
0x10: {  	s14 =	sshrl.u32 s10, $0x1;
	s12 =	sadd.s32 $0xC000, s9;
	[dreg:$0x12] =	wrdreg s19  }
0x11: {  	s20 =	simm.s32 $0x4;
	s22 =	sadd.s32 $0xE000, s9;
	[dreg:$0x13] =	wrdreg s12  }
0x12: {  	s8 =	sadd.s32 s7, s6;
	s24 =	sadd.s32 $0x10000, s9;
	[dreg:$0x14] =	wrdreg s22  }
0x13: {  	s6 =	sadd.s32 $0x220200, s0;
	s26 =	sadd.s32 $0x12000, s9;
	[dreg:$0x15] =	wrdreg s24  }
0x14: {  	s8 =	sshrl.u32 s8, $0x3;
	s13 =	sadd.s32 $0x14000, s9;
	[dreg:$0x16] =	wrdreg s26  }
0x15: {  	s0 =	sadd.s32 s8, s0;
	[dreg:$0x17] =	wrdreg s13;
	s15 =	sadd.s32 $0x16000, s9  }
0x16: {  	s8 =	ssub.s32 s10, s14;
	s14 =	simm.s32 $0x18C00;
	[dreg:$0x18] =	wrdreg s15  }
0x17: {  	s7 =	sadd.s32 s7, s2;
	s16 =	simm.s32 $0x18D00;
	[dreg:$0x8] =	wrdreg s14  }
0x18: {  	s17 =	simm.s32 $0x19400;
	s19 =	smul.u32 $0xC800, s11;
	[dreg:$0x9] =	wrdreg s16  }
0x19: {  	s18 =	simm.s32 $0x18E00;
	s9 =	sadd.s32 $0x18000, s9;
	[dreg:$0xa] =	wrdreg s17  }
0x1a: {  	s22 =	simm.s32 $0x19600;
	s10 =	simm.s32 $0x3;
	[dreg:$0x19] =	wrdreg s9  }
0x1b: {  	s11 =	simm.s32 $0x100;
	s12 =	simm.s32 $0x18800;
	[dreg:$0xb] =	wrdreg s18  }
0x1c: {  	s13 =	simm.s32 $0x1B700;
	[dreg:$0xd] =	wrdreg s22;
	s0 =	sadd.s32 $0x239200, s0  }
0x1d: {  	s25 =	smax.u32 s8, $0x1;
	s8 =	simm.s32 $0x19300;
	s14 =	simm.s32 $0x5  }
0x1e: {  	s15 =	simm.s32 $0x7;
	s16 =	simm.s32 $0x6;
	s17 =	simm.s32 $0x8  }
0x1f: {  	s21 =	sadd.s32 s19, s1;
	s24 =	sshrl.u32 s19, $0x3;
	[dreg:$0x1c] =	wrdreg s0  }
0x20: {  	[dreg:$0x1d] =	wrdreg s25;
	s23 =	sshrl.u32 s21, $0x3;
	s1 =	sadd.s32 s6, s24  }
0x21: {  	s18 =	simm.s32 $0x2;
	s9 =	sadd.s32 s5, s23;
	[dreg:$0x1b] =	wrdreg s1  }
0x22: {  	s0 =	simm.s32 $0x18F00;
	s28 =	sadd.s32 $0x80, s1;
	[dreg:$0x1a] =	wrdreg s9  }
0x23: {  	s24 =	simm.s32 $0x0;
	s26 =	sadd.s32 $0x80, s9;
	[dreg:$0x1f] =	wrdreg s28  }
0x24: {  	v0 =	vimm.f32 $0.0e+00;
	s1 =	simm.s32 $0x18B00;
	s9 =	simm.s32 $0x1;
	[dreg:$0x1e] =	wrdreg s26  }
.LBB2_1:
0x25: {  	s25 =	simm.s32 $0x80;
	s26 =	simm.s32 $0x0  }
.LBB2_2:
0x26: {  	p0 =	sne.s32 s25, $0x7F80;
	[tilespmem:s26+$0x19700] =	vst v0;
	s28 =	smov.u32 s25;
	s25 =	sadd.s32 $0x80, s25  }
.Ltmp0:
0x27: {  	[tilespmem:s26+$0x19710] =	vst v0;
	(pc) =	sbr.rel @p0 .LBB2_2-.Ltmp0, $2  }
0x28: {  	_ =	sdelay $0x2  }
0x29: {  	s26 =	sshra.s32 s28, $0x2  }
0x2a: {  	[tilespmem:s26+$0x19700] =	vst v0  }
0x2b: {  	[tilespmem:s26+$0x19710] =	vst v0  }
0x2c: {  	[spmem:s7] =	stream.linear.scatter [tilespmem:s29], [sflag:$0x9], $0x2000, $0x38;
	[tilespmem:$0x1D700] =	vst v63  }
0x2d: {  	_ =	swait.ge [sflag:s30], $0x2000  }
0x2e: {  	[sflag:s30] =	ssyncset.done $0x0  }
0x2f: {  	s22 =	rddreg [dreg:$0xe];
	[sflag:s30] =	ssyncadd.s32 $0xFFFFE000  }
0x30: {  	[spmem:s22] =	stream.linear.scatter [tilespmem:s29], [sflag:$0x9], $0x2000, $0x38;
	[tilespmem:$0x1D700] =	vst v63  }
0x31: {  	_ =	swait.ge [sflag:s30], $0x2000  }
0x32: {  	[sflag:s30] =	ssyncset.done $0x0  }
0x33: {  	s25 =	rddreg [dreg:$0xf];
	[sflag:s30] =	ssyncadd.s32 $0xFFFFE000  }
0x34: {  	[spmem:s25] =	stream.linear.scatter [tilespmem:s29], [sflag:$0x9], $0x2000, $0x38;
	[tilespmem:$0x1D700] =	vst v63  }
0x35: {  	_ =	swait.ge [sflag:s30], $0x2000  }
0x36: {  	[sflag:s30] =	ssyncset.done $0x0  }
0x37: {  	s26 =	rddreg [dreg:$0x10];
	[sflag:s30] =	ssyncadd.s32 $0xFFFFE000  }
0x38: {  	[spmem:s26] =	stream.linear.scatter [tilespmem:s29], [sflag:$0x9], $0x2000, $0x38;
	[tilespmem:$0x1D700] =	vst v63  }
0x39: {  	_ =	swait.ge [sflag:s30], $0x2000  }
0x3a: {  	[sflag:s30] =	ssyncset.done $0x0  }
0x3b: {  	s23 =	rddreg [dreg:$0x11];
	[sflag:s30] =	ssyncadd.s32 $0xFFFFE000  }
0x3c: {  	[spmem:s23] =	stream.linear.scatter [tilespmem:s29], [sflag:$0x9], $0x2000, $0x38;
	[tilespmem:$0x1D700] =	vst v63  }
0x3d: {  	_ =	swait.ge [sflag:s30], $0x2000  }
0x3e: {  	[sflag:s30] =	ssyncset.done $0x0  }
0x3f: {  	s25 =	rddreg [dreg:$0x12];
	[sflag:s30] =	ssyncadd.s32 $0xFFFFE000  }
0x40: {  	[spmem:s25] =	stream.linear.scatter [tilespmem:s29], [sflag:$0x9], $0x2000, $0x38;
	[tilespmem:$0x1D700] =	vst v63  }
0x41: {  	_ =	swait.ge [sflag:s30], $0x2000  }
0x42: {  	[sflag:s30] =	ssyncset.done $0x0  }
0x43: {  	s26 =	rddreg [dreg:$0x13];
	[sflag:s30] =	ssyncadd.s32 $0xFFFFE000  }
0x44: {  	[spmem:s26] =	stream.linear.scatter [tilespmem:s29], [sflag:$0x9], $0x2000, $0x38;
	[tilespmem:$0x1D700] =	vst v63  }
0x45: {  	_ =	swait.ge [sflag:s30], $0x2000  }
0x46: {  	[sflag:s30] =	ssyncset.done $0x0  }
0x47: {  	s23 =	rddreg [dreg:$0x14];
	[sflag:s30] =	ssyncadd.s32 $0xFFFFE000  }
0x48: {  	[spmem:s23] =	stream.linear.scatter [tilespmem:s29], [sflag:$0x9], $0x2000, $0x38;
	[tilespmem:$0x1D700] =	vst v63  }
0x49: {  	_ =	swait.ge [sflag:s30], $0x2000  }
0x4a: {  	[sflag:s30] =	ssyncset.done $0x0  }
0x4b: {  	s25 =	rddreg [dreg:$0x15];
	[sflag:s30] =	ssyncadd.s32 $0xFFFFE000  }
0x4c: {  	[spmem:s25] =	stream.linear.scatter [tilespmem:s29], [sflag:$0x9], $0x2000, $0x38;
	[tilespmem:$0x1D700] =	vst v63  }
0x4d: {  	_ =	swait.ge [sflag:s30], $0x2000  }
0x4e: {  	[sflag:s30] =	ssyncset.done $0x0  }
0x4f: {  	s26 =	rddreg [dreg:$0x16];
	[sflag:s30] =	ssyncadd.s32 $0xFFFFE000  }
0x50: {  	[spmem:s26] =	stream.linear.scatter [tilespmem:s29], [sflag:$0x9], $0x2000, $0x38;
	[tilespmem:$0x1D700] =	vst v63  }
0x51: {  	_ =	swait.ge [sflag:s30], $0x2000  }
0x52: {  	[sflag:s30] =	ssyncset.done $0x0  }
0x53: {  	s23 =	rddreg [dreg:$0x17];
	[sflag:s30] =	ssyncadd.s32 $0xFFFFE000  }
0x54: {  	[spmem:s23] =	stream.linear.scatter [tilespmem:s29], [sflag:$0x9], $0x2000, $0x38;
	[tilespmem:$0x1D700] =	vst v63  }
0x55: {  	_ =	swait.ge [sflag:s30], $0x2000  }
0x56: {  	[sflag:s30] =	ssyncset.done $0x0  }
0x57: {  	s25 =	rddreg [dreg:$0x18];
	[sflag:s30] =	ssyncadd.s32 $0xFFFFE000  }
0x58: {  	[spmem:s25] =	stream.linear.scatter [tilespmem:s29], [sflag:$0x9], $0x2000, $0x38;
	[tilespmem:$0x1D700] =	vst v63  }
0x59: {  	_ =	swait.ge [sflag:s30], $0x2000  }
0x5a: {  	[sflag:s30] =	ssyncset.done $0x0  }
0x5b: {  	s26 =	rddreg [dreg:$0x19];
	[sflag:s30] =	ssyncadd.s32 $0xFFFFE000  }
0x5c: {  	[spmem:s26] =	stream.linear.scatter [tilespmem:s29], [sflag:$0x9], $0x700, $0x38;
	[tilespmem:$0x1D700] =	vst v63  }
0x5d: {  	_ =	swait.ge [sflag:s30], $0x700  }
0x5e: {  	[sflag:s30] =	ssyncset.done $0x0  }
0x5f: {  	s25 =	simm.s32 $0x0;
	s23 =	rddreg [dreg:$0x1a];
	[sflag:s30] =	ssyncadd.s32 $0xFFFFF900  }
0x60: {  	[tilespmem:s31], [sflag:$0x1] =	stream.linear.gather [hbm4b:s23+s25], $0x400, $0x38;
	[tilespmem:$0x1D700] =	vst v63  }
0x61: {  	s26 =	rddreg [dreg:$0x1b]  }
0x62: {  	[tilespmem:s0], [sflag:$0x3] =	stream.linear.gather [hbm4b:s26+s25], $0x400, $0x38;
	[tilespmem:$0x1D700] =	vst v63  }
0x63: {  	s23 =	rddreg [dreg:$0x1e]  }
0x64: {  	[tilespmem:s1], [sflag:$0x2] =	stream.linear.gather [hbm4b:s23+s25], $0x400, $0x38;
	[tilespmem:$0x1D700] =	vst v63  }
0x65: {  	s26 =	rddreg [dreg:$0x1f]  }
0x66: {  	[tilespmem:s8], [sflag:$0x4] =	stream.linear.gather [hbm4b:s26+s25], $0x400, $0x38;
	[tilespmem:$0x1D700] =	vst v63  }
0x67: {  	[bflag:$0x0] =	sbarrier.arrive $0xFFFF  }
0x68: {  	_ =	swait.ge [sflag:s9], $0x400  }
0x69: {  	[sflag:s9] =	ssyncset.done $0x0  }
0x6a: {  	[sflag:s9] =	ssyncadd.s32 $0xFFFFFC00  }
0x6b: {  	_ =	swait.ge [sflag:s10], $0x400  }
0x6c: {  	[sflag:s10] =	ssyncset.done $0x0  }
0x6d: {  	[sflag:s10] =	ssyncadd.s32 $0xFFFFFC00  }
0x6e: {  	[tilespmem:s29], [sflag:$0x5] =	stream.indirect.gather [hbm4b:s4+s11], $0x20, s31, s11, $0xb8;
	[tilespmem:$0x1D700] =	vst v63  }
0x6f: {  	_ = 	snop  }
0x70: {  	[tilespmem:s13], [sflag:$0x6] =	stream.indirect.gather [hbm4b:s4+s11], $0x20, s12, s11, $0xb8;
	[tilespmem:$0x1D700] =	vst v63  }
0x71: {  	_ =	swait.ge [sflag:s14], $0x2000  }
0x72: {  	[sflag:s14] =	ssyncset.done $0x0  }
0x73: {  	[sflag:s14] =	ssyncadd.s32 $0xFFFFE000  }
0x74: {  	[spmem:s2] =	stream.indirect.scatter.add.f32 [tilespmem:s29], [sflag:$0x7], $0x20, s0, s11, $0xb8;
	[tilespmem:$0x1D700] =	vst v63  }
0x75: {  	_ =	swait.ge [sflag:s15], $0x2000  }
0x76: {  	[sflag:s15] =	ssyncset.done $0x0  }
0x77: {  	s22 =	rddreg [dreg:$0x3];
	[sflag:s15] =	ssyncadd.s32 $0xFFFFE000  }
0x78: {  	[tilespmem:s29], [sflag:$0x5] =	stream.indirect.gather [hbm4b:s4+s11], $0x20, s22, s11, $0xb8;
	[tilespmem:$0x1D700] =	vst v63  }
0x79: {  	_ =	swait.ge [sflag:s16], $0x2000  }
0x7a: {  	[sflag:s16] =	ssyncset.done $0x0  }
0x7b: {  	s23 =	rddreg [dreg:$0x4];
	[sflag:s16] =	ssyncadd.s32 $0xFFFFE000  }
0x7c: {  	[spmem:s2] =	stream.indirect.scatter.add.f32 [tilespmem:s13], [sflag:$0x8], $0x20, s23, s11, $0xb8;
	[tilespmem:$0x1D700] =	vst v63  }
0x7d: {  	_ =	swait.ge [sflag:s17], $0x2000  }
0x7e: {  	[sflag:s17] =	ssyncset.done $0x0  }
0x7f: {  	s22 =	rddreg [dreg:$0x5];
	[sflag:s17] =	ssyncadd.s32 $0xFFFFE000  }
0x80: {  	[tilespmem:s13], [sflag:$0x6] =	stream.indirect.gather [hbm4b:s4+s11], $0x20, s22, s11, $0xb8;
	[tilespmem:$0x1D700] =	vst v63  }
0x81: {  	_ =	swait.ge [sflag:s14], $0x2000  }
0x82: {  	[sflag:s14] =	ssyncset.done $0x0  }
0x83: {  	s23 =	rddreg [dreg:$0x6];
	[sflag:s14] =	ssyncadd.s32 $0xFFFFE000  }
0x84: {  	[spmem:s2] =	stream.indirect.scatter.add.f32 [tilespmem:s29], [sflag:$0x7], $0x20, s23, s11, $0xb8;
	[tilespmem:$0x1D700] =	vst v63  }
0x85: {  	_ =	swait.ge [sflag:s15], $0x2000  }
0x86: {  	[sflag:s15] =	ssyncset.done $0x0  }
0x87: {  	[sflag:s15] =	ssyncadd.s32 $0xFFFFE000  }
0x88: {  	_ =	swait.ge [sflag:s18], $0x400  }
0x89: {  	[sflag:s18] =	ssyncset.done $0x0  }
0x8a: {  	[sflag:s18] =	ssyncadd.s32 $0xFFFFFC00  }
0x8b: {  	_ =	swait.ge [sflag:s20], $0x400  }
0x8c: {  	[sflag:s20] =	ssyncset.done $0x0  }
0x8d: {  	[sflag:s20] =	ssyncadd.s32 $0xFFFFFC00  }
0x8e: {  	[tilespmem:s29], [sflag:$0x5] =	stream.indirect.gather [hbm4b:s4+s11], $0x20, s1, s11, $0xb8;
	[tilespmem:$0x1D700] =	vst v63  }
0x8f: {  	_ =	swait.ge [sflag:s16], $0x2000  }
0x90: {  	[sflag:s16] =	ssyncset.done $0x0  }
0x91: {  	s22 =	rddreg [dreg:$0x7];
	[sflag:s16] =	ssyncadd.s32 $0xFFFFE000  }
0x92: {  	[spmem:s2] =	stream.indirect.scatter.add.f32 [tilespmem:s13], [sflag:$0x8], $0x20, s22, s11, $0xb8;
	[tilespmem:$0x1D700] =	vst v63  }
0x93: {  	s23 =	smin.u32 s25, $0x2F;
	_ =	swait.ge [sflag:s17], $0x2000  }
0x94: {  	s26 =	sshll.u32 s23, $0xA;
	[sflag:s17] =	ssyncset.done $0x0  }
0x95: {  	s26 =	sadd.s32 $0x800, s26;
	s28 =	rddreg [dreg:$0x8];
	[sflag:s17] =	ssyncadd.s32 $0xFFFFE000  }
0x96: {  	[tilespmem:s13], [sflag:$0x6] =	stream.indirect.gather [hbm4b:s4+s11], $0x20, s28, s11, $0xb8;
	[tilespmem:$0x1D700] =	vst v63  }
0x97: {  	s28 =	sadd.s32 s21, s26  }
0x98: {  	s26 =	sadd.s32 s19, s26;
	s28 =	sshrl.u32 s28, $0x3  }
0x99: {  	s26 =	sshrl.u32 s26, $0x3;
	s28 =	sadd.s32 s5, s28  }
0x9a: {  	[tilespmem:s31], [sflag:$0x1] =	stream.linear.gather [hbm4b:s28+s3], $0x400, $0x38;
	[tilespmem:$0x1D700] =	vst v63  }
0x9b: {  	s26 =	sadd.s32 s6, s26  }
0x9c: {  	[tilespmem:s0], [sflag:$0x3] =	stream.linear.gather [hbm4b:s26+s3], $0x400, $0x38;
	[tilespmem:$0x1D700] =	vst v63  }
0x9d: {  	_ =	swait.ge [sflag:s14], $0x2000  }
0x9e: {  	[sflag:s14] =	ssyncset.done $0x0  }
0x9f: {  	[sflag:s14] =	ssyncadd.s32 $0xFFFFE000  }
0xa0: {  	[spmem:s2] =	stream.indirect.scatter.add.f32 [tilespmem:s29], [sflag:$0x7], $0x20, s8, s11, $0xb8;
	[tilespmem:$0x1D700] =	vst v63  }
0xa1: {  	_ =	swait.ge [sflag:s15], $0x2000  }
0xa2: {  	[sflag:s15] =	ssyncset.done $0x0  }
0xa3: {  	s22 =	rddreg [dreg:$0x9];
	[sflag:s15] =	ssyncadd.s32 $0xFFFFE000  }
0xa4: {  	[tilespmem:s29], [sflag:$0x5] =	stream.indirect.gather [hbm4b:s4+s11], $0x20, s22, s11, $0xb8;
	[tilespmem:$0x1D700] =	vst v63  }
0xa5: {  	_ =	swait.ge [sflag:s16], $0x2000  }
0xa6: {  	[sflag:s16] =	ssyncset.done $0x0  }
0xa7: {  	s23 =	rddreg [dreg:$0xa];
	[sflag:s16] =	ssyncadd.s32 $0xFFFFE000  }
0xa8: {  	[spmem:s2] =	stream.indirect.scatter.add.f32 [tilespmem:s13], [sflag:$0x8], $0x20, s23, s11, $0xb8;
	[tilespmem:$0x1D700] =	vst v63  }
0xa9: {  	_ =	swait.ge [sflag:s17], $0x2000  }
0xaa: {  	[sflag:s17] =	ssyncset.done $0x0  }
0xab: {  	s22 =	rddreg [dreg:$0xb];
	[sflag:s17] =	ssyncadd.s32 $0xFFFFE000  }
0xac: {  	[tilespmem:s13], [sflag:$0x6] =	stream.indirect.gather [hbm4b:s4+s11], $0x20, s22, s11, $0xb8;
	[tilespmem:$0x1D700] =	vst v63  }
0xad: {  	_ =	swait.ge [sflag:s14], $0x2000  }
0xae: {  	[sflag:s14] =	ssyncset.done $0x0  }
0xaf: {  	s23 =	rddreg [dreg:$0xc];
	[sflag:s14] =	ssyncadd.s32 $0xFFFFE000  }
0xb0: {  	[spmem:s2] =	stream.indirect.scatter.add.f32 [tilespmem:s29], [sflag:$0x7], $0x20, s23, s11, $0xb8;
	[tilespmem:$0x1D700] =	vst v63  }
0xb1: {  	_ =	swait.ge [sflag:s15], $0x2000  }
0xb2: {  	[sflag:s15] =	ssyncset.done $0x0  }
0xb3: {  	[sflag:s15] =	ssyncadd.s32 $0xFFFFE000  }
0xb4: {  	_ =	swait.ge [sflag:s9], $0x400  }
0xb5: {  	[sflag:s9] =	ssyncset.done $0x0  }
0xb6: {  	[sflag:s9] =	ssyncadd.s32 $0xFFFFFC00  }
0xb7: {  	_ =	swait.ge [sflag:s10], $0x400  }
0xb8: {  	[sflag:s10] =	ssyncset.done $0x0  }
0xb9: {  	s25 =	smin.u32 s25, $0x2E;
	[sflag:s10] =	ssyncadd.s32 $0xFFFFFC00  }
0xba: {  	[tilespmem:s29], [sflag:$0x5] =	stream.indirect.gather [hbm4b:s4+s11], $0x20, s31, s11, $0xb8;
	[tilespmem:$0x1D700] =	vst v63  }
0xbb: {  	s25 =	sshll.u32 s25, $0xA;
	_ =	swait.ge [sflag:s16], $0x2000  }
0xbc: {  	s25 =	sadd.s32 $0xC00, s25;
	[sflag:s16] =	ssyncset.done $0x0  }
0xbd: {  	s23 =	sadd.s32 s21, s25;
	s22 =	rddreg [dreg:$0xd];
	[sflag:s16] =	ssyncadd.s32 $0xFFFFE000  }
0xbe: {  	[spmem:s2] =	stream.indirect.scatter.add.f32 [tilespmem:s13], [sflag:$0x8], $0x20, s22, s11, $0xb8;
	[tilespmem:$0x1D700] =	vst v63  }
0xbf: {  	s25 =	sadd.s32 s19, s25;
	s26 =	sshrl.u32 s23, $0x3;
	_ =	swait.ge [sflag:s17], $0x2000  }
0xc0: {  	s28 =	sshrl.u32 s25, $0x3;
	s25 =	simm.s32 $0x2;
	[sflag:s17] =	ssyncset.done $0x0  }
0xc1: {  	s26 =	sadd.s32 s5, s26;
	s28 =	sadd.s32 s6, s28;
	[sflag:s17] =	ssyncadd.s32 $0xFFFFE000  }
0xc2: {  	[tilespmem:s13], [sflag:$0x6] =	stream.indirect.gather [hbm4b:s4+s11], $0x20, s12, s11, $0xb8;
	[tilespmem:$0x1D700] =	vst v63  }
.LBB2_4:
0xc3: {  	[tilespmem:s1], [sflag:$0x2] =	stream.linear.gather [hbm4b:s26+s3], $0x400, $0x38;
	[tilespmem:$0x1D700] =	vst v63  }
0xc4: {  	_ = 	snop  }
0xc5: {  	[tilespmem:s8], [sflag:$0x4] =	stream.linear.gather [hbm4b:s28+s3], $0x400, $0x38;
	[tilespmem:$0x1D700] =	vst v63  }
0xc6: {  	_ =	swait.ge [sflag:s14], $0x2000  }
0xc7: {  	[sflag:s14] =	ssyncset.done $0x0  }
0xc8: {  	[sflag:s14] =	ssyncadd.s32 $0xFFFFE000  }
0xc9: {  	[spmem:s2] =	stream.indirect.scatter.add.f32 [tilespmem:s29], [sflag:$0x7], $0x20, s0, s11, $0xb8;
	[tilespmem:$0x1D700] =	vst v63  }
0xca: {  	_ =	swait.ge [sflag:s15], $0x2000  }
0xcb: {  	[sflag:s15] =	ssyncset.done $0x0  }
0xcc: {  	s28 =	rddreg [dreg:$0x3];
	[sflag:s15] =	ssyncadd.s32 $0xFFFFE000  }
0xcd: {  	[tilespmem:s29], [sflag:$0x5] =	stream.indirect.gather [hbm4b:s4+s11], $0x20, s28, s11, $0xb8;
	[tilespmem:$0x1D700] =	vst v63  }
0xce: {  	_ =	swait.ge [sflag:s16], $0x2000  }
0xcf: {  	[sflag:s16] =	ssyncset.done $0x0  }
0xd0: {  	s28 =	rddreg [dreg:$0x4];
	[sflag:s16] =	ssyncadd.s32 $0xFFFFE000  }
0xd1: {  	[spmem:s2] =	stream.indirect.scatter.add.f32 [tilespmem:s13], [sflag:$0x8], $0x20, s28, s11, $0xb8;
	[tilespmem:$0x1D700] =	vst v63  }
0xd2: {  	_ =	swait.ge [sflag:s17], $0x2000  }
0xd3: {  	[sflag:s17] =	ssyncset.done $0x0  }
0xd4: {  	s28 =	rddreg [dreg:$0x5];
	[sflag:s17] =	ssyncadd.s32 $0xFFFFE000  }
0xd5: {  	[tilespmem:s13], [sflag:$0x6] =	stream.indirect.gather [hbm4b:s4+s11], $0x20, s28, s11, $0xb8;
	[tilespmem:$0x1D700] =	vst v63  }
0xd6: {  	_ =	swait.ge [sflag:s14], $0x2000  }
0xd7: {  	[sflag:s14] =	ssyncset.done $0x0  }
0xd8: {  	s28 =	rddreg [dreg:$0x6];
	[sflag:s14] =	ssyncadd.s32 $0xFFFFE000  }
0xd9: {  	[spmem:s2] =	stream.indirect.scatter.add.f32 [tilespmem:s29], [sflag:$0x7], $0x20, s28, s11, $0xb8;
	[tilespmem:$0x1D700] =	vst v63  }
0xda: {  	_ =	swait.ge [sflag:s15], $0x2000  }
0xdb: {  	[sflag:s15] =	ssyncset.done $0x0  }
0xdc: {  	[sflag:s15] =	ssyncadd.s32 $0xFFFFE000  }
0xdd: {  	_ =	swait.ge [sflag:s18], $0x400  }
0xde: {  	[sflag:s18] =	ssyncset.done $0x0  }
0xdf: {  	[sflag:s18] =	ssyncadd.s32 $0xFFFFFC00  }
0xe0: {  	_ =	swait.ge [sflag:s20], $0x400  }
0xe1: {  	[sflag:s20] =	ssyncset.done $0x0  }
0xe2: {  	[sflag:s20] =	ssyncadd.s32 $0xFFFFFC00  }
0xe3: {  	[tilespmem:s29], [sflag:$0x5] =	stream.indirect.gather [hbm4b:s4+s11], $0x20, s1, s11, $0xb8;
	[tilespmem:$0x1D700] =	vst v63  }
0xe4: {  	s26 =	smov.u32 s25;
	_ =	swait.ge [sflag:s16], $0x2000  }
0xe5: {  	s22 =	smin.u32 s26, $0x2F;
	[sflag:s16] =	ssyncset.done $0x0  }
0xe6: {  	s22 =	sshll.u32 s22, $0xA;
	s28 =	rddreg [dreg:$0x7];
	[sflag:s16] =	ssyncadd.s32 $0xFFFFE000  }
0xe7: {  	[spmem:s2] =	stream.indirect.scatter.add.f32 [tilespmem:s13], [sflag:$0x8], $0x20, s28, s11, $0xb8;
	[tilespmem:$0x1D700] =	vst v63  }
0xe8: {  	s22 =	sadd.s32 $0x800, s22;
	_ =	swait.ge [sflag:s17], $0x2000  }
0xe9: {  	s23 =	sadd.s32 s21, s22;
	s22 =	sadd.s32 s19, s22;
	[sflag:s17] =	ssyncset.done $0x0  }
0xea: {  	s23 =	sshrl.u32 s23, $0x3;
	s28 =	rddreg [dreg:$0x8];
	[sflag:s17] =	ssyncadd.s32 $0xFFFFE000  }
0xeb: {  	[tilespmem:s13], [sflag:$0x6] =	stream.indirect.gather [hbm4b:s4+s11], $0x20, s28, s11, $0xb8;
	[tilespmem:$0x1D700] =	vst v63  }
0xec: {  	s22 =	sshrl.u32 s22, $0x3;
	s23 =	sadd.s32 s5, s23  }
0xed: {  	[tilespmem:s31], [sflag:$0x1] =	stream.linear.gather [hbm4b:s23+s3], $0x400, $0x38;
	[tilespmem:$0x1D700] =	vst v63  }
0xee: {  	s22 =	sadd.s32 s6, s22  }
0xef: {  	[tilespmem:s0], [sflag:$0x3] =	stream.linear.gather [hbm4b:s22+s3], $0x400, $0x38;
	[tilespmem:$0x1D700] =	vst v63  }
0xf0: {  	_ =	swait.ge [sflag:s14], $0x2000  }
0xf1: {  	[sflag:s14] =	ssyncset.done $0x0  }
0xf2: {  	[sflag:s14] =	ssyncadd.s32 $0xFFFFE000  }
0xf3: {  	[spmem:s2] =	stream.indirect.scatter.add.f32 [tilespmem:s29], [sflag:$0x7], $0x20, s8, s11, $0xb8;
	[tilespmem:$0x1D700] =	vst v63  }
0xf4: {  	_ =	swait.ge [sflag:s15], $0x2000  }
0xf5: {  	[sflag:s15] =	ssyncset.done $0x0  }
0xf6: {  	s23 =	rddreg [dreg:$0x9];
	[sflag:s15] =	ssyncadd.s32 $0xFFFFE000  }
0xf7: {  	[tilespmem:s29], [sflag:$0x5] =	stream.indirect.gather [hbm4b:s4+s11], $0x20, s23, s11, $0xb8;
	[tilespmem:$0x1D700] =	vst v63  }
0xf8: {  	_ =	swait.ge [sflag:s16], $0x2000  }
0xf9: {  	[sflag:s16] =	ssyncset.done $0x0  }
0xfa: {  	s23 =	rddreg [dreg:$0xa];
	[sflag:s16] =	ssyncadd.s32 $0xFFFFE000  }
0xfb: {  	[spmem:s2] =	stream.indirect.scatter.add.f32 [tilespmem:s13], [sflag:$0x8], $0x20, s23, s11, $0xb8;
	[tilespmem:$0x1D700] =	vst v63  }
0xfc: {  	_ =	swait.ge [sflag:s17], $0x2000  }
0xfd: {  	[sflag:s17] =	ssyncset.done $0x0  }
0xfe: {  	s23 =	rddreg [dreg:$0xb];
	[sflag:s17] =	ssyncadd.s32 $0xFFFFE000  }
0xff: {  	[tilespmem:s13], [sflag:$0x6] =	stream.indirect.gather [hbm4b:s4+s11], $0x20, s23, s11, $0xb8;
	[tilespmem:$0x1D700] =	vst v63  }
0x100: {  	_ =	swait.ge [sflag:s14], $0x2000  }
0x101: {  	[sflag:s14] =	ssyncset.done $0x0  }
0x102: {  	s23 =	rddreg [dreg:$0xc];
	[sflag:s14] =	ssyncadd.s32 $0xFFFFE000  }
0x103: {  	[spmem:s2] =	stream.indirect.scatter.add.f32 [tilespmem:s29], [sflag:$0x7], $0x20, s23, s11, $0xb8;
	[tilespmem:$0x1D700] =	vst v63  }
0x104: {  	_ =	swait.ge [sflag:s15], $0x2000  }
0x105: {  	[sflag:s15] =	ssyncset.done $0x0  }
0x106: {  	[sflag:s15] =	ssyncadd.s32 $0xFFFFE000  }
0x107: {  	_ =	swait.ge [sflag:s9], $0x400  }
0x108: {  	[sflag:s9] =	ssyncset.done $0x0  }
0x109: {  	[sflag:s9] =	ssyncadd.s32 $0xFFFFFC00  }
0x10a: {  	_ =	swait.ge [sflag:s10], $0x400  }
0x10b: {  	[sflag:s10] =	ssyncset.done $0x0  }
0x10c: {  	[sflag:s10] =	ssyncadd.s32 $0xFFFFFC00  }
0x10d: {  	[tilespmem:s29], [sflag:$0x5] =	stream.indirect.gather [hbm4b:s4+s11], $0x20, s31, s11, $0xb8;
	[tilespmem:$0x1D700] =	vst v63  }
0x10e: {  	_ =	swait.ge [sflag:s16], $0x2000  }
0x10f: {  	p0 =	sne.s32 s25, $0x30;
	s26 =	smin.u32 s26, $0x2E;
	[sflag:s16] =	ssyncset.done $0x0  }
0x110: {  	s23 =	sshll.u32 s26, $0xA;
	s22 =	rddreg [dreg:$0xd];
	[sflag:s16] =	ssyncadd.s32 $0xFFFFE000  }
0x111: {  	[spmem:s2] =	stream.indirect.scatter.add.f32 [tilespmem:s13], [sflag:$0x8], $0x20, s22, s11, $0xb8;
	[tilespmem:$0x1D700] =	vst v63  }
.Ltmp1:
0x112: {  	s25 =	sadd.s32 $0x2, s25;
	s26 =	sadd.s32 $0xC00, s23;
	(pc) =	sbr.rel @p0 .LBB2_4-.Ltmp1, $4  }
0x113: {  	s23 =	sadd.s32 s21, s26;
	s22 =	sadd.s32 s19, s26;
	_ =	swait.ge [sflag:s17], $0x2000  }
0x114: {  	s23 =	sshrl.u32 s23, $0x3;
	s22 =	sshrl.u32 s22, $0x3;
	[sflag:s17] =	ssyncset.done $0x0  }
0x115: {  	s26 =	sadd.s32 s5, s23;
	s28 =	sadd.s32 s6, s22;
	[sflag:s17] =	ssyncadd.s32 $0xFFFFE000  }
0x116: {  	[tilespmem:s13], [sflag:$0x6] =	stream.indirect.gather [hbm4b:s4+s11], $0x20, s12, s11, $0xb8;
	[tilespmem:$0x1D700] =	vst v63  }
0x117: {  	[tilespmem:s1], [sflag:$0x2] =	stream.linear.gather [hbm4b:s26+s3], $0x400, $0x38;
	[tilespmem:$0x1D700] =	vst v63  }
0x118: {  	_ = 	snop  }
0x119: {  	[tilespmem:s8], [sflag:$0x4] =	stream.linear.gather [hbm4b:s28+s3], $0x400, $0x38;
	[tilespmem:$0x1D700] =	vst v63  }
0x11a: {  	_ =	swait.ge [sflag:s14], $0x2000  }
0x11b: {  	[sflag:s14] =	ssyncset.done $0x0  }
0x11c: {  	[sflag:s14] =	ssyncadd.s32 $0xFFFFE000  }
0x11d: {  	_ =	swait.ge [sflag:s16], $0x2000  }
0x11e: {  	[sflag:s16] =	ssyncset.done $0x0  }
0x11f: {  	[sflag:s16] =	ssyncadd.s32 $0xFFFFE000  }
0x120: {  	_ =	swait.ge [sflag:s18], $0x400  }
0x121: {  	[sflag:s18] =	ssyncset.done $0x0  }
0x122: {  	[sflag:s18] =	ssyncadd.s32 $0xFFFFFC00  }
0x123: {  	_ =	swait.ge [sflag:s20], $0x400  }
0x124: {  	[sflag:s20] =	ssyncset.done $0x0  }
0x125: {  	s22 =	stileid.u32;
	[sflag:s20] =	ssyncadd.s32 $0xFFFFFC00  }
0x126: {  	s22 =	sshll.u32 s22, $0x6;
	[bflag:$0x0] =	sbarrier.arrive $0xFFFF  }
0x127: {  	s23 =	sshrl.u32 s7, $0x3;
	s22 =	sor.u32 $0x1C09, s22;
	s25 =	rddreg [dreg:$0x1c]  }
0x128: {  	[hbm:s25], [sflag:s22] =	dma.local [spmem:s23], $0x30E0  }
0x129: {  	_ =	swait.ge [sflag:s30], $0x30E0  }
0x12a: {  	s24 =	sadd.s32 $0x1, s24;
	s28 =	rddreg [dreg:$0x1d]  }
0x12b: {  	p0 =	sne.s32 s24, s28  }
.Ltmp2:
0x12c: {  	_ = 	snop;
	(pc) =	sbr.rel @p0 .LBB2_1-.Ltmp2, $3  }
0x12d: {  	_ =	sdelay $0x1  }
0x12e: {  	[sflag:s30] =	ssyncset.done $0x0  }
0x12f: {  	[sflag:s30] =	ssyncadd.s32 $0xFFFFCF20  }
0x130: {  	_ =	sfence.sel $0x180000  }
0x131: {  	[bflag:$0x0] =	sbarrier.arrive $0xFFFF  }
0x132: {  	_ =	strace $0x90000047  }
0x133: {  	s0 =	stileid.u32;
	[bflag:$0x2] =	sbarrier.arrive $0xFFFF  }
0x134: {  	p0 =	sne.s32 s0, $0x0;
	s0 =	rddreg [dreg:$0x2]  }
0x135: {  	s0 =	sadd.s32 @!p0 $0x100000, s0  }
0x136: {  	[sflag:s0] =	ssyncadd.tile.s32 @!p0 $0x1;
	_ =	shalt  }
.Lfunc_end2:
_tile_overlayer_lowered:
.L_overlay_start_2:
0x137: {  	(tag) =	ssettag $0x2  }
0x138: {  	s0 =	rddreg [dreg:$0x0];
	s2 =	stileid.u32  }
0x139: {  	s1 =	rddreg [dreg:$0x1];
	p0 =	sne.s32 s2, $0x0  }
0x13a: {  	s3 =	rddreg [dreg:$0x2];
	[bflag:$0x3] =	sbarrier.arrive $0xFFFF;
	s2 =	simm.s32 @!p0 $0x1C09  }
0x13b: {  	[timem:s3], [sflag:s2] =	dma.local @!p0 [hbm:s0], s1  }
0x13c: {  	s0 =	simm.s32 @!p0 $0x9  }
0x13d: {  	_ =	swait.ge @!p0 [sflag:s0], s1  }
0x13e: {  	s1 =	ssub.s32 @!p0 $0x0, s1;
	[sflag:s0] =	ssyncset.done @!p0 $0x0  }
0x13f: {  	[sflag:s0] =	ssyncadd.s32 @!p0 s1  }
0x140: {  	[bflag:$0x3] =	sbarrier.arrive $0xFFFF  }
0x141: {  	_ =	shalt  }

// kernel: gin_sc_agg.8.cloned.1.call-start
scs
__scs_entry_jumppad:
0x0: {  	(pc) =	sbr.rel $0x88, $3  }
0x1: {  	(tag) =	ssettag $0x0;
	lr =	simm.s32 $0x1  }
0x2: {  	[smem:$0x3F7F] =	sst lr;
	_ =	strace $0xD0000000  }
0x3: {  	_ = 	snop  }
0x4: {  	_ = 	snop  }
0x5: {  	_ = 	snop  }
0x6: {  	_ = 	snop  }
0x7: {  	_ = 	snop  }
__scs_overlays_trampoline_lowered:
0x8: {  	[smem:$0x3F8E] =	sst s0  }
0x9: {  	[smem:$0x3F8F] =	sst s1  }
0xa: {  	[smem:$0x3F90] =	sst s2  }
0xb: {  	[smem:$0x3F91] =	sst s3  }
0xc: {  	[smem:$0x3F92] =	sst s4  }
0xd: {  	[smem:$0x3F93] =	sst s5  }
0xe: {  	[smem:$0x3F94] =	sst s6  }
0xf: {  	[smem:$0x3F95] =	sst s7  }
0x10: {  	[smem:$0x3F96] =	sst s8  }
0x11: {  	[smem:$0x3F97] =	sst s9;
	s0 =	simm.s32 @!p0 $0x0  }
0x12: {  	s1 =	sld [smem:$0x3F7D];
	s0 =	simm.s32 @p0 $0x1  }
0x13: {  	[smem:$0x3F98] =	sst s0;
	s0 =	simm.s32 @!p1 $0x0  }
0x14: {  	s2 =	sld [smem:$0x3F7C];
	s0 =	simm.s32 @p1 $0x1  }
0x15: {  	[smem:$0x3F99] =	sst s0;
	s0 =	simm.s32 @!p2 $0x0  }
0x16: {  	s3 =	sld [smem:$0x3FDB];
	s0 =	simm.s32 @p2 $0x1  }
0x17: {  	s4 =	simm.s32 $0x1BF5;
	[smem:$0x3F9B] =	sst s0  }
0x18: {  	s0 =	sld [smem:$0x3F7E];
	_ =	swait.ge [sflag:s4], $0x0  }
0x19: {  	s7 =	sld [smem:$0x3F7F]  }
0x1a: {  	s8 =	sadd.s32 $0xFFFFE003, lr  }
0x1b: {  	s9 =	sadd.s32 $0xFFFFFEF7, lr;
	s5 =	simm.s32 $0xFFFFFFFF;
	p2 =	slt.u32 s8, $0xFFFFF086  }
0x1c: {  	p1 =	slt.u32 s9, $0xF7A;
	s5 =	simm.s32 @!p2 $0x0  }
0x1d: {  	s5 =	simm.s32 @p1 $0x1;
	p0 =	seq.s32 s7, s2  }
0x1e: {  	s7 =	smul.u32 @!p0 $0xF7A, s2;
	p2 =	seq.s32 @!p0 s5, $0x0  }
0x1f: {  	s9 =	smul.u32 $0xF7A, s1;
	s8 =	simm.s32 @!p0 $0x1BF5;
	p2 =	por !p2, p0  }
0x20: {  	[sflag:s8] =	ssyncset.s32 @!p0 $0xFFFFF086;
	s6 =	sadd.s32 @!p0 s3, s7;
	s7 =	simm.s32 @!p0 $0x108  }
0x21: {  	s3 =	sadd.s32 s3, s9;
	s6 =	sadd.s32 @!p0 $0x88, s6;
	s7 =	simm.s32 @p2 $0x1082  }
0x22: {  	[simem:s7], [sflag:s8] =	dma.local @!p0 [hbm:s6], $0xF7A  }
0x23: {  	s9 =	sor.u32 $0xD0000000, s2;
	s6 =	simm.s32 $0x108;
	_ =	swait.ge @!p0 [sflag:s8], $0x0  }
0x24: {  	s3 =	sadd.s32 $0x88, s3;
	s6 =	simm.s32 @!p1 $0x1082;
	[sflag:s4] =	ssyncset.s32 $0xFFFFF086  }
0x25: {  	[simem:s6], [sflag:s4] =	dma.local [hbm:s3], $0xF7A  }
0x26: {  	[smem:$0x3F7F] =	sst s1;
	(tag) =	ssettag s2;
	_ =	strace s9  }
0x27: {  	s1 =	sld [smem:$0x3F8F]  }
0x28: {  	s2 =	sld [smem:$0x3F90]  }
0x29: {  	s4 =	sld [smem:$0x3F92]  }
0x2a: {  	p0 =	seq.s32 s5, $0x0;
	s5 =	sld [smem:$0x3F93]  }
0x2b: {  	s6 =	sld [smem:$0x3F94]  }
0x2c: {  	s7 =	sld [smem:$0x3F95]  }
0x2d: {  	s3 =	simm.s32 $0x108;
	s8 =	sld [smem:$0x3F96]  }
0x2e: {  	s3 =	simm.s32 @!p0 $0x1082;
	s9 =	sld [smem:$0x3F97]  }
0x2f: {  	lr =	sadd.s32 s0, s3;
	s0 =	sld [smem:$0x3F8E]  }
0x30: {  	s3 =	sld [smem:$0x3F91]  }
0x31: {  	[smem:$0x3F9A] =	sst s10  }
0x32: {  	s10 =	sld [smem:$0x3F98];
	_ =	sdelay $0x3  }
0x33: {  	p0 =	seq.s32 s10, $0x1;
	s10 =	sld [smem:$0x3F9A];
	_ =	sdelay $0x3  }
0x34: {  	[smem:$0x3F9A] =	sst s10  }
0x35: {  	s10 =	sld [smem:$0x3F99];
	_ =	sdelay $0x3  }
0x36: {  	p1 =	seq.s32 s10, $0x1;
	s10 =	sld [smem:$0x3F9A];
	_ =	sdelay $0x3  }
0x37: {  	[smem:$0x3F9A] =	sst s10  }
0x38: {  	s10 =	sld [smem:$0x3F9B]  }
0x39: {  	_ = 	snop;
	(pc) =	sbr.ind lr, $3  }
0x3a: {  	_ = 	snop  }
0x3b: {  	_ = 	snop  }
0x3c: {  	p2 =	seq.s32 s10, $0x1;
	s10 =	sld [smem:$0x3F9A]  }
0x3d: {  	_ =	shalt  }
0x3e: {  	_ =	shalt  }
0x3f: {  	_ =	shalt  }
0x40: {  	_ =	shalt  }
0x41: {  	_ =	shalt  }
0x42: {  	_ =	shalt  }
0x43: {  	_ =	shalt  }
0x44: {  	_ =	shalt  }
0x45: {  	_ =	shalt  }
0x46: {  	_ =	shalt  }
0x47: {  	_ =	shalt  }
0x48: {  	_ =	shalt  }
0x49: {  	_ =	shalt  }
0x4a: {  	_ =	shalt  }
0x4b: {  	_ =	shalt  }
0x4c: {  	_ =	shalt  }
0x4d: {  	_ =	shalt  }
0x4e: {  	_ =	shalt  }
0x4f: {  	_ =	shalt  }
0x50: {  	_ =	shalt  }
0x51: {  	_ =	shalt  }
0x52: {  	_ =	shalt  }
0x53: {  	_ =	shalt  }
0x54: {  	_ =	shalt  }
0x55: {  	_ =	shalt  }
0x56: {  	_ =	shalt  }
0x57: {  	_ =	shalt  }
0x58: {  	_ =	shalt  }
0x59: {  	_ =	shalt  }
0x5a: {  	_ =	shalt  }
0x5b: {  	_ =	shalt  }
0x5c: {  	_ =	shalt  }
0x5d: {  	_ =	shalt  }
0x5e: {  	_ =	shalt  }
0x5f: {  	_ =	shalt  }
0x60: {  	_ =	shalt  }
0x61: {  	_ =	shalt  }
0x62: {  	_ =	shalt  }
0x63: {  	_ =	shalt  }
0x64: {  	_ =	shalt  }
0x65: {  	_ =	shalt  }
0x66: {  	_ =	shalt  }
0x67: {  	_ =	shalt  }
0x68: {  	_ =	shalt  }
0x69: {  	_ =	shalt  }
0x6a: {  	_ =	shalt  }
0x6b: {  	_ =	shalt  }
0x6c: {  	_ =	shalt  }
0x6d: {  	_ =	shalt  }
0x6e: {  	_ =	shalt  }
0x6f: {  	_ =	shalt  }
0x70: {  	_ =	shalt  }
0x71: {  	_ =	shalt  }
0x72: {  	_ =	shalt  }
0x73: {  	_ =	shalt  }
0x74: {  	_ =	shalt  }
0x75: {  	_ =	shalt  }
0x76: {  	_ =	shalt  }
0x77: {  	_ =	shalt  }
0x78: {  	_ =	shalt  }
0x79: {  	_ =	shalt  }
0x7a: {  	_ =	shalt  }
0x7b: {  	_ =	shalt  }
0x7c: {  	_ =	shalt  }
0x7d: {  	_ =	shalt  }
0x7e: {  	_ =	shalt  }
0x7f: {  	_ =	shalt  }
0x80: {  	_ =	shalt  }
0x81: {  	_ =	shalt  }
0x82: {  	_ =	shalt  }
0x83: {  	_ =	shalt  }
0x84: {  	_ =	shalt  }
0x85: {  	_ =	shalt  }
0x86: {  	_ =	shalt  }
0x87: {  	_ =	shalt  }
.Lfunc_end0:
.L_simem_size_0:
called_computation.1_lowered:
.L_overlay_start_0:
0x88: {  	s2 =	sld [smem:$0x3FD9]  }
0x89: {  	s3 =	sld [smem:$0x3FFE];
	_ =	sdelay $0x1  }
0x8a: {  	s1 =	srdreg.scid  }
0x8b: {  	s0 =	sand.u32 $0x1, s1  }
0x8c: {  	s16 =	sshll.u32 s0, $0xA;
	s2 =	sadd.s32 s3, s2  }
0x8d: {  	s2 =	sadd.s32 s2, s16  }
0x8e: {  	[smem:$0x3FA6] =	sst s2  }
0x8f: {  	_ = 	snop  }
0x90: {  	(tm) =	ssettm $0x1  }
0x91: {  	s17 =	sld [smem:$0x3FFB];
	_ =	sdelay $0x3  }
0x92: {  	_ =	strace s17  }
0x93: {  	s2 =	sld [smem:$0x3FFC];
	_ =	sdelay $0x3  }
0x94: {  	_ =	strace s2  }
0x95: {  	s2 =	sld [smem:$0x3FFD];
	_ =	sdelay $0x3  }
0x96: {  	_ =	strace s2  }
0x97: {  	_ =	strace $0x8FFFFFFF  }
0x98: {  	s18 =	sld [smem:$0x3FDB];
	_ =	sdelay $0x1  }
0x99: {  	s19 =	simm.s32 $_scs_section_size  }
0x9a: {  	s4 =	simm.s32 $_size__tile_overlayer_lowered;
	s5 =	simm.s32 $_tile_overlayer_lowered  }
0x9b: {  	s22 =	simm.s32 $0x1BFF;
	s21 =	sshll.u32 s5, $0x1;
	s2 =	sadd.s32 s19, s18  }
0x9c: {  	s6 =	simm.s32 $0x0;
	s20 =	sshll.u32 s4, $0x1;
	s4 =	sadd.s32 s21, s2  }
0x9d: {  	[timem:s6], [sflag:s22] =	dma.local [hbm:s4], s20  }
0x9e: {  	_ =	swait.ge [sflag:s22], s20  }
0x9f: {  	s3 =	ssub.s32 $0x0, s20;
	[sflag:s22] =	ssyncset.done $0x0  }
0xa0: {  	[sflag:s22] =	ssyncadd.s32 s3;
	_ =	sdelay $0x1  }
0xa1: {  	s23 =	simm.s32 $0x1B8B  }
0xa2: {  	_ =	swait.ge [sflag:s23], $0x1  }
0xa3: {  	[sflag:s23] =	ssyncset.done $0x0  }
0xa4: {  	s25 =	simm.s32 $0x1B8E;
	s24 =	sld [smem:$0x3FFE];
	[sflag:s23] =	ssyncadd.s32 $0xFFFFFFFF  }
0xa5: {  	s26 =	simm.s32 $execute0_lowered;
	[smem:$0x3FD2] =	sst s25  }
0xa6: {  	s4 =	sshll.u32 s26, $0x1;
	_ =	strace $0x80000049;
	[dreg:$0x1] =	wrdreg $0xFFFFFFFF  }
0xa7: {  	s28 =	simm.s32 $_size_execute0_lowered;
	s2 =	sadd.s32 s2, s4;
	[dreg:$0x0] =	wrdreg $0x0  }
0xa8: {  	s4 =	sshll.u32 s28, $0x1;
	[dreg:$0x2] =	wrdreg s2  }
0xa9: {  	[dreg:$0x3] =	wrdreg s4  }
0xaa: {  	[dreg:$0x4] =	wrdreg $0xC0  }
0xab: {  	_ =	task [dreg:s6], $0x5FFFF  }
0xac: {  	[dreg:$0x1] =	wrdreg $0xFFFFFFFF  }
0xad: {  	[dreg:$0x0] =	wrdreg $0x60  }
0xae: {  	[dreg:$0x2] =	wrdreg s24  }
0xaf: {  	[dreg:$0x3] =	wrdreg $0x0  }
0xb0: {  	[dreg:$0x4] =	wrdreg $0x9  }
0xb1: {  	_ =	task.clear_ibuf [dreg:s6], $0x5FFFF;
	_ =	strace $0x90000049  }
0xb2: {  	s29 =	simm.s32 $0x9;
	_ =	strace $0x8000004B  }
0xb3: {  	_ =	swait.ge [sflag:s29], $0x1  }
0xb4: {  	[sflag:s29] =	ssyncadd.s32 $0xFFFFFFFF  }
0xb5: {  	_ =	strace $0x9000004B  }
0xb6: {  	_ =	sfence  }
0xb7: {  	s30 =	sld [smem:$0x0];
	_ =	sdelay $0x2  }
0xb8: {  	s31 =	sshll.u32 s1, $0xD;
	s1 =	sshrl.u32 s1, $0x2  }
0xb9: {  	s3 =	sand.u32 $0x4000, s31;
	s1 =	sadd.s32 s1, s30  }
0xba: {  	s0 =	sor.u32 s3, s0;
	s1 =	sshll.u32 s1, $0x11  }
0xbb: {  	s0 =	sor.u32 s1, s0  }
0xbc: {  	s0 =	sadd.s32 $0x8F2B, s0  }
0xbd: {  	[sflag:s0] =	ssyncadd.remote.s32 $0x1  }
0xbe: {  	_ =	sfence.sel $0xFFFF  }
0xbf: {  	[dreg:$0x0] =	wrdreg $0xFFFFFFFF;
	(pc) =	sbr.abs _section_cstart, $3  }
0xc0: {  	[dreg:$0x1] =	wrdreg $0xFFFFFFFF  }
0xc1: {  	_ =	task.clear_ibuf [dreg:s6], $0x2FFFF;
	_ =	strace $0x9FFFFFFF  }
0xc2: {  	(tm) =	ssettm $0x7FFFFFFF  }
0xc3: {  	_ =	shalt  }
tec
execute0_lowered:
.L_overlay_start_1:
0x0: {  	(tag) =	ssettag $0x1  }
0x1: {  	s0 =	rddreg [dreg:$0x0]  }
0x2: {  	s2 =	rddreg [dreg:$0x1]  }
0x3: {  	s1 =	srdreg.scid;
	s11 =	stileid.u32;
	s3 =	simm.s32 $0x0  }
0x4: {  	s20 =	simm.s32 $0x18900;
	s21 =	simm.s32 $0x19000;
	s23 =	simm.s32 $0x18A00  }
0x5: {  	s25 =	simm.s32 $0x19100;
	s28 =	simm.s32 $0x19200;
	[smem:$0x7FF] =	sst s3  }
0x6: {  	s29 =	simm.s32 $0x19700;
	_ =	strace $0x8000004A;
	[dreg:$0x3] =	wrdreg s20  }
0x7: {  	s30 =	simm.s32 $0x9;
	s9 =	smul.u32 $0x61C00, s11;
	[dreg:$0x4] =	wrdreg s21  }
0x8: {  	s31 =	simm.s32 $0x18700;
	s1 =	sand.u32 $0x1, s1;
	[dreg:$0x5] =	wrdreg s23  }
0x9: {  	s7 =	smul.u32 $0x18700, s11;
	[dreg:$0x6] =	wrdreg s25;
	s9 =	sshrl.u32 s9, $0x2  }
0xa: {  	[dreg:$0x7] =	wrdreg s28;
	s20 =	simm.s32 $0x19500;
	s9 =	sadd.s32 s9, s2  }
0xb: {  	s4 =	sadd.s32 $0x37C00, s0;
	[dreg:$0xc] =	wrdreg s20;
	s15 =	sadd.s32 $0x2000, s9  }
0xc: {  	s5 =	sadd.s32 $0x5C00, s0;
	s16 =	sadd.s32 $0x4000, s9;
	[dreg:$0xe] =	wrdreg s15  }
0xd: {  	s6 =	smul.u32 $0x187000, s1;
	s17 =	sadd.s32 $0x6000, s9;
	[dreg:$0xf] =	wrdreg s16  }
0xe: {  	s10 =	ssub.s32 $0x2, s1;
	s18 =	sadd.s32 $0x8000, s9;
	[dreg:$0x10] =	wrdreg s17  }
0xf: {  	s1 =	smul.u32 $0xC8000, s1;
	s19 =	sadd.s32 $0xA000, s9;
	[dreg:$0x11] =	wrdreg s18  }
0x10: {  	s14 =	sshrl.u32 s10, $0x1;
	s12 =	sadd.s32 $0xC000, s9;
	[dreg:$0x12] =	wrdreg s19  }
0x11: {  	s20 =	simm.s32 $0x4;
	s22 =	sadd.s32 $0xE000, s9;
	[dreg:$0x13] =	wrdreg s12  }
0x12: {  	s8 =	sadd.s32 s7, s6;
	s24 =	sadd.s32 $0x10000, s9;
	[dreg:$0x14] =	wrdreg s22  }
0x13: {  	s6 =	sadd.s32 $0x220200, s0;
	s26 =	sadd.s32 $0x12000, s9;
	[dreg:$0x15] =	wrdreg s24  }
0x14: {  	s8 =	sshrl.u32 s8, $0x3;
	s13 =	sadd.s32 $0x14000, s9;
	[dreg:$0x16] =	wrdreg s26  }
0x15: {  	s0 =	sadd.s32 s8, s0;
	[dreg:$0x17] =	wrdreg s13;
	s15 =	sadd.s32 $0x16000, s9  }
0x16: {  	s8 =	ssub.s32 s10, s14;
	s14 =	simm.s32 $0x18C00;
	[dreg:$0x18] =	wrdreg s15  }
0x17: {  	s7 =	sadd.s32 s7, s2;
	s16 =	simm.s32 $0x18D00;
	[dreg:$0x8] =	wrdreg s14  }
0x18: {  	s17 =	simm.s32 $0x19400;
	s19 =	smul.u32 $0xC800, s11;
	[dreg:$0x9] =	wrdreg s16  }
0x19: {  	s18 =	simm.s32 $0x18E00;
	s9 =	sadd.s32 $0x18000, s9;
	[dreg:$0xa] =	wrdreg s17  }
0x1a: {  	s22 =	simm.s32 $0x19600;
	s10 =	simm.s32 $0x3;
	[dreg:$0x19] =	wrdreg s9  }
0x1b: {  	s11 =	simm.s32 $0x100;
	s12 =	simm.s32 $0x18800;
	[dreg:$0xb] =	wrdreg s18  }
0x1c: {  	s13 =	simm.s32 $0x1B700;
	[dreg:$0xd] =	wrdreg s22;
	s0 =	sadd.s32 $0x99800, s0  }
0x1d: {  	s25 =	smax.u32 s8, $0x1;
	s8 =	simm.s32 $0x19300;
	s14 =	simm.s32 $0x5  }
0x1e: {  	s15 =	simm.s32 $0x7;
	s16 =	simm.s32 $0x6;
	s17 =	simm.s32 $0x8  }
0x1f: {  	s21 =	sadd.s32 s19, s1;
	s24 =	sshrl.u32 s19, $0x3;
	[dreg:$0x1c] =	wrdreg s0  }
0x20: {  	[dreg:$0x1d] =	wrdreg s25;
	s23 =	sshrl.u32 s21, $0x3;
	s1 =	sadd.s32 s6, s24  }
0x21: {  	s18 =	simm.s32 $0x2;
	s9 =	sadd.s32 s5, s23;
	[dreg:$0x1b] =	wrdreg s1  }
0x22: {  	s0 =	simm.s32 $0x18F00;
	s28 =	sadd.s32 $0x80, s1;
	[dreg:$0x1a] =	wrdreg s9  }
0x23: {  	s24 =	simm.s32 $0x0;
	s26 =	sadd.s32 $0x80, s9;
	[dreg:$0x1f] =	wrdreg s28  }
0x24: {  	v0 =	vimm.f32 $0.0e+00;
	s1 =	simm.s32 $0x18B00;
	s9 =	simm.s32 $0x1;
	[dreg:$0x1e] =	wrdreg s26  }
.LBB2_1:
0x25: {  	s25 =	simm.s32 $0x80;
	s26 =	simm.s32 $0x0  }
.LBB2_2:
0x26: {  	p0 =	sne.s32 s25, $0x7F80;
	[tilespmem:s26+$0x19700] =	vst v0;
	s28 =	smov.u32 s25;
	s25 =	sadd.s32 $0x80, s25  }
.Ltmp0:
0x27: {  	[tilespmem:s26+$0x19710] =	vst v0;
	(pc) =	sbr.rel @p0 .LBB2_2-.Ltmp0, $2  }
0x28: {  	_ =	sdelay $0x2  }
0x29: {  	s26 =	sshra.s32 s28, $0x2  }
0x2a: {  	[tilespmem:s26+$0x19700] =	vst v0  }
0x2b: {  	[tilespmem:s26+$0x19710] =	vst v0  }
0x2c: {  	[spmem:s7] =	stream.linear.scatter [tilespmem:s29], [sflag:$0x9], $0x2000, $0x38;
	[tilespmem:$0x1D700] =	vst v63  }
0x2d: {  	_ =	swait.ge [sflag:s30], $0x2000  }
0x2e: {  	[sflag:s30] =	ssyncset.done $0x0  }
0x2f: {  	s22 =	rddreg [dreg:$0xe];
	[sflag:s30] =	ssyncadd.s32 $0xFFFFE000  }
0x30: {  	[spmem:s22] =	stream.linear.scatter [tilespmem:s29], [sflag:$0x9], $0x2000, $0x38;
	[tilespmem:$0x1D700] =	vst v63  }
0x31: {  	_ =	swait.ge [sflag:s30], $0x2000  }
0x32: {  	[sflag:s30] =	ssyncset.done $0x0  }
0x33: {  	s25 =	rddreg [dreg:$0xf];
	[sflag:s30] =	ssyncadd.s32 $0xFFFFE000  }
0x34: {  	[spmem:s25] =	stream.linear.scatter [tilespmem:s29], [sflag:$0x9], $0x2000, $0x38;
	[tilespmem:$0x1D700] =	vst v63  }
0x35: {  	_ =	swait.ge [sflag:s30], $0x2000  }
0x36: {  	[sflag:s30] =	ssyncset.done $0x0  }
0x37: {  	s26 =	rddreg [dreg:$0x10];
	[sflag:s30] =	ssyncadd.s32 $0xFFFFE000  }
0x38: {  	[spmem:s26] =	stream.linear.scatter [tilespmem:s29], [sflag:$0x9], $0x2000, $0x38;
	[tilespmem:$0x1D700] =	vst v63  }
0x39: {  	_ =	swait.ge [sflag:s30], $0x2000  }
0x3a: {  	[sflag:s30] =	ssyncset.done $0x0  }
0x3b: {  	s23 =	rddreg [dreg:$0x11];
	[sflag:s30] =	ssyncadd.s32 $0xFFFFE000  }
0x3c: {  	[spmem:s23] =	stream.linear.scatter [tilespmem:s29], [sflag:$0x9], $0x2000, $0x38;
	[tilespmem:$0x1D700] =	vst v63  }
0x3d: {  	_ =	swait.ge [sflag:s30], $0x2000  }
0x3e: {  	[sflag:s30] =	ssyncset.done $0x0  }
0x3f: {  	s25 =	rddreg [dreg:$0x12];
	[sflag:s30] =	ssyncadd.s32 $0xFFFFE000  }
0x40: {  	[spmem:s25] =	stream.linear.scatter [tilespmem:s29], [sflag:$0x9], $0x2000, $0x38;
	[tilespmem:$0x1D700] =	vst v63  }
0x41: {  	_ =	swait.ge [sflag:s30], $0x2000  }
0x42: {  	[sflag:s30] =	ssyncset.done $0x0  }
0x43: {  	s26 =	rddreg [dreg:$0x13];
	[sflag:s30] =	ssyncadd.s32 $0xFFFFE000  }
0x44: {  	[spmem:s26] =	stream.linear.scatter [tilespmem:s29], [sflag:$0x9], $0x2000, $0x38;
	[tilespmem:$0x1D700] =	vst v63  }
0x45: {  	_ =	swait.ge [sflag:s30], $0x2000  }
0x46: {  	[sflag:s30] =	ssyncset.done $0x0  }
0x47: {  	s23 =	rddreg [dreg:$0x14];
	[sflag:s30] =	ssyncadd.s32 $0xFFFFE000  }
0x48: {  	[spmem:s23] =	stream.linear.scatter [tilespmem:s29], [sflag:$0x9], $0x2000, $0x38;
	[tilespmem:$0x1D700] =	vst v63  }
0x49: {  	_ =	swait.ge [sflag:s30], $0x2000  }
0x4a: {  	[sflag:s30] =	ssyncset.done $0x0  }
0x4b: {  	s25 =	rddreg [dreg:$0x15];
	[sflag:s30] =	ssyncadd.s32 $0xFFFFE000  }
0x4c: {  	[spmem:s25] =	stream.linear.scatter [tilespmem:s29], [sflag:$0x9], $0x2000, $0x38;
	[tilespmem:$0x1D700] =	vst v63  }
0x4d: {  	_ =	swait.ge [sflag:s30], $0x2000  }
0x4e: {  	[sflag:s30] =	ssyncset.done $0x0  }
0x4f: {  	s26 =	rddreg [dreg:$0x16];
	[sflag:s30] =	ssyncadd.s32 $0xFFFFE000  }
0x50: {  	[spmem:s26] =	stream.linear.scatter [tilespmem:s29], [sflag:$0x9], $0x2000, $0x38;
	[tilespmem:$0x1D700] =	vst v63  }
0x51: {  	_ =	swait.ge [sflag:s30], $0x2000  }
0x52: {  	[sflag:s30] =	ssyncset.done $0x0  }
0x53: {  	s23 =	rddreg [dreg:$0x17];
	[sflag:s30] =	ssyncadd.s32 $0xFFFFE000  }
0x54: {  	[spmem:s23] =	stream.linear.scatter [tilespmem:s29], [sflag:$0x9], $0x2000, $0x38;
	[tilespmem:$0x1D700] =	vst v63  }
0x55: {  	_ =	swait.ge [sflag:s30], $0x2000  }
0x56: {  	[sflag:s30] =	ssyncset.done $0x0  }
0x57: {  	s25 =	rddreg [dreg:$0x18];
	[sflag:s30] =	ssyncadd.s32 $0xFFFFE000  }
0x58: {  	[spmem:s25] =	stream.linear.scatter [tilespmem:s29], [sflag:$0x9], $0x2000, $0x38;
	[tilespmem:$0x1D700] =	vst v63  }
0x59: {  	_ =	swait.ge [sflag:s30], $0x2000  }
0x5a: {  	[sflag:s30] =	ssyncset.done $0x0  }
0x5b: {  	s26 =	rddreg [dreg:$0x19];
	[sflag:s30] =	ssyncadd.s32 $0xFFFFE000  }
0x5c: {  	[spmem:s26] =	stream.linear.scatter [tilespmem:s29], [sflag:$0x9], $0x700, $0x38;
	[tilespmem:$0x1D700] =	vst v63  }
0x5d: {  	_ =	swait.ge [sflag:s30], $0x700  }
0x5e: {  	[sflag:s30] =	ssyncset.done $0x0  }
0x5f: {  	s25 =	simm.s32 $0x0;
	s23 =	rddreg [dreg:$0x1a];
	[sflag:s30] =	ssyncadd.s32 $0xFFFFF900  }
0x60: {  	[tilespmem:s31], [sflag:$0x1] =	stream.linear.gather [hbm4b:s23+s25], $0x400, $0x38;
	[tilespmem:$0x1D700] =	vst v63  }
0x61: {  	s26 =	rddreg [dreg:$0x1b]  }
0x62: {  	[tilespmem:s0], [sflag:$0x3] =	stream.linear.gather [hbm4b:s26+s25], $0x400, $0x38;
	[tilespmem:$0x1D700] =	vst v63  }
0x63: {  	s23 =	rddreg [dreg:$0x1e]  }
0x64: {  	[tilespmem:s1], [sflag:$0x2] =	stream.linear.gather [hbm4b:s23+s25], $0x400, $0x38;
	[tilespmem:$0x1D700] =	vst v63  }
0x65: {  	s26 =	rddreg [dreg:$0x1f]  }
0x66: {  	[tilespmem:s8], [sflag:$0x4] =	stream.linear.gather [hbm4b:s26+s25], $0x400, $0x38;
	[tilespmem:$0x1D700] =	vst v63  }
0x67: {  	[bflag:$0x0] =	sbarrier.arrive $0xFFFF  }
0x68: {  	_ =	swait.ge [sflag:s9], $0x400  }
0x69: {  	[sflag:s9] =	ssyncset.done $0x0  }
0x6a: {  	[sflag:s9] =	ssyncadd.s32 $0xFFFFFC00  }
0x6b: {  	_ =	swait.ge [sflag:s10], $0x400  }
0x6c: {  	[sflag:s10] =	ssyncset.done $0x0  }
0x6d: {  	[sflag:s10] =	ssyncadd.s32 $0xFFFFFC00  }
0x6e: {  	[tilespmem:s29], [sflag:$0x5] =	stream.indirect.gather [hbm4b:s4+s11], $0x20, s31, s11, $0xb8;
	[tilespmem:$0x1D700] =	vst v63  }
0x6f: {  	_ = 	snop  }
0x70: {  	[tilespmem:s13], [sflag:$0x6] =	stream.indirect.gather [hbm4b:s4+s11], $0x20, s12, s11, $0xb8;
	[tilespmem:$0x1D700] =	vst v63  }
0x71: {  	_ =	swait.ge [sflag:s14], $0x2000  }
0x72: {  	[sflag:s14] =	ssyncset.done $0x0  }
0x73: {  	[sflag:s14] =	ssyncadd.s32 $0xFFFFE000  }
0x74: {  	[spmem:s2] =	stream.indirect.scatter.add.f32 [tilespmem:s29], [sflag:$0x7], $0x20, s0, s11, $0xb8;
	[tilespmem:$0x1D700] =	vst v63  }
0x75: {  	_ =	swait.ge [sflag:s15], $0x2000  }
0x76: {  	[sflag:s15] =	ssyncset.done $0x0  }
0x77: {  	s22 =	rddreg [dreg:$0x3];
	[sflag:s15] =	ssyncadd.s32 $0xFFFFE000  }
0x78: {  	[tilespmem:s29], [sflag:$0x5] =	stream.indirect.gather [hbm4b:s4+s11], $0x20, s22, s11, $0xb8;
	[tilespmem:$0x1D700] =	vst v63  }
0x79: {  	_ =	swait.ge [sflag:s16], $0x2000  }
0x7a: {  	[sflag:s16] =	ssyncset.done $0x0  }
0x7b: {  	s23 =	rddreg [dreg:$0x4];
	[sflag:s16] =	ssyncadd.s32 $0xFFFFE000  }
0x7c: {  	[spmem:s2] =	stream.indirect.scatter.add.f32 [tilespmem:s13], [sflag:$0x8], $0x20, s23, s11, $0xb8;
	[tilespmem:$0x1D700] =	vst v63  }
0x7d: {  	_ =	swait.ge [sflag:s17], $0x2000  }
0x7e: {  	[sflag:s17] =	ssyncset.done $0x0  }
0x7f: {  	s22 =	rddreg [dreg:$0x5];
	[sflag:s17] =	ssyncadd.s32 $0xFFFFE000  }
0x80: {  	[tilespmem:s13], [sflag:$0x6] =	stream.indirect.gather [hbm4b:s4+s11], $0x20, s22, s11, $0xb8;
	[tilespmem:$0x1D700] =	vst v63  }
0x81: {  	_ =	swait.ge [sflag:s14], $0x2000  }
0x82: {  	[sflag:s14] =	ssyncset.done $0x0  }
0x83: {  	s23 =	rddreg [dreg:$0x6];
	[sflag:s14] =	ssyncadd.s32 $0xFFFFE000  }
0x84: {  	[spmem:s2] =	stream.indirect.scatter.add.f32 [tilespmem:s29], [sflag:$0x7], $0x20, s23, s11, $0xb8;
	[tilespmem:$0x1D700] =	vst v63  }
0x85: {  	_ =	swait.ge [sflag:s15], $0x2000  }
0x86: {  	[sflag:s15] =	ssyncset.done $0x0  }
0x87: {  	[sflag:s15] =	ssyncadd.s32 $0xFFFFE000  }
0x88: {  	_ =	swait.ge [sflag:s18], $0x400  }
0x89: {  	[sflag:s18] =	ssyncset.done $0x0  }
0x8a: {  	[sflag:s18] =	ssyncadd.s32 $0xFFFFFC00  }
0x8b: {  	_ =	swait.ge [sflag:s20], $0x400  }
0x8c: {  	[sflag:s20] =	ssyncset.done $0x0  }
0x8d: {  	[sflag:s20] =	ssyncadd.s32 $0xFFFFFC00  }
0x8e: {  	[tilespmem:s29], [sflag:$0x5] =	stream.indirect.gather [hbm4b:s4+s11], $0x20, s1, s11, $0xb8;
	[tilespmem:$0x1D700] =	vst v63  }
0x8f: {  	_ =	swait.ge [sflag:s16], $0x2000  }
0x90: {  	[sflag:s16] =	ssyncset.done $0x0  }
0x91: {  	s22 =	rddreg [dreg:$0x7];
	[sflag:s16] =	ssyncadd.s32 $0xFFFFE000  }
0x92: {  	[spmem:s2] =	stream.indirect.scatter.add.f32 [tilespmem:s13], [sflag:$0x8], $0x20, s22, s11, $0xb8;
	[tilespmem:$0x1D700] =	vst v63  }
0x93: {  	s23 =	smin.u32 s25, $0x2F;
	_ =	swait.ge [sflag:s17], $0x2000  }
0x94: {  	s26 =	sshll.u32 s23, $0xA;
	[sflag:s17] =	ssyncset.done $0x0  }
0x95: {  	s26 =	sadd.s32 $0x800, s26;
	s28 =	rddreg [dreg:$0x8];
	[sflag:s17] =	ssyncadd.s32 $0xFFFFE000  }
0x96: {  	[tilespmem:s13], [sflag:$0x6] =	stream.indirect.gather [hbm4b:s4+s11], $0x20, s28, s11, $0xb8;
	[tilespmem:$0x1D700] =	vst v63  }
0x97: {  	s28 =	sadd.s32 s21, s26  }
0x98: {  	s26 =	sadd.s32 s19, s26;
	s28 =	sshrl.u32 s28, $0x3  }
0x99: {  	s26 =	sshrl.u32 s26, $0x3;
	s28 =	sadd.s32 s5, s28  }
0x9a: {  	[tilespmem:s31], [sflag:$0x1] =	stream.linear.gather [hbm4b:s28+s3], $0x400, $0x38;
	[tilespmem:$0x1D700] =	vst v63  }
0x9b: {  	s26 =	sadd.s32 s6, s26  }
0x9c: {  	[tilespmem:s0], [sflag:$0x3] =	stream.linear.gather [hbm4b:s26+s3], $0x400, $0x38;
	[tilespmem:$0x1D700] =	vst v63  }
0x9d: {  	_ =	swait.ge [sflag:s14], $0x2000  }
0x9e: {  	[sflag:s14] =	ssyncset.done $0x0  }
0x9f: {  	[sflag:s14] =	ssyncadd.s32 $0xFFFFE000  }
0xa0: {  	[spmem:s2] =	stream.indirect.scatter.add.f32 [tilespmem:s29], [sflag:$0x7], $0x20, s8, s11, $0xb8;
	[tilespmem:$0x1D700] =	vst v63  }
0xa1: {  	_ =	swait.ge [sflag:s15], $0x2000  }
0xa2: {  	[sflag:s15] =	ssyncset.done $0x0  }
0xa3: {  	s22 =	rddreg [dreg:$0x9];
	[sflag:s15] =	ssyncadd.s32 $0xFFFFE000  }
0xa4: {  	[tilespmem:s29], [sflag:$0x5] =	stream.indirect.gather [hbm4b:s4+s11], $0x20, s22, s11, $0xb8;
	[tilespmem:$0x1D700] =	vst v63  }
0xa5: {  	_ =	swait.ge [sflag:s16], $0x2000  }
0xa6: {  	[sflag:s16] =	ssyncset.done $0x0  }
0xa7: {  	s23 =	rddreg [dreg:$0xa];
	[sflag:s16] =	ssyncadd.s32 $0xFFFFE000  }
0xa8: {  	[spmem:s2] =	stream.indirect.scatter.add.f32 [tilespmem:s13], [sflag:$0x8], $0x20, s23, s11, $0xb8;
	[tilespmem:$0x1D700] =	vst v63  }
0xa9: {  	_ =	swait.ge [sflag:s17], $0x2000  }
0xaa: {  	[sflag:s17] =	ssyncset.done $0x0  }
0xab: {  	s22 =	rddreg [dreg:$0xb];
	[sflag:s17] =	ssyncadd.s32 $0xFFFFE000  }
0xac: {  	[tilespmem:s13], [sflag:$0x6] =	stream.indirect.gather [hbm4b:s4+s11], $0x20, s22, s11, $0xb8;
	[tilespmem:$0x1D700] =	vst v63  }
0xad: {  	_ =	swait.ge [sflag:s14], $0x2000  }
0xae: {  	[sflag:s14] =	ssyncset.done $0x0  }
0xaf: {  	s23 =	rddreg [dreg:$0xc];
	[sflag:s14] =	ssyncadd.s32 $0xFFFFE000  }
0xb0: {  	[spmem:s2] =	stream.indirect.scatter.add.f32 [tilespmem:s29], [sflag:$0x7], $0x20, s23, s11, $0xb8;
	[tilespmem:$0x1D700] =	vst v63  }
0xb1: {  	_ =	swait.ge [sflag:s15], $0x2000  }
0xb2: {  	[sflag:s15] =	ssyncset.done $0x0  }
0xb3: {  	[sflag:s15] =	ssyncadd.s32 $0xFFFFE000  }
0xb4: {  	_ =	swait.ge [sflag:s9], $0x400  }
0xb5: {  	[sflag:s9] =	ssyncset.done $0x0  }
0xb6: {  	[sflag:s9] =	ssyncadd.s32 $0xFFFFFC00  }
0xb7: {  	_ =	swait.ge [sflag:s10], $0x400  }
0xb8: {  	[sflag:s10] =	ssyncset.done $0x0  }
0xb9: {  	s25 =	smin.u32 s25, $0x2E;
	[sflag:s10] =	ssyncadd.s32 $0xFFFFFC00  }
0xba: {  	[tilespmem:s29], [sflag:$0x5] =	stream.indirect.gather [hbm4b:s4+s11], $0x20, s31, s11, $0xb8;
	[tilespmem:$0x1D700] =	vst v63  }
0xbb: {  	s25 =	sshll.u32 s25, $0xA;
	_ =	swait.ge [sflag:s16], $0x2000  }
0xbc: {  	s25 =	sadd.s32 $0xC00, s25;
	[sflag:s16] =	ssyncset.done $0x0  }
0xbd: {  	s23 =	sadd.s32 s21, s25;
	s22 =	rddreg [dreg:$0xd];
	[sflag:s16] =	ssyncadd.s32 $0xFFFFE000  }
0xbe: {  	[spmem:s2] =	stream.indirect.scatter.add.f32 [tilespmem:s13], [sflag:$0x8], $0x20, s22, s11, $0xb8;
	[tilespmem:$0x1D700] =	vst v63  }
0xbf: {  	s25 =	sadd.s32 s19, s25;
	s26 =	sshrl.u32 s23, $0x3;
	_ =	swait.ge [sflag:s17], $0x2000  }
0xc0: {  	s28 =	sshrl.u32 s25, $0x3;
	s25 =	simm.s32 $0x2;
	[sflag:s17] =	ssyncset.done $0x0  }
0xc1: {  	s26 =	sadd.s32 s5, s26;
	s28 =	sadd.s32 s6, s28;
	[sflag:s17] =	ssyncadd.s32 $0xFFFFE000  }
0xc2: {  	[tilespmem:s13], [sflag:$0x6] =	stream.indirect.gather [hbm4b:s4+s11], $0x20, s12, s11, $0xb8;
	[tilespmem:$0x1D700] =	vst v63  }
.LBB2_4:
0xc3: {  	[tilespmem:s1], [sflag:$0x2] =	stream.linear.gather [hbm4b:s26+s3], $0x400, $0x38;
	[tilespmem:$0x1D700] =	vst v63  }
0xc4: {  	_ = 	snop  }
0xc5: {  	[tilespmem:s8], [sflag:$0x4] =	stream.linear.gather [hbm4b:s28+s3], $0x400, $0x38;
	[tilespmem:$0x1D700] =	vst v63  }
0xc6: {  	_ =	swait.ge [sflag:s14], $0x2000  }
0xc7: {  	[sflag:s14] =	ssyncset.done $0x0  }
0xc8: {  	[sflag:s14] =	ssyncadd.s32 $0xFFFFE000  }
0xc9: {  	[spmem:s2] =	stream.indirect.scatter.add.f32 [tilespmem:s29], [sflag:$0x7], $0x20, s0, s11, $0xb8;
	[tilespmem:$0x1D700] =	vst v63  }
0xca: {  	_ =	swait.ge [sflag:s15], $0x2000  }
0xcb: {  	[sflag:s15] =	ssyncset.done $0x0  }
0xcc: {  	s28 =	rddreg [dreg:$0x3];
	[sflag:s15] =	ssyncadd.s32 $0xFFFFE000  }
0xcd: {  	[tilespmem:s29], [sflag:$0x5] =	stream.indirect.gather [hbm4b:s4+s11], $0x20, s28, s11, $0xb8;
	[tilespmem:$0x1D700] =	vst v63  }
0xce: {  	_ =	swait.ge [sflag:s16], $0x2000  }
0xcf: {  	[sflag:s16] =	ssyncset.done $0x0  }
0xd0: {  	s28 =	rddreg [dreg:$0x4];
	[sflag:s16] =	ssyncadd.s32 $0xFFFFE000  }
0xd1: {  	[spmem:s2] =	stream.indirect.scatter.add.f32 [tilespmem:s13], [sflag:$0x8], $0x20, s28, s11, $0xb8;
	[tilespmem:$0x1D700] =	vst v63  }
0xd2: {  	_ =	swait.ge [sflag:s17], $0x2000  }
0xd3: {  	[sflag:s17] =	ssyncset.done $0x0  }
0xd4: {  	s28 =	rddreg [dreg:$0x5];
	[sflag:s17] =	ssyncadd.s32 $0xFFFFE000  }
0xd5: {  	[tilespmem:s13], [sflag:$0x6] =	stream.indirect.gather [hbm4b:s4+s11], $0x20, s28, s11, $0xb8;
	[tilespmem:$0x1D700] =	vst v63  }
0xd6: {  	_ =	swait.ge [sflag:s14], $0x2000  }
0xd7: {  	[sflag:s14] =	ssyncset.done $0x0  }
0xd8: {  	s28 =	rddreg [dreg:$0x6];
	[sflag:s14] =	ssyncadd.s32 $0xFFFFE000  }
0xd9: {  	[spmem:s2] =	stream.indirect.scatter.add.f32 [tilespmem:s29], [sflag:$0x7], $0x20, s28, s11, $0xb8;
	[tilespmem:$0x1D700] =	vst v63  }
0xda: {  	_ =	swait.ge [sflag:s15], $0x2000  }
0xdb: {  	[sflag:s15] =	ssyncset.done $0x0  }
0xdc: {  	[sflag:s15] =	ssyncadd.s32 $0xFFFFE000  }
0xdd: {  	_ =	swait.ge [sflag:s18], $0x400  }
0xde: {  	[sflag:s18] =	ssyncset.done $0x0  }
0xdf: {  	[sflag:s18] =	ssyncadd.s32 $0xFFFFFC00  }
0xe0: {  	_ =	swait.ge [sflag:s20], $0x400  }
0xe1: {  	[sflag:s20] =	ssyncset.done $0x0  }
0xe2: {  	[sflag:s20] =	ssyncadd.s32 $0xFFFFFC00  }
0xe3: {  	[tilespmem:s29], [sflag:$0x5] =	stream.indirect.gather [hbm4b:s4+s11], $0x20, s1, s11, $0xb8;
	[tilespmem:$0x1D700] =	vst v63  }
0xe4: {  	s26 =	smov.u32 s25;
	_ =	swait.ge [sflag:s16], $0x2000  }
0xe5: {  	s22 =	smin.u32 s26, $0x2F;
	[sflag:s16] =	ssyncset.done $0x0  }
0xe6: {  	s22 =	sshll.u32 s22, $0xA;
	s28 =	rddreg [dreg:$0x7];
	[sflag:s16] =	ssyncadd.s32 $0xFFFFE000  }
0xe7: {  	[spmem:s2] =	stream.indirect.scatter.add.f32 [tilespmem:s13], [sflag:$0x8], $0x20, s28, s11, $0xb8;
	[tilespmem:$0x1D700] =	vst v63  }
0xe8: {  	s22 =	sadd.s32 $0x800, s22;
	_ =	swait.ge [sflag:s17], $0x2000  }
0xe9: {  	s23 =	sadd.s32 s21, s22;
	s22 =	sadd.s32 s19, s22;
	[sflag:s17] =	ssyncset.done $0x0  }
0xea: {  	s23 =	sshrl.u32 s23, $0x3;
	s28 =	rddreg [dreg:$0x8];
	[sflag:s17] =	ssyncadd.s32 $0xFFFFE000  }
0xeb: {  	[tilespmem:s13], [sflag:$0x6] =	stream.indirect.gather [hbm4b:s4+s11], $0x20, s28, s11, $0xb8;
	[tilespmem:$0x1D700] =	vst v63  }
0xec: {  	s22 =	sshrl.u32 s22, $0x3;
	s23 =	sadd.s32 s5, s23  }
0xed: {  	[tilespmem:s31], [sflag:$0x1] =	stream.linear.gather [hbm4b:s23+s3], $0x400, $0x38;
	[tilespmem:$0x1D700] =	vst v63  }
0xee: {  	s22 =	sadd.s32 s6, s22  }
0xef: {  	[tilespmem:s0], [sflag:$0x3] =	stream.linear.gather [hbm4b:s22+s3], $0x400, $0x38;
	[tilespmem:$0x1D700] =	vst v63  }
0xf0: {  	_ =	swait.ge [sflag:s14], $0x2000  }
0xf1: {  	[sflag:s14] =	ssyncset.done $0x0  }
0xf2: {  	[sflag:s14] =	ssyncadd.s32 $0xFFFFE000  }
0xf3: {  	[spmem:s2] =	stream.indirect.scatter.add.f32 [tilespmem:s29], [sflag:$0x7], $0x20, s8, s11, $0xb8;
	[tilespmem:$0x1D700] =	vst v63  }
0xf4: {  	_ =	swait.ge [sflag:s15], $0x2000  }
0xf5: {  	[sflag:s15] =	ssyncset.done $0x0  }
0xf6: {  	s23 =	rddreg [dreg:$0x9];
	[sflag:s15] =	ssyncadd.s32 $0xFFFFE000  }
0xf7: {  	[tilespmem:s29], [sflag:$0x5] =	stream.indirect.gather [hbm4b:s4+s11], $0x20, s23, s11, $0xb8;
	[tilespmem:$0x1D700] =	vst v63  }
0xf8: {  	_ =	swait.ge [sflag:s16], $0x2000  }
0xf9: {  	[sflag:s16] =	ssyncset.done $0x0  }
0xfa: {  	s23 =	rddreg [dreg:$0xa];
	[sflag:s16] =	ssyncadd.s32 $0xFFFFE000  }
0xfb: {  	[spmem:s2] =	stream.indirect.scatter.add.f32 [tilespmem:s13], [sflag:$0x8], $0x20, s23, s11, $0xb8;
	[tilespmem:$0x1D700] =	vst v63  }
0xfc: {  	_ =	swait.ge [sflag:s17], $0x2000  }
0xfd: {  	[sflag:s17] =	ssyncset.done $0x0  }
0xfe: {  	s23 =	rddreg [dreg:$0xb];
	[sflag:s17] =	ssyncadd.s32 $0xFFFFE000  }
0xff: {  	[tilespmem:s13], [sflag:$0x6] =	stream.indirect.gather [hbm4b:s4+s11], $0x20, s23, s11, $0xb8;
	[tilespmem:$0x1D700] =	vst v63  }
0x100: {  	_ =	swait.ge [sflag:s14], $0x2000  }
0x101: {  	[sflag:s14] =	ssyncset.done $0x0  }
0x102: {  	s23 =	rddreg [dreg:$0xc];
	[sflag:s14] =	ssyncadd.s32 $0xFFFFE000  }
0x103: {  	[spmem:s2] =	stream.indirect.scatter.add.f32 [tilespmem:s29], [sflag:$0x7], $0x20, s23, s11, $0xb8;
	[tilespmem:$0x1D700] =	vst v63  }
0x104: {  	_ =	swait.ge [sflag:s15], $0x2000  }
0x105: {  	[sflag:s15] =	ssyncset.done $0x0  }
0x106: {  	[sflag:s15] =	ssyncadd.s32 $0xFFFFE000  }
0x107: {  	_ =	swait.ge [sflag:s9], $0x400  }
0x108: {  	[sflag:s9] =	ssyncset.done $0x0  }
0x109: {  	[sflag:s9] =	ssyncadd.s32 $0xFFFFFC00  }
0x10a: {  	_ =	swait.ge [sflag:s10], $0x400  }
0x10b: {  	[sflag:s10] =	ssyncset.done $0x0  }
0x10c: {  	[sflag:s10] =	ssyncadd.s32 $0xFFFFFC00  }
0x10d: {  	[tilespmem:s29], [sflag:$0x5] =	stream.indirect.gather [hbm4b:s4+s11], $0x20, s31, s11, $0xb8;
	[tilespmem:$0x1D700] =	vst v63  }
0x10e: {  	_ =	swait.ge [sflag:s16], $0x2000  }
0x10f: {  	p0 =	sne.s32 s25, $0x30;
	s26 =	smin.u32 s26, $0x2E;
	[sflag:s16] =	ssyncset.done $0x0  }
0x110: {  	s23 =	sshll.u32 s26, $0xA;
	s22 =	rddreg [dreg:$0xd];
	[sflag:s16] =	ssyncadd.s32 $0xFFFFE000  }
0x111: {  	[spmem:s2] =	stream.indirect.scatter.add.f32 [tilespmem:s13], [sflag:$0x8], $0x20, s22, s11, $0xb8;
	[tilespmem:$0x1D700] =	vst v63  }
.Ltmp1:
0x112: {  	s25 =	sadd.s32 $0x2, s25;
	s26 =	sadd.s32 $0xC00, s23;
	(pc) =	sbr.rel @p0 .LBB2_4-.Ltmp1, $4  }
0x113: {  	s23 =	sadd.s32 s21, s26;
	s22 =	sadd.s32 s19, s26;
	_ =	swait.ge [sflag:s17], $0x2000  }
0x114: {  	s23 =	sshrl.u32 s23, $0x3;
	s22 =	sshrl.u32 s22, $0x3;
	[sflag:s17] =	ssyncset.done $0x0  }
0x115: {  	s26 =	sadd.s32 s5, s23;
	s28 =	sadd.s32 s6, s22;
	[sflag:s17] =	ssyncadd.s32 $0xFFFFE000  }
0x116: {  	[tilespmem:s13], [sflag:$0x6] =	stream.indirect.gather [hbm4b:s4+s11], $0x20, s12, s11, $0xb8;
	[tilespmem:$0x1D700] =	vst v63  }
0x117: {  	[tilespmem:s1], [sflag:$0x2] =	stream.linear.gather [hbm4b:s26+s3], $0x400, $0x38;
	[tilespmem:$0x1D700] =	vst v63  }
0x118: {  	_ = 	snop  }
0x119: {  	[tilespmem:s8], [sflag:$0x4] =	stream.linear.gather [hbm4b:s28+s3], $0x400, $0x38;
	[tilespmem:$0x1D700] =	vst v63  }
0x11a: {  	_ =	swait.ge [sflag:s14], $0x2000  }
0x11b: {  	[sflag:s14] =	ssyncset.done $0x0  }
0x11c: {  	[sflag:s14] =	ssyncadd.s32 $0xFFFFE000  }
0x11d: {  	_ =	swait.ge [sflag:s16], $0x2000  }
0x11e: {  	[sflag:s16] =	ssyncset.done $0x0  }
0x11f: {  	[sflag:s16] =	ssyncadd.s32 $0xFFFFE000  }
0x120: {  	_ =	swait.ge [sflag:s18], $0x400  }
0x121: {  	[sflag:s18] =	ssyncset.done $0x0  }
0x122: {  	[sflag:s18] =	ssyncadd.s32 $0xFFFFFC00  }
0x123: {  	_ =	swait.ge [sflag:s20], $0x400  }
0x124: {  	[sflag:s20] =	ssyncset.done $0x0  }
0x125: {  	s22 =	stileid.u32;
	[sflag:s20] =	ssyncadd.s32 $0xFFFFFC00  }
0x126: {  	s22 =	sshll.u32 s22, $0x6;
	[bflag:$0x0] =	sbarrier.arrive $0xFFFF  }
0x127: {  	s23 =	sshrl.u32 s7, $0x3;
	s22 =	sor.u32 $0x1C09, s22;
	s25 =	rddreg [dreg:$0x1c]  }
0x128: {  	[hbm:s25], [sflag:s22] =	dma.local [spmem:s23], $0x30E0  }
0x129: {  	_ =	swait.ge [sflag:s30], $0x30E0  }
0x12a: {  	s24 =	sadd.s32 $0x1, s24;
	s28 =	rddreg [dreg:$0x1d]  }
0x12b: {  	p0 =	sne.s32 s24, s28  }
.Ltmp2:
0x12c: {  	_ = 	snop;
	(pc) =	sbr.rel @p0 .LBB2_1-.Ltmp2, $3  }
0x12d: {  	_ =	sdelay $0x1  }
0x12e: {  	[sflag:s30] =	ssyncset.done $0x0  }
0x12f: {  	[sflag:s30] =	ssyncadd.s32 $0xFFFFCF20  }
0x130: {  	_ =	sfence.sel $0x180000  }
0x131: {  	[bflag:$0x0] =	sbarrier.arrive $0xFFFF  }
0x132: {  	_ =	strace $0x9000004A  }
0x133: {  	s0 =	stileid.u32;
	[bflag:$0x2] =	sbarrier.arrive $0xFFFF  }
0x134: {  	p0 =	sne.s32 s0, $0x0;
	s0 =	rddreg [dreg:$0x2]  }
0x135: {  	s0 =	sadd.s32 @!p0 $0x100000, s0  }
0x136: {  	[sflag:s0] =	ssyncadd.tile.s32 @!p0 $0x1;
	_ =	shalt  }
.Lfunc_end2:
_tile_overlayer_lowered:
.L_overlay_start_2:
0x137: {  	(tag) =	ssettag $0x2  }
0x138: {  	s0 =	rddreg [dreg:$0x0];
	s2 =	stileid.u32  }
0x139: {  	s1 =	rddreg [dreg:$0x1];
	p0 =	sne.s32 s2, $0x0  }
0x13a: {  	s3 =	rddreg [dreg:$0x2];
	[bflag:$0x3] =	sbarrier.arrive $0xFFFF;
	s2 =	simm.s32 @!p0 $0x1C09  }
0x13b: {  	[timem:s3], [sflag:s2] =	dma.local @!p0 [hbm:s0], s1  }
0x13c: {  	s0 =	simm.s32 @!p0 $0x9  }
0x13d: {  	_ =	swait.ge @!p0 [sflag:s0], s1  }
0x13e: {  	s1 =	ssub.s32 @!p0 $0x0, s1;
	[sflag:s0] =	ssyncset.done @!p0 $0x0  }
0x13f: {  	[sflag:s0] =	ssyncadd.s32 @!p0 s1  }
0x140: {  	[bflag:$0x3] =	sbarrier.arrive $0xFFFF  }
0x141: {  	_ =	shalt  }

</sc_bundles>
